<compile_context>
chip_gen: v7x
topology: tpu7x:2x2x1
jax: 0.10.2.dev20260603
libtpu: 0.0.44.dev20260713+nightly
codegen_flags: <defaults>
</compile_context>

<pallas_src>
import functools

import jax
import jax.numpy as jnp
from jax import lax
from jax.experimental import pallas as pl
from jax.experimental.pallas import tpu as pltpu
from jax.experimental.pallas import tpu_sc as plsc

N = 10000
NP = 10240
D = 128
E = 320000
EP = 327680
CHUNK = 128
CPT = EP // 32 // CHUNK
RPT = NP // 16
ROWBLK = 1024
GRID = NP // ROWBLK


def _sc_degree_body(dst_hbm, out_hbm, didx, buf, deg):
    c = lax.axis_index("c")
    s = lax.axis_index("s")
    wid = s * 2 + c

    def fill(val):
        def go(i, _):
            for k in range(D // 16):
                buf[i, pl.ds(k * 16, 16)] = val
            return 0
        lax.fori_loop(0, CHUNK, go, 0)

    fill(jnp.zeros((16,), jnp.float32))
    for t in range(RPT // CHUNK):
        pltpu.sync_copy(buf, deg.at[pl.ds(s * RPT + t * CHUNK, CHUNK)])
    fill(jnp.ones((16,), jnp.float32))
    pltpu.sync_copy(dst_hbm.at[pl.ds(wid * CPT, CPT)], didx)
    plsc.subcore_barrier()

    def body(j, _):
        pltpu.sync_copy(buf, deg.at[didx.at[j]], add=True)
        return 0

    lax.fori_loop(0, CPT, body, 0)
    plsc.subcore_barrier()
    pltpu.sync_copy(deg.at[pl.ds(s * RPT, RPT)],
                    out_hbm.at[pl.ds(c * NP + s * RPT, RPT)])


NQ = 5
QC = CPT // NQ


def _sc_edge_accum_body(h2_hbm, src_hbm, dst_hbm, out_hbm,
                        i0s, i0d, i1s, i1d, r0, r1, acc, g0, g1, s0, s1):
    islot = ((i0s, i0d), (i1s, i1d))
    c = lax.axis_index("c")
    s = lax.axis_index("s")
    wid = s * 2 + c
    base = wid * CPT

    def load_idx(q):
        ss, dd = islot[q % 2]
        pltpu.sync_copy(src_hbm.at[pl.ds(base + q * QC, QC)], ss)
        pltpu.sync_copy(dst_hbm.at[pl.ds(base + q * QC, QC)], dd)

    def zrow(i, _):
        for k in range(D // 16):
            r0[i, pl.ds(k * 16, 16)] = jnp.zeros((16,), jnp.float32)
        return 0

    lax.fori_loop(0, CHUNK, zrow, 0)
    for t in range(RPT // CHUNK):
        pltpu.sync_copy(r0, acc.at[pl.ds(s * RPT + t * CHUNK, CHUNK)])
    plsc.subcore_barrier()

    rows = (r0, r1)
    gsem = (g0, g1)
    ssem = (s0, s1)

    for q in range(NQ):
        ss, dd = islot[q % 2]
        load_idx(q)

        def start_gather(e, b):
            pltpu.async_copy(h2_hbm.at[ss.at[e]], rows[b], gsem[b])

        def wait_gather(e, b):
            pltpu.make_async_copy(h2_hbm.at[ss.at[e]], rows[b],
                                  gsem[b]).wait()

        def start_scatter(e, b):
            pltpu.async_copy(rows[b], acc.at[dd.at[e]], ssem[b], add=True)

        def wait_scatter(e, b):
            pltpu.make_async_copy(rows[b], acc.at[dd.at[e]], ssem[b]).wait()

        for b in range(2):
            start_gather(b, b)

        def pair(j, _):
            for b in range(2):
                wait_gather(2 * j + b, b)
                start_scatter(2 * j + b, b)
            for b in range(2):
                wait_scatter(2 * j + b, b)
                start_gather(2 * j + 2 + b, b)
            return 0

        lax.fori_loop(0, QC // 2 - 1, pair, 0)
        for b in range(2):
            wait_gather(QC - 2 + b, b)
            start_scatter(QC - 2 + b, b)
        for b in range(2):
            wait_scatter(QC - 2 + b, b)

    plsc.subcore_barrier()
    pltpu.sync_copy(acc.at[pl.ds(s * RPT, RPT)],
                    out_hbm.at[pl.ds(c * NP + s * RPT, RPT)])


@functools.lru_cache(maxsize=None)
def _sc_kernels():
    mesh = plsc.VectorSubcoreMesh(
        core_axis_name="c", subcore_axis_name="s", num_cores=2, num_subcores=16)
    sc_degree = pl.kernel(
        _sc_degree_body,
        out_type=jax.ShapeDtypeStruct((2 * NP, D), jnp.float32),
        mesh=mesh,
        scratch_types=[
            pltpu.VMEM((CPT, CHUNK), jnp.int32),
            pltpu.VMEM((CHUNK, D), jnp.float32),
            pltpu.VMEM_SHARED((NP, D), jnp.float32),
        ],
    )
    sc_edge_accum = pl.kernel(
        _sc_edge_accum_body,
        out_type=jax.ShapeDtypeStruct((2 * NP, D), jnp.float32),
        mesh=mesh,
        scratch_types=[pltpu.VMEM((QC, CHUNK), jnp.int32)] * 4 +
        [pltpu.VMEM((CHUNK, D), jnp.float32)] * 2 + [
            pltpu.VMEM_SHARED((NP, D), jnp.float32),
        ] + [pltpu.SemaphoreType.DMA] * 4,
    )
    return sc_degree, sc_edge_accum



def _dinv_block(deg_ref):
    deg = deg_ref[0, :, 0:1] + deg_ref[1, :, 0:1] + 1.0
    return lax.rsqrt(jnp.maximum(deg, 1e-12))


def _tc1_body(x_ref, w_ref, deg_ref, out_ref):
    dinv = _dinv_block(deg_ref)
    out_ref[...] = jnp.dot(x_ref[...], w_ref[...],
                           preferred_element_type=jnp.float32,
                           precision=lax.Precision.HIGHEST) * dinv


def _tc2_body(acc_ref, h2_ref, deg_ref, b_ref, w_ref, out_ref):
    dinv = _dinv_block(deg_ref)
    pre = acc_ref[0] + acc_ref[1] + h2_ref[...]
    x2 = jnp.maximum(pre * dinv + b_ref[...], 0.0)
    out_ref[...] = jnp.dot(x2, w_ref[...],
                           preferred_element_type=jnp.float32,
                           precision=lax.Precision.HIGHEST) * dinv


def _tc3_body(acc_ref, h2_ref, deg_ref, b_ref, out_ref):
    dinv = _dinv_block(deg_ref)
    pre = acc_ref[0] + acc_ref[1] + h2_ref[...]
    out_ref[...] = jnp.maximum(pre * dinv + b_ref[...], 0.0)


_spec_rows = pl.BlockSpec((ROWBLK, D), lambda i: (i, 0))
_spec_acc = pl.BlockSpec((2, ROWBLK, D), lambda i: (0, i, 0))
_spec_deg = pl.BlockSpec((2, ROWBLK, D), lambda i: (0, i, 0))
_spec_w = pl.BlockSpec((D, D), lambda i: (0, 0))
_spec_b = pl.BlockSpec((1, D), lambda i: (0, 0))
_out_rows = jax.ShapeDtypeStruct((NP, D), jnp.float32)

_tc1 = pl.pallas_call(
    _tc1_body, grid=(GRID,),
    in_specs=[_spec_rows, _spec_w, _spec_deg],
    out_specs=_spec_rows, out_shape=_out_rows)

_tc2 = pl.pallas_call(
    _tc2_body, grid=(GRID,),
    in_specs=[_spec_acc, _spec_rows, _spec_deg, _spec_b, _spec_w],
    out_specs=_spec_rows, out_shape=_out_rows)

_tc3 = pl.pallas_call(
    _tc3_body, grid=(GRID,),
    in_specs=[_spec_acc, _spec_rows, _spec_deg, _spec_b],
    out_specs=_spec_rows, out_shape=_out_rows)



def kernel(x_enc, edge_index, W1, b1, W2, b2):
    src = edge_index[0].astype(jnp.int32)
    dst = edge_index[1].astype(jnp.int32)
    npad = EP - E
    pad_src = jnp.full((npad,), N, dtype=jnp.int32)
    pad_dst_deg = N + (jnp.arange(npad, dtype=jnp.int32) % (NP - N))
    pad_dst_acc = jnp.arange(npad, dtype=jnp.int32) % NP
    src2d = jnp.concatenate([src, pad_src]).reshape(EP // CHUNK, CHUNK)
    dst2d_deg = jnp.concatenate([dst, pad_dst_deg]).reshape(EP // CHUNK, CHUNK)
    dst2d = jnp.concatenate([dst, pad_dst_acc]).reshape(EP // CHUNK, CHUNK)
    x_pad = jnp.zeros((NP, D), jnp.float32).at[:N].set(x_enc)
    b1r = b1.reshape(1, D)
    b2r = b2.reshape(1, D)

    sc_degree, sc_edge_accum = _sc_kernels()
    degp = sc_degree(dst2d_deg).reshape(2, NP, D)
    h2_1 = _tc1(x_pad, W1, degp)
    acc1 = sc_edge_accum(h2_1, src2d, dst2d).reshape(2, NP, D)
    h2_2 = _tc2(acc1, h2_1, degp, b1r, W2)
    acc2 = sc_edge_accum(h2_2, src2d, dst2d).reshape(2, NP, D)
    out = _tc3(acc2, h2_2, degp, b2r)
    return out[:N]

# --- scband reference (transcript-rebuilt; emitter-appended) ---
"""Pipeline reference for scband-gcn-7627861917726 (READ-ONLY COPY).

The authoritative reference and input builder live on the scoring server;
editing this copy changes nothing except your own understanding.
"""

import jax, jax.numpy as jnp
import numpy as np

N_NODES = 10000
N_EDGES = 320000
D_IN = 128
D_HID = 128


def setup_inputs(seed: int = 0) -> dict:
    key = jax.random.key(seed)
    k1, k2, k3, k4, k5, k6 = jax.random.split(key, 6)
    x_enc = jax.random.normal(k1, (N_NODES, D_IN), dtype=jnp.float32)
    edge_index = jax.random.randint(k2, (2, N_EDGES), 0, N_NODES, dtype=jnp.int64)
    # Glorot-style init for GCNConv weights, zeros for biases (PyG default)
    s1 = (6.0 / (D_IN + D_HID)) ** 0.5
    W1 = jax.random.uniform(k3, (D_IN, D_HID), minval=-s1, maxval=s1, dtype=jnp.float32)
    b1 = jnp.zeros((D_HID,), dtype=jnp.float32)
    s2 = (6.0 / (D_HID + D_HID)) ** 0.5
    W2 = jax.random.uniform(k4, (D_HID, D_HID), minval=-s2, maxval=s2, dtype=jnp.float32)
    b2 = jnp.zeros((D_HID,), dtype=jnp.float32)
    return {"x_enc": x_enc, "edge_index": edge_index, "W1": W1, "b1": b1, "W2": W2, "b2": b2}


def _gcn_conv(x, W, b, src, dst, n_nodes):
    # GCNConv: add self-loops, symmetric normalization D^{-1/2} (A+I) D^{-1/2} X W + b
    loop = jnp.arange(n_nodes, dtype=src.dtype)
    src_sl = jnp.concatenate([src, loop])
    dst_sl = jnp.concatenate([dst, loop])
    deg = jnp.zeros((n_nodes,), dtype=x.dtype).at[dst_sl].add(1.0)
    dinv = jax.lax.rsqrt(jnp.maximum(deg, 1e-12))
    norm = dinv[src_sl] * dinv[dst_sl]
    h = x @ W
    msg = h[src_sl] * norm[:, None]
    out = jnp.zeros((n_nodes, W.shape[1]), dtype=x.dtype).at[dst_sl].add(msg)
    return out + b


def reference(x_enc, edge_index, W1, b1, W2, b2):
    src = edge_index[0]
    dst = edge_index[1]
    n = x_enc.shape[0]
    h = _gcn_conv(x_enc, W1, b1, src, dst, n)
    h = jax.nn.relu(h)
    h = _gcn_conv(h, W2, b2, src, dst, n)
    h = jax.nn.relu(h)
    return h

if __name__ == "__main__":
    import jax
    _d = setup_inputs()
    print(jax.jit(kernel)(*tuple(_d.values())))

</pallas_src>

<mosaic_0001>
#map = affine_map<(d0, d1) -> (0, 0)>
module attributes {stable_mosaic.version = 14 : i64} {
  func.func @_sc_degree_body(%arg0: i32, %arg1: i32, %arg2: memref<2560x128xi32, #tpu.memory_space<hbm>>, %arg3: memref<20480x128xf32, #tpu.memory_space<hbm>>, %arg4: memref<80x128xi32, #tpu.memory_space<vmem>>, %arg5: memref<128x128xf32, #tpu.memory_space<vmem>>, %arg6: memref<10240x128xf32, #tpu.memory_space<vmem_shared>>) attributes {dimension_semantics = [#tpu.dimension_semantics<core_parallel>, #tpu.dimension_semantics<subcore_parallel>], iteration_bounds = array<i64: 2, 16>, scalar_prefetch = 0 : i64, scratch_operands = 3 : i64, tpu.core_type = #tpu.core_type<sc_vector_subcore>, window_params = [{transform_indices = #map}, {transform_indices = #map}]} {
    %mul3A = arith.constant 2 : i32
    %mul3A_0 = arith.muli %arg1, %mul3A : i32
    %add3A = arith.addi %mul3A_0, %arg0 : i32
    %broadcast_in_dim3A = arith.constant 0.000000e+00 : f32
    %broadcast_in_dim3A_1 = vector.broadcast %broadcast_in_dim3A : f32 to vector<16xf32>
    %scan3A = arith.constant 0 : i32
    %scan3A_2 = arith.constant 0 : i32
    %scan3A_3 = arith.constant 128 : i32
    %scan3A_4 = arith.addi %scan3A_2, %scan3A_3 : i32
    %scan3A_5 = arith.constant 1 : i32
    %scan3A_6 = scf.for %scan3A_54 = %scan3A_2 to %scan3A_4 step %scan3A_5 iter_args(%scan3A_55 = %scan3A) -> (i32)  : i32 {
      %swap3A = arith.index_cast %scan3A_54 : i32 to index
      %swap3A_56 = arith.constant 0 : index
      %swap3A_57 = tpu.vector_load %arg5[%swap3A, %swap3A_56] {strides = array<i32>} : memref<128x128xf32, #tpu.memory_space<vmem>>, vector<1x16xf32>,
      %swap3A_58 = vector.shape_cast %swap3A_57 : vector<1x16xf32> to vector<16xf32>
      %swap3A_59 = vector.shape_cast %broadcast_in_dim3A_1 : vector<16xf32> to vector<1x16xf32>
      tpu.vector_store %arg5[%swap3A, %swap3A_56], %swap3A_59 {strides = array<i32>} : memref<128x128xf32, #tpu.memory_space<vmem>>, vector<1x16xf32>,
      %swap3A_60 = arith.index_cast %scan3A_54 : i32 to index
      %swap3A_61 = arith.constant 16 : index
      %swap3A_62 = tpu.vector_load %arg5[%swap3A_60, %swap3A_61] {strides = array<i32>} : memref<128x128xf32, #tpu.memory_space<vmem>>, vector<1x16xf32>,
      %swap3A_63 = vector.shape_cast %swap3A_62 : vector<1x16xf32> to vector<16xf32>
      %swap3A_64 = vector.shape_cast %broadcast_in_dim3A_1 : vector<16xf32> to vector<1x16xf32>
      tpu.vector_store %arg5[%swap3A_60, %swap3A_61], %swap3A_64 {strides = array<i32>} : memref<128x128xf32, #tpu.memory_space<vmem>>, vector<1x16xf32>,
      %swap3A_65 = arith.index_cast %scan3A_54 : i32 to index
      %swap3A_66 = arith.constant 32 : index
      %swap3A_67 = tpu.vector_load %arg5[%swap3A_65, %swap3A_66] {strides = array<i32>} : memref<128x128xf32, #tpu.memory_space<vmem>>, vector<1x16xf32>,
      %swap3A_68 = vector.shape_cast %swap3A_67 : vector<1x16xf32> to vector<16xf32>
      %swap3A_69 = vector.shape_cast %broadcast_in_dim3A_1 : vector<16xf32> to vector<1x16xf32>
      tpu.vector_store %arg5[%swap3A_65, %swap3A_66], %swap3A_69 {strides = array<i32>} : memref<128x128xf32, #tpu.memory_space<vmem>>, vector<1x16xf32>,
      %swap3A_70 = arith.index_cast %scan3A_54 : i32 to index
      %swap3A_71 = arith.constant 48 : index
      %swap3A_72 = tpu.vector_load %arg5[%swap3A_70, %swap3A_71] {strides = array<i32>} : memref<128x128xf32, #tpu.memory_space<vmem>>, vector<1x16xf32>,
      %swap3A_73 = vector.shape_cast %swap3A_72 : vector<1x16xf32> to vector<16xf32>
      %swap3A_74 = vector.shape_cast %broadcast_in_dim3A_1 : vector<16xf32> to vector<1x16xf32>
      tpu.vector_store %arg5[%swap3A_70, %swap3A_71], %swap3A_74 {strides = array<i32>} : memref<128x128xf32, #tpu.memory_space<vmem>>, vector<1x16xf32>,
      %swap3A_75 = arith.index_cast %scan3A_54 : i32 to index
      %swap3A_76 = arith.constant 64 : index
      %swap3A_77 = tpu.vector_load %arg5[%swap3A_75, %swap3A_76] {strides = array<i32>} : memref<128x128xf32, #tpu.memory_space<vmem>>, vector<1x16xf32>,
      %swap3A_78 = vector.shape_cast %swap3A_77 : vector<1x16xf32> to vector<16xf32>
      %swap3A_79 = vector.shape_cast %broadcast_in_dim3A_1 : vector<16xf32> to vector<1x16xf32>
      tpu.vector_store %arg5[%swap3A_75, %swap3A_76], %swap3A_79 {strides = array<i32>} : memref<128x128xf32, #tpu.memory_space<vmem>>, vector<1x16xf32>,
      %swap3A_80 = arith.index_cast %scan3A_54 : i32 to index
      %swap3A_81 = arith.constant 80 : index
      %swap3A_82 = tpu.vector_load %arg5[%swap3A_80, %swap3A_81] {strides = array<i32>} : memref<128x128xf32, #tpu.memory_space<vmem>>, vector<1x16xf32>,
      %swap3A_83 = vector.shape_cast %swap3A_82 : vector<1x16xf32> to vector<16xf32>
      %swap3A_84 = vector.shape_cast %broadcast_in_dim3A_1 : vector<16xf32> to vector<1x16xf32>
      tpu.vector_store %arg5[%swap3A_80, %swap3A_81], %swap3A_84 {strides = array<i32>} : memref<128x128xf32, #tpu.memory_space<vmem>>, vector<1x16xf32>,
      %swap3A_85 = arith.index_cast %scan3A_54 : i32 to index
      %swap3A_86 = arith.constant 96 : index
      %swap3A_87 = tpu.vector_load %arg5[%swap3A_85, %swap3A_86] {strides = array<i32>} : memref<128x128xf32, #tpu.memory_space<vmem>>, vector<1x16xf32>,
      %swap3A_88 = vector.shape_cast %swap3A_87 : vector<1x16xf32> to vector<16xf32>
      %swap3A_89 = vector.shape_cast %broadcast_in_dim3A_1 : vector<16xf32> to vector<1x16xf32>
      tpu.vector_store %arg5[%swap3A_85, %swap3A_86], %swap3A_89 {strides = array<i32>} : memref<128x128xf32, #tpu.memory_space<vmem>>, vector<1x16xf32>,
      %swap3A_90 = arith.index_cast %scan3A_54 : i32 to index
      %swap3A_91 = arith.constant 112 : index
      %swap3A_92 = tpu.vector_load %arg5[%swap3A_90, %swap3A_91] {strides = array<i32>} : memref<128x128xf32, #tpu.memory_space<vmem>>, vector<1x16xf32>,
      %swap3A_93 = vector.shape_cast %swap3A_92 : vector<1x16xf32> to vector<16xf32>
      %swap3A_94 = vector.shape_cast %broadcast_in_dim3A_1 : vector<16xf32> to vector<1x16xf32>
      tpu.vector_store %arg5[%swap3A_90, %swap3A_91], %swap3A_94 {strides = array<i32>} : memref<128x128xf32, #tpu.memory_space<vmem>>, vector<1x16xf32>,
      %scan3A_95 = arith.constant 0 : i32
      scf.yield %scan3A_95 : i32
    }
    %scan3A_7 = arith.constant 128 : i32
    %mul3A_8 = arith.constant 640 : i32
    %mul3A_9 = arith.muli %arg1, %mul3A_8 : i32
    %add3A_10 = arith.constant 0 : i32
    %add3A_11 = arith.addi %mul3A_9, %add3A_10 : i32
    "tpu.region"() ({
      %run_scoped3A = tpu.sem_alloc : memref<!tpu.dma_semaphore, #tpu.memory_space<semaphore_mem>>
      %dma_start3A = arith.constant 0 : i32
      %dma_start3A_54 = tpu.memref_slice %arg6[%add3A_11, %dma_start3A] : memref<10240x128xf32, #tpu.memory_space<vmem_shared>> -> memref<128x128xf32, #tpu.memory_space<vmem_shared>>
      %dma_start3A_55 = arith.constant 0 : i32
      %dma_start3A_56 = tpu.memref_slice %arg6[%add3A_11, %dma_start3A_55] : memref<10240x128xf32, #tpu.memory_space<vmem_shared>> -> memref<128x128xf32, #tpu.memory_space<vmem_shared>>
      tpu.enqueue_dma source(%arg5 : memref<128x128xf32, #tpu.memory_space<vmem>>) target(%dma_start3A_56 : memref<128x128xf32, #tpu.memory_space<vmem_shared>>) target_semaphore(%run_scoped3A : memref<!tpu.dma_semaphore, #tpu.memory_space<semaphore_mem>>)
      %dma_wait3A = arith.constant 0 : i32
      %dma_wait3A_57 = tpu.memref_slice %arg6[%add3A_11, %dma_wait3A] : memref<10240x128xf32, #tpu.memory_space<vmem_shared>> -> memref<128x128xf32, #tpu.memory_space<vmem_shared>>
      %dma_wait3A_58 = arith.constant 0 : i32
      %dma_wait3A_59 = tpu.memref_slice %arg6[%add3A_11, %dma_wait3A_58] : memref<10240x128xf32, #tpu.memory_space<vmem_shared>> -> memref<128x128xf32, #tpu.memory_space<vmem_shared>>
      tpu.wait_dma2 semaphore(%run_scoped3A : memref<!tpu.dma_semaphore, #tpu.memory_space<semaphore_mem>>) src(%arg5 : memref<128x128xf32, #tpu.memory_space<vmem>>) dst(%dma_wait3A_59 : memref<128x128xf32, #tpu.memory_space<vmem_shared>>)
      tpu.yield
    }) : () -> ()
    %mul3A_12 = arith.constant 640 : i32
    %mul3A_13 = arith.muli %arg1, %mul3A_12 : i32
    %add3A_14 = arith.constant 128 : i32
    %add3A_15 = arith.addi %mul3A_13, %add3A_14 : i32
    "tpu.region"() ({
      %run_scoped3A = tpu.sem_alloc : memref<!tpu.dma_semaphore, #tpu.memory_space<semaphore_mem>>
      %dma_start3A = arith.constant 0 : i32
      %dma_start3A_54 = tpu.memref_slice %arg6[%add3A_15, %dma_start3A] : memref<10240x128xf32, #tpu.memory_space<vmem_shared>> -> memref<128x128xf32, #tpu.memory_space<vmem_shared>>
      %dma_start3A_55 = arith.constant 0 : i32
      %dma_start3A_56 = tpu.memref_slice %arg6[%add3A_15, %dma_start3A_55] : memref<10240x128xf32, #tpu.memory_space<vmem_shared>> -> memref<128x128xf32, #tpu.memory_space<vmem_shared>>
      tpu.enqueue_dma source(%arg5 : memref<128x128xf32, #tpu.memory_space<vmem>>) target(%dma_start3A_56 : memref<128x128xf32, #tpu.memory_space<vmem_shared>>) target_semaphore(%run_scoped3A : memref<!tpu.dma_semaphore, #tpu.memory_space<semaphore_mem>>)
      %dma_wait3A = arith.constant 0 : i32
      %dma_wait3A_57 = tpu.memref_slice %arg6[%add3A_15, %dma_wait3A] : memref<10240x128xf32, #tpu.memory_space<vmem_shared>> -> memref<128x128xf32, #tpu.memory_space<vmem_shared>>
      %dma_wait3A_58 = arith.constant 0 : i32
      %dma_wait3A_59 = tpu.memref_slice %arg6[%add3A_15, %dma_wait3A_58] : memref<10240x128xf32, #tpu.memory_space<vmem_shared>> -> memref<128x128xf32, #tpu.memory_space<vmem_shared>>
      tpu.wait_dma2 semaphore(%run_scoped3A : memref<!tpu.dma_semaphore, #tpu.memory_space<semaphore_mem>>) src(%arg5 : memref<128x128xf32, #tpu.memory_space<vmem>>) dst(%dma_wait3A_59 : memref<128x128xf32, #tpu.memory_space<vmem_shared>>)
      tpu.yield
    }) : () -> ()
    %mul3A_16 = arith.constant 640 : i32
    %mul3A_17 = arith.muli %arg1, %mul3A_16 : i32
    %add3A_18 = arith.constant 256 : i32
    %add3A_19 = arith.addi %mul3A_17, %add3A_18 : i32
    "tpu.region"() ({
      %run_scoped3A = tpu.sem_alloc : memref<!tpu.dma_semaphore, #tpu.memory_space<semaphore_mem>>
      %dma_start3A = arith.constant 0 : i32
      %dma_start3A_54 = tpu.memref_slice %arg6[%add3A_19, %dma_start3A] : memref<10240x128xf32, #tpu.memory_space<vmem_shared>> -> memref<128x128xf32, #tpu.memory_space<vmem_shared>>
      %dma_start3A_55 = arith.constant 0 : i32
      %dma_start3A_56 = tpu.memref_slice %arg6[%add3A_19, %dma_start3A_55] : memref<10240x128xf32, #tpu.memory_space<vmem_shared>> -> memref<128x128xf32, #tpu.memory_space<vmem_shared>>
      tpu.enqueue_dma source(%arg5 : memref<128x128xf32, #tpu.memory_space<vmem>>) target(%dma_start3A_56 : memref<128x128xf32, #tpu.memory_space<vmem_shared>>) target_semaphore(%run_scoped3A : memref<!tpu.dma_semaphore, #tpu.memory_space<semaphore_mem>>)
      %dma_wait3A = arith.constant 0 : i32
      %dma_wait3A_57 = tpu.memref_slice %arg6[%add3A_19, %dma_wait3A] : memref<10240x128xf32, #tpu.memory_space<vmem_shared>> -> memref<128x128xf32, #tpu.memory_space<vmem_shared>>
      %dma_wait3A_58 = arith.constant 0 : i32
      %dma_wait3A_59 = tpu.memref_slice %arg6[%add3A_19, %dma_wait3A_58] : memref<10240x128xf32, #tpu.memory_space<vmem_shared>> -> memref<128x128xf32, #tpu.memory_space<vmem_shared>>
      tpu.wait_dma2 semaphore(%run_scoped3A : memref<!tpu.dma_semaphore, #tpu.memory_space<semaphore_mem>>) src(%arg5 : memref<128x128xf32, #tpu.memory_space<vmem>>) dst(%dma_wait3A_59 : memref<128x128xf32, #tpu.memory_space<vmem_shared>>)
      tpu.yield
    }) : () -> ()
    %mul3A_20 = arith.constant 640 : i32
    %mul3A_21 = arith.muli %arg1, %mul3A_20 : i32
    %add3A_22 = arith.constant 384 : i32
    %add3A_23 = arith.addi %mul3A_21, %add3A_22 : i32
    "tpu.region"() ({
      %run_scoped3A = tpu.sem_alloc : memref<!tpu.dma_semaphore, #tpu.memory_space<semaphore_mem>>
      %dma_start3A = arith.constant 0 : i32
      %dma_start3A_54 = tpu.memref_slice %arg6[%add3A_23, %dma_start3A] : memref<10240x128xf32, #tpu.memory_space<vmem_shared>> -> memref<128x128xf32, #tpu.memory_space<vmem_shared>>
      %dma_start3A_55 = arith.constant 0 : i32
      %dma_start3A_56 = tpu.memref_slice %arg6[%add3A_23, %dma_start3A_55] : memref<10240x128xf32, #tpu.memory_space<vmem_shared>> -> memref<128x128xf32, #tpu.memory_space<vmem_shared>>
      tpu.enqueue_dma source(%arg5 : memref<128x128xf32, #tpu.memory_space<vmem>>) target(%dma_start3A_56 : memref<128x128xf32, #tpu.memory_space<vmem_shared>>) target_semaphore(%run_scoped3A : memref<!tpu.dma_semaphore, #tpu.memory_space<semaphore_mem>>)
      %dma_wait3A = arith.constant 0 : i32
      %dma_wait3A_57 = tpu.memref_slice %arg6[%add3A_23, %dma_wait3A] : memref<10240x128xf32, #tpu.memory_space<vmem_shared>> -> memref<128x128xf32, #tpu.memory_space<vmem_shared>>
      %dma_wait3A_58 = arith.constant 0 : i32
      %dma_wait3A_59 = tpu.memref_slice %arg6[%add3A_23, %dma_wait3A_58] : memref<10240x128xf32, #tpu.memory_space<vmem_shared>> -> memref<128x128xf32, #tpu.memory_space<vmem_shared>>
      tpu.wait_dma2 semaphore(%run_scoped3A : memref<!tpu.dma_semaphore, #tpu.memory_space<semaphore_mem>>) src(%arg5 : memref<128x128xf32, #tpu.memory_space<vmem>>) dst(%dma_wait3A_59 : memref<128x128xf32, #tpu.memory_space<vmem_shared>>)
      tpu.yield
    }) : () -> ()
    %mul3A_24 = arith.constant 640 : i32
    %mul3A_25 = arith.muli %arg1, %mul3A_24 : i32
    %add3A_26 = arith.constant 512 : i32
    %add3A_27 = arith.addi %mul3A_25, %add3A_26 : i32
    "tpu.region"() ({
      %run_scoped3A = tpu.sem_alloc : memref<!tpu.dma_semaphore, #tpu.memory_space<semaphore_mem>>
      %dma_start3A = arith.constant 0 : i32
      %dma_start3A_54 = tpu.memref_slice %arg6[%add3A_27, %dma_start3A] : memref<10240x128xf32, #tpu.memory_space<vmem_shared>> -> memref<128x128xf32, #tpu.memory_space<vmem_shared>>
      %dma_start3A_55 = arith.constant 0 : i32
      %dma_start3A_56 = tpu.memref_slice %arg6[%add3A_27, %dma_start3A_55] : memref<10240x128xf32, #tpu.memory_space<vmem_shared>> -> memref<128x128xf32, #tpu.memory_space<vmem_shared>>
      tpu.enqueue_dma source(%arg5 : memref<128x128xf32, #tpu.memory_space<vmem>>) target(%dma_start3A_56 : memref<128x128xf32, #tpu.memory_space<vmem_shared>>) target_semaphore(%run_scoped3A : memref<!tpu.dma_semaphore, #tpu.memory_space<semaphore_mem>>)
      %dma_wait3A = arith.constant 0 : i32
      %dma_wait3A_57 = tpu.memref_slice %arg6[%add3A_27, %dma_wait3A] : memref<10240x128xf32, #tpu.memory_space<vmem_shared>> -> memref<128x128xf32, #tpu.memory_space<vmem_shared>>
      %dma_wait3A_58 = arith.constant 0 : i32
      %dma_wait3A_59 = tpu.memref_slice %arg6[%add3A_27, %dma_wait3A_58] : memref<10240x128xf32, #tpu.memory_space<vmem_shared>> -> memref<128x128xf32, #tpu.memory_space<vmem_shared>>
      tpu.wait_dma2 semaphore(%run_scoped3A : memref<!tpu.dma_semaphore, #tpu.memory_space<semaphore_mem>>) src(%arg5 : memref<128x128xf32, #tpu.memory_space<vmem>>) dst(%dma_wait3A_59 : memref<128x128xf32, #tpu.memory_space<vmem_shared>>)
      tpu.yield
    }) : () -> ()
    %broadcast_in_dim3A_28 = arith.constant 1.000000e+00 : f32
    %broadcast_in_dim3A_29 = vector.broadcast %broadcast_in_dim3A_28 : f32 to vector<16xf32>
    %scan3A_30 = arith.constant 0 : i32
    %scan3A_31 = arith.constant 0 : i32
    %scan3A_32 = arith.constant 128 : i32
    %scan3A_33 = arith.addi %scan3A_31, %scan3A_32 : i32
    %scan3A_34 = arith.constant 1 : i32
    %scan3A_35 = scf.for %scan3A_54 = %scan3A_31 to %scan3A_33 step %scan3A_34 iter_args(%scan3A_55 = %scan3A_30) -> (i32)  : i32 {
      %swap3A = arith.index_cast %scan3A_54 : i32 to index
      %swap3A_56 = arith.constant 0 : index
      %swap3A_57 = tpu.vector_load %arg5[%swap3A, %swap3A_56] {strides = array<i32>} : memref<128x128xf32, #tpu.memory_space<vmem>>, vector<1x16xf32>,
      %swap3A_58 = vector.shape_cast %swap3A_57 : vector<1x16xf32> to vector<16xf32>
      %swap3A_59 = vector.shape_cast %broadcast_in_dim3A_29 : vector<16xf32> to vector<1x16xf32>
      tpu.vector_store %arg5[%swap3A, %swap3A_56], %swap3A_59 {strides = array<i32>} : memref<128x128xf32, #tpu.memory_space<vmem>>, vector<1x16xf32>,
      %swap3A_60 = arith.index_cast %scan3A_54 : i32 to index
      %swap3A_61 = arith.constant 16 : index
      %swap3A_62 = tpu.vector_load %arg5[%swap3A_60, %swap3A_61] {strides = array<i32>} : memref<128x128xf32, #tpu.memory_space<vmem>>, vector<1x16xf32>,
      %swap3A_63 = vector.shape_cast %swap3A_62 : vector<1x16xf32> to vector<16xf32>
      %swap3A_64 = vector.shape_cast %broadcast_in_dim3A_29 : vector<16xf32> to vector<1x16xf32>
      tpu.vector_store %arg5[%swap3A_60, %swap3A_61], %swap3A_64 {strides = array<i32>} : memref<128x128xf32, #tpu.memory_space<vmem>>, vector<1x16xf32>,
      %swap3A_65 = arith.index_cast %scan3A_54 : i32 to index
      %swap3A_66 = arith.constant 32 : index
      %swap3A_67 = tpu.vector_load %arg5[%swap3A_65, %swap3A_66] {strides = array<i32>} : memref<128x128xf32, #tpu.memory_space<vmem>>, vector<1x16xf32>,
      %swap3A_68 = vector.shape_cast %swap3A_67 : vector<1x16xf32> to vector<16xf32>
      %swap3A_69 = vector.shape_cast %broadcast_in_dim3A_29 : vector<16xf32> to vector<1x16xf32>
      tpu.vector_store %arg5[%swap3A_65, %swap3A_66], %swap3A_69 {strides = array<i32>} : memref<128x128xf32, #tpu.memory_space<vmem>>, vector<1x16xf32>,
      %swap3A_70 = arith.index_cast %scan3A_54 : i32 to index
      %swap3A_71 = arith.constant 48 : index
      %swap3A_72 = tpu.vector_load %arg5[%swap3A_70, %swap3A_71] {strides = array<i32>} : memref<128x128xf32, #tpu.memory_space<vmem>>, vector<1x16xf32>,
      %swap3A_73 = vector.shape_cast %swap3A_72 : vector<1x16xf32> to vector<16xf32>
      %swap3A_74 = vector.shape_cast %broadcast_in_dim3A_29 : vector<16xf32> to vector<1x16xf32>
      tpu.vector_store %arg5[%swap3A_70, %swap3A_71], %swap3A_74 {strides = array<i32>} : memref<128x128xf32, #tpu.memory_space<vmem>>, vector<1x16xf32>,
      %swap3A_75 = arith.index_cast %scan3A_54 : i32 to index
      %swap3A_76 = arith.constant 64 : index
      %swap3A_77 = tpu.vector_load %arg5[%swap3A_75, %swap3A_76] {strides = array<i32>} : memref<128x128xf32, #tpu.memory_space<vmem>>, vector<1x16xf32>,
      %swap3A_78 = vector.shape_cast %swap3A_77 : vector<1x16xf32> to vector<16xf32>
      %swap3A_79 = vector.shape_cast %broadcast_in_dim3A_29 : vector<16xf32> to vector<1x16xf32>
      tpu.vector_store %arg5[%swap3A_75, %swap3A_76], %swap3A_79 {strides = array<i32>} : memref<128x128xf32, #tpu.memory_space<vmem>>, vector<1x16xf32>,
      %swap3A_80 = arith.index_cast %scan3A_54 : i32 to index
      %swap3A_81 = arith.constant 80 : index
      %swap3A_82 = tpu.vector_load %arg5[%swap3A_80, %swap3A_81] {strides = array<i32>} : memref<128x128xf32, #tpu.memory_space<vmem>>, vector<1x16xf32>,
      %swap3A_83 = vector.shape_cast %swap3A_82 : vector<1x16xf32> to vector<16xf32>
      %swap3A_84 = vector.shape_cast %broadcast_in_dim3A_29 : vector<16xf32> to vector<1x16xf32>
      tpu.vector_store %arg5[%swap3A_80, %swap3A_81], %swap3A_84 {strides = array<i32>} : memref<128x128xf32, #tpu.memory_space<vmem>>, vector<1x16xf32>,
      %swap3A_85 = arith.index_cast %scan3A_54 : i32 to index
      %swap3A_86 = arith.constant 96 : index
      %swap3A_87 = tpu.vector_load %arg5[%swap3A_85, %swap3A_86] {strides = array<i32>} : memref<128x128xf32, #tpu.memory_space<vmem>>, vector<1x16xf32>,
      %swap3A_88 = vector.shape_cast %swap3A_87 : vector<1x16xf32> to vector<16xf32>
      %swap3A_89 = vector.shape_cast %broadcast_in_dim3A_29 : vector<16xf32> to vector<1x16xf32>
      tpu.vector_store %arg5[%swap3A_85, %swap3A_86], %swap3A_89 {strides = array<i32>} : memref<128x128xf32, #tpu.memory_space<vmem>>, vector<1x16xf32>,
      %swap3A_90 = arith.index_cast %scan3A_54 : i32 to index
      %swap3A_91 = arith.constant 112 : index
      %swap3A_92 = tpu.vector_load %arg5[%swap3A_90, %swap3A_91] {strides = array<i32>} : memref<128x128xf32, #tpu.memory_space<vmem>>, vector<1x16xf32>,
      %swap3A_93 = vector.shape_cast %swap3A_92 : vector<1x16xf32> to vector<16xf32>
      %swap3A_94 = vector.shape_cast %broadcast_in_dim3A_29 : vector<16xf32> to vector<1x16xf32>
      tpu.vector_store %arg5[%swap3A_90, %swap3A_91], %swap3A_94 {strides = array<i32>} : memref<128x128xf32, #tpu.memory_space<vmem>>, vector<1x16xf32>,
      %scan3A_95 = arith.constant 0 : i32
      scf.yield %scan3A_95 : i32
    }
    %scan3A_36 = arith.constant 128 : i32
    %mul3A_37 = arith.constant 80 : i32
    %mul3A_38 = arith.muli %add3A, %mul3A_37 : i32
    "tpu.region"() ({
      %run_scoped3A = tpu.sem_alloc : memref<!tpu.dma_semaphore, #tpu.memory_space<semaphore_mem>>
      %dma_start3A = arith.constant 0 : i32
      %dma_start3A_54 = tpu.memref_slice %arg2[%mul3A_38, %dma_start3A] : memref<2560x128xi32, #tpu.memory_space<hbm>> -> memref<80x128xi32, #tpu.memory_space<hbm>>
      %dma_start3A_55 = arith.constant 0 : i32
      %dma_start3A_56 = tpu.memref_slice %arg2[%mul3A_38, %dma_start3A_55] : memref<2560x128xi32, #tpu.memory_space<hbm>> -> memref<80x128xi32, #tpu.memory_space<hbm>>
      tpu.enqueue_dma source(%dma_start3A_56 : memref<80x128xi32, #tpu.memory_space<hbm>>) target(%arg4 : memref<80x128xi32, #tpu.memory_space<vmem>>) target_semaphore(%run_scoped3A : memref<!tpu.dma_semaphore, #tpu.memory_space<semaphore_mem>>)
      %dma_wait3A = arith.constant 0 : i32
      %dma_wait3A_57 = tpu.memref_slice %arg2[%mul3A_38, %dma_wait3A] : memref<2560x128xi32, #tpu.memory_space<hbm>> -> memref<80x128xi32, #tpu.memory_space<hbm>>
      %dma_wait3A_58 = arith.constant 0 : i32
      %dma_wait3A_59 = tpu.memref_slice %arg2[%mul3A_38, %dma_wait3A_58] : memref<2560x128xi32, #tpu.memory_space<hbm>> -> memref<80x128xi32, #tpu.memory_space<hbm>>
      tpu.wait_dma2 semaphore(%run_scoped3A : memref<!tpu.dma_semaphore, #tpu.memory_space<semaphore_mem>>) src(%dma_wait3A_59 : memref<80x128xi32, #tpu.memory_space<hbm>>) dst(%arg4 : memref<80x128xi32, #tpu.memory_space<vmem>>)
      tpu.yield
    }) : () -> ()
    %barrier3A = arith.constant 0 : index
    tpu.barrier barrier_id(%barrier3A)
    %scan3A_39 = arith.constant 0 : i32
    %scan3A_40 = arith.constant 0 : i32
    %scan3A_41 = arith.constant 80 : i32
    %scan3A_42 = arith.addi %scan3A_40, %scan3A_41 : i32
    %scan3A_43 = arith.constant 1 : i32
    %scan3A_44 = scf.for %scan3A_54 = %scan3A_40 to %scan3A_42 step %scan3A_43 iter_args(%scan3A_55 = %scan3A_39) -> (i32)  : i32 {
      "tpu.region"() ({
        %run_scoped3A = tpu.sem_alloc : memref<!tpu.dma_semaphore, #tpu.memory_space<semaphore_mem>>
        %dma_start3A = arith.constant 0 : i32
        %dma_start3A_57 = tpu.memref_slice %arg4[%scan3A_54, %dma_start3A] : memref<80x128xi32, #tpu.memory_space<vmem>> -> memref<1x128xi32, #tpu.memory_space<vmem>>
        %dma_start3A_58 = tpu.memref_squeeze %dma_start3A_57 : memref<1x128xi32, #tpu.memory_space<vmem>> -> memref<128xi32, #tpu.memory_space<vmem>>
        %dma_start3A_59 = arith.constant 0 : i32
        %dma_start3A_60 = arith.constant 0 : i32
        %dma_start3A_61 = tpu.memref_slice %arg6[%dma_start3A_59, %dma_start3A_60] : memref<10240x128xf32, #tpu.memory_space<vmem_shared>> -> memref<10240x128xf32, #tpu.memory_space<vmem_shared>>
        tpu.enqueue_indirect_dma source(%arg5 : memref<128x128xf32, #tpu.memory_space<vmem>>) target(%dma_start3A_61 : memref<10240x128xf32, #tpu.memory_space<vmem_shared>>) offsets(%dma_start3A_58 : memref<128xi32, #tpu.memory_space<vmem>>) semaphore(%run_scoped3A : memref<!tpu.dma_semaphore, #tpu.memory_space<semaphore_mem>>) {add = true}
        %dma_wait3A = arith.constant 0 : i32
        %dma_wait3A_62 = tpu.memref_slice %arg4[%scan3A_54, %dma_wait3A] : memref<80x128xi32, #tpu.memory_space<vmem>> -> memref<1x128xi32, #tpu.memory_space<vmem>>
        %dma_wait3A_63 = tpu.memref_squeeze %dma_wait3A_62 : memref<1x128xi32, #tpu.memory_space<vmem>> -> memref<128xi32, #tpu.memory_space<vmem>>
        %dma_wait3A_64 = arith.constant 0 : i32
        %dma_wait3A_65 = arith.constant 0 : i32
        %dma_wait3A_66 = tpu.memref_slice %arg6[%dma_wait3A_64, %dma_wait3A_65] : memref<10240x128xf32, #tpu.memory_space<vmem_shared>> -> memref<10240x128xf32, #tpu.memory_space<vmem_shared>>
        tpu.wait_indirect_dma semaphore(%run_scoped3A : memref<!tpu.dma_semaphore, #tpu.memory_space<semaphore_mem>>) src(%arg5 : memref<128x128xf32, #tpu.memory_space<vmem>>) dst(%dma_wait3A_66 : memref<10240x128xf32, #tpu.memory_space<vmem_shared>>)
        tpu.yield
      }) : () -> ()
      %scan3A_56 = arith.constant 0 : i32
      scf.yield %scan3A_56 : i32
    }
    %scan3A_45 = arith.constant 80 : i32
    %barrier3A_46 = arith.constant 0 : index
    tpu.barrier barrier_id(%barrier3A_46)
    %mul3A_47 = arith.constant 640 : i32
    %mul3A_48 = arith.muli %arg1, %mul3A_47 : i32
    %mul3A_49 = arith.constant 10240 : i32
    %mul3A_50 = arith.muli %arg0, %mul3A_49 : i32
    %mul3A_51 = arith.constant 640 : i32
    %mul3A_52 = arith.muli %arg1, %mul3A_51 : i32
    %add3A_53 = arith.addi %mul3A_50, %mul3A_52 : i32
    "tpu.region"() ({
      %run_scoped3A = tpu.sem_alloc : memref<!tpu.dma_semaphore, #tpu.memory_space<semaphore_mem>>
      %dma_start3A = arith.constant 0 : i32
      %dma_start3A_54 = tpu.memref_slice %arg3[%add3A_53, %dma_start3A] : memref<20480x128xf32, #tpu.memory_space<hbm>> -> memref<640x128xf32, #tpu.memory_space<hbm>>
      %dma_start3A_55 = arith.constant 0 : i32
      %dma_start3A_56 = tpu.memref_slice %arg6[%mul3A_48, %dma_start3A_55] : memref<10240x128xf32, #tpu.memory_space<vmem_shared>> -> memref<640x128xf32, #tpu.memory_space<vmem_shared>>
      tpu.enqueue_dma source(%dma_start3A_56 : memref<640x128xf32, #tpu.memory_space<vmem_shared>>) target(%dma_start3A_54 : memref<640x128xf32, #tpu.memory_space<hbm>>) target_semaphore(%run_scoped3A : memref<!tpu.dma_semaphore, #tpu.memory_space<semaphore_mem>>)
      %dma_wait3A = arith.constant 0 : i32
      %dma_wait3A_57 = tpu.memref_slice %arg3[%add3A_53, %dma_wait3A] : memref<20480x128xf32, #tpu.memory_space<hbm>> -> memref<640x128xf32, #tpu.memory_space<hbm>>
      %dma_wait3A_58 = arith.constant 0 : i32
      %dma_wait3A_59 = tpu.memref_slice %arg6[%mul3A_48, %dma_wait3A_58] : memref<10240x128xf32, #tpu.memory_space<vmem_shared>> -> memref<640x128xf32, #tpu.memory_space<vmem_shared>>
      tpu.wait_dma2 semaphore(%run_scoped3A : memref<!tpu.dma_semaphore, #tpu.memory_space<semaphore_mem>>) src(%dma_wait3A_59 : memref<640x128xf32, #tpu.memory_space<vmem_shared>>) dst(%dma_wait3A_57 : memref<640x128xf32, #tpu.memory_space<hbm>>)
      tpu.yield
    }) : () -> ()
    return
  }
}

#map = affine_map<(d0, d1) -> (0, 0)>
module attributes {stable_mosaic.version = 14 : i64} {
  func.func @_sc_edge_accum_body(%arg0: i32, %arg1: i32, %arg2: memref<10240x128xf32, #tpu.memory_space<hbm>>, %arg3: memref<2560x128xi32, #tpu.memory_space<hbm>>, %arg4: memref<2560x128xi32, #tpu.memory_space<hbm>>, %arg5: memref<20480x128xf32, #tpu.memory_space<hbm>>, %arg6: memref<16x128xi32, #tpu.memory_space<vmem>>, %arg7: memref<16x128xi32, #tpu.memory_space<vmem>>, %arg8: memref<16x128xi32, #tpu.memory_space<vmem>>, %arg9: memref<16x128xi32, #tpu.memory_space<vmem>>, %arg10: memref<128x128xf32, #tpu.memory_space<vmem>>, %arg11: memref<128x128xf32, #tpu.memory_space<vmem>>, %arg12: memref<10240x128xf32, #tpu.memory_space<vmem_shared>>, %arg13: memref<!tpu.dma_semaphore, #tpu.memory_space<semaphore_mem>>, %arg14: memref<!tpu.dma_semaphore, #tpu.memory_space<semaphore_mem>>, %arg15: memref<!tpu.dma_semaphore, #tpu.memory_space<semaphore_mem>>, %arg16: memref<!tpu.dma_semaphore, #tpu.memory_space<semaphore_mem>>) attributes {dimension_semantics = [#tpu.dimension_semantics<core_parallel>, #tpu.dimension_semantics<subcore_parallel>], iteration_bounds = array<i64: 2, 16>, scalar_prefetch = 0 : i64, scratch_operands = 11 : i64, tpu.core_type = #tpu.core_type<sc_vector_subcore>, window_params = [{transform_indices = #map}, {transform_indices = #map}, {transform_indices = #map}, {transform_indices = #map}]} {
    %mul3A = arith.constant 2 : i32
    %mul3A_0 = arith.muli %arg1, %mul3A : i32
    %add3A = arith.addi %mul3A_0, %arg0 : i32
    %mul3A_1 = arith.constant 80 : i32
    %mul3A_2 = arith.muli %add3A, %mul3A_1 : i32
    %scan3A = arith.constant 0 : i32
    %scan3A_3 = arith.constant 0 : i32
    %scan3A_4 = arith.constant 128 : i32
    %scan3A_5 = arith.addi %scan3A_3, %scan3A_4 : i32
    %scan3A_6 = arith.constant 1 : i32
    %scan3A_7 = scf.for %scan3A_370 = %scan3A_3 to %scan3A_5 step %scan3A_6 iter_args(%scan3A_371 = %scan3A) -> (i32)  : i32 {
      %broadcast_in_dim3A = arith.constant 0.000000e+00 : f32
      %broadcast_in_dim3A_372 = vector.broadcast %broadcast_in_dim3A : f32 to vector<16xf32>
      %swap3A = arith.index_cast %scan3A_370 : i32 to index
      %swap3A_373 = arith.constant 0 : index
      %swap3A_374 = tpu.vector_load %arg10[%swap3A, %swap3A_373] {strides = array<i32>} : memref<128x128xf32, #tpu.memory_space<vmem>>, vector<1x16xf32>,
      %swap3A_375 = vector.shape_cast %swap3A_374 : vector<1x16xf32> to vector<16xf32>
      %swap3A_376 = vector.shape_cast %broadcast_in_dim3A_372 : vector<16xf32> to vector<1x16xf32>
      tpu.vector_store %arg10[%swap3A, %swap3A_373], %swap3A_376 {strides = array<i32>} : memref<128x128xf32, #tpu.memory_space<vmem>>, vector<1x16xf32>,
      %broadcast_in_dim3A_377 = arith.constant 0.000000e+00 : f32
      %broadcast_in_dim3A_378 = vector.broadcast %broadcast_in_dim3A_377 : f32 to vector<16xf32>
      %swap3A_379 = arith.index_cast %scan3A_370 : i32 to index
      %swap3A_380 = arith.constant 16 : index
      %swap3A_381 = tpu.vector_load %arg10[%swap3A_379, %swap3A_380] {strides = array<i32>} : memref<128x128xf32, #tpu.memory_space<vmem>>, vector<1x16xf32>,
      %swap3A_382 = vector.shape_cast %swap3A_381 : vector<1x16xf32> to vector<16xf32>
      %swap3A_383 = vector.shape_cast %broadcast_in_dim3A_378 : vector<16xf32> to vector<1x16xf32>
      tpu.vector_store %arg10[%swap3A_379, %swap3A_380], %swap3A_383 {strides = array<i32>} : memref<128x128xf32, #tpu.memory_space<vmem>>, vector<1x16xf32>,
      %broadcast_in_dim3A_384 = arith.constant 0.000000e+00 : f32
      %broadcast_in_dim3A_385 = vector.broadcast %broadcast_in_dim3A_384 : f32 to vector<16xf32>
      %swap3A_386 = arith.index_cast %scan3A_370 : i32 to index
      %swap3A_387 = arith.constant 32 : index
      %swap3A_388 = tpu.vector_load %arg10[%swap3A_386, %swap3A_387] {strides = array<i32>} : memref<128x128xf32, #tpu.memory_space<vmem>>, vector<1x16xf32>,
      %swap3A_389 = vector.shape_cast %swap3A_388 : vector<1x16xf32> to vector<16xf32>
      %swap3A_390 = vector.shape_cast %broadcast_in_dim3A_385 : vector<16xf32> to vector<1x16xf32>
      tpu.vector_store %arg10[%swap3A_386, %swap3A_387], %swap3A_390 {strides = array<i32>} : memref<128x128xf32, #tpu.memory_space<vmem>>, vector<1x16xf32>,
      %broadcast_in_dim3A_391 = arith.constant 0.000000e+00 : f32
      %broadcast_in_dim3A_392 = vector.broadcast %broadcast_in_dim3A_391 : f32 to vector<16xf32>
      %swap3A_393 = arith.index_cast %scan3A_370 : i32 to index
      %swap3A_394 = arith.constant 48 : index
      %swap3A_395 = tpu.vector_load %arg10[%swap3A_393, %swap3A_394] {strides = array<i32>} : memref<128x128xf32, #tpu.memory_space<vmem>>, vector<1x16xf32>,
      %swap3A_396 = vector.shape_cast %swap3A_395 : vector<1x16xf32> to vector<16xf32>
      %swap3A_397 = vector.shape_cast %broadcast_in_dim3A_392 : vector<16xf32> to vector<1x16xf32>
      tpu.vector_store %arg10[%swap3A_393, %swap3A_394], %swap3A_397 {strides = array<i32>} : memref<128x128xf32, #tpu.memory_space<vmem>>, vector<1x16xf32>,
      %broadcast_in_dim3A_398 = arith.constant 0.000000e+00 : f32
      %broadcast_in_dim3A_399 = vector.broadcast %broadcast_in_dim3A_398 : f32 to vector<16xf32>
      %swap3A_400 = arith.index_cast %scan3A_370 : i32 to index
      %swap3A_401 = arith.constant 64 : index
      %swap3A_402 = tpu.vector_load %arg10[%swap3A_400, %swap3A_401] {strides = array<i32>} : memref<128x128xf32, #tpu.memory_space<vmem>>, vector<1x16xf32>,
      %swap3A_403 = vector.shape_cast %swap3A_402 : vector<1x16xf32> to vector<16xf32>
      %swap3A_404 = vector.shape_cast %broadcast_in_dim3A_399 : vector<16xf32> to vector<1x16xf32>
      tpu.vector_store %arg10[%swap3A_400, %swap3A_401], %swap3A_404 {strides = array<i32>} : memref<128x128xf32, #tpu.memory_space<vmem>>, vector<1x16xf32>,
      %broadcast_in_dim3A_405 = arith.constant 0.000000e+00 : f32
      %broadcast_in_dim3A_406 = vector.broadcast %broadcast_in_dim3A_405 : f32 to vector<16xf32>
      %swap3A_407 = arith.index_cast %scan3A_370 : i32 to index
      %swap3A_408 = arith.constant 80 : index
      %swap3A_409 = tpu.vector_load %arg10[%swap3A_407, %swap3A_408] {strides = array<i32>} : memref<128x128xf32, #tpu.memory_space<vmem>>, vector<1x16xf32>,
      %swap3A_410 = vector.shape_cast %swap3A_409 : vector<1x16xf32> to vector<16xf32>
      %swap3A_411 = vector.shape_cast %broadcast_in_dim3A_406 : vector<16xf32> to vector<1x16xf32>
      tpu.vector_store %arg10[%swap3A_407, %swap3A_408], %swap3A_411 {strides = array<i32>} : memref<128x128xf32, #tpu.memory_space<vmem>>, vector<1x16xf32>,
      %broadcast_in_dim3A_412 = arith.constant 0.000000e+00 : f32
      %broadcast_in_dim3A_413 = vector.broadcast %broadcast_in_dim3A_412 : f32 to vector<16xf32>
      %swap3A_414 = arith.index_cast %scan3A_370 : i32 to index
      %swap3A_415 = arith.constant 96 : index
      %swap3A_416 = tpu.vector_load %arg10[%swap3A_414, %swap3A_415] {strides = array<i32>} : memref<128x128xf32, #tpu.memory_space<vmem>>, vector<1x16xf32>,
      %swap3A_417 = vector.shape_cast %swap3A_416 : vector<1x16xf32> to vector<16xf32>
      %swap3A_418 = vector.shape_cast %broadcast_in_dim3A_413 : vector<16xf32> to vector<1x16xf32>
      tpu.vector_store %arg10[%swap3A_414, %swap3A_415], %swap3A_418 {strides = array<i32>} : memref<128x128xf32, #tpu.memory_space<vmem>>, vector<1x16xf32>,
      %broadcast_in_dim3A_419 = arith.constant 0.000000e+00 : f32
      %broadcast_in_dim3A_420 = vector.broadcast %broadcast_in_dim3A_419 : f32 to vector<16xf32>
      %swap3A_421 = arith.index_cast %scan3A_370 : i32 to index
      %swap3A_422 = arith.constant 112 : index
      %swap3A_423 = tpu.vector_load %arg10[%swap3A_421, %swap3A_422] {strides = array<i32>} : memref<128x128xf32, #tpu.memory_space<vmem>>, vector<1x16xf32>,
      %swap3A_424 = vector.shape_cast %swap3A_423 : vector<1x16xf32> to vector<16xf32>
      %swap3A_425 = vector.shape_cast %broadcast_in_dim3A_420 : vector<16xf32> to vector<1x16xf32>
      tpu.vector_store %arg10[%swap3A_421, %swap3A_422], %swap3A_425 {strides = array<i32>} : memref<128x128xf32, #tpu.memory_space<vmem>>, vector<1x16xf32>,
      %scan3A_426 = arith.constant 0 : i32
      scf.yield %scan3A_426 : i32
    }
    %scan3A_8 = arith.constant 128 : i32
    %mul3A_9 = arith.constant 640 : i32
    %mul3A_10 = arith.muli %arg1, %mul3A_9 : i32
    %add3A_11 = arith.constant 0 : i32
    %add3A_12 = arith.addi %mul3A_10, %add3A_11 : i32
    "tpu.region"() ({
      %run_scoped3A = tpu.sem_alloc : memref<!tpu.dma_semaphore, #tpu.memory_space<semaphore_mem>>
      %dma_start3A_370 = arith.constant 0 : i32
      %dma_start3A_371 = tpu.memref_slice %arg12[%add3A_12, %dma_start3A_370] : memref<10240x128xf32, #tpu.memory_space<vmem_shared>> -> memref<128x128xf32, #tpu.memory_space<vmem_shared>>
      %dma_start3A_372 = arith.constant 0 : i32
      %dma_start3A_373 = tpu.memref_slice %arg12[%add3A_12, %dma_start3A_372] : memref<10240x128xf32, #tpu.memory_space<vmem_shared>> -> memref<128x128xf32, #tpu.memory_space<vmem_shared>>
      tpu.enqueue_dma source(%arg10 : memref<128x128xf32, #tpu.memory_space<vmem>>) target(%dma_start3A_373 : memref<128x128xf32, #tpu.memory_space<vmem_shared>>) target_semaphore(%run_scoped3A : memref<!tpu.dma_semaphore, #tpu.memory_space<semaphore_mem>>)
      %dma_wait3A_374 = arith.constant 0 : i32
      %dma_wait3A_375 = tpu.memref_slice %arg12[%add3A_12, %dma_wait3A_374] : memref<10240x128xf32, #tpu.memory_space<vmem_shared>> -> memref<128x128xf32, #tpu.memory_space<vmem_shared>>
      %dma_wait3A_376 = arith.constant 0 : i32
      %dma_wait3A_377 = tpu.memref_slice %arg12[%add3A_12, %dma_wait3A_376] : memref<10240x128xf32, #tpu.memory_space<vmem_shared>> -> memref<128x128xf32, #tpu.memory_space<vmem_shared>>
      tpu.wait_dma2 semaphore(%run_scoped3A : memref<!tpu.dma_semaphore, #tpu.memory_space<semaphore_mem>>) src(%arg10 : memref<128x128xf32, #tpu.memory_space<vmem>>) dst(%dma_wait3A_377 : memref<128x128xf32, #tpu.memory_space<vmem_shared>>)
      tpu.yield
    }) : () -> ()
    %mul3A_13 = arith.constant 640 : i32
    %mul3A_14 = arith.muli %arg1, %mul3A_13 : i32
    %add3A_15 = arith.constant 128 : i32
    %add3A_16 = arith.addi %mul3A_14, %add3A_15 : i32
    "tpu.region"() ({
      %run_scoped3A = tpu.sem_alloc : memref<!tpu.dma_semaphore, #tpu.memory_space<semaphore_mem>>
      %dma_start3A_370 = arith.constant 0 : i32
      %dma_start3A_371 = tpu.memref_slice %arg12[%add3A_16, %dma_start3A_370] : memref<10240x128xf32, #tpu.memory_space<vmem_shared>> -> memref<128x128xf32, #tpu.memory_space<vmem_shared>>
      %dma_start3A_372 = arith.constant 0 : i32
      %dma_start3A_373 = tpu.memref_slice %arg12[%add3A_16, %dma_start3A_372] : memref<10240x128xf32, #tpu.memory_space<vmem_shared>> -> memref<128x128xf32, #tpu.memory_space<vmem_shared>>
      tpu.enqueue_dma source(%arg10 : memref<128x128xf32, #tpu.memory_space<vmem>>) target(%dma_start3A_373 : memref<128x128xf32, #tpu.memory_space<vmem_shared>>) target_semaphore(%run_scoped3A : memref<!tpu.dma_semaphore, #tpu.memory_space<semaphore_mem>>)
      %dma_wait3A_374 = arith.constant 0 : i32
      %dma_wait3A_375 = tpu.memref_slice %arg12[%add3A_16, %dma_wait3A_374] : memref<10240x128xf32, #tpu.memory_space<vmem_shared>> -> memref<128x128xf32, #tpu.memory_space<vmem_shared>>
      %dma_wait3A_376 = arith.constant 0 : i32
      %dma_wait3A_377 = tpu.memref_slice %arg12[%add3A_16, %dma_wait3A_376] : memref<10240x128xf32, #tpu.memory_space<vmem_shared>> -> memref<128x128xf32, #tpu.memory_space<vmem_shared>>
      tpu.wait_dma2 semaphore(%run_scoped3A : memref<!tpu.dma_semaphore, #tpu.memory_space<semaphore_mem>>) src(%arg10 : memref<128x128xf32, #tpu.memory_space<vmem>>) dst(%dma_wait3A_377 : memref<128x128xf32, #tpu.memory_space<vmem_shared>>)
      tpu.yield
    }) : () -> ()
    %mul3A_17 = arith.constant 640 : i32
    %mul3A_18 = arith.muli %arg1, %mul3A_17 : i32
    %add3A_19 = arith.constant 256 : i32
    %add3A_20 = arith.addi %mul3A_18, %add3A_19 : i32
    "tpu.region"() ({
      %run_scoped3A = tpu.sem_alloc : memref<!tpu.dma_semaphore, #tpu.memory_space<semaphore_mem>>
      %dma_start3A_370 = arith.constant 0 : i32
      %dma_start3A_371 = tpu.memref_slice %arg12[%add3A_20, %dma_start3A_370] : memref<10240x128xf32, #tpu.memory_space<vmem_shared>> -> memref<128x128xf32, #tpu.memory_space<vmem_shared>>
      %dma_start3A_372 = arith.constant 0 : i32
      %dma_start3A_373 = tpu.memref_slice %arg12[%add3A_20, %dma_start3A_372] : memref<10240x128xf32, #tpu.memory_space<vmem_shared>> -> memref<128x128xf32, #tpu.memory_space<vmem_shared>>
      tpu.enqueue_dma source(%arg10 : memref<128x128xf32, #tpu.memory_space<vmem>>) target(%dma_start3A_373 : memref<128x128xf32, #tpu.memory_space<vmem_shared>>) target_semaphore(%run_scoped3A : memref<!tpu.dma_semaphore, #tpu.memory_space<semaphore_mem>>)
      %dma_wait3A_374 = arith.constant 0 : i32
      %dma_wait3A_375 = tpu.memref_slice %arg12[%add3A_20, %dma_wait3A_374] : memref<10240x128xf32, #tpu.memory_space<vmem_shared>> -> memref<128x128xf32, #tpu.memory_space<vmem_shared>>
      %dma_wait3A_376 = arith.constant 0 : i32
      %dma_wait3A_377 = tpu.memref_slice %arg12[%add3A_20, %dma_wait3A_376] : memref<10240x128xf32, #tpu.memory_space<vmem_shared>> -> memref<128x128xf32, #tpu.memory_space<vmem_shared>>
      tpu.wait_dma2 semaphore(%run_scoped3A : memref<!tpu.dma_semaphore, #tpu.memory_space<semaphore_mem>>) src(%arg10 : memref<128x128xf32, #tpu.memory_space<vmem>>) dst(%dma_wait3A_377 : memref<128x128xf32, #tpu.memory_space<vmem_shared>>)
      tpu.yield
    }) : () -> ()
    %mul3A_21 = arith.constant 640 : i32
    %mul3A_22 = arith.muli %arg1, %mul3A_21 : i32
    %add3A_23 = arith.constant 384 : i32
    %add3A_24 = arith.addi %mul3A_22, %add3A_23 : i32
    "tpu.region"() ({
      %run_scoped3A = tpu.sem_alloc : memref<!tpu.dma_semaphore, #tpu.memory_space<semaphore_mem>>
      %dma_start3A_370 = arith.constant 0 : i32
      %dma_start3A_371 = tpu.memref_slice %arg12[%add3A_24, %dma_start3A_370] : memref<10240x128xf32, #tpu.memory_space<vmem_shared>> -> memref<128x128xf32, #tpu.memory_space<vmem_shared>>
      %dma_start3A_372 = arith.constant 0 : i32
      %dma_start3A_373 = tpu.memref_slice %arg12[%add3A_24, %dma_start3A_372] : memref<10240x128xf32, #tpu.memory_space<vmem_shared>> -> memref<128x128xf32, #tpu.memory_space<vmem_shared>>
      tpu.enqueue_dma source(%arg10 : memref<128x128xf32, #tpu.memory_space<vmem>>) target(%dma_start3A_373 : memref<128x128xf32, #tpu.memory_space<vmem_shared>>) target_semaphore(%run_scoped3A : memref<!tpu.dma_semaphore, #tpu.memory_space<semaphore_mem>>)
      %dma_wait3A_374 = arith.constant 0 : i32
      %dma_wait3A_375 = tpu.memref_slice %arg12[%add3A_24, %dma_wait3A_374] : memref<10240x128xf32, #tpu.memory_space<vmem_shared>> -> memref<128x128xf32, #tpu.memory_space<vmem_shared>>
      %dma_wait3A_376 = arith.constant 0 : i32
      %dma_wait3A_377 = tpu.memref_slice %arg12[%add3A_24, %dma_wait3A_376] : memref<10240x128xf32, #tpu.memory_space<vmem_shared>> -> memref<128x128xf32, #tpu.memory_space<vmem_shared>>
      tpu.wait_dma2 semaphore(%run_scoped3A : memref<!tpu.dma_semaphore, #tpu.memory_space<semaphore_mem>>) src(%arg10 : memref<128x128xf32, #tpu.memory_space<vmem>>) dst(%dma_wait3A_377 : memref<128x128xf32, #tpu.memory_space<vmem_shared>>)
      tpu.yield
    }) : () -> ()
    %mul3A_25 = arith.constant 640 : i32
    %mul3A_26 = arith.muli %arg1, %mul3A_25 : i32
    %add3A_27 = arith.constant 512 : i32
    %add3A_28 = arith.addi %mul3A_26, %add3A_27 : i32
    "tpu.region"() ({
      %run_scoped3A = tpu.sem_alloc : memref<!tpu.dma_semaphore, #tpu.memory_space<semaphore_mem>>
      %dma_start3A_370 = arith.constant 0 : i32
      %dma_start3A_371 = tpu.memref_slice %arg12[%add3A_28, %dma_start3A_370] : memref<10240x128xf32, #tpu.memory_space<vmem_shared>> -> memref<128x128xf32, #tpu.memory_space<vmem_shared>>
      %dma_start3A_372 = arith.constant 0 : i32
      %dma_start3A_373 = tpu.memref_slice %arg12[%add3A_28, %dma_start3A_372] : memref<10240x128xf32, #tpu.memory_space<vmem_shared>> -> memref<128x128xf32, #tpu.memory_space<vmem_shared>>
      tpu.enqueue_dma source(%arg10 : memref<128x128xf32, #tpu.memory_space<vmem>>) target(%dma_start3A_373 : memref<128x128xf32, #tpu.memory_space<vmem_shared>>) target_semaphore(%run_scoped3A : memref<!tpu.dma_semaphore, #tpu.memory_space<semaphore_mem>>)
      %dma_wait3A_374 = arith.constant 0 : i32
      %dma_wait3A_375 = tpu.memref_slice %arg12[%add3A_28, %dma_wait3A_374] : memref<10240x128xf32, #tpu.memory_space<vmem_shared>> -> memref<128x128xf32, #tpu.memory_space<vmem_shared>>
      %dma_wait3A_376 = arith.constant 0 : i32
      %dma_wait3A_377 = tpu.memref_slice %arg12[%add3A_28, %dma_wait3A_376] : memref<10240x128xf32, #tpu.memory_space<vmem_shared>> -> memref<128x128xf32, #tpu.memory_space<vmem_shared>>
      tpu.wait_dma2 semaphore(%run_scoped3A : memref<!tpu.dma_semaphore, #tpu.memory_space<semaphore_mem>>) src(%arg10 : memref<128x128xf32, #tpu.memory_space<vmem>>) dst(%dma_wait3A_377 : memref<128x128xf32, #tpu.memory_space<vmem_shared>>)
      tpu.yield
    }) : () -> ()
    %barrier3A = arith.constant 0 : index
    tpu.barrier barrier_id(%barrier3A)
    %add3A_29 = arith.constant 0 : i32
    %add3A_30 = arith.addi %mul3A_2, %add3A_29 : i32
    "tpu.region"() ({
      %run_scoped3A = tpu.sem_alloc : memref<!tpu.dma_semaphore, #tpu.memory_space<semaphore_mem>>
      %dma_start3A_370 = arith.constant 0 : i32
      %dma_start3A_371 = tpu.memref_slice %arg3[%add3A_30, %dma_start3A_370] : memref<2560x128xi32, #tpu.memory_space<hbm>> -> memref<16x128xi32, #tpu.memory_space<hbm>>
      %dma_start3A_372 = arith.constant 0 : i32
      %dma_start3A_373 = tpu.memref_slice %arg3[%add3A_30, %dma_start3A_372] : memref<2560x128xi32, #tpu.memory_space<hbm>> -> memref<16x128xi32, #tpu.memory_space<hbm>>
      tpu.enqueue_dma source(%dma_start3A_373 : memref<16x128xi32, #tpu.memory_space<hbm>>) target(%arg6 : memref<16x128xi32, #tpu.memory_space<vmem>>) target_semaphore(%run_scoped3A : memref<!tpu.dma_semaphore, #tpu.memory_space<semaphore_mem>>)
      %dma_wait3A_374 = arith.constant 0 : i32
      %dma_wait3A_375 = tpu.memref_slice %arg3[%add3A_30, %dma_wait3A_374] : memref<2560x128xi32, #tpu.memory_space<hbm>> -> memref<16x128xi32, #tpu.memory_space<hbm>>
      %dma_wait3A_376 = arith.constant 0 : i32
      %dma_wait3A_377 = tpu.memref_slice %arg3[%add3A_30, %dma_wait3A_376] : memref<2560x128xi32, #tpu.memory_space<hbm>> -> memref<16x128xi32, #tpu.memory_space<hbm>>
      tpu.wait_dma2 semaphore(%run_scoped3A : memref<!tpu.dma_semaphore, #tpu.memory_space<semaphore_mem>>) src(%dma_wait3A_377 : memref<16x128xi32, #tpu.memory_space<hbm>>) dst(%arg6 : memref<16x128xi32, #tpu.memory_space<vmem>>)
      tpu.yield
    }) : () -> ()
    %add3A_31 = arith.constant 0 : i32
    %add3A_32 = arith.addi %mul3A_2, %add3A_31 : i32
    "tpu.region"() ({
      %run_scoped3A = tpu.sem_alloc : memref<!tpu.dma_semaphore, #tpu.memory_space<semaphore_mem>>
      %dma_start3A_370 = arith.constant 0 : i32
      %dma_start3A_371 = tpu.memref_slice %arg4[%add3A_32, %dma_start3A_370] : memref<2560x128xi32, #tpu.memory_space<hbm>> -> memref<16x128xi32, #tpu.memory_space<hbm>>
      %dma_start3A_372 = arith.constant 0 : i32
      %dma_start3A_373 = tpu.memref_slice %arg4[%add3A_32, %dma_start3A_372] : memref<2560x128xi32, #tpu.memory_space<hbm>> -> memref<16x128xi32, #tpu.memory_space<hbm>>
      tpu.enqueue_dma source(%dma_start3A_373 : memref<16x128xi32, #tpu.memory_space<hbm>>) target(%arg7 : memref<16x128xi32, #tpu.memory_space<vmem>>) target_semaphore(%run_scoped3A : memref<!tpu.dma_semaphore, #tpu.memory_space<semaphore_mem>>)
      %dma_wait3A_374 = arith.constant 0 : i32
      %dma_wait3A_375 = tpu.memref_slice %arg4[%add3A_32, %dma_wait3A_374] : memref<2560x128xi32, #tpu.memory_space<hbm>> -> memref<16x128xi32, #tpu.memory_space<hbm>>
      %dma_wait3A_376 = arith.constant 0 : i32
      %dma_wait3A_377 = tpu.memref_slice %arg4[%add3A_32, %dma_wait3A_376] : memref<2560x128xi32, #tpu.memory_space<hbm>> -> memref<16x128xi32, #tpu.memory_space<hbm>>
      tpu.wait_dma2 semaphore(%run_scoped3A : memref<!tpu.dma_semaphore, #tpu.memory_space<semaphore_mem>>) src(%dma_wait3A_377 : memref<16x128xi32, #tpu.memory_space<hbm>>) dst(%arg7 : memref<16x128xi32, #tpu.memory_space<vmem>>)
      tpu.yield
    }) : () -> ()
    %dma_start3A = arith.constant 0 : i32
    %dma_start3A_33 = arith.constant 0 : i32
    %dma_start3A_34 = tpu.memref_slice %arg6[%dma_start3A, %dma_start3A_33] : memref<16x128xi32, #tpu.memory_space<vmem>> -> memref<1x128xi32, #tpu.memory_space<vmem>>
    %dma_start3A_35 = tpu.memref_squeeze %dma_start3A_34 : memref<1x128xi32, #tpu.memory_space<vmem>> -> memref<128xi32, #tpu.memory_space<vmem>>
    %dma_start3A_36 = arith.constant 0 : i32
    %dma_start3A_37 = arith.constant 0 : i32
    %dma_start3A_38 = tpu.memref_slice %arg2[%dma_start3A_36, %dma_start3A_37] : memref<10240x128xf32, #tpu.memory_space<hbm>> -> memref<10240x128xf32, #tpu.memory_space<hbm>>
    tpu.enqueue_indirect_dma source(%dma_start3A_38 : memref<10240x128xf32, #tpu.memory_space<hbm>>) target(%arg10 : memref<128x128xf32, #tpu.memory_space<vmem>>) offsets(%dma_start3A_35 : memref<128xi32, #tpu.memory_space<vmem>>) semaphore(%arg13 : memref<!tpu.dma_semaphore, #tpu.memory_space<semaphore_mem>>)
    %dma_start3A_39 = arith.constant 1 : i32
    %dma_start3A_40 = arith.constant 0 : i32
    %dma_start3A_41 = tpu.memref_slice %arg6[%dma_start3A_39, %dma_start3A_40] : memref<16x128xi32, #tpu.memory_space<vmem>> -> memref<1x128xi32, #tpu.memory_space<vmem>>
    %dma_start3A_42 = tpu.memref_squeeze %dma_start3A_41 : memref<1x128xi32, #tpu.memory_space<vmem>> -> memref<128xi32, #tpu.memory_space<vmem>>
    %dma_start3A_43 = arith.constant 0 : i32
    %dma_start3A_44 = arith.constant 0 : i32
    %dma_start3A_45 = tpu.memref_slice %arg2[%dma_start3A_43, %dma_start3A_44] : memref<10240x128xf32, #tpu.memory_space<hbm>> -> memref<10240x128xf32, #tpu.memory_space<hbm>>
    tpu.enqueue_indirect_dma source(%dma_start3A_45 : memref<10240x128xf32, #tpu.memory_space<hbm>>) target(%arg11 : memref<128x128xf32, #tpu.memory_space<vmem>>) offsets(%dma_start3A_42 : memref<128xi32, #tpu.memory_space<vmem>>) semaphore(%arg14 : memref<!tpu.dma_semaphore, #tpu.memory_space<semaphore_mem>>)
    %scan3A_46 = arith.constant 0 : i32
    %scan3A_47 = arith.constant 0 : i32
    %scan3A_48 = arith.constant 7 : i32
    %scan3A_49 = arith.addi %scan3A_47, %scan3A_48 : i32
    %scan3A_50 = arith.constant 1 : i32
    %scan3A_51 = scf.for %scan3A_370 = %scan3A_47 to %scan3A_49 step %scan3A_50 iter_args(%scan3A_371 = %scan3A_46) -> (i32)  : i32 {
      %mul3A_372 = arith.constant 2 : i32
      %mul3A_373 = arith.muli %mul3A_372, %scan3A_370 : i32
      %add3A_374 = arith.constant 0 : i32
      %add3A_375 = arith.addi %mul3A_373, %add3A_374 : i32
      %dma_wait3A_376 = arith.constant 0 : i32
      %dma_wait3A_377 = tpu.memref_slice %arg6[%add3A_375, %dma_wait3A_376] : memref<16x128xi32, #tpu.memory_space<vmem>> -> memref<1x128xi32, #tpu.memory_space<vmem>>
      %dma_wait3A_378 = tpu.memref_squeeze %dma_wait3A_377 : memref<1x128xi32, #tpu.memory_space<vmem>> -> memref<128xi32, #tpu.memory_space<vmem>>
      %dma_wait3A_379 = arith.constant 0 : i32
      %dma_wait3A_380 = arith.constant 0 : i32
      %dma_wait3A_381 = tpu.memref_slice %arg2[%dma_wait3A_379, %dma_wait3A_380] : memref<10240x128xf32, #tpu.memory_space<hbm>> -> memref<10240x128xf32, #tpu.memory_space<hbm>>
      tpu.wait_indirect_dma semaphore(%arg13 : memref<!tpu.dma_semaphore, #tpu.memory_space<semaphore_mem>>) src(%dma_wait3A_381 : memref<10240x128xf32, #tpu.memory_space<hbm>>) dst(%arg10 : memref<128x128xf32, #tpu.memory_space<vmem>>)
      %mul3A_382 = arith.constant 2 : i32
      %mul3A_383 = arith.muli %mul3A_382, %scan3A_370 : i32
      %add3A_384 = arith.constant 0 : i32
      %add3A_385 = arith.addi %mul3A_383, %add3A_384 : i32
      %dma_start3A_386 = arith.constant 0 : i32
      %dma_start3A_387 = tpu.memref_slice %arg7[%add3A_385, %dma_start3A_386] : memref<16x128xi32, #tpu.memory_space<vmem>> -> memref<1x128xi32, #tpu.memory_space<vmem>>
      %dma_start3A_388 = tpu.memref_squeeze %dma_start3A_387 : memref<1x128xi32, #tpu.memory_space<vmem>> -> memref<128xi32, #tpu.memory_space<vmem>>
      %dma_start3A_389 = arith.constant 0 : i32
      %dma_start3A_390 = arith.constant 0 : i32
      %dma_start3A_391 = tpu.memref_slice %arg12[%dma_start3A_389, %dma_start3A_390] : memref<10240x128xf32, #tpu.memory_space<vmem_shared>> -> memref<10240x128xf32, #tpu.memory_space<vmem_shared>>
      tpu.enqueue_indirect_dma source(%arg10 : memref<128x128xf32, #tpu.memory_space<vmem>>) target(%dma_start3A_391 : memref<10240x128xf32, #tpu.memory_space<vmem_shared>>) offsets(%dma_start3A_388 : memref<128xi32, #tpu.memory_space<vmem>>) semaphore(%arg15 : memref<!tpu.dma_semaphore, #tpu.memory_space<semaphore_mem>>) {add = true}
      %mul3A_392 = arith.constant 2 : i32
      %mul3A_393 = arith.muli %mul3A_392, %scan3A_370 : i32
      %add3A_394 = arith.constant 1 : i32
      %add3A_395 = arith.addi %mul3A_393, %add3A_394 : i32
      %dma_wait3A_396 = arith.constant 0 : i32
      %dma_wait3A_397 = tpu.memref_slice %arg6[%add3A_395, %dma_wait3A_396] : memref<16x128xi32, #tpu.memory_space<vmem>> -> memref<1x128xi32, #tpu.memory_space<vmem>>
      %dma_wait3A_398 = tpu.memref_squeeze %dma_wait3A_397 : memref<1x128xi32, #tpu.memory_space<vmem>> -> memref<128xi32, #tpu.memory_space<vmem>>
      %dma_wait3A_399 = arith.constant 0 : i32
      %dma_wait3A_400 = arith.constant 0 : i32
      %dma_wait3A_401 = tpu.memref_slice %arg2[%dma_wait3A_399, %dma_wait3A_400] : memref<10240x128xf32, #tpu.memory_space<hbm>> -> memref<10240x128xf32, #tpu.memory_space<hbm>>
      tpu.wait_indirect_dma semaphore(%arg14 : memref<!tpu.dma_semaphore, #tpu.memory_space<semaphore_mem>>) src(%dma_wait3A_401 : memref<10240x128xf32, #tpu.memory_space<hbm>>) dst(%arg11 : memref<128x128xf32, #tpu.memory_space<vmem>>)
      %mul3A_402 = arith.constant 2 : i32
      %mul3A_403 = arith.muli %mul3A_402, %scan3A_370 : i32
      %add3A_404 = arith.constant 1 : i32
      %add3A_405 = arith.addi %mul3A_403, %add3A_404 : i32
      %dma_start3A_406 = arith.constant 0 : i32
      %dma_start3A_407 = tpu.memref_slice %arg7[%add3A_405, %dma_start3A_406] : memref<16x128xi32, #tpu.memory_space<vmem>> -> memref<1x128xi32, #tpu.memory_space<vmem>>
      %dma_start3A_408 = tpu.memref_squeeze %dma_start3A_407 : memref<1x128xi32, #tpu.memory_space<vmem>> -> memref<128xi32, #tpu.memory_space<vmem>>
      %dma_start3A_409 = arith.constant 0 : i32
      %dma_start3A_410 = arith.constant 0 : i32
      %dma_start3A_411 = tpu.memref_slice %arg12[%dma_start3A_409, %dma_start3A_410] : memref<10240x128xf32, #tpu.memory_space<vmem_shared>> -> memref<10240x128xf32, #tpu.memory_space<vmem_shared>>
      tpu.enqueue_indirect_dma source(%arg11 : memref<128x128xf32, #tpu.memory_space<vmem>>) target(%dma_start3A_411 : memref<10240x128xf32, #tpu.memory_space<vmem_shared>>) offsets(%dma_start3A_408 : memref<128xi32, #tpu.memory_space<vmem>>) semaphore(%arg16 : memref<!tpu.dma_semaphore, #tpu.memory_space<semaphore_mem>>) {add = true}
      %mul3A_412 = arith.constant 2 : i32
      %mul3A_413 = arith.muli %mul3A_412, %scan3A_370 : i32
      %add3A_414 = arith.constant 0 : i32
      %add3A_415 = arith.addi %mul3A_413, %add3A_414 : i32
      %dma_wait3A_416 = arith.constant 0 : i32
      %dma_wait3A_417 = tpu.memref_slice %arg7[%add3A_415, %dma_wait3A_416] : memref<16x128xi32, #tpu.memory_space<vmem>> -> memref<1x128xi32, #tpu.memory_space<vmem>>
      %dma_wait3A_418 = tpu.memref_squeeze %dma_wait3A_417 : memref<1x128xi32, #tpu.memory_space<vmem>> -> memref<128xi32, #tpu.memory_space<vmem>>
      %dma_wait3A_419 = arith.constant 0 : i32
      %dma_wait3A_420 = arith.constant 0 : i32
      %dma_wait3A_421 = tpu.memref_slice %arg12[%dma_wait3A_419, %dma_wait3A_420] : memref<10240x128xf32, #tpu.memory_space<vmem_shared>> -> memref<10240x128xf32, #tpu.memory_space<vmem_shared>>
      tpu.wait_indirect_dma semaphore(%arg15 : memref<!tpu.dma_semaphore, #tpu.memory_space<semaphore_mem>>) src(%arg10 : memref<128x128xf32, #tpu.memory_space<vmem>>) dst(%dma_wait3A_421 : memref<10240x128xf32, #tpu.memory_space<vmem_shared>>)
      %mul3A_422 = arith.constant 2 : i32
      %mul3A_423 = arith.muli %mul3A_422, %scan3A_370 : i32
      %add3A_424 = arith.constant 2 : i32
      %add3A_425 = arith.addi %mul3A_423, %add3A_424 : i32
      %add3A_426 = arith.constant 0 : i32
      %add3A_427 = arith.addi %add3A_425, %add3A_426 : i32
      %dma_start3A_428 = arith.constant 0 : i32
      %dma_start3A_429 = tpu.memref_slice %arg6[%add3A_427, %dma_start3A_428] : memref<16x128xi32, #tpu.memory_space<vmem>> -> memref<1x128xi32, #tpu.memory_space<vmem>>
      %dma_start3A_430 = tpu.memref_squeeze %dma_start3A_429 : memref<1x128xi32, #tpu.memory_space<vmem>> -> memref<128xi32, #tpu.memory_space<vmem>>
      %dma_start3A_431 = arith.constant 0 : i32
      %dma_start3A_432 = arith.constant 0 : i32
      %dma_start3A_433 = tpu.memref_slice %arg2[%dma_start3A_431, %dma_start3A_432] : memref<10240x128xf32, #tpu.memory_space<hbm>> -> memref<10240x128xf32, #tpu.memory_space<hbm>>
      tpu.enqueue_indirect_dma source(%dma_start3A_433 : memref<10240x128xf32, #tpu.memory_space<hbm>>) target(%arg10 : memref<128x128xf32, #tpu.memory_space<vmem>>) offsets(%dma_start3A_430 : memref<128xi32, #tpu.memory_space<vmem>>) semaphore(%arg13 : memref<!tpu.dma_semaphore, #tpu.memory_space<semaphore_mem>>)
      %mul3A_434 = arith.constant 2 : i32
      %mul3A_435 = arith.muli %mul3A_434, %scan3A_370 : i32
      %add3A_436 = arith.constant 1 : i32
      %add3A_437 = arith.addi %mul3A_435, %add3A_436 : i32
      %dma_wait3A_438 = arith.constant 0 : i32
      %dma_wait3A_439 = tpu.memref_slice %arg7[%add3A_437, %dma_wait3A_438] : memref<16x128xi32, #tpu.memory_space<vmem>> -> memref<1x128xi32, #tpu.memory_space<vmem>>
      %dma_wait3A_440 = tpu.memref_squeeze %dma_wait3A_439 : memref<1x128xi32, #tpu.memory_space<vmem>> -> memref<128xi32, #tpu.memory_space<vmem>>
      %dma_wait3A_441 = arith.constant 0 : i32
      %dma_wait3A_442 = arith.constant 0 : i32
      %dma_wait3A_443 = tpu.memref_slice %arg12[%dma_wait3A_441, %dma_wait3A_442] : memref<10240x128xf32, #tpu.memory_space<vmem_shared>> -> memref<10240x128xf32, #tpu.memory_space<vmem_shared>>
      tpu.wait_indirect_dma semaphore(%arg16 : memref<!tpu.dma_semaphore, #tpu.memory_space<semaphore_mem>>) src(%arg11 : memref<128x128xf32, #tpu.memory_space<vmem>>) dst(%dma_wait3A_443 : memref<10240x128xf32, #tpu.memory_space<vmem_shared>>)
      %mul3A_444 = arith.constant 2 : i32
      %mul3A_445 = arith.muli %mul3A_444, %scan3A_370 : i32
      %add3A_446 = arith.constant 2 : i32
      %add3A_447 = arith.addi %mul3A_445, %add3A_446 : i32
      %add3A_448 = arith.constant 1 : i32
      %add3A_449 = arith.addi %add3A_447, %add3A_448 : i32
      %dma_start3A_450 = arith.constant 0 : i32
      %dma_start3A_451 = tpu.memref_slice %arg6[%add3A_449, %dma_start3A_450] : memref<16x128xi32, #tpu.memory_space<vmem>> -> memref<1x128xi32, #tpu.memory_space<vmem>>
      %dma_start3A_452 = tpu.memref_squeeze %dma_start3A_451 : memref<1x128xi32, #tpu.memory_space<vmem>> -> memref<128xi32, #tpu.memory_space<vmem>>
      %dma_start3A_453 = arith.constant 0 : i32
      %dma_start3A_454 = arith.constant 0 : i32
      %dma_start3A_455 = tpu.memref_slice %arg2[%dma_start3A_453, %dma_start3A_454] : memref<10240x128xf32, #tpu.memory_space<hbm>> -> memref<10240x128xf32, #tpu.memory_space<hbm>>
      tpu.enqueue_indirect_dma source(%dma_start3A_455 : memref<10240x128xf32, #tpu.memory_space<hbm>>) target(%arg11 : memref<128x128xf32, #tpu.memory_space<vmem>>) offsets(%dma_start3A_452 : memref<128xi32, #tpu.memory_space<vmem>>) semaphore(%arg14 : memref<!tpu.dma_semaphore, #tpu.memory_space<semaphore_mem>>)
      %scan3A_456 = arith.constant 0 : i32
      scf.yield %scan3A_456 : i32
    }
    %scan3A_52 = arith.constant 7 : i32
    %dma_wait3A = arith.constant 14 : i32
    %dma_wait3A_53 = arith.constant 0 : i32
    %dma_wait3A_54 = tpu.memref_slice %arg6[%dma_wait3A, %dma_wait3A_53] : memref<16x128xi32, #tpu.memory_space<vmem>> -> memref<1x128xi32, #tpu.memory_space<vmem>>
    %dma_wait3A_55 = tpu.memref_squeeze %dma_wait3A_54 : memref<1x128xi32, #tpu.memory_space<vmem>> -> memref<128xi32, #tpu.memory_space<vmem>>
    %dma_wait3A_56 = arith.constant 0 : i32
    %dma_wait3A_57 = arith.constant 0 : i32
    %dma_wait3A_58 = tpu.memref_slice %arg2[%dma_wait3A_56, %dma_wait3A_57] : memref<10240x128xf32, #tpu.memory_space<hbm>> -> memref<10240x128xf32, #tpu.memory_space<hbm>>
    tpu.wait_indirect_dma semaphore(%arg13 : memref<!tpu.dma_semaphore, #tpu.memory_space<semaphore_mem>>) src(%dma_wait3A_58 : memref<10240x128xf32, #tpu.memory_space<hbm>>) dst(%arg10 : memref<128x128xf32, #tpu.memory_space<vmem>>)
    %dma_start3A_59 = arith.constant 14 : i32
    %dma_start3A_60 = arith.constant 0 : i32
    %dma_start3A_61 = tpu.memref_slice %arg7[%dma_start3A_59, %dma_start3A_60] : memref<16x128xi32, #tpu.memory_space<vmem>> -> memref<1x128xi32, #tpu.memory_space<vmem>>
    %dma_start3A_62 = tpu.memref_squeeze %dma_start3A_61 : memref<1x128xi32, #tpu.memory_space<vmem>> -> memref<128xi32, #tpu.memory_space<vmem>>
    %dma_start3A_63 = arith.constant 0 : i32
    %dma_start3A_64 = arith.constant 0 : i32
    %dma_start3A_65 = tpu.memref_slice %arg12[%dma_start3A_63, %dma_start3A_64] : memref<10240x128xf32, #tpu.memory_space<vmem_shared>> -> memref<10240x128xf32, #tpu.memory_space<vmem_shared>>
    tpu.enqueue_indirect_dma source(%arg10 : memref<128x128xf32, #tpu.memory_space<vmem>>) target(%dma_start3A_65 : memref<10240x128xf32, #tpu.memory_space<vmem_shared>>) offsets(%dma_start3A_62 : memref<128xi32, #tpu.memory_space<vmem>>) semaphore(%arg15 : memref<!tpu.dma_semaphore, #tpu.memory_space<semaphore_mem>>) {add = true}
    %dma_wait3A_66 = arith.constant 15 : i32
    %dma_wait3A_67 = arith.constant 0 : i32
    %dma_wait3A_68 = tpu.memref_slice %arg6[%dma_wait3A_66, %dma_wait3A_67] : memref<16x128xi32, #tpu.memory_space<vmem>> -> memref<1x128xi32, #tpu.memory_space<vmem>>
    %dma_wait3A_69 = tpu.memref_squeeze %dma_wait3A_68 : memref<1x128xi32, #tpu.memory_space<vmem>> -> memref<128xi32, #tpu.memory_space<vmem>>
    %dma_wait3A_70 = arith.constant 0 : i32
    %dma_wait3A_71 = arith.constant 0 : i32
    %dma_wait3A_72 = tpu.memref_slice %arg2[%dma_wait3A_70, %dma_wait3A_71] : memref<10240x128xf32, #tpu.memory_space<hbm>> -> memref<10240x128xf32, #tpu.memory_space<hbm>>
    tpu.wait_indirect_dma semaphore(%arg14 : memref<!tpu.dma_semaphore, #tpu.memory_space<semaphore_mem>>) src(%dma_wait3A_72 : memref<10240x128xf32, #tpu.memory_space<hbm>>) dst(%arg11 : memref<128x128xf32, #tpu.memory_space<vmem>>)
    %dma_start3A_73 = arith.constant 15 : i32
    %dma_start3A_74 = arith.constant 0 : i32
    %dma_start3A_75 = tpu.memref_slice %arg7[%dma_start3A_73, %dma_start3A_74] : memref<16x128xi32, #tpu.memory_space<vmem>> -> memref<1x128xi32, #tpu.memory_space<vmem>>
    %dma_start3A_76 = tpu.memref_squeeze %dma_start3A_75 : memref<1x128xi32, #tpu.memory_space<vmem>> -> memref<128xi32, #tpu.memory_space<vmem>>
    %dma_start3A_77 = arith.constant 0 : i32
    %dma_start3A_78 = arith.constant 0 : i32
    %dma_start3A_79 = tpu.memref_slice %arg12[%dma_start3A_77, %dma_start3A_78] : memref<10240x128xf32, #tpu.memory_space<vmem_shared>> -> memref<10240x128xf32, #tpu.memory_space<vmem_shared>>
    tpu.enqueue_indirect_dma source(%arg11 : memref<128x128xf32, #tpu.memory_space<vmem>>) target(%dma_start3A_79 : memref<10240x128xf32, #tpu.memory_space<vmem_shared>>) offsets(%dma_start3A_76 : memref<128xi32, #tpu.memory_space<vmem>>) semaphore(%arg16 : memref<!tpu.dma_semaphore, #tpu.memory_space<semaphore_mem>>) {add = true}
    %dma_wait3A_80 = arith.constant 14 : i32
    %dma_wait3A_81 = arith.constant 0 : i32
    %dma_wait3A_82 = tpu.memref_slice %arg7[%dma_wait3A_80, %dma_wait3A_81] : memref<16x128xi32, #tpu.memory_space<vmem>> -> memref<1x128xi32, #tpu.memory_space<vmem>>
    %dma_wait3A_83 = tpu.memref_squeeze %dma_wait3A_82 : memref<1x128xi32, #tpu.memory_space<vmem>> -> memref<128xi32, #tpu.memory_space<vmem>>
    %dma_wait3A_84 = arith.constant 0 : i32
    %dma_wait3A_85 = arith.constant 0 : i32
    %dma_wait3A_86 = tpu.memref_slice %arg12[%dma_wait3A_84, %dma_wait3A_85] : memref<10240x128xf32, #tpu.memory_space<vmem_shared>> -> memref<10240x128xf32, #tpu.memory_space<vmem_shared>>
    tpu.wait_indirect_dma semaphore(%arg15 : memref<!tpu.dma_semaphore, #tpu.memory_space<semaphore_mem>>) src(%arg10 : memref<128x128xf32, #tpu.memory_space<vmem>>) dst(%dma_wait3A_86 : memref<10240x128xf32, #tpu.memory_space<vmem_shared>>)
    %dma_wait3A_87 = arith.constant 15 : i32
    %dma_wait3A_88 = arith.constant 0 : i32
    %dma_wait3A_89 = tpu.memref_slice %arg7[%dma_wait3A_87, %dma_wait3A_88] : memref<16x128xi32, #tpu.memory_space<vmem>> -> memref<1x128xi32, #tpu.memory_space<vmem>>
    %dma_wait3A_90 = tpu.memref_squeeze %dma_wait3A_89 : memref<1x128xi32, #tpu.memory_space<vmem>> -> memref<128xi32, #tpu.memory_space<vmem>>
    %dma_wait3A_91 = arith.constant 0 : i32
    %dma_wait3A_92 = arith.constant 0 : i32
    %dma_wait3A_93 = tpu.memref_slice %arg12[%dma_wait3A_91, %dma_wait3A_92] : memref<10240x128xf32, #tpu.memory_space<vmem_shared>> -> memref<10240x128xf32, #tpu.memory_space<vmem_shared>>
    tpu.wait_indirect_dma semaphore(%arg16 : memref<!tpu.dma_semaphore, #tpu.memory_space<semaphore_mem>>) src(%arg11 : memref<128x128xf32, #tpu.memory_space<vmem>>) dst(%dma_wait3A_93 : memref<10240x128xf32, #tpu.memory_space<vmem_shared>>)
    %add3A_94 = arith.constant 16 : i32
    %add3A_95 = arith.addi %mul3A_2, %add3A_94 : i32
    "tpu.region"() ({
      %run_scoped3A = tpu.sem_alloc : memref<!tpu.dma_semaphore, #tpu.memory_space<semaphore_mem>>
      %dma_start3A_370 = arith.constant 0 : i32
      %dma_start3A_371 = tpu.memref_slice %arg3[%add3A_95, %dma_start3A_370] : memref<2560x128xi32, #tpu.memory_space<hbm>> -> memref<16x128xi32, #tpu.memory_space<hbm>>
      %dma_start3A_372 = arith.constant 0 : i32
      %dma_start3A_373 = tpu.memref_slice %arg3[%add3A_95, %dma_start3A_372] : memref<2560x128xi32, #tpu.memory_space<hbm>> -> memref<16x128xi32, #tpu.memory_space<hbm>>
      tpu.enqueue_dma source(%dma_start3A_373 : memref<16x128xi32, #tpu.memory_space<hbm>>) target(%arg8 : memref<16x128xi32, #tpu.memory_space<vmem>>) target_semaphore(%run_scoped3A : memref<!tpu.dma_semaphore, #tpu.memory_space<semaphore_mem>>)
      %dma_wait3A_374 = arith.constant 0 : i32
      %dma_wait3A_375 = tpu.memref_slice %arg3[%add3A_95, %dma_wait3A_374] : memref<2560x128xi32, #tpu.memory_space<hbm>> -> memref<16x128xi32, #tpu.memory_space<hbm>>
      %dma_wait3A_376 = arith.constant 0 : i32
      %dma_wait3A_377 = tpu.memref_slice %arg3[%add3A_95, %dma_wait3A_376] : memref<2560x128xi32, #tpu.memory_space<hbm>> -> memref<16x128xi32, #tpu.memory_space<hbm>>
      tpu.wait_dma2 semaphore(%run_scoped3A : memref<!tpu.dma_semaphore, #tpu.memory_space<semaphore_mem>>) src(%dma_wait3A_377 : memref<16x128xi32, #tpu.memory_space<hbm>>) dst(%arg8 : memref<16x128xi32, #tpu.memory_space<vmem>>)
      tpu.yield
    }) : () -> ()
    %add3A_96 = arith.constant 16 : i32
    %add3A_97 = arith.addi %mul3A_2, %add3A_96 : i32
    "tpu.region"() ({
      %run_scoped3A = tpu.sem_alloc : memref<!tpu.dma_semaphore, #tpu.memory_space<semaphore_mem>>
      %dma_start3A_370 = arith.constant 0 : i32
      %dma_start3A_371 = tpu.memref_slice %arg4[%add3A_97, %dma_start3A_370] : memref<2560x128xi32, #tpu.memory_space<hbm>> -> memref<16x128xi32, #tpu.memory_space<hbm>>
      %dma_start3A_372 = arith.constant 0 : i32
      %dma_start3A_373 = tpu.memref_slice %arg4[%add3A_97, %dma_start3A_372] : memref<2560x128xi32, #tpu.memory_space<hbm>> -> memref<16x128xi32, #tpu.memory_space<hbm>>
      tpu.enqueue_dma source(%dma_start3A_373 : memref<16x128xi32, #tpu.memory_space<hbm>>) target(%arg9 : memref<16x128xi32, #tpu.memory_space<vmem>>) target_semaphore(%run_scoped3A : memref<!tpu.dma_semaphore, #tpu.memory_space<semaphore_mem>>)
      %dma_wait3A_374 = arith.constant 0 : i32
      %dma_wait3A_375 = tpu.memref_slice %arg4[%add3A_97, %dma_wait3A_374] : memref<2560x128xi32, #tpu.memory_space<hbm>> -> memref<16x128xi32, #tpu.memory_space<hbm>>
      %dma_wait3A_376 = arith.constant 0 : i32
      %dma_wait3A_377 = tpu.memref_slice %arg4[%add3A_97, %dma_wait3A_376] : memref<2560x128xi32, #tpu.memory_space<hbm>> -> memref<16x128xi32, #tpu.memory_space<hbm>>
      tpu.wait_dma2 semaphore(%run_scoped3A : memref<!tpu.dma_semaphore, #tpu.memory_space<semaphore_mem>>) src(%dma_wait3A_377 : memref<16x128xi32, #tpu.memory_space<hbm>>) dst(%arg9 : memref<16x128xi32, #tpu.memory_space<vmem>>)
      tpu.yield
    }) : () -> ()
    %dma_start3A_98 = arith.constant 0 : i32
    %dma_start3A_99 = arith.constant 0 : i32
    %dma_start3A_100 = tpu.memref_slice %arg8[%dma_start3A_98, %dma_start3A_99] : memref<16x128xi32, #tpu.memory_space<vmem>> -> memref<1x128xi32, #tpu.memory_space<vmem>>
    %dma_start3A_101 = tpu.memref_squeeze %dma_start3A_100 : memref<1x128xi32, #tpu.memory_space<vmem>> -> memref<128xi32, #tpu.memory_space<vmem>>
    %dma_start3A_102 = arith.constant 0 : i32
    %dma_start3A_103 = arith.constant 0 : i32
    %dma_start3A_104 = tpu.memref_slice %arg2[%dma_start3A_102, %dma_start3A_103] : memref<10240x128xf32, #tpu.memory_space<hbm>> -> memref<10240x128xf32, #tpu.memory_space<hbm>>
    tpu.enqueue_indirect_dma source(%dma_start3A_104 : memref<10240x128xf32, #tpu.memory_space<hbm>>) target(%arg10 : memref<128x128xf32, #tpu.memory_space<vmem>>) offsets(%dma_start3A_101 : memref<128xi32, #tpu.memory_space<vmem>>) semaphore(%arg13 : memref<!tpu.dma_semaphore, #tpu.memory_space<semaphore_mem>>)
    %dma_start3A_105 = arith.constant 1 : i32
    %dma_start3A_106 = arith.constant 0 : i32
    %dma_start3A_107 = tpu.memref_slice %arg8[%dma_start3A_105, %dma_start3A_106] : memref<16x128xi32, #tpu.memory_space<vmem>> -> memref<1x128xi32, #tpu.memory_space<vmem>>
    %dma_start3A_108 = tpu.memref_squeeze %dma_start3A_107 : memref<1x128xi32, #tpu.memory_space<vmem>> -> memref<128xi32, #tpu.memory_space<vmem>>
    %dma_start3A_109 = arith.constant 0 : i32
    %dma_start3A_110 = arith.constant 0 : i32
    %dma_start3A_111 = tpu.memref_slice %arg2[%dma_start3A_109, %dma_start3A_110] : memref<10240x128xf32, #tpu.memory_space<hbm>> -> memref<10240x128xf32, #tpu.memory_space<hbm>>
    tpu.enqueue_indirect_dma source(%dma_start3A_111 : memref<10240x128xf32, #tpu.memory_space<hbm>>) target(%arg11 : memref<128x128xf32, #tpu.memory_space<vmem>>) offsets(%dma_start3A_108 : memref<128xi32, #tpu.memory_space<vmem>>) semaphore(%arg14 : memref<!tpu.dma_semaphore, #tpu.memory_space<semaphore_mem>>)
    %scan3A_112 = arith.constant 0 : i32
    %scan3A_113 = arith.constant 0 : i32
    %scan3A_114 = arith.constant 7 : i32
    %scan3A_115 = arith.addi %scan3A_113, %scan3A_114 : i32
    %scan3A_116 = arith.constant 1 : i32
    %scan3A_117 = scf.for %scan3A_370 = %scan3A_113 to %scan3A_115 step %scan3A_116 iter_args(%scan3A_371 = %scan3A_112) -> (i32)  : i32 {
      %mul3A_372 = arith.constant 2 : i32
      %mul3A_373 = arith.muli %mul3A_372, %scan3A_370 : i32
      %add3A_374 = arith.constant 0 : i32
      %add3A_375 = arith.addi %mul3A_373, %add3A_374 : i32
      %dma_wait3A_376 = arith.constant 0 : i32
      %dma_wait3A_377 = tpu.memref_slice %arg8[%add3A_375, %dma_wait3A_376] : memref<16x128xi32, #tpu.memory_space<vmem>> -> memref<1x128xi32, #tpu.memory_space<vmem>>
      %dma_wait3A_378 = tpu.memref_squeeze %dma_wait3A_377 : memref<1x128xi32, #tpu.memory_space<vmem>> -> memref<128xi32, #tpu.memory_space<vmem>>
      %dma_wait3A_379 = arith.constant 0 : i32
      %dma_wait3A_380 = arith.constant 0 : i32
      %dma_wait3A_381 = tpu.memref_slice %arg2[%dma_wait3A_379, %dma_wait3A_380] : memref<10240x128xf32, #tpu.memory_space<hbm>> -> memref<10240x128xf32, #tpu.memory_space<hbm>>
      tpu.wait_indirect_dma semaphore(%arg13 : memref<!tpu.dma_semaphore, #tpu.memory_space<semaphore_mem>>) src(%dma_wait3A_381 : memref<10240x128xf32, #tpu.memory_space<hbm>>) dst(%arg10 : memref<128x128xf32, #tpu.memory_space<vmem>>)
      %mul3A_382 = arith.constant 2 : i32
      %mul3A_383 = arith.muli %mul3A_382, %scan3A_370 : i32
      %add3A_384 = arith.constant 0 : i32
      %add3A_385 = arith.addi %mul3A_383, %add3A_384 : i32
      %dma_start3A_386 = arith.constant 0 : i32
      %dma_start3A_387 = tpu.memref_slice %arg9[%add3A_385, %dma_start3A_386] : memref<16x128xi32, #tpu.memory_space<vmem>> -> memref<1x128xi32, #tpu.memory_space<vmem>>
      %dma_start3A_388 = tpu.memref_squeeze %dma_start3A_387 : memref<1x128xi32, #tpu.memory_space<vmem>> -> memref<128xi32, #tpu.memory_space<vmem>>
      %dma_start3A_389 = arith.constant 0 : i32
      %dma_start3A_390 = arith.constant 0 : i32
      %dma_start3A_391 = tpu.memref_slice %arg12[%dma_start3A_389, %dma_start3A_390] : memref<10240x128xf32, #tpu.memory_space<vmem_shared>> -> memref<10240x128xf32, #tpu.memory_space<vmem_shared>>
      tpu.enqueue_indirect_dma source(%arg10 : memref<128x128xf32, #tpu.memory_space<vmem>>) target(%dma_start3A_391 : memref<10240x128xf32, #tpu.memory_space<vmem_shared>>) offsets(%dma_start3A_388 : memref<128xi32, #tpu.memory_space<vmem>>) semaphore(%arg15 : memref<!tpu.dma_semaphore, #tpu.memory_space<semaphore_mem>>) {add = true}
      %mul3A_392 = arith.constant 2 : i32
      %mul3A_393 = arith.muli %mul3A_392, %scan3A_370 : i32
      %add3A_394 = arith.constant 1 : i32
      %add3A_395 = arith.addi %mul3A_393, %add3A_394 : i32
      %dma_wait3A_396 = arith.constant 0 : i32
      %dma_wait3A_397 = tpu.memref_slice %arg8[%add3A_395, %dma_wait3A_396] : memref<16x128xi32, #tpu.memory_space<vmem>> -> memref<1x128xi32, #tpu.memory_space<vmem>>
      %dma_wait3A_398 = tpu.memref_squeeze %dma_wait3A_397 : memref<1x128xi32, #tpu.memory_space<vmem>> -> memref<128xi32, #tpu.memory_space<vmem>>
      %dma_wait3A_399 = arith.constant 0 : i32
      %dma_wait3A_400 = arith.constant 0 : i32
      %dma_wait3A_401 = tpu.memref_slice %arg2[%dma_wait3A_399, %dma_wait3A_400] : memref<10240x128xf32, #tpu.memory_space<hbm>> -> memref<10240x128xf32, #tpu.memory_space<hbm>>
      tpu.wait_indirect_dma semaphore(%arg14 : memref<!tpu.dma_semaphore, #tpu.memory_space<semaphore_mem>>) src(%dma_wait3A_401 : memref<10240x128xf32, #tpu.memory_space<hbm>>) dst(%arg11 : memref<128x128xf32, #tpu.memory_space<vmem>>)
      %mul3A_402 = arith.constant 2 : i32
      %mul3A_403 = arith.muli %mul3A_402, %scan3A_370 : i32
      %add3A_404 = arith.constant 1 : i32
      %add3A_405 = arith.addi %mul3A_403, %add3A_404 : i32
      %dma_start3A_406 = arith.constant 0 : i32
      %dma_start3A_407 = tpu.memref_slice %arg9[%add3A_405, %dma_start3A_406] : memref<16x128xi32, #tpu.memory_space<vmem>> -> memref<1x128xi32, #tpu.memory_space<vmem>>
      %dma_start3A_408 = tpu.memref_squeeze %dma_start3A_407 : memref<1x128xi32, #tpu.memory_space<vmem>> -> memref<128xi32, #tpu.memory_space<vmem>>
      %dma_start3A_409 = arith.constant 0 : i32
      %dma_start3A_410 = arith.constant 0 : i32
      %dma_start3A_411 = tpu.memref_slice %arg12[%dma_start3A_409, %dma_start3A_410] : memref<10240x128xf32, #tpu.memory_space<vmem_shared>> -> memref<10240x128xf32, #tpu.memory_space<vmem_shared>>
      tpu.enqueue_indirect_dma source(%arg11 : memref<128x128xf32, #tpu.memory_space<vmem>>) target(%dma_start3A_411 : memref<10240x128xf32, #tpu.memory_space<vmem_shared>>) offsets(%dma_start3A_408 : memref<128xi32, #tpu.memory_space<vmem>>) semaphore(%arg16 : memref<!tpu.dma_semaphore, #tpu.memory_space<semaphore_mem>>) {add = true}
      %mul3A_412 = arith.constant 2 : i32
      %mul3A_413 = arith.muli %mul3A_412, %scan3A_370 : i32
      %add3A_414 = arith.constant 0 : i32
      %add3A_415 = arith.addi %mul3A_413, %add3A_414 : i32
      %dma_wait3A_416 = arith.constant 0 : i32
      %dma_wait3A_417 = tpu.memref_slice %arg9[%add3A_415, %dma_wait3A_416] : memref<16x128xi32, #tpu.memory_space<vmem>> -> memref<1x128xi32, #tpu.memory_space<vmem>>
      %dma_wait3A_418 = tpu.memref_squeeze %dma_wait3A_417 : memref<1x128xi32, #tpu.memory_space<vmem>> -> memref<128xi32, #tpu.memory_space<vmem>>
      %dma_wait3A_419 = arith.constant 0 : i32
      %dma_wait3A_420 = arith.constant 0 : i32
      %dma_wait3A_421 = tpu.memref_slice %arg12[%dma_wait3A_419, %dma_wait3A_420] : memref<10240x128xf32, #tpu.memory_space<vmem_shared>> -> memref<10240x128xf32, #tpu.memory_space<vmem_shared>>
      tpu.wait_indirect_dma semaphore(%arg15 : memref<!tpu.dma_semaphore, #tpu.memory_space<semaphore_mem>>) src(%arg10 : memref<128x128xf32, #tpu.memory_space<vmem>>) dst(%dma_wait3A_421 : memref<10240x128xf32, #tpu.memory_space<vmem_shared>>)
      %mul3A_422 = arith.constant 2 : i32
      %mul3A_423 = arith.muli %mul3A_422, %scan3A_370 : i32
      %add3A_424 = arith.constant 2 : i32
      %add3A_425 = arith.addi %mul3A_423, %add3A_424 : i32
      %add3A_426 = arith.constant 0 : i32
      %add3A_427 = arith.addi %add3A_425, %add3A_426 : i32
      %dma_start3A_428 = arith.constant 0 : i32
      %dma_start3A_429 = tpu.memref_slice %arg8[%add3A_427, %dma_start3A_428] : memref<16x128xi32, #tpu.memory_space<vmem>> -> memref<1x128xi32, #tpu.memory_space<vmem>>
      %dma_start3A_430 = tpu.memref_squeeze %dma_start3A_429 : memref<1x128xi32, #tpu.memory_space<vmem>> -> memref<128xi32, #tpu.memory_space<vmem>>
      %dma_start3A_431 = arith.constant 0 : i32
      %dma_start3A_432 = arith.constant 0 : i32
      %dma_start3A_433 = tpu.memref_slice %arg2[%dma_start3A_431, %dma_start3A_432] : memref<10240x128xf32, #tpu.memory_space<hbm>> -> memref<10240x128xf32, #tpu.memory_space<hbm>>
      tpu.enqueue_indirect_dma source(%dma_start3A_433 : memref<10240x128xf32, #tpu.memory_space<hbm>>) target(%arg10 : memref<128x128xf32, #tpu.memory_space<vmem>>) offsets(%dma_start3A_430 : memref<128xi32, #tpu.memory_space<vmem>>) semaphore(%arg13 : memref<!tpu.dma_semaphore, #tpu.memory_space<semaphore_mem>>)
      %mul3A_434 = arith.constant 2 : i32
      %mul3A_435 = arith.muli %mul3A_434, %scan3A_370 : i32
      %add3A_436 = arith.constant 1 : i32
      %add3A_437 = arith.addi %mul3A_435, %add3A_436 : i32
      %dma_wait3A_438 = arith.constant 0 : i32
      %dma_wait3A_439 = tpu.memref_slice %arg9[%add3A_437, %dma_wait3A_438] : memref<16x128xi32, #tpu.memory_space<vmem>> -> memref<1x128xi32, #tpu.memory_space<vmem>>
      %dma_wait3A_440 = tpu.memref_squeeze %dma_wait3A_439 : memref<1x128xi32, #tpu.memory_space<vmem>> -> memref<128xi32, #tpu.memory_space<vmem>>
      %dma_wait3A_441 = arith.constant 0 : i32
      %dma_wait3A_442 = arith.constant 0 : i32
      %dma_wait3A_443 = tpu.memref_slice %arg12[%dma_wait3A_441, %dma_wait3A_442] : memref<10240x128xf32, #tpu.memory_space<vmem_shared>> -> memref<10240x128xf32, #tpu.memory_space<vmem_shared>>
      tpu.wait_indirect_dma semaphore(%arg16 : memref<!tpu.dma_semaphore, #tpu.memory_space<semaphore_mem>>) src(%arg11 : memref<128x128xf32, #tpu.memory_space<vmem>>) dst(%dma_wait3A_443 : memref<10240x128xf32, #tpu.memory_space<vmem_shared>>)
      %mul3A_444 = arith.constant 2 : i32
      %mul3A_445 = arith.muli %mul3A_444, %scan3A_370 : i32
      %add3A_446 = arith.constant 2 : i32
      %add3A_447 = arith.addi %mul3A_445, %add3A_446 : i32
      %add3A_448 = arith.constant 1 : i32
      %add3A_449 = arith.addi %add3A_447, %add3A_448 : i32
      %dma_start3A_450 = arith.constant 0 : i32
      %dma_start3A_451 = tpu.memref_slice %arg8[%add3A_449, %dma_start3A_450] : memref<16x128xi32, #tpu.memory_space<vmem>> -> memref<1x128xi32, #tpu.memory_space<vmem>>
      %dma_start3A_452 = tpu.memref_squeeze %dma_start3A_451 : memref<1x128xi32, #tpu.memory_space<vmem>> -> memref<128xi32, #tpu.memory_space<vmem>>
      %dma_start3A_453 = arith.constant 0 : i32
      %dma_start3A_454 = arith.constant 0 : i32
      %dma_start3A_455 = tpu.memref_slice %arg2[%dma_start3A_453, %dma_start3A_454] : memref<10240x128xf32, #tpu.memory_space<hbm>> -> memref<10240x128xf32, #tpu.memory_space<hbm>>
      tpu.enqueue_indirect_dma source(%dma_start3A_455 : memref<10240x128xf32, #tpu.memory_space<hbm>>) target(%arg11 : memref<128x128xf32, #tpu.memory_space<vmem>>) offsets(%dma_start3A_452 : memref<128xi32, #tpu.memory_space<vmem>>) semaphore(%arg14 : memref<!tpu.dma_semaphore, #tpu.memory_space<semaphore_mem>>)
      %scan3A_456 = arith.constant 0 : i32
      scf.yield %scan3A_456 : i32
    }
    %scan3A_118 = arith.constant 7 : i32
    %dma_wait3A_119 = arith.constant 14 : i32
    %dma_wait3A_120 = arith.constant 0 : i32
    %dma_wait3A_121 = tpu.memref_slice %arg8[%dma_wait3A_119, %dma_wait3A_120] : memref<16x128xi32, #tpu.memory_space<vmem>> -> memref<1x128xi32, #tpu.memory_space<vmem>>
    %dma_wait3A_122 = tpu.memref_squeeze %dma_wait3A_121 : memref<1x128xi32, #tpu.memory_space<vmem>> -> memref<128xi32, #tpu.memory_space<vmem>>
    %dma_wait3A_123 = arith.constant 0 : i32
    %dma_wait3A_124 = arith.constant 0 : i32
    %dma_wait3A_125 = tpu.memref_slice %arg2[%dma_wait3A_123, %dma_wait3A_124] : memref<10240x128xf32, #tpu.memory_space<hbm>> -> memref<10240x128xf32, #tpu.memory_space<hbm>>
    tpu.wait_indirect_dma semaphore(%arg13 : memref<!tpu.dma_semaphore, #tpu.memory_space<semaphore_mem>>) src(%dma_wait3A_125 : memref<10240x128xf32, #tpu.memory_space<hbm>>) dst(%arg10 : memref<128x128xf32, #tpu.memory_space<vmem>>)
    %dma_start3A_126 = arith.constant 14 : i32
    %dma_start3A_127 = arith.constant 0 : i32
    %dma_start3A_128 = tpu.memref_slice %arg9[%dma_start3A_126, %dma_start3A_127] : memref<16x128xi32, #tpu.memory_space<vmem>> -> memref<1x128xi32, #tpu.memory_space<vmem>>
    %dma_start3A_129 = tpu.memref_squeeze %dma_start3A_128 : memref<1x128xi32, #tpu.memory_space<vmem>> -> memref<128xi32, #tpu.memory_space<vmem>>
    %dma_start3A_130 = arith.constant 0 : i32
    %dma_start3A_131 = arith.constant 0 : i32
    %dma_start3A_132 = tpu.memref_slice %arg12[%dma_start3A_130, %dma_start3A_131] : memref<10240x128xf32, #tpu.memory_space<vmem_shared>> -> memref<10240x128xf32, #tpu.memory_space<vmem_shared>>
    tpu.enqueue_indirect_dma source(%arg10 : memref<128x128xf32, #tpu.memory_space<vmem>>) target(%dma_start3A_132 : memref<10240x128xf32, #tpu.memory_space<vmem_shared>>) offsets(%dma_start3A_129 : memref<128xi32, #tpu.memory_space<vmem>>) semaphore(%arg15 : memref<!tpu.dma_semaphore, #tpu.memory_space<semaphore_mem>>) {add = true}
    %dma_wait3A_133 = arith.constant 15 : i32
    %dma_wait3A_134 = arith.constant 0 : i32
    %dma_wait3A_135 = tpu.memref_slice %arg8[%dma_wait3A_133, %dma_wait3A_134] : memref<16x128xi32, #tpu.memory_space<vmem>> -> memref<1x128xi32, #tpu.memory_space<vmem>>
    %dma_wait3A_136 = tpu.memref_squeeze %dma_wait3A_135 : memref<1x128xi32, #tpu.memory_space<vmem>> -> memref<128xi32, #tpu.memory_space<vmem>>
    %dma_wait3A_137 = arith.constant 0 : i32
    %dma_wait3A_138 = arith.constant 0 : i32
    %dma_wait3A_139 = tpu.memref_slice %arg2[%dma_wait3A_137, %dma_wait3A_138] : memref<10240x128xf32, #tpu.memory_space<hbm>> -> memref<10240x128xf32, #tpu.memory_space<hbm>>
    tpu.wait_indirect_dma semaphore(%arg14 : memref<!tpu.dma_semaphore, #tpu.memory_space<semaphore_mem>>) src(%dma_wait3A_139 : memref<10240x128xf32, #tpu.memory_space<hbm>>) dst(%arg11 : memref<128x128xf32, #tpu.memory_space<vmem>>)
    %dma_start3A_140 = arith.constant 15 : i32
    %dma_start3A_141 = arith.constant 0 : i32
    %dma_start3A_142 = tpu.memref_slice %arg9[%dma_start3A_140, %dma_start3A_141] : memref<16x128xi32, #tpu.memory_space<vmem>> -> memref<1x128xi32, #tpu.memory_space<vmem>>
    %dma_start3A_143 = tpu.memref_squeeze %dma_start3A_142 : memref<1x128xi32, #tpu.memory_space<vmem>> -> memref<128xi32, #tpu.memory_space<vmem>>
    %dma_start3A_144 = arith.constant 0 : i32
    %dma_start3A_145 = arith.constant 0 : i32
    %dma_start3A_146 = tpu.memref_slice %arg12[%dma_start3A_144, %dma_start3A_145] : memref<10240x128xf32, #tpu.memory_space<vmem_shared>> -> memref<10240x128xf32, #tpu.memory_space<vmem_shared>>
    tpu.enqueue_indirect_dma source(%arg11 : memref<128x128xf32, #tpu.memory_space<vmem>>) target(%dma_start3A_146 : memref<10240x128xf32, #tpu.memory_space<vmem_shared>>) offsets(%dma_start3A_143 : memref<128xi32, #tpu.memory_space<vmem>>) semaphore(%arg16 : memref<!tpu.dma_semaphore, #tpu.memory_space<semaphore_mem>>) {add = true}
    %dma_wait3A_147 = arith.constant 14 : i32
    %dma_wait3A_148 = arith.constant 0 : i32
    %dma_wait3A_149 = tpu.memref_slice %arg9[%dma_wait3A_147, %dma_wait3A_148] : memref<16x128xi32, #tpu.memory_space<vmem>> -> memref<1x128xi32, #tpu.memory_space<vmem>>
    %dma_wait3A_150 = tpu.memref_squeeze %dma_wait3A_149 : memref<1x128xi32, #tpu.memory_space<vmem>> -> memref<128xi32, #tpu.memory_space<vmem>>
    %dma_wait3A_151 = arith.constant 0 : i32
    %dma_wait3A_152 = arith.constant 0 : i32
    %dma_wait3A_153 = tpu.memref_slice %arg12[%dma_wait3A_151, %dma_wait3A_152] : memref<10240x128xf32, #tpu.memory_space<vmem_shared>> -> memref<10240x128xf32, #tpu.memory_space<vmem_shared>>
    tpu.wait_indirect_dma semaphore(%arg15 : memref<!tpu.dma_semaphore, #tpu.memory_space<semaphore_mem>>) src(%arg10 : memref<128x128xf32, #tpu.memory_space<vmem>>) dst(%dma_wait3A_153 : memref<10240x128xf32, #tpu.memory_space<vmem_shared>>)
    %dma_wait3A_154 = arith.constant 15 : i32
    %dma_wait3A_155 = arith.constant 0 : i32
    %dma_wait3A_156 = tpu.memref_slice %arg9[%dma_wait3A_154, %dma_wait3A_155] : memref<16x128xi32, #tpu.memory_space<vmem>> -> memref<1x128xi32, #tpu.memory_space<vmem>>
    %dma_wait3A_157 = tpu.memref_squeeze %dma_wait3A_156 : memref<1x128xi32, #tpu.memory_space<vmem>> -> memref<128xi32, #tpu.memory_space<vmem>>
    %dma_wait3A_158 = arith.constant 0 : i32
    %dma_wait3A_159 = arith.constant 0 : i32
    %dma_wait3A_160 = tpu.memref_slice %arg12[%dma_wait3A_158, %dma_wait3A_159] : memref<10240x128xf32, #tpu.memory_space<vmem_shared>> -> memref<10240x128xf32, #tpu.memory_space<vmem_shared>>
    tpu.wait_indirect_dma semaphore(%arg16 : memref<!tpu.dma_semaphore, #tpu.memory_space<semaphore_mem>>) src(%arg11 : memref<128x128xf32, #tpu.memory_space<vmem>>) dst(%dma_wait3A_160 : memref<10240x128xf32, #tpu.memory_space<vmem_shared>>)
    %add3A_161 = arith.constant 32 : i32
    %add3A_162 = arith.addi %mul3A_2, %add3A_161 : i32
    "tpu.region"() ({
      %run_scoped3A = tpu.sem_alloc : memref<!tpu.dma_semaphore, #tpu.memory_space<semaphore_mem>>
      %dma_start3A_370 = arith.constant 0 : i32
      %dma_start3A_371 = tpu.memref_slice %arg3[%add3A_162, %dma_start3A_370] : memref<2560x128xi32, #tpu.memory_space<hbm>> -> memref<16x128xi32, #tpu.memory_space<hbm>>
      %dma_start3A_372 = arith.constant 0 : i32
      %dma_start3A_373 = tpu.memref_slice %arg3[%add3A_162, %dma_start3A_372] : memref<2560x128xi32, #tpu.memory_space<hbm>> -> memref<16x128xi32, #tpu.memory_space<hbm>>
      tpu.enqueue_dma source(%dma_start3A_373 : memref<16x128xi32, #tpu.memory_space<hbm>>) target(%arg6 : memref<16x128xi32, #tpu.memory_space<vmem>>) target_semaphore(%run_scoped3A : memref<!tpu.dma_semaphore, #tpu.memory_space<semaphore_mem>>)
      %dma_wait3A_374 = arith.constant 0 : i32
      %dma_wait3A_375 = tpu.memref_slice %arg3[%add3A_162, %dma_wait3A_374] : memref<2560x128xi32, #tpu.memory_space<hbm>> -> memref<16x128xi32, #tpu.memory_space<hbm>>
      %dma_wait3A_376 = arith.constant 0 : i32
      %dma_wait3A_377 = tpu.memref_slice %arg3[%add3A_162, %dma_wait3A_376] : memref<2560x128xi32, #tpu.memory_space<hbm>> -> memref<16x128xi32, #tpu.memory_space<hbm>>
      tpu.wait_dma2 semaphore(%run_scoped3A : memref<!tpu.dma_semaphore, #tpu.memory_space<semaphore_mem>>) src(%dma_wait3A_377 : memref<16x128xi32, #tpu.memory_space<hbm>>) dst(%arg6 : memref<16x128xi32, #tpu.memory_space<vmem>>)
      tpu.yield
    }) : () -> ()
    %add3A_163 = arith.constant 32 : i32
    %add3A_164 = arith.addi %mul3A_2, %add3A_163 : i32
    "tpu.region"() ({
      %run_scoped3A = tpu.sem_alloc : memref<!tpu.dma_semaphore, #tpu.memory_space<semaphore_mem>>
      %dma_start3A_370 = arith.constant 0 : i32
      %dma_start3A_371 = tpu.memref_slice %arg4[%add3A_164, %dma_start3A_370] : memref<2560x128xi32, #tpu.memory_space<hbm>> -> memref<16x128xi32, #tpu.memory_space<hbm>>
      %dma_start3A_372 = arith.constant 0 : i32
      %dma_start3A_373 = tpu.memref_slice %arg4[%add3A_164, %dma_start3A_372] : memref<2560x128xi32, #tpu.memory_space<hbm>> -> memref<16x128xi32, #tpu.memory_space<hbm>>
      tpu.enqueue_dma source(%dma_start3A_373 : memref<16x128xi32, #tpu.memory_space<hbm>>) target(%arg7 : memref<16x128xi32, #tpu.memory_space<vmem>>) target_semaphore(%run_scoped3A : memref<!tpu.dma_semaphore, #tpu.memory_space<semaphore_mem>>)
      %dma_wait3A_374 = arith.constant 0 : i32
      %dma_wait3A_375 = tpu.memref_slice %arg4[%add3A_164, %dma_wait3A_374] : memref<2560x128xi32, #tpu.memory_space<hbm>> -> memref<16x128xi32, #tpu.memory_space<hbm>>
      %dma_wait3A_376 = arith.constant 0 : i32
      %dma_wait3A_377 = tpu.memref_slice %arg4[%add3A_164, %dma_wait3A_376] : memref<2560x128xi32, #tpu.memory_space<hbm>> -> memref<16x128xi32, #tpu.memory_space<hbm>>
      tpu.wait_dma2 semaphore(%run_scoped3A : memref<!tpu.dma_semaphore, #tpu.memory_space<semaphore_mem>>) src(%dma_wait3A_377 : memref<16x128xi32, #tpu.memory_space<hbm>>) dst(%arg7 : memref<16x128xi32, #tpu.memory_space<vmem>>)
      tpu.yield
    }) : () -> ()
    %dma_start3A_165 = arith.constant 0 : i32
    %dma_start3A_166 = arith.constant 0 : i32
    %dma_start3A_167 = tpu.memref_slice %arg6[%dma_start3A_165, %dma_start3A_166] : memref<16x128xi32, #tpu.memory_space<vmem>> -> memref<1x128xi32, #tpu.memory_space<vmem>>
    %dma_start3A_168 = tpu.memref_squeeze %dma_start3A_167 : memref<1x128xi32, #tpu.memory_space<vmem>> -> memref<128xi32, #tpu.memory_space<vmem>>
    %dma_start3A_169 = arith.constant 0 : i32
    %dma_start3A_170 = arith.constant 0 : i32
    %dma_start3A_171 = tpu.memref_slice %arg2[%dma_start3A_169, %dma_start3A_170] : memref<10240x128xf32, #tpu.memory_space<hbm>> -> memref<10240x128xf32, #tpu.memory_space<hbm>>
    tpu.enqueue_indirect_dma source(%dma_start3A_171 : memref<10240x128xf32, #tpu.memory_space<hbm>>) target(%arg10 : memref<128x128xf32, #tpu.memory_space<vmem>>) offsets(%dma_start3A_168 : memref<128xi32, #tpu.memory_space<vmem>>) semaphore(%arg13 : memref<!tpu.dma_semaphore, #tpu.memory_space<semaphore_mem>>)
    %dma_start3A_172 = arith.constant 1 : i32
    %dma_start3A_173 = arith.constant 0 : i32
    %dma_start3A_174 = tpu.memref_slice %arg6[%dma_start3A_172, %dma_start3A_173] : memref<16x128xi32, #tpu.memory_space<vmem>> -> memref<1x128xi32, #tpu.memory_space<vmem>>
    %dma_start3A_175 = tpu.memref_squeeze %dma_start3A_174 : memref<1x128xi32, #tpu.memory_space<vmem>> -> memref<128xi32, #tpu.memory_space<vmem>>
    %dma_start3A_176 = arith.constant 0 : i32
    %dma_start3A_177 = arith.constant 0 : i32
    %dma_start3A_178 = tpu.memref_slice %arg2[%dma_start3A_176, %dma_start3A_177] : memref<10240x128xf32, #tpu.memory_space<hbm>> -> memref<10240x128xf32, #tpu.memory_space<hbm>>
    tpu.enqueue_indirect_dma source(%dma_start3A_178 : memref<10240x128xf32, #tpu.memory_space<hbm>>) target(%arg11 : memref<128x128xf32, #tpu.memory_space<vmem>>) offsets(%dma_start3A_175 : memref<128xi32, #tpu.memory_space<vmem>>) semaphore(%arg14 : memref<!tpu.dma_semaphore, #tpu.memory_space<semaphore_mem>>)
    %scan3A_179 = arith.constant 0 : i32
    %scan3A_180 = arith.constant 0 : i32
    %scan3A_181 = arith.constant 7 : i32
    %scan3A_182 = arith.addi %scan3A_180, %scan3A_181 : i32
    %scan3A_183 = arith.constant 1 : i32
    %scan3A_184 = scf.for %scan3A_370 = %scan3A_180 to %scan3A_182 step %scan3A_183 iter_args(%scan3A_371 = %scan3A_179) -> (i32)  : i32 {
      %mul3A_372 = arith.constant 2 : i32
      %mul3A_373 = arith.muli %mul3A_372, %scan3A_370 : i32
      %add3A_374 = arith.constant 0 : i32
      %add3A_375 = arith.addi %mul3A_373, %add3A_374 : i32
      %dma_wait3A_376 = arith.constant 0 : i32
      %dma_wait3A_377 = tpu.memref_slice %arg6[%add3A_375, %dma_wait3A_376] : memref<16x128xi32, #tpu.memory_space<vmem>> -> memref<1x128xi32, #tpu.memory_space<vmem>>
      %dma_wait3A_378 = tpu.memref_squeeze %dma_wait3A_377 : memref<1x128xi32, #tpu.memory_space<vmem>> -> memref<128xi32, #tpu.memory_space<vmem>>
      %dma_wait3A_379 = arith.constant 0 : i32
      %dma_wait3A_380 = arith.constant 0 : i32
      %dma_wait3A_381 = tpu.memref_slice %arg2[%dma_wait3A_379, %dma_wait3A_380] : memref<10240x128xf32, #tpu.memory_space<hbm>> -> memref<10240x128xf32, #tpu.memory_space<hbm>>
      tpu.wait_indirect_dma semaphore(%arg13 : memref<!tpu.dma_semaphore, #tpu.memory_space<semaphore_mem>>) src(%dma_wait3A_381 : memref<10240x128xf32, #tpu.memory_space<hbm>>) dst(%arg10 : memref<128x128xf32, #tpu.memory_space<vmem>>)
      %mul3A_382 = arith.constant 2 : i32
      %mul3A_383 = arith.muli %mul3A_382, %scan3A_370 : i32
      %add3A_384 = arith.constant 0 : i32
      %add3A_385 = arith.addi %mul3A_383, %add3A_384 : i32
      %dma_start3A_386 = arith.constant 0 : i32
      %dma_start3A_387 = tpu.memref_slice %arg7[%add3A_385, %dma_start3A_386] : memref<16x128xi32, #tpu.memory_space<vmem>> -> memref<1x128xi32, #tpu.memory_space<vmem>>
      %dma_start3A_388 = tpu.memref_squeeze %dma_start3A_387 : memref<1x128xi32, #tpu.memory_space<vmem>> -> memref<128xi32, #tpu.memory_space<vmem>>
      %dma_start3A_389 = arith.constant 0 : i32
      %dma_start3A_390 = arith.constant 0 : i32
      %dma_start3A_391 = tpu.memref_slice %arg12[%dma_start3A_389, %dma_start3A_390] : memref<10240x128xf32, #tpu.memory_space<vmem_shared>> -> memref<10240x128xf32, #tpu.memory_space<vmem_shared>>
      tpu.enqueue_indirect_dma source(%arg10 : memref<128x128xf32, #tpu.memory_space<vmem>>) target(%dma_start3A_391 : memref<10240x128xf32, #tpu.memory_space<vmem_shared>>) offsets(%dma_start3A_388 : memref<128xi32, #tpu.memory_space<vmem>>) semaphore(%arg15 : memref<!tpu.dma_semaphore, #tpu.memory_space<semaphore_mem>>) {add = true}
      %mul3A_392 = arith.constant 2 : i32
      %mul3A_393 = arith.muli %mul3A_392, %scan3A_370 : i32
      %add3A_394 = arith.constant 1 : i32
      %add3A_395 = arith.addi %mul3A_393, %add3A_394 : i32
      %dma_wait3A_396 = arith.constant 0 : i32
      %dma_wait3A_397 = tpu.memref_slice %arg6[%add3A_395, %dma_wait3A_396] : memref<16x128xi32, #tpu.memory_space<vmem>> -> memref<1x128xi32, #tpu.memory_space<vmem>>
      %dma_wait3A_398 = tpu.memref_squeeze %dma_wait3A_397 : memref<1x128xi32, #tpu.memory_space<vmem>> -> memref<128xi32, #tpu.memory_space<vmem>>
      %dma_wait3A_399 = arith.constant 0 : i32
      %dma_wait3A_400 = arith.constant 0 : i32
      %dma_wait3A_401 = tpu.memref_slice %arg2[%dma_wait3A_399, %dma_wait3A_400] : memref<10240x128xf32, #tpu.memory_space<hbm>> -> memref<10240x128xf32, #tpu.memory_space<hbm>>
      tpu.wait_indirect_dma semaphore(%arg14 : memref<!tpu.dma_semaphore, #tpu.memory_space<semaphore_mem>>) src(%dma_wait3A_401 : memref<10240x128xf32, #tpu.memory_space<hbm>>) dst(%arg11 : memref<128x128xf32, #tpu.memory_space<vmem>>)
      %mul3A_402 = arith.constant 2 : i32
      %mul3A_403 = arith.muli %mul3A_402, %scan3A_370 : i32
      %add3A_404 = arith.constant 1 : i32
      %add3A_405 = arith.addi %mul3A_403, %add3A_404 : i32
      %dma_start3A_406 = arith.constant 0 : i32
      %dma_start3A_407 = tpu.memref_slice %arg7[%add3A_405, %dma_start3A_406] : memref<16x128xi32, #tpu.memory_space<vmem>> -> memref<1x128xi32, #tpu.memory_space<vmem>>
      %dma_start3A_408 = tpu.memref_squeeze %dma_start3A_407 : memref<1x128xi32, #tpu.memory_space<vmem>> -> memref<128xi32, #tpu.memory_space<vmem>>
      %dma_start3A_409 = arith.constant 0 : i32
      %dma_start3A_410 = arith.constant 0 : i32
      %dma_start3A_411 = tpu.memref_slice %arg12[%dma_start3A_409, %dma_start3A_410] : memref<10240x128xf32, #tpu.memory_space<vmem_shared>> -> memref<10240x128xf32, #tpu.memory_space<vmem_shared>>
      tpu.enqueue_indirect_dma source(%arg11 : memref<128x128xf32, #tpu.memory_space<vmem>>) target(%dma_start3A_411 : memref<10240x128xf32, #tpu.memory_space<vmem_shared>>) offsets(%dma_start3A_408 : memref<128xi32, #tpu.memory_space<vmem>>) semaphore(%arg16 : memref<!tpu.dma_semaphore, #tpu.memory_space<semaphore_mem>>) {add = true}
      %mul3A_412 = arith.constant 2 : i32
      %mul3A_413 = arith.muli %mul3A_412, %scan3A_370 : i32
      %add3A_414 = arith.constant 0 : i32
      %add3A_415 = arith.addi %mul3A_413, %add3A_414 : i32
      %dma_wait3A_416 = arith.constant 0 : i32
      %dma_wait3A_417 = tpu.memref_slice %arg7[%add3A_415, %dma_wait3A_416] : memref<16x128xi32, #tpu.memory_space<vmem>> -> memref<1x128xi32, #tpu.memory_space<vmem>>
      %dma_wait3A_418 = tpu.memref_squeeze %dma_wait3A_417 : memref<1x128xi32, #tpu.memory_space<vmem>> -> memref<128xi32, #tpu.memory_space<vmem>>
      %dma_wait3A_419 = arith.constant 0 : i32
      %dma_wait3A_420 = arith.constant 0 : i32
      %dma_wait3A_421 = tpu.memref_slice %arg12[%dma_wait3A_419, %dma_wait3A_420] : memref<10240x128xf32, #tpu.memory_space<vmem_shared>> -> memref<10240x128xf32, #tpu.memory_space<vmem_shared>>
      tpu.wait_indirect_dma semaphore(%arg15 : memref<!tpu.dma_semaphore, #tpu.memory_space<semaphore_mem>>) src(%arg10 : memref<128x128xf32, #tpu.memory_space<vmem>>) dst(%dma_wait3A_421 : memref<10240x128xf32, #tpu.memory_space<vmem_shared>>)
      %mul3A_422 = arith.constant 2 : i32
      %mul3A_423 = arith.muli %mul3A_422, %scan3A_370 : i32
      %add3A_424 = arith.constant 2 : i32
      %add3A_425 = arith.addi %mul3A_423, %add3A_424 : i32
      %add3A_426 = arith.constant 0 : i32
      %add3A_427 = arith.addi %add3A_425, %add3A_426 : i32
      %dma_start3A_428 = arith.constant 0 : i32
      %dma_start3A_429 = tpu.memref_slice %arg6[%add3A_427, %dma_start3A_428] : memref<16x128xi32, #tpu.memory_space<vmem>> -> memref<1x128xi32, #tpu.memory_space<vmem>>
      %dma_start3A_430 = tpu.memref_squeeze %dma_start3A_429 : memref<1x128xi32, #tpu.memory_space<vmem>> -> memref<128xi32, #tpu.memory_space<vmem>>
      %dma_start3A_431 = arith.constant 0 : i32
      %dma_start3A_432 = arith.constant 0 : i32
      %dma_start3A_433 = tpu.memref_slice %arg2[%dma_start3A_431, %dma_start3A_432] : memref<10240x128xf32, #tpu.memory_space<hbm>> -> memref<10240x128xf32, #tpu.memory_space<hbm>>
      tpu.enqueue_indirect_dma source(%dma_start3A_433 : memref<10240x128xf32, #tpu.memory_space<hbm>>) target(%arg10 : memref<128x128xf32, #tpu.memory_space<vmem>>) offsets(%dma_start3A_430 : memref<128xi32, #tpu.memory_space<vmem>>) semaphore(%arg13 : memref<!tpu.dma_semaphore, #tpu.memory_space<semaphore_mem>>)
      %mul3A_434 = arith.constant 2 : i32
      %mul3A_435 = arith.muli %mul3A_434, %scan3A_370 : i32
      %add3A_436 = arith.constant 1 : i32
      %add3A_437 = arith.addi %mul3A_435, %add3A_436 : i32
      %dma_wait3A_438 = arith.constant 0 : i32
      %dma_wait3A_439 = tpu.memref_slice %arg7[%add3A_437, %dma_wait3A_438] : memref<16x128xi32, #tpu.memory_space<vmem>> -> memref<1x128xi32, #tpu.memory_space<vmem>>
      %dma_wait3A_440 = tpu.memref_squeeze %dma_wait3A_439 : memref<1x128xi32, #tpu.memory_space<vmem>> -> memref<128xi32, #tpu.memory_space<vmem>>
      %dma_wait3A_441 = arith.constant 0 : i32
      %dma_wait3A_442 = arith.constant 0 : i32
      %dma_wait3A_443 = tpu.memref_slice %arg12[%dma_wait3A_441, %dma_wait3A_442] : memref<10240x128xf32, #tpu.memory_space<vmem_shared>> -> memref<10240x128xf32, #tpu.memory_space<vmem_shared>>
      tpu.wait_indirect_dma semaphore(%arg16 : memref<!tpu.dma_semaphore, #tpu.memory_space<semaphore_mem>>) src(%arg11 : memref<128x128xf32, #tpu.memory_space<vmem>>) dst(%dma_wait3A_443 : memref<10240x128xf32, #tpu.memory_space<vmem_shared>>)
      %mul3A_444 = arith.constant 2 : i32
      %mul3A_445 = arith.muli %mul3A_444, %scan3A_370 : i32
      %add3A_446 = arith.constant 2 : i32
      %add3A_447 = arith.addi %mul3A_445, %add3A_446 : i32
      %add3A_448 = arith.constant 1 : i32
      %add3A_449 = arith.addi %add3A_447, %add3A_448 : i32
      %dma_start3A_450 = arith.constant 0 : i32
      %dma_start3A_451 = tpu.memref_slice %arg6[%add3A_449, %dma_start3A_450] : memref<16x128xi32, #tpu.memory_space<vmem>> -> memref<1x128xi32, #tpu.memory_space<vmem>>
      %dma_start3A_452 = tpu.memref_squeeze %dma_start3A_451 : memref<1x128xi32, #tpu.memory_space<vmem>> -> memref<128xi32, #tpu.memory_space<vmem>>
      %dma_start3A_453 = arith.constant 0 : i32
      %dma_start3A_454 = arith.constant 0 : i32
      %dma_start3A_455 = tpu.memref_slice %arg2[%dma_start3A_453, %dma_start3A_454] : memref<10240x128xf32, #tpu.memory_space<hbm>> -> memref<10240x128xf32, #tpu.memory_space<hbm>>
      tpu.enqueue_indirect_dma source(%dma_start3A_455 : memref<10240x128xf32, #tpu.memory_space<hbm>>) target(%arg11 : memref<128x128xf32, #tpu.memory_space<vmem>>) offsets(%dma_start3A_452 : memref<128xi32, #tpu.memory_space<vmem>>) semaphore(%arg14 : memref<!tpu.dma_semaphore, #tpu.memory_space<semaphore_mem>>)
      %scan3A_456 = arith.constant 0 : i32
      scf.yield %scan3A_456 : i32
    }
    %scan3A_185 = arith.constant 7 : i32
    %dma_wait3A_186 = arith.constant 14 : i32
    %dma_wait3A_187 = arith.constant 0 : i32
    %dma_wait3A_188 = tpu.memref_slice %arg6[%dma_wait3A_186, %dma_wait3A_187] : memref<16x128xi32, #tpu.memory_space<vmem>> -> memref<1x128xi32, #tpu.memory_space<vmem>>
    %dma_wait3A_189 = tpu.memref_squeeze %dma_wait3A_188 : memref<1x128xi32, #tpu.memory_space<vmem>> -> memref<128xi32, #tpu.memory_space<vmem>>
    %dma_wait3A_190 = arith.constant 0 : i32
    %dma_wait3A_191 = arith.constant 0 : i32
    %dma_wait3A_192 = tpu.memref_slice %arg2[%dma_wait3A_190, %dma_wait3A_191] : memref<10240x128xf32, #tpu.memory_space<hbm>> -> memref<10240x128xf32, #tpu.memory_space<hbm>>
    tpu.wait_indirect_dma semaphore(%arg13 : memref<!tpu.dma_semaphore, #tpu.memory_space<semaphore_mem>>) src(%dma_wait3A_192 : memref<10240x128xf32, #tpu.memory_space<hbm>>) dst(%arg10 : memref<128x128xf32, #tpu.memory_space<vmem>>)
    %dma_start3A_193 = arith.constant 14 : i32
    %dma_start3A_194 = arith.constant 0 : i32
    %dma_start3A_195 = tpu.memref_slice %arg7[%dma_start3A_193, %dma_start3A_194] : memref<16x128xi32, #tpu.memory_space<vmem>> -> memref<1x128xi32, #tpu.memory_space<vmem>>
    %dma_start3A_196 = tpu.memref_squeeze %dma_start3A_195 : memref<1x128xi32, #tpu.memory_space<vmem>> -> memref<128xi32, #tpu.memory_space<vmem>>
    %dma_start3A_197 = arith.constant 0 : i32
    %dma_start3A_198 = arith.constant 0 : i32
    %dma_start3A_199 = tpu.memref_slice %arg12[%dma_start3A_197, %dma_start3A_198] : memref<10240x128xf32, #tpu.memory_space<vmem_shared>> -> memref<10240x128xf32, #tpu.memory_space<vmem_shared>>
    tpu.enqueue_indirect_dma source(%arg10 : memref<128x128xf32, #tpu.memory_space<vmem>>) target(%dma_start3A_199 : memref<10240x128xf32, #tpu.memory_space<vmem_shared>>) offsets(%dma_start3A_196 : memref<128xi32, #tpu.memory_space<vmem>>) semaphore(%arg15 : memref<!tpu.dma_semaphore, #tpu.memory_space<semaphore_mem>>) {add = true}
    %dma_wait3A_200 = arith.constant 15 : i32
    %dma_wait3A_201 = arith.constant 0 : i32
    %dma_wait3A_202 = tpu.memref_slice %arg6[%dma_wait3A_200, %dma_wait3A_201] : memref<16x128xi32, #tpu.memory_space<vmem>> -> memref<1x128xi32, #tpu.memory_space<vmem>>
    %dma_wait3A_203 = tpu.memref_squeeze %dma_wait3A_202 : memref<1x128xi32, #tpu.memory_space<vmem>> -> memref<128xi32, #tpu.memory_space<vmem>>
    %dma_wait3A_204 = arith.constant 0 : i32
    %dma_wait3A_205 = arith.constant 0 : i32
    %dma_wait3A_206 = tpu.memref_slice %arg2[%dma_wait3A_204, %dma_wait3A_205] : memref<10240x128xf32, #tpu.memory_space<hbm>> -> memref<10240x128xf32, #tpu.memory_space<hbm>>
    tpu.wait_indirect_dma semaphore(%arg14 : memref<!tpu.dma_semaphore, #tpu.memory_space<semaphore_mem>>) src(%dma_wait3A_206 : memref<10240x128xf32, #tpu.memory_space<hbm>>) dst(%arg11 : memref<128x128xf32, #tpu.memory_space<vmem>>)
    %dma_start3A_207 = arith.constant 15 : i32
    %dma_start3A_208 = arith.constant 0 : i32
    %dma_start3A_209 = tpu.memref_slice %arg7[%dma_start3A_207, %dma_start3A_208] : memref<16x128xi32, #tpu.memory_space<vmem>> -> memref<1x128xi32, #tpu.memory_space<vmem>>
    %dma_start3A_210 = tpu.memref_squeeze %dma_start3A_209 : memref<1x128xi32, #tpu.memory_space<vmem>> -> memref<128xi32, #tpu.memory_space<vmem>>
    %dma_start3A_211 = arith.constant 0 : i32
    %dma_start3A_212 = arith.constant 0 : i32
    %dma_start3A_213 = tpu.memref_slice %arg12[%dma_start3A_211, %dma_start3A_212] : memref<10240x128xf32, #tpu.memory_space<vmem_shared>> -> memref<10240x128xf32, #tpu.memory_space<vmem_shared>>
    tpu.enqueue_indirect_dma source(%arg11 : memref<128x128xf32, #tpu.memory_space<vmem>>) target(%dma_start3A_213 : memref<10240x128xf32, #tpu.memory_space<vmem_shared>>) offsets(%dma_start3A_210 : memref<128xi32, #tpu.memory_space<vmem>>) semaphore(%arg16 : memref<!tpu.dma_semaphore, #tpu.memory_space<semaphore_mem>>) {add = true}
    %dma_wait3A_214 = arith.constant 14 : i32
    %dma_wait3A_215 = arith.constant 0 : i32
    %dma_wait3A_216 = tpu.memref_slice %arg7[%dma_wait3A_214, %dma_wait3A_215] : memref<16x128xi32, #tpu.memory_space<vmem>> -> memref<1x128xi32, #tpu.memory_space<vmem>>
    %dma_wait3A_217 = tpu.memref_squeeze %dma_wait3A_216 : memref<1x128xi32, #tpu.memory_space<vmem>> -> memref<128xi32, #tpu.memory_space<vmem>>
    %dma_wait3A_218 = arith.constant 0 : i32
    %dma_wait3A_219 = arith.constant 0 : i32
    %dma_wait3A_220 = tpu.memref_slice %arg12[%dma_wait3A_218, %dma_wait3A_219] : memref<10240x128xf32, #tpu.memory_space<vmem_shared>> -> memref<10240x128xf32, #tpu.memory_space<vmem_shared>>
    tpu.wait_indirect_dma semaphore(%arg15 : memref<!tpu.dma_semaphore, #tpu.memory_space<semaphore_mem>>) src(%arg10 : memref<128x128xf32, #tpu.memory_space<vmem>>) dst(%dma_wait3A_220 : memref<10240x128xf32, #tpu.memory_space<vmem_shared>>)
    %dma_wait3A_221 = arith.constant 15 : i32
    %dma_wait3A_222 = arith.constant 0 : i32
    %dma_wait3A_223 = tpu.memref_slice %arg7[%dma_wait3A_221, %dma_wait3A_222] : memref<16x128xi32, #tpu.memory_space<vmem>> -> memref<1x128xi32, #tpu.memory_space<vmem>>
    %dma_wait3A_224 = tpu.memref_squeeze %dma_wait3A_223 : memref<1x128xi32, #tpu.memory_space<vmem>> -> memref<128xi32, #tpu.memory_space<vmem>>
    %dma_wait3A_225 = arith.constant 0 : i32
    %dma_wait3A_226 = arith.constant 0 : i32
    %dma_wait3A_227 = tpu.memref_slice %arg12[%dma_wait3A_225, %dma_wait3A_226] : memref<10240x128xf32, #tpu.memory_space<vmem_shared>> -> memref<10240x128xf32, #tpu.memory_space<vmem_shared>>
    tpu.wait_indirect_dma semaphore(%arg16 : memref<!tpu.dma_semaphore, #tpu.memory_space<semaphore_mem>>) src(%arg11 : memref<128x128xf32, #tpu.memory_space<vmem>>) dst(%dma_wait3A_227 : memref<10240x128xf32, #tpu.memory_space<vmem_shared>>)
    %add3A_228 = arith.constant 48 : i32
    %add3A_229 = arith.addi %mul3A_2, %add3A_228 : i32
    "tpu.region"() ({
      %run_scoped3A = tpu.sem_alloc : memref<!tpu.dma_semaphore, #tpu.memory_space<semaphore_mem>>
      %dma_start3A_370 = arith.constant 0 : i32
      %dma_start3A_371 = tpu.memref_slice %arg3[%add3A_229, %dma_start3A_370] : memref<2560x128xi32, #tpu.memory_space<hbm>> -> memref<16x128xi32, #tpu.memory_space<hbm>>
      %dma_start3A_372 = arith.constant 0 : i32
      %dma_start3A_373 = tpu.memref_slice %arg3[%add3A_229, %dma_start3A_372] : memref<2560x128xi32, #tpu.memory_space<hbm>> -> memref<16x128xi32, #tpu.memory_space<hbm>>
      tpu.enqueue_dma source(%dma_start3A_373 : memref<16x128xi32, #tpu.memory_space<hbm>>) target(%arg8 : memref<16x128xi32, #tpu.memory_space<vmem>>) target_semaphore(%run_scoped3A : memref<!tpu.dma_semaphore, #tpu.memory_space<semaphore_mem>>)
      %dma_wait3A_374 = arith.constant 0 : i32
      %dma_wait3A_375 = tpu.memref_slice %arg3[%add3A_229, %dma_wait3A_374] : memref<2560x128xi32, #tpu.memory_space<hbm>> -> memref<16x128xi32, #tpu.memory_space<hbm>>
      %dma_wait3A_376 = arith.constant 0 : i32
      %dma_wait3A_377 = tpu.memref_slice %arg3[%add3A_229, %dma_wait3A_376] : memref<2560x128xi32, #tpu.memory_space<hbm>> -> memref<16x128xi32, #tpu.memory_space<hbm>>
      tpu.wait_dma2 semaphore(%run_scoped3A : memref<!tpu.dma_semaphore, #tpu.memory_space<semaphore_mem>>) src(%dma_wait3A_377 : memref<16x128xi32, #tpu.memory_space<hbm>>) dst(%arg8 : memref<16x128xi32, #tpu.memory_space<vmem>>)
      tpu.yield
    }) : () -> ()
    %add3A_230 = arith.constant 48 : i32
    %add3A_231 = arith.addi %mul3A_2, %add3A_230 : i32
    "tpu.region"() ({
      %run_scoped3A = tpu.sem_alloc : memref<!tpu.dma_semaphore, #tpu.memory_space<semaphore_mem>>
      %dma_start3A_370 = arith.constant 0 : i32
      %dma_start3A_371 = tpu.memref_slice %arg4[%add3A_231, %dma_start3A_370] : memref<2560x128xi32, #tpu.memory_space<hbm>> -> memref<16x128xi32, #tpu.memory_space<hbm>>
      %dma_start3A_372 = arith.constant 0 : i32
      %dma_start3A_373 = tpu.memref_slice %arg4[%add3A_231, %dma_start3A_372] : memref<2560x128xi32, #tpu.memory_space<hbm>> -> memref<16x128xi32, #tpu.memory_space<hbm>>
      tpu.enqueue_dma source(%dma_start3A_373 : memref<16x128xi32, #tpu.memory_space<hbm>>) target(%arg9 : memref<16x128xi32, #tpu.memory_space<vmem>>) target_semaphore(%run_scoped3A : memref<!tpu.dma_semaphore, #tpu.memory_space<semaphore_mem>>)
      %dma_wait3A_374 = arith.constant 0 : i32
      %dma_wait3A_375 = tpu.memref_slice %arg4[%add3A_231, %dma_wait3A_374] : memref<2560x128xi32, #tpu.memory_space<hbm>> -> memref<16x128xi32, #tpu.memory_space<hbm>>
      %dma_wait3A_376 = arith.constant 0 : i32
      %dma_wait3A_377 = tpu.memref_slice %arg4[%add3A_231, %dma_wait3A_376] : memref<2560x128xi32, #tpu.memory_space<hbm>> -> memref<16x128xi32, #tpu.memory_space<hbm>>
      tpu.wait_dma2 semaphore(%run_scoped3A : memref<!tpu.dma_semaphore, #tpu.memory_space<semaphore_mem>>) src(%dma_wait3A_377 : memref<16x128xi32, #tpu.memory_space<hbm>>) dst(%arg9 : memref<16x128xi32, #tpu.memory_space<vmem>>)
      tpu.yield
    }) : () -> ()
    %dma_start3A_232 = arith.constant 0 : i32
    %dma_start3A_233 = arith.constant 0 : i32
    %dma_start3A_234 = tpu.memref_slice %arg8[%dma_start3A_232, %dma_start3A_233] : memref<16x128xi32, #tpu.memory_space<vmem>> -> memref<1x128xi32, #tpu.memory_space<vmem>>
    %dma_start3A_235 = tpu.memref_squeeze %dma_start3A_234 : memref<1x128xi32, #tpu.memory_space<vmem>> -> memref<128xi32, #tpu.memory_space<vmem>>
    %dma_start3A_236 = arith.constant 0 : i32
    %dma_start3A_237 = arith.constant 0 : i32
    %dma_start3A_238 = tpu.memref_slice %arg2[%dma_start3A_236, %dma_start3A_237] : memref<10240x128xf32, #tpu.memory_space<hbm>> -> memref<10240x128xf32, #tpu.memory_space<hbm>>
    tpu.enqueue_indirect_dma source(%dma_start3A_238 : memref<10240x128xf32, #tpu.memory_space<hbm>>) target(%arg10 : memref<128x128xf32, #tpu.memory_space<vmem>>) offsets(%dma_start3A_235 : memref<128xi32, #tpu.memory_space<vmem>>) semaphore(%arg13 : memref<!tpu.dma_semaphore, #tpu.memory_space<semaphore_mem>>)
    %dma_start3A_239 = arith.constant 1 : i32
    %dma_start3A_240 = arith.constant 0 : i32
    %dma_start3A_241 = tpu.memref_slice %arg8[%dma_start3A_239, %dma_start3A_240] : memref<16x128xi32, #tpu.memory_space<vmem>> -> memref<1x128xi32, #tpu.memory_space<vmem>>
    %dma_start3A_242 = tpu.memref_squeeze %dma_start3A_241 : memref<1x128xi32, #tpu.memory_space<vmem>> -> memref<128xi32, #tpu.memory_space<vmem>>
    %dma_start3A_243 = arith.constant 0 : i32
    %dma_start3A_244 = arith.constant 0 : i32
    %dma_start3A_245 = tpu.memref_slice %arg2[%dma_start3A_243, %dma_start3A_244] : memref<10240x128xf32, #tpu.memory_space<hbm>> -> memref<10240x128xf32, #tpu.memory_space<hbm>>
    tpu.enqueue_indirect_dma source(%dma_start3A_245 : memref<10240x128xf32, #tpu.memory_space<hbm>>) target(%arg11 : memref<128x128xf32, #tpu.memory_space<vmem>>) offsets(%dma_start3A_242 : memref<128xi32, #tpu.memory_space<vmem>>) semaphore(%arg14 : memref<!tpu.dma_semaphore, #tpu.memory_space<semaphore_mem>>)
    %scan3A_246 = arith.constant 0 : i32
    %scan3A_247 = arith.constant 0 : i32
    %scan3A_248 = arith.constant 7 : i32
    %scan3A_249 = arith.addi %scan3A_247, %scan3A_248 : i32
    %scan3A_250 = arith.constant 1 : i32
    %scan3A_251 = scf.for %scan3A_370 = %scan3A_247 to %scan3A_249 step %scan3A_250 iter_args(%scan3A_371 = %scan3A_246) -> (i32)  : i32 {
      %mul3A_372 = arith.constant 2 : i32
      %mul3A_373 = arith.muli %mul3A_372, %scan3A_370 : i32
      %add3A_374 = arith.constant 0 : i32
      %add3A_375 = arith.addi %mul3A_373, %add3A_374 : i32
      %dma_wait3A_376 = arith.constant 0 : i32
      %dma_wait3A_377 = tpu.memref_slice %arg8[%add3A_375, %dma_wait3A_376] : memref<16x128xi32, #tpu.memory_space<vmem>> -> memref<1x128xi32, #tpu.memory_space<vmem>>
      %dma_wait3A_378 = tpu.memref_squeeze %dma_wait3A_377 : memref<1x128xi32, #tpu.memory_space<vmem>> -> memref<128xi32, #tpu.memory_space<vmem>>
      %dma_wait3A_379 = arith.constant 0 : i32
      %dma_wait3A_380 = arith.constant 0 : i32
      %dma_wait3A_381 = tpu.memref_slice %arg2[%dma_wait3A_379, %dma_wait3A_380] : memref<10240x128xf32, #tpu.memory_space<hbm>> -> memref<10240x128xf32, #tpu.memory_space<hbm>>
      tpu.wait_indirect_dma semaphore(%arg13 : memref<!tpu.dma_semaphore, #tpu.memory_space<semaphore_mem>>) src(%dma_wait3A_381 : memref<10240x128xf32, #tpu.memory_space<hbm>>) dst(%arg10 : memref<128x128xf32, #tpu.memory_space<vmem>>)
      %mul3A_382 = arith.constant 2 : i32
      %mul3A_383 = arith.muli %mul3A_382, %scan3A_370 : i32
      %add3A_384 = arith.constant 0 : i32
      %add3A_385 = arith.addi %mul3A_383, %add3A_384 : i32
      %dma_start3A_386 = arith.constant 0 : i32
      %dma_start3A_387 = tpu.memref_slice %arg9[%add3A_385, %dma_start3A_386] : memref<16x128xi32, #tpu.memory_space<vmem>> -> memref<1x128xi32, #tpu.memory_space<vmem>>
      %dma_start3A_388 = tpu.memref_squeeze %dma_start3A_387 : memref<1x128xi32, #tpu.memory_space<vmem>> -> memref<128xi32, #tpu.memory_space<vmem>>
      %dma_start3A_389 = arith.constant 0 : i32
      %dma_start3A_390 = arith.constant 0 : i32
      %dma_start3A_391 = tpu.memref_slice %arg12[%dma_start3A_389, %dma_start3A_390] : memref<10240x128xf32, #tpu.memory_space<vmem_shared>> -> memref<10240x128xf32, #tpu.memory_space<vmem_shared>>
      tpu.enqueue_indirect_dma source(%arg10 : memref<128x128xf32, #tpu.memory_space<vmem>>) target(%dma_start3A_391 : memref<10240x128xf32, #tpu.memory_space<vmem_shared>>) offsets(%dma_start3A_388 : memref<128xi32, #tpu.memory_space<vmem>>) semaphore(%arg15 : memref<!tpu.dma_semaphore, #tpu.memory_space<semaphore_mem>>) {add = true}
      %mul3A_392 = arith.constant 2 : i32
      %mul3A_393 = arith.muli %mul3A_392, %scan3A_370 : i32
      %add3A_394 = arith.constant 1 : i32
      %add3A_395 = arith.addi %mul3A_393, %add3A_394 : i32
      %dma_wait3A_396 = arith.constant 0 : i32
      %dma_wait3A_397 = tpu.memref_slice %arg8[%add3A_395, %dma_wait3A_396] : memref<16x128xi32, #tpu.memory_space<vmem>> -> memref<1x128xi32, #tpu.memory_space<vmem>>
      %dma_wait3A_398 = tpu.memref_squeeze %dma_wait3A_397 : memref<1x128xi32, #tpu.memory_space<vmem>> -> memref<128xi32, #tpu.memory_space<vmem>>
      %dma_wait3A_399 = arith.constant 0 : i32
      %dma_wait3A_400 = arith.constant 0 : i32
      %dma_wait3A_401 = tpu.memref_slice %arg2[%dma_wait3A_399, %dma_wait3A_400] : memref<10240x128xf32, #tpu.memory_space<hbm>> -> memref<10240x128xf32, #tpu.memory_space<hbm>>
      tpu.wait_indirect_dma semaphore(%arg14 : memref<!tpu.dma_semaphore, #tpu.memory_space<semaphore_mem>>) src(%dma_wait3A_401 : memref<10240x128xf32, #tpu.memory_space<hbm>>) dst(%arg11 : memref<128x128xf32, #tpu.memory_space<vmem>>)
      %mul3A_402 = arith.constant 2 : i32
      %mul3A_403 = arith.muli %mul3A_402, %scan3A_370 : i32
      %add3A_404 = arith.constant 1 : i32
      %add3A_405 = arith.addi %mul3A_403, %add3A_404 : i32
      %dma_start3A_406 = arith.constant 0 : i32
      %dma_start3A_407 = tpu.memref_slice %arg9[%add3A_405, %dma_start3A_406] : memref<16x128xi32, #tpu.memory_space<vmem>> -> memref<1x128xi32, #tpu.memory_space<vmem>>
      %dma_start3A_408 = tpu.memref_squeeze %dma_start3A_407 : memref<1x128xi32, #tpu.memory_space<vmem>> -> memref<128xi32, #tpu.memory_space<vmem>>
      %dma_start3A_409 = arith.constant 0 : i32
      %dma_start3A_410 = arith.constant 0 : i32
      %dma_start3A_411 = tpu.memref_slice %arg12[%dma_start3A_409, %dma_start3A_410] : memref<10240x128xf32, #tpu.memory_space<vmem_shared>> -> memref<10240x128xf32, #tpu.memory_space<vmem_shared>>
      tpu.enqueue_indirect_dma source(%arg11 : memref<128x128xf32, #tpu.memory_space<vmem>>) target(%dma_start3A_411 : memref<10240x128xf32, #tpu.memory_space<vmem_shared>>) offsets(%dma_start3A_408 : memref<128xi32, #tpu.memory_space<vmem>>) semaphore(%arg16 : memref<!tpu.dma_semaphore, #tpu.memory_space<semaphore_mem>>) {add = true}
      %mul3A_412 = arith.constant 2 : i32
      %mul3A_413 = arith.muli %mul3A_412, %scan3A_370 : i32
      %add3A_414 = arith.constant 0 : i32
      %add3A_415 = arith.addi %mul3A_413, %add3A_414 : i32
      %dma_wait3A_416 = arith.constant 0 : i32
      %dma_wait3A_417 = tpu.memref_slice %arg9[%add3A_415, %dma_wait3A_416] : memref<16x128xi32, #tpu.memory_space<vmem>> -> memref<1x128xi32, #tpu.memory_space<vmem>>
      %dma_wait3A_418 = tpu.memref_squeeze %dma_wait3A_417 : memref<1x128xi32, #tpu.memory_space<vmem>> -> memref<128xi32, #tpu.memory_space<vmem>>
      %dma_wait3A_419 = arith.constant 0 : i32
      %dma_wait3A_420 = arith.constant 0 : i32
      %dma_wait3A_421 = tpu.memref_slice %arg12[%dma_wait3A_419, %dma_wait3A_420] : memref<10240x128xf32, #tpu.memory_space<vmem_shared>> -> memref<10240x128xf32, #tpu.memory_space<vmem_shared>>
      tpu.wait_indirect_dma semaphore(%arg15 : memref<!tpu.dma_semaphore, #tpu.memory_space<semaphore_mem>>) src(%arg10 : memref<128x128xf32, #tpu.memory_space<vmem>>) dst(%dma_wait3A_421 : memref<10240x128xf32, #tpu.memory_space<vmem_shared>>)
      %mul3A_422 = arith.constant 2 : i32
      %mul3A_423 = arith.muli %mul3A_422, %scan3A_370 : i32
      %add3A_424 = arith.constant 2 : i32
      %add3A_425 = arith.addi %mul3A_423, %add3A_424 : i32
      %add3A_426 = arith.constant 0 : i32
      %add3A_427 = arith.addi %add3A_425, %add3A_426 : i32
      %dma_start3A_428 = arith.constant 0 : i32
      %dma_start3A_429 = tpu.memref_slice %arg8[%add3A_427, %dma_start3A_428] : memref<16x128xi32, #tpu.memory_space<vmem>> -> memref<1x128xi32, #tpu.memory_space<vmem>>
      %dma_start3A_430 = tpu.memref_squeeze %dma_start3A_429 : memref<1x128xi32, #tpu.memory_space<vmem>> -> memref<128xi32, #tpu.memory_space<vmem>>
      %dma_start3A_431 = arith.constant 0 : i32
      %dma_start3A_432 = arith.constant 0 : i32
      %dma_start3A_433 = tpu.memref_slice %arg2[%dma_start3A_431, %dma_start3A_432] : memref<10240x128xf32, #tpu.memory_space<hbm>> -> memref<10240x128xf32, #tpu.memory_space<hbm>>
      tpu.enqueue_indirect_dma source(%dma_start3A_433 : memref<10240x128xf32, #tpu.memory_space<hbm>>) target(%arg10 : memref<128x128xf32, #tpu.memory_space<vmem>>) offsets(%dma_start3A_430 : memref<128xi32, #tpu.memory_space<vmem>>) semaphore(%arg13 : memref<!tpu.dma_semaphore, #tpu.memory_space<semaphore_mem>>)
      %mul3A_434 = arith.constant 2 : i32
      %mul3A_435 = arith.muli %mul3A_434, %scan3A_370 : i32
      %add3A_436 = arith.constant 1 : i32
      %add3A_437 = arith.addi %mul3A_435, %add3A_436 : i32
      %dma_wait3A_438 = arith.constant 0 : i32
      %dma_wait3A_439 = tpu.memref_slice %arg9[%add3A_437, %dma_wait3A_438] : memref<16x128xi32, #tpu.memory_space<vmem>> -> memref<1x128xi32, #tpu.memory_space<vmem>>
      %dma_wait3A_440 = tpu.memref_squeeze %dma_wait3A_439 : memref<1x128xi32, #tpu.memory_space<vmem>> -> memref<128xi32, #tpu.memory_space<vmem>>
      %dma_wait3A_441 = arith.constant 0 : i32
      %dma_wait3A_442 = arith.constant 0 : i32
      %dma_wait3A_443 = tpu.memref_slice %arg12[%dma_wait3A_441, %dma_wait3A_442] : memref<10240x128xf32, #tpu.memory_space<vmem_shared>> -> memref<10240x128xf32, #tpu.memory_space<vmem_shared>>
      tpu.wait_indirect_dma semaphore(%arg16 : memref<!tpu.dma_semaphore, #tpu.memory_space<semaphore_mem>>) src(%arg11 : memref<128x128xf32, #tpu.memory_space<vmem>>) dst(%dma_wait3A_443 : memref<10240x128xf32, #tpu.memory_space<vmem_shared>>)
      %mul3A_444 = arith.constant 2 : i32
      %mul3A_445 = arith.muli %mul3A_444, %scan3A_370 : i32
      %add3A_446 = arith.constant 2 : i32
      %add3A_447 = arith.addi %mul3A_445, %add3A_446 : i32
      %add3A_448 = arith.constant 1 : i32
      %add3A_449 = arith.addi %add3A_447, %add3A_448 : i32
      %dma_start3A_450 = arith.constant 0 : i32
      %dma_start3A_451 = tpu.memref_slice %arg8[%add3A_449, %dma_start3A_450] : memref<16x128xi32, #tpu.memory_space<vmem>> -> memref<1x128xi32, #tpu.memory_space<vmem>>
      %dma_start3A_452 = tpu.memref_squeeze %dma_start3A_451 : memref<1x128xi32, #tpu.memory_space<vmem>> -> memref<128xi32, #tpu.memory_space<vmem>>
      %dma_start3A_453 = arith.constant 0 : i32
      %dma_start3A_454 = arith.constant 0 : i32
      %dma_start3A_455 = tpu.memref_slice %arg2[%dma_start3A_453, %dma_start3A_454] : memref<10240x128xf32, #tpu.memory_space<hbm>> -> memref<10240x128xf32, #tpu.memory_space<hbm>>
      tpu.enqueue_indirect_dma source(%dma_start3A_455 : memref<10240x128xf32, #tpu.memory_space<hbm>>) target(%arg11 : memref<128x128xf32, #tpu.memory_space<vmem>>) offsets(%dma_start3A_452 : memref<128xi32, #tpu.memory_space<vmem>>) semaphore(%arg14 : memref<!tpu.dma_semaphore, #tpu.memory_space<semaphore_mem>>)
      %scan3A_456 = arith.constant 0 : i32
      scf.yield %scan3A_456 : i32
    }
    %scan3A_252 = arith.constant 7 : i32
    %dma_wait3A_253 = arith.constant 14 : i32
    %dma_wait3A_254 = arith.constant 0 : i32
    %dma_wait3A_255 = tpu.memref_slice %arg8[%dma_wait3A_253, %dma_wait3A_254] : memref<16x128xi32, #tpu.memory_space<vmem>> -> memref<1x128xi32, #tpu.memory_space<vmem>>
    %dma_wait3A_256 = tpu.memref_squeeze %dma_wait3A_255 : memref<1x128xi32, #tpu.memory_space<vmem>> -> memref<128xi32, #tpu.memory_space<vmem>>
    %dma_wait3A_257 = arith.constant 0 : i32
    %dma_wait3A_258 = arith.constant 0 : i32
    %dma_wait3A_259 = tpu.memref_slice %arg2[%dma_wait3A_257, %dma_wait3A_258] : memref<10240x128xf32, #tpu.memory_space<hbm>> -> memref<10240x128xf32, #tpu.memory_space<hbm>>
    tpu.wait_indirect_dma semaphore(%arg13 : memref<!tpu.dma_semaphore, #tpu.memory_space<semaphore_mem>>) src(%dma_wait3A_259 : memref<10240x128xf32, #tpu.memory_space<hbm>>) dst(%arg10 : memref<128x128xf32, #tpu.memory_space<vmem>>)
    %dma_start3A_260 = arith.constant 14 : i32
    %dma_start3A_261 = arith.constant 0 : i32
    %dma_start3A_262 = tpu.memref_slice %arg9[%dma_start3A_260, %dma_start3A_261] : memref<16x128xi32, #tpu.memory_space<vmem>> -> memref<1x128xi32, #tpu.memory_space<vmem>>
    %dma_start3A_263 = tpu.memref_squeeze %dma_start3A_262 : memref<1x128xi32, #tpu.memory_space<vmem>> -> memref<128xi32, #tpu.memory_space<vmem>>
    %dma_start3A_264 = arith.constant 0 : i32
    %dma_start3A_265 = arith.constant 0 : i32
    %dma_start3A_266 = tpu.memref_slice %arg12[%dma_start3A_264, %dma_start3A_265] : memref<10240x128xf32, #tpu.memory_space<vmem_shared>> -> memref<10240x128xf32, #tpu.memory_space<vmem_shared>>
    tpu.enqueue_indirect_dma source(%arg10 : memref<128x128xf32, #tpu.memory_space<vmem>>) target(%dma_start3A_266 : memref<10240x128xf32, #tpu.memory_space<vmem_shared>>) offsets(%dma_start3A_263 : memref<128xi32, #tpu.memory_space<vmem>>) semaphore(%arg15 : memref<!tpu.dma_semaphore, #tpu.memory_space<semaphore_mem>>) {add = true}
    %dma_wait3A_267 = arith.constant 15 : i32
    %dma_wait3A_268 = arith.constant 0 : i32
    %dma_wait3A_269 = tpu.memref_slice %arg8[%dma_wait3A_267, %dma_wait3A_268] : memref<16x128xi32, #tpu.memory_space<vmem>> -> memref<1x128xi32, #tpu.memory_space<vmem>>
    %dma_wait3A_270 = tpu.memref_squeeze %dma_wait3A_269 : memref<1x128xi32, #tpu.memory_space<vmem>> -> memref<128xi32, #tpu.memory_space<vmem>>
    %dma_wait3A_271 = arith.constant 0 : i32
    %dma_wait3A_272 = arith.constant 0 : i32
    %dma_wait3A_273 = tpu.memref_slice %arg2[%dma_wait3A_271, %dma_wait3A_272] : memref<10240x128xf32, #tpu.memory_space<hbm>> -> memref<10240x128xf32, #tpu.memory_space<hbm>>
    tpu.wait_indirect_dma semaphore(%arg14 : memref<!tpu.dma_semaphore, #tpu.memory_space<semaphore_mem>>) src(%dma_wait3A_273 : memref<10240x128xf32, #tpu.memory_space<hbm>>) dst(%arg11 : memref<128x128xf32, #tpu.memory_space<vmem>>)
    %dma_start3A_274 = arith.constant 15 : i32
    %dma_start3A_275 = arith.constant 0 : i32
    %dma_start3A_276 = tpu.memref_slice %arg9[%dma_start3A_274, %dma_start3A_275] : memref<16x128xi32, #tpu.memory_space<vmem>> -> memref<1x128xi32, #tpu.memory_space<vmem>>
    %dma_start3A_277 = tpu.memref_squeeze %dma_start3A_276 : memref<1x128xi32, #tpu.memory_space<vmem>> -> memref<128xi32, #tpu.memory_space<vmem>>
    %dma_start3A_278 = arith.constant 0 : i32
    %dma_start3A_279 = arith.constant 0 : i32
    %dma_start3A_280 = tpu.memref_slice %arg12[%dma_start3A_278, %dma_start3A_279] : memref<10240x128xf32, #tpu.memory_space<vmem_shared>> -> memref<10240x128xf32, #tpu.memory_space<vmem_shared>>
    tpu.enqueue_indirect_dma source(%arg11 : memref<128x128xf32, #tpu.memory_space<vmem>>) target(%dma_start3A_280 : memref<10240x128xf32, #tpu.memory_space<vmem_shared>>) offsets(%dma_start3A_277 : memref<128xi32, #tpu.memory_space<vmem>>) semaphore(%arg16 : memref<!tpu.dma_semaphore, #tpu.memory_space<semaphore_mem>>) {add = true}
    %dma_wait3A_281 = arith.constant 14 : i32
    %dma_wait3A_282 = arith.constant 0 : i32
    %dma_wait3A_283 = tpu.memref_slice %arg9[%dma_wait3A_281, %dma_wait3A_282] : memref<16x128xi32, #tpu.memory_space<vmem>> -> memref<1x128xi32, #tpu.memory_space<vmem>>
    %dma_wait3A_284 = tpu.memref_squeeze %dma_wait3A_283 : memref<1x128xi32, #tpu.memory_space<vmem>> -> memref<128xi32, #tpu.memory_space<vmem>>
    %dma_wait3A_285 = arith.constant 0 : i32
    %dma_wait3A_286 = arith.constant 0 : i32
    %dma_wait3A_287 = tpu.memref_slice %arg12[%dma_wait3A_285, %dma_wait3A_286] : memref<10240x128xf32, #tpu.memory_space<vmem_shared>> -> memref<10240x128xf32, #tpu.memory_space<vmem_shared>>
    tpu.wait_indirect_dma semaphore(%arg15 : memref<!tpu.dma_semaphore, #tpu.memory_space<semaphore_mem>>) src(%arg10 : memref<128x128xf32, #tpu.memory_space<vmem>>) dst(%dma_wait3A_287 : memref<10240x128xf32, #tpu.memory_space<vmem_shared>>)
    %dma_wait3A_288 = arith.constant 15 : i32
    %dma_wait3A_289 = arith.constant 0 : i32
    %dma_wait3A_290 = tpu.memref_slice %arg9[%dma_wait3A_288, %dma_wait3A_289] : memref<16x128xi32, #tpu.memory_space<vmem>> -> memref<1x128xi32, #tpu.memory_space<vmem>>
    %dma_wait3A_291 = tpu.memref_squeeze %dma_wait3A_290 : memref<1x128xi32, #tpu.memory_space<vmem>> -> memref<128xi32, #tpu.memory_space<vmem>>
    %dma_wait3A_292 = arith.constant 0 : i32
    %dma_wait3A_293 = arith.constant 0 : i32
    %dma_wait3A_294 = tpu.memref_slice %arg12[%dma_wait3A_292, %dma_wait3A_293] : memref<10240x128xf32, #tpu.memory_space<vmem_shared>> -> memref<10240x128xf32, #tpu.memory_space<vmem_shared>>
    tpu.wait_indirect_dma semaphore(%arg16 : memref<!tpu.dma_semaphore, #tpu.memory_space<semaphore_mem>>) src(%arg11 : memref<128x128xf32, #tpu.memory_space<vmem>>) dst(%dma_wait3A_294 : memref<10240x128xf32, #tpu.memory_space<vmem_shared>>)
    %add3A_295 = arith.constant 64 : i32
    %add3A_296 = arith.addi %mul3A_2, %add3A_295 : i32
    "tpu.region"() ({
      %run_scoped3A = tpu.sem_alloc : memref<!tpu.dma_semaphore, #tpu.memory_space<semaphore_mem>>
      %dma_start3A_370 = arith.constant 0 : i32
      %dma_start3A_371 = tpu.memref_slice %arg3[%add3A_296, %dma_start3A_370] : memref<2560x128xi32, #tpu.memory_space<hbm>> -> memref<16x128xi32, #tpu.memory_space<hbm>>
      %dma_start3A_372 = arith.constant 0 : i32
      %dma_start3A_373 = tpu.memref_slice %arg3[%add3A_296, %dma_start3A_372] : memref<2560x128xi32, #tpu.memory_space<hbm>> -> memref<16x128xi32, #tpu.memory_space<hbm>>
      tpu.enqueue_dma source(%dma_start3A_373 : memref<16x128xi32, #tpu.memory_space<hbm>>) target(%arg6 : memref<16x128xi32, #tpu.memory_space<vmem>>) target_semaphore(%run_scoped3A : memref<!tpu.dma_semaphore, #tpu.memory_space<semaphore_mem>>)
      %dma_wait3A_374 = arith.constant 0 : i32
      %dma_wait3A_375 = tpu.memref_slice %arg3[%add3A_296, %dma_wait3A_374] : memref<2560x128xi32, #tpu.memory_space<hbm>> -> memref<16x128xi32, #tpu.memory_space<hbm>>
      %dma_wait3A_376 = arith.constant 0 : i32
      %dma_wait3A_377 = tpu.memref_slice %arg3[%add3A_296, %dma_wait3A_376] : memref<2560x128xi32, #tpu.memory_space<hbm>> -> memref<16x128xi32, #tpu.memory_space<hbm>>
      tpu.wait_dma2 semaphore(%run_scoped3A : memref<!tpu.dma_semaphore, #tpu.memory_space<semaphore_mem>>) src(%dma_wait3A_377 : memref<16x128xi32, #tpu.memory_space<hbm>>) dst(%arg6 : memref<16x128xi32, #tpu.memory_space<vmem>>)
      tpu.yield
    }) : () -> ()
    %add3A_297 = arith.constant 64 : i32
    %add3A_298 = arith.addi %mul3A_2, %add3A_297 : i32
    "tpu.region"() ({
      %run_scoped3A = tpu.sem_alloc : memref<!tpu.dma_semaphore, #tpu.memory_space<semaphore_mem>>
      %dma_start3A_370 = arith.constant 0 : i32
      %dma_start3A_371 = tpu.memref_slice %arg4[%add3A_298, %dma_start3A_370] : memref<2560x128xi32, #tpu.memory_space<hbm>> -> memref<16x128xi32, #tpu.memory_space<hbm>>
      %dma_start3A_372 = arith.constant 0 : i32
      %dma_start3A_373 = tpu.memref_slice %arg4[%add3A_298, %dma_start3A_372] : memref<2560x128xi32, #tpu.memory_space<hbm>> -> memref<16x128xi32, #tpu.memory_space<hbm>>
      tpu.enqueue_dma source(%dma_start3A_373 : memref<16x128xi32, #tpu.memory_space<hbm>>) target(%arg7 : memref<16x128xi32, #tpu.memory_space<vmem>>) target_semaphore(%run_scoped3A : memref<!tpu.dma_semaphore, #tpu.memory_space<semaphore_mem>>)
      %dma_wait3A_374 = arith.constant 0 : i32
      %dma_wait3A_375 = tpu.memref_slice %arg4[%add3A_298, %dma_wait3A_374] : memref<2560x128xi32, #tpu.memory_space<hbm>> -> memref<16x128xi32, #tpu.memory_space<hbm>>
      %dma_wait3A_376 = arith.constant 0 : i32
      %dma_wait3A_377 = tpu.memref_slice %arg4[%add3A_298, %dma_wait3A_376] : memref<2560x128xi32, #tpu.memory_space<hbm>> -> memref<16x128xi32, #tpu.memory_space<hbm>>
      tpu.wait_dma2 semaphore(%run_scoped3A : memref<!tpu.dma_semaphore, #tpu.memory_space<semaphore_mem>>) src(%dma_wait3A_377 : memref<16x128xi32, #tpu.memory_space<hbm>>) dst(%arg7 : memref<16x128xi32, #tpu.memory_space<vmem>>)
      tpu.yield
    }) : () -> ()
    %dma_start3A_299 = arith.constant 0 : i32
    %dma_start3A_300 = arith.constant 0 : i32
    %dma_start3A_301 = tpu.memref_slice %arg6[%dma_start3A_299, %dma_start3A_300] : memref<16x128xi32, #tpu.memory_space<vmem>> -> memref<1x128xi32, #tpu.memory_space<vmem>>
    %dma_start3A_302 = tpu.memref_squeeze %dma_start3A_301 : memref<1x128xi32, #tpu.memory_space<vmem>> -> memref<128xi32, #tpu.memory_space<vmem>>
    %dma_start3A_303 = arith.constant 0 : i32
    %dma_start3A_304 = arith.constant 0 : i32
    %dma_start3A_305 = tpu.memref_slice %arg2[%dma_start3A_303, %dma_start3A_304] : memref<10240x128xf32, #tpu.memory_space<hbm>> -> memref<10240x128xf32, #tpu.memory_space<hbm>>
    tpu.enqueue_indirect_dma source(%dma_start3A_305 : memref<10240x128xf32, #tpu.memory_space<hbm>>) target(%arg10 : memref<128x128xf32, #tpu.memory_space<vmem>>) offsets(%dma_start3A_302 : memref<128xi32, #tpu.memory_space<vmem>>) semaphore(%arg13 : memref<!tpu.dma_semaphore, #tpu.memory_space<semaphore_mem>>)
    %dma_start3A_306 = arith.constant 1 : i32
    %dma_start3A_307 = arith.constant 0 : i32
    %dma_start3A_308 = tpu.memref_slice %arg6[%dma_start3A_306, %dma_start3A_307] : memref<16x128xi32, #tpu.memory_space<vmem>> -> memref<1x128xi32, #tpu.memory_space<vmem>>
    %dma_start3A_309 = tpu.memref_squeeze %dma_start3A_308 : memref<1x128xi32, #tpu.memory_space<vmem>> -> memref<128xi32, #tpu.memory_space<vmem>>
    %dma_start3A_310 = arith.constant 0 : i32
    %dma_start3A_311 = arith.constant 0 : i32
    %dma_start3A_312 = tpu.memref_slice %arg2[%dma_start3A_310, %dma_start3A_311] : memref<10240x128xf32, #tpu.memory_space<hbm>> -> memref<10240x128xf32, #tpu.memory_space<hbm>>
    tpu.enqueue_indirect_dma source(%dma_start3A_312 : memref<10240x128xf32, #tpu.memory_space<hbm>>) target(%arg11 : memref<128x128xf32, #tpu.memory_space<vmem>>) offsets(%dma_start3A_309 : memref<128xi32, #tpu.memory_space<vmem>>) semaphore(%arg14 : memref<!tpu.dma_semaphore, #tpu.memory_space<semaphore_mem>>)
    %scan3A_313 = arith.constant 0 : i32
    %scan3A_314 = arith.constant 0 : i32
    %scan3A_315 = arith.constant 7 : i32
    %scan3A_316 = arith.addi %scan3A_314, %scan3A_315 : i32
    %scan3A_317 = arith.constant 1 : i32
    %scan3A_318 = scf.for %scan3A_370 = %scan3A_314 to %scan3A_316 step %scan3A_317 iter_args(%scan3A_371 = %scan3A_313) -> (i32)  : i32 {
      %mul3A_372 = arith.constant 2 : i32
      %mul3A_373 = arith.muli %mul3A_372, %scan3A_370 : i32
      %add3A_374 = arith.constant 0 : i32
      %add3A_375 = arith.addi %mul3A_373, %add3A_374 : i32
      %dma_wait3A_376 = arith.constant 0 : i32
      %dma_wait3A_377 = tpu.memref_slice %arg6[%add3A_375, %dma_wait3A_376] : memref<16x128xi32, #tpu.memory_space<vmem>> -> memref<1x128xi32, #tpu.memory_space<vmem>>
      %dma_wait3A_378 = tpu.memref_squeeze %dma_wait3A_377 : memref<1x128xi32, #tpu.memory_space<vmem>> -> memref<128xi32, #tpu.memory_space<vmem>>
      %dma_wait3A_379 = arith.constant 0 : i32
      %dma_wait3A_380 = arith.constant 0 : i32
      %dma_wait3A_381 = tpu.memref_slice %arg2[%dma_wait3A_379, %dma_wait3A_380] : memref<10240x128xf32, #tpu.memory_space<hbm>> -> memref<10240x128xf32, #tpu.memory_space<hbm>>
      tpu.wait_indirect_dma semaphore(%arg13 : memref<!tpu.dma_semaphore, #tpu.memory_space<semaphore_mem>>) src(%dma_wait3A_381 : memref<10240x128xf32, #tpu.memory_space<hbm>>) dst(%arg10 : memref<128x128xf32, #tpu.memory_space<vmem>>)
      %mul3A_382 = arith.constant 2 : i32
      %mul3A_383 = arith.muli %mul3A_382, %scan3A_370 : i32
      %add3A_384 = arith.constant 0 : i32
      %add3A_385 = arith.addi %mul3A_383, %add3A_384 : i32
      %dma_start3A_386 = arith.constant 0 : i32
      %dma_start3A_387 = tpu.memref_slice %arg7[%add3A_385, %dma_start3A_386] : memref<16x128xi32, #tpu.memory_space<vmem>> -> memref<1x128xi32, #tpu.memory_space<vmem>>
      %dma_start3A_388 = tpu.memref_squeeze %dma_start3A_387 : memref<1x128xi32, #tpu.memory_space<vmem>> -> memref<128xi32, #tpu.memory_space<vmem>>
      %dma_start3A_389 = arith.constant 0 : i32
      %dma_start3A_390 = arith.constant 0 : i32
      %dma_start3A_391 = tpu.memref_slice %arg12[%dma_start3A_389, %dma_start3A_390] : memref<10240x128xf32, #tpu.memory_space<vmem_shared>> -> memref<10240x128xf32, #tpu.memory_space<vmem_shared>>
      tpu.enqueue_indirect_dma source(%arg10 : memref<128x128xf32, #tpu.memory_space<vmem>>) target(%dma_start3A_391 : memref<10240x128xf32, #tpu.memory_space<vmem_shared>>) offsets(%dma_start3A_388 : memref<128xi32, #tpu.memory_space<vmem>>) semaphore(%arg15 : memref<!tpu.dma_semaphore, #tpu.memory_space<semaphore_mem>>) {add = true}
      %mul3A_392 = arith.constant 2 : i32
      %mul3A_393 = arith.muli %mul3A_392, %scan3A_370 : i32
      %add3A_394 = arith.constant 1 : i32
      %add3A_395 = arith.addi %mul3A_393, %add3A_394 : i32
      %dma_wait3A_396 = arith.constant 0 : i32
      %dma_wait3A_397 = tpu.memref_slice %arg6[%add3A_395, %dma_wait3A_396] : memref<16x128xi32, #tpu.memory_space<vmem>> -> memref<1x128xi32, #tpu.memory_space<vmem>>
      %dma_wait3A_398 = tpu.memref_squeeze %dma_wait3A_397 : memref<1x128xi32, #tpu.memory_space<vmem>> -> memref<128xi32, #tpu.memory_space<vmem>>
      %dma_wait3A_399 = arith.constant 0 : i32
      %dma_wait3A_400 = arith.constant 0 : i32
      %dma_wait3A_401 = tpu.memref_slice %arg2[%dma_wait3A_399, %dma_wait3A_400] : memref<10240x128xf32, #tpu.memory_space<hbm>> -> memref<10240x128xf32, #tpu.memory_space<hbm>>
      tpu.wait_indirect_dma semaphore(%arg14 : memref<!tpu.dma_semaphore, #tpu.memory_space<semaphore_mem>>) src(%dma_wait3A_401 : memref<10240x128xf32, #tpu.memory_space<hbm>>) dst(%arg11 : memref<128x128xf32, #tpu.memory_space<vmem>>)
      %mul3A_402 = arith.constant 2 : i32
      %mul3A_403 = arith.muli %mul3A_402, %scan3A_370 : i32
      %add3A_404 = arith.constant 1 : i32
      %add3A_405 = arith.addi %mul3A_403, %add3A_404 : i32
      %dma_start3A_406 = arith.constant 0 : i32
      %dma_start3A_407 = tpu.memref_slice %arg7[%add3A_405, %dma_start3A_406] : memref<16x128xi32, #tpu.memory_space<vmem>> -> memref<1x128xi32, #tpu.memory_space<vmem>>
      %dma_start3A_408 = tpu.memref_squeeze %dma_start3A_407 : memref<1x128xi32, #tpu.memory_space<vmem>> -> memref<128xi32, #tpu.memory_space<vmem>>
      %dma_start3A_409 = arith.constant 0 : i32
      %dma_start3A_410 = arith.constant 0 : i32
      %dma_start3A_411 = tpu.memref_slice %arg12[%dma_start3A_409, %dma_start3A_410] : memref<10240x128xf32, #tpu.memory_space<vmem_shared>> -> memref<10240x128xf32, #tpu.memory_space<vmem_shared>>
      tpu.enqueue_indirect_dma source(%arg11 : memref<128x128xf32, #tpu.memory_space<vmem>>) target(%dma_start3A_411 : memref<10240x128xf32, #tpu.memory_space<vmem_shared>>) offsets(%dma_start3A_408 : memref<128xi32, #tpu.memory_space<vmem>>) semaphore(%arg16 : memref<!tpu.dma_semaphore, #tpu.memory_space<semaphore_mem>>) {add = true}
      %mul3A_412 = arith.constant 2 : i32
      %mul3A_413 = arith.muli %mul3A_412, %scan3A_370 : i32
      %add3A_414 = arith.constant 0 : i32
      %add3A_415 = arith.addi %mul3A_413, %add3A_414 : i32
      %dma_wait3A_416 = arith.constant 0 : i32
      %dma_wait3A_417 = tpu.memref_slice %arg7[%add3A_415, %dma_wait3A_416] : memref<16x128xi32, #tpu.memory_space<vmem>> -> memref<1x128xi32, #tpu.memory_space<vmem>>
      %dma_wait3A_418 = tpu.memref_squeeze %dma_wait3A_417 : memref<1x128xi32, #tpu.memory_space<vmem>> -> memref<128xi32, #tpu.memory_space<vmem>>
      %dma_wait3A_419 = arith.constant 0 : i32
      %dma_wait3A_420 = arith.constant 0 : i32
      %dma_wait3A_421 = tpu.memref_slice %arg12[%dma_wait3A_419, %dma_wait3A_420] : memref<10240x128xf32, #tpu.memory_space<vmem_shared>> -> memref<10240x128xf32, #tpu.memory_space<vmem_shared>>
      tpu.wait_indirect_dma semaphore(%arg15 : memref<!tpu.dma_semaphore, #tpu.memory_space<semaphore_mem>>) src(%arg10 : memref<128x128xf32, #tpu.memory_space<vmem>>) dst(%dma_wait3A_421 : memref<10240x128xf32, #tpu.memory_space<vmem_shared>>)
      %mul3A_422 = arith.constant 2 : i32
      %mul3A_423 = arith.muli %mul3A_422, %scan3A_370 : i32
      %add3A_424 = arith.constant 2 : i32
      %add3A_425 = arith.addi %mul3A_423, %add3A_424 : i32
      %add3A_426 = arith.constant 0 : i32
      %add3A_427 = arith.addi %add3A_425, %add3A_426 : i32
      %dma_start3A_428 = arith.constant 0 : i32
      %dma_start3A_429 = tpu.memref_slice %arg6[%add3A_427, %dma_start3A_428] : memref<16x128xi32, #tpu.memory_space<vmem>> -> memref<1x128xi32, #tpu.memory_space<vmem>>
      %dma_start3A_430 = tpu.memref_squeeze %dma_start3A_429 : memref<1x128xi32, #tpu.memory_space<vmem>> -> memref<128xi32, #tpu.memory_space<vmem>>
      %dma_start3A_431 = arith.constant 0 : i32
      %dma_start3A_432 = arith.constant 0 : i32
      %dma_start3A_433 = tpu.memref_slice %arg2[%dma_start3A_431, %dma_start3A_432] : memref<10240x128xf32, #tpu.memory_space<hbm>> -> memref<10240x128xf32, #tpu.memory_space<hbm>>
      tpu.enqueue_indirect_dma source(%dma_start3A_433 : memref<10240x128xf32, #tpu.memory_space<hbm>>) target(%arg10 : memref<128x128xf32, #tpu.memory_space<vmem>>) offsets(%dma_start3A_430 : memref<128xi32, #tpu.memory_space<vmem>>) semaphore(%arg13 : memref<!tpu.dma_semaphore, #tpu.memory_space<semaphore_mem>>)
      %mul3A_434 = arith.constant 2 : i32
      %mul3A_435 = arith.muli %mul3A_434, %scan3A_370 : i32
      %add3A_436 = arith.constant 1 : i32
      %add3A_437 = arith.addi %mul3A_435, %add3A_436 : i32
      %dma_wait3A_438 = arith.constant 0 : i32
      %dma_wait3A_439 = tpu.memref_slice %arg7[%add3A_437, %dma_wait3A_438] : memref<16x128xi32, #tpu.memory_space<vmem>> -> memref<1x128xi32, #tpu.memory_space<vmem>>
      %dma_wait3A_440 = tpu.memref_squeeze %dma_wait3A_439 : memref<1x128xi32, #tpu.memory_space<vmem>> -> memref<128xi32, #tpu.memory_space<vmem>>
      %dma_wait3A_441 = arith.constant 0 : i32
      %dma_wait3A_442 = arith.constant 0 : i32
      %dma_wait3A_443 = tpu.memref_slice %arg12[%dma_wait3A_441, %dma_wait3A_442] : memref<10240x128xf32, #tpu.memory_space<vmem_shared>> -> memref<10240x128xf32, #tpu.memory_space<vmem_shared>>
      tpu.wait_indirect_dma semaphore(%arg16 : memref<!tpu.dma_semaphore, #tpu.memory_space<semaphore_mem>>) src(%arg11 : memref<128x128xf32, #tpu.memory_space<vmem>>) dst(%dma_wait3A_443 : memref<10240x128xf32, #tpu.memory_space<vmem_shared>>)
      %mul3A_444 = arith.constant 2 : i32
      %mul3A_445 = arith.muli %mul3A_444, %scan3A_370 : i32
      %add3A_446 = arith.constant 2 : i32
      %add3A_447 = arith.addi %mul3A_445, %add3A_446 : i32
      %add3A_448 = arith.constant 1 : i32
      %add3A_449 = arith.addi %add3A_447, %add3A_448 : i32
      %dma_start3A_450 = arith.constant 0 : i32
      %dma_start3A_451 = tpu.memref_slice %arg6[%add3A_449, %dma_start3A_450] : memref<16x128xi32, #tpu.memory_space<vmem>> -> memref<1x128xi32, #tpu.memory_space<vmem>>
      %dma_start3A_452 = tpu.memref_squeeze %dma_start3A_451 : memref<1x128xi32, #tpu.memory_space<vmem>> -> memref<128xi32, #tpu.memory_space<vmem>>
      %dma_start3A_453 = arith.constant 0 : i32
      %dma_start3A_454 = arith.constant 0 : i32
      %dma_start3A_455 = tpu.memref_slice %arg2[%dma_start3A_453, %dma_start3A_454] : memref<10240x128xf32, #tpu.memory_space<hbm>> -> memref<10240x128xf32, #tpu.memory_space<hbm>>
      tpu.enqueue_indirect_dma source(%dma_start3A_455 : memref<10240x128xf32, #tpu.memory_space<hbm>>) target(%arg11 : memref<128x128xf32, #tpu.memory_space<vmem>>) offsets(%dma_start3A_452 : memref<128xi32, #tpu.memory_space<vmem>>) semaphore(%arg14 : memref<!tpu.dma_semaphore, #tpu.memory_space<semaphore_mem>>)
      %scan3A_456 = arith.constant 0 : i32
      scf.yield %scan3A_456 : i32
    }
    %scan3A_319 = arith.constant 7 : i32
    %dma_wait3A_320 = arith.constant 14 : i32
    %dma_wait3A_321 = arith.constant 0 : i32
    %dma_wait3A_322 = tpu.memref_slice %arg6[%dma_wait3A_320, %dma_wait3A_321] : memref<16x128xi32, #tpu.memory_space<vmem>> -> memref<1x128xi32, #tpu.memory_space<vmem>>
    %dma_wait3A_323 = tpu.memref_squeeze %dma_wait3A_322 : memref<1x128xi32, #tpu.memory_space<vmem>> -> memref<128xi32, #tpu.memory_space<vmem>>
    %dma_wait3A_324 = arith.constant 0 : i32
    %dma_wait3A_325 = arith.constant 0 : i32
    %dma_wait3A_326 = tpu.memref_slice %arg2[%dma_wait3A_324, %dma_wait3A_325] : memref<10240x128xf32, #tpu.memory_space<hbm>> -> memref<10240x128xf32, #tpu.memory_space<hbm>>
    tpu.wait_indirect_dma semaphore(%arg13 : memref<!tpu.dma_semaphore, #tpu.memory_space<semaphore_mem>>) src(%dma_wait3A_326 : memref<10240x128xf32, #tpu.memory_space<hbm>>) dst(%arg10 : memref<128x128xf32, #tpu.memory_space<vmem>>)
    %dma_start3A_327 = arith.constant 14 : i32
    %dma_start3A_328 = arith.constant 0 : i32
    %dma_start3A_329 = tpu.memref_slice %arg7[%dma_start3A_327, %dma_start3A_328] : memref<16x128xi32, #tpu.memory_space<vmem>> -> memref<1x128xi32, #tpu.memory_space<vmem>>
    %dma_start3A_330 = tpu.memref_squeeze %dma_start3A_329 : memref<1x128xi32, #tpu.memory_space<vmem>> -> memref<128xi32, #tpu.memory_space<vmem>>
    %dma_start3A_331 = arith.constant 0 : i32
    %dma_start3A_332 = arith.constant 0 : i32
    %dma_start3A_333 = tpu.memref_slice %arg12[%dma_start3A_331, %dma_start3A_332] : memref<10240x128xf32, #tpu.memory_space<vmem_shared>> -> memref<10240x128xf32, #tpu.memory_space<vmem_shared>>
    tpu.enqueue_indirect_dma source(%arg10 : memref<128x128xf32, #tpu.memory_space<vmem>>) target(%dma_start3A_333 : memref<10240x128xf32, #tpu.memory_space<vmem_shared>>) offsets(%dma_start3A_330 : memref<128xi32, #tpu.memory_space<vmem>>) semaphore(%arg15 : memref<!tpu.dma_semaphore, #tpu.memory_space<semaphore_mem>>) {add = true}
    %dma_wait3A_334 = arith.constant 15 : i32
    %dma_wait3A_335 = arith.constant 0 : i32
    %dma_wait3A_336 = tpu.memref_slice %arg6[%dma_wait3A_334, %dma_wait3A_335] : memref<16x128xi32, #tpu.memory_space<vmem>> -> memref<1x128xi32, #tpu.memory_space<vmem>>
    %dma_wait3A_337 = tpu.memref_squeeze %dma_wait3A_336 : memref<1x128xi32, #tpu.memory_space<vmem>> -> memref<128xi32, #tpu.memory_space<vmem>>
    %dma_wait3A_338 = arith.constant 0 : i32
    %dma_wait3A_339 = arith.constant 0 : i32
    %dma_wait3A_340 = tpu.memref_slice %arg2[%dma_wait3A_338, %dma_wait3A_339] : memref<10240x128xf32, #tpu.memory_space<hbm>> -> memref<10240x128xf32, #tpu.memory_space<hbm>>
    tpu.wait_indirect_dma semaphore(%arg14 : memref<!tpu.dma_semaphore, #tpu.memory_space<semaphore_mem>>) src(%dma_wait3A_340 : memref<10240x128xf32, #tpu.memory_space<hbm>>) dst(%arg11 : memref<128x128xf32, #tpu.memory_space<vmem>>)
    %dma_start3A_341 = arith.constant 15 : i32
    %dma_start3A_342 = arith.constant 0 : i32
    %dma_start3A_343 = tpu.memref_slice %arg7[%dma_start3A_341, %dma_start3A_342] : memref<16x128xi32, #tpu.memory_space<vmem>> -> memref<1x128xi32, #tpu.memory_space<vmem>>
    %dma_start3A_344 = tpu.memref_squeeze %dma_start3A_343 : memref<1x128xi32, #tpu.memory_space<vmem>> -> memref<128xi32, #tpu.memory_space<vmem>>
    %dma_start3A_345 = arith.constant 0 : i32
    %dma_start3A_346 = arith.constant 0 : i32
    %dma_start3A_347 = tpu.memref_slice %arg12[%dma_start3A_345, %dma_start3A_346] : memref<10240x128xf32, #tpu.memory_space<vmem_shared>> -> memref<10240x128xf32, #tpu.memory_space<vmem_shared>>
    tpu.enqueue_indirect_dma source(%arg11 : memref<128x128xf32, #tpu.memory_space<vmem>>) target(%dma_start3A_347 : memref<10240x128xf32, #tpu.memory_space<vmem_shared>>) offsets(%dma_start3A_344 : memref<128xi32, #tpu.memory_space<vmem>>) semaphore(%arg16 : memref<!tpu.dma_semaphore, #tpu.memory_space<semaphore_mem>>) {add = true}
    %dma_wait3A_348 = arith.constant 14 : i32
    %dma_wait3A_349 = arith.constant 0 : i32
    %dma_wait3A_350 = tpu.memref_slice %arg7[%dma_wait3A_348, %dma_wait3A_349] : memref<16x128xi32, #tpu.memory_space<vmem>> -> memref<1x128xi32, #tpu.memory_space<vmem>>
    %dma_wait3A_351 = tpu.memref_squeeze %dma_wait3A_350 : memref<1x128xi32, #tpu.memory_space<vmem>> -> memref<128xi32, #tpu.memory_space<vmem>>
    %dma_wait3A_352 = arith.constant 0 : i32
    %dma_wait3A_353 = arith.constant 0 : i32
    %dma_wait3A_354 = tpu.memref_slice %arg12[%dma_wait3A_352, %dma_wait3A_353] : memref<10240x128xf32, #tpu.memory_space<vmem_shared>> -> memref<10240x128xf32, #tpu.memory_space<vmem_shared>>
    tpu.wait_indirect_dma semaphore(%arg15 : memref<!tpu.dma_semaphore, #tpu.memory_space<semaphore_mem>>) src(%arg10 : memref<128x128xf32, #tpu.memory_space<vmem>>) dst(%dma_wait3A_354 : memref<10240x128xf32, #tpu.memory_space<vmem_shared>>)
    %dma_wait3A_355 = arith.constant 15 : i32
    %dma_wait3A_356 = arith.constant 0 : i32
    %dma_wait3A_357 = tpu.memref_slice %arg7[%dma_wait3A_355, %dma_wait3A_356] : memref<16x128xi32, #tpu.memory_space<vmem>> -> memref<1x128xi32, #tpu.memory_space<vmem>>
    %dma_wait3A_358 = tpu.memref_squeeze %dma_wait3A_357 : memref<1x128xi32, #tpu.memory_space<vmem>> -> memref<128xi32, #tpu.memory_space<vmem>>
    %dma_wait3A_359 = arith.constant 0 : i32
    %dma_wait3A_360 = arith.constant 0 : i32
    %dma_wait3A_361 = tpu.memref_slice %arg12[%dma_wait3A_359, %dma_wait3A_360] : memref<10240x128xf32, #tpu.memory_space<vmem_shared>> -> memref<10240x128xf32, #tpu.memory_space<vmem_shared>>
    tpu.wait_indirect_dma semaphore(%arg16 : memref<!tpu.dma_semaphore, #tpu.memory_space<semaphore_mem>>) src(%arg11 : memref<128x128xf32, #tpu.memory_space<vmem>>) dst(%dma_wait3A_361 : memref<10240x128xf32, #tpu.memory_space<vmem_shared>>)
    %barrier3A_362 = arith.constant 0 : index
    tpu.barrier barrier_id(%barrier3A_362)
    %mul3A_363 = arith.constant 640 : i32
    %mul3A_364 = arith.muli %arg1, %mul3A_363 : i32
    %mul3A_365 = arith.constant 10240 : i32
    %mul3A_366 = arith.muli %arg0, %mul3A_365 : i32
    %mul3A_367 = arith.constant 640 : i32
    %mul3A_368 = arith.muli %arg1, %mul3A_367 : i32
    %add3A_369 = arith.addi %mul3A_366, %mul3A_368 : i32
    "tpu.region"() ({
      %run_scoped3A = tpu.sem_alloc : memref<!tpu.dma_semaphore, #tpu.memory_space<semaphore_mem>>
      %dma_start3A_370 = arith.constant 0 : i32
      %dma_start3A_371 = tpu.memref_slice %arg5[%add3A_369, %dma_start3A_370] : memref<20480x128xf32, #tpu.memory_space<hbm>> -> memref<640x128xf32, #tpu.memory_space<hbm>>
      %dma_start3A_372 = arith.constant 0 : i32
      %dma_start3A_373 = tpu.memref_slice %arg12[%mul3A_364, %dma_start3A_372] : memref<10240x128xf32, #tpu.memory_space<vmem_shared>> -> memref<640x128xf32, #tpu.memory_space<vmem_shared>>
      tpu.enqueue_dma source(%dma_start3A_373 : memref<640x128xf32, #tpu.memory_space<vmem_shared>>) target(%dma_start3A_371 : memref<640x128xf32, #tpu.memory_space<hbm>>) target_semaphore(%run_scoped3A : memref<!tpu.dma_semaphore, #tpu.memory_space<semaphore_mem>>)
      %dma_wait3A_374 = arith.constant 0 : i32
      %dma_wait3A_375 = tpu.memref_slice %arg5[%add3A_369, %dma_wait3A_374] : memref<20480x128xf32, #tpu.memory_space<hbm>> -> memref<640x128xf32, #tpu.memory_space<hbm>>
      %dma_wait3A_376 = arith.constant 0 : i32
      %dma_wait3A_377 = tpu.memref_slice %arg12[%mul3A_364, %dma_wait3A_376] : memref<10240x128xf32, #tpu.memory_space<vmem_shared>> -> memref<640x128xf32, #tpu.memory_space<vmem_shared>>
      tpu.wait_dma2 semaphore(%run_scoped3A : memref<!tpu.dma_semaphore, #tpu.memory_space<semaphore_mem>>) src(%dma_wait3A_377 : memref<640x128xf32, #tpu.memory_space<vmem_shared>>) dst(%dma_wait3A_375 : memref<640x128xf32, #tpu.memory_space<hbm>>)
      tpu.yield
    }) : () -> ()
    return
  }
}

#map = affine_map<(d0, d1) -> (0, 0)>
module attributes {stable_mosaic.version = 14 : i64} {
  func.func @_sc_edge_accum_body(%arg0: i32, %arg1: i32, %arg2: memref<10240x128xf32, #tpu.memory_space<hbm>>, %arg3: memref<2560x128xi32, #tpu.memory_space<hbm>>, %arg4: memref<2560x128xi32, #tpu.memory_space<hbm>>, %arg5: memref<20480x128xf32, #tpu.memory_space<hbm>>, %arg6: memref<16x128xi32, #tpu.memory_space<vmem>>, %arg7: memref<16x128xi32, #tpu.memory_space<vmem>>, %arg8: memref<16x128xi32, #tpu.memory_space<vmem>>, %arg9: memref<16x128xi32, #tpu.memory_space<vmem>>, %arg10: memref<128x128xf32, #tpu.memory_space<vmem>>, %arg11: memref<128x128xf32, #tpu.memory_space<vmem>>, %arg12: memref<10240x128xf32, #tpu.memory_space<vmem_shared>>, %arg13: memref<!tpu.dma_semaphore, #tpu.memory_space<semaphore_mem>>, %arg14: memref<!tpu.dma_semaphore, #tpu.memory_space<semaphore_mem>>, %arg15: memref<!tpu.dma_semaphore, #tpu.memory_space<semaphore_mem>>, %arg16: memref<!tpu.dma_semaphore, #tpu.memory_space<semaphore_mem>>) attributes {dimension_semantics = [#tpu.dimension_semantics<core_parallel>, #tpu.dimension_semantics<subcore_parallel>], iteration_bounds = array<i64: 2, 16>, scalar_prefetch = 0 : i64, scratch_operands = 11 : i64, tpu.core_type = #tpu.core_type<sc_vector_subcore>, window_params = [{transform_indices = #map}, {transform_indices = #map}, {transform_indices = #map}, {transform_indices = #map}]} {
    %mul3A = arith.constant 2 : i32
    %mul3A_0 = arith.muli %arg1, %mul3A : i32
    %add3A = arith.addi %mul3A_0, %arg0 : i32
    %mul3A_1 = arith.constant 80 : i32
    %mul3A_2 = arith.muli %add3A, %mul3A_1 : i32
    %scan3A = arith.constant 0 : i32
    %scan3A_3 = arith.constant 0 : i32
    %scan3A_4 = arith.constant 128 : i32
    %scan3A_5 = arith.addi %scan3A_3, %scan3A_4 : i32
    %scan3A_6 = arith.constant 1 : i32
    %scan3A_7 = scf.for %scan3A_370 = %scan3A_3 to %scan3A_5 step %scan3A_6 iter_args(%scan3A_371 = %scan3A) -> (i32)  : i32 {
      %broadcast_in_dim3A = arith.constant 0.000000e+00 : f32
      %broadcast_in_dim3A_372 = vector.broadcast %broadcast_in_dim3A : f32 to vector<16xf32>
      %swap3A = arith.index_cast %scan3A_370 : i32 to index
      %swap3A_373 = arith.constant 0 : index
      %swap3A_374 = tpu.vector_load %arg10[%swap3A, %swap3A_373] {strides = array<i32>} : memref<128x128xf32, #tpu.memory_space<vmem>>, vector<1x16xf32>,
      %swap3A_375 = vector.shape_cast %swap3A_374 : vector<1x16xf32> to vector<16xf32>
      %swap3A_376 = vector.shape_cast %broadcast_in_dim3A_372 : vector<16xf32> to vector<1x16xf32>
      tpu.vector_store %arg10[%swap3A, %swap3A_373], %swap3A_376 {strides = array<i32>} : memref<128x128xf32, #tpu.memory_space<vmem>>, vector<1x16xf32>,
      %broadcast_in_dim3A_377 = arith.constant 0.000000e+00 : f32
      %broadcast_in_dim3A_378 = vector.broadcast %broadcast_in_dim3A_377 : f32 to vector<16xf32>
      %swap3A_379 = arith.index_cast %scan3A_370 : i32 to index
      %swap3A_380 = arith.constant 16 : index
      %swap3A_381 = tpu.vector_load %arg10[%swap3A_379, %swap3A_380] {strides = array<i32>} : memref<128x128xf32, #tpu.memory_space<vmem>>, vector<1x16xf32>,
      %swap3A_382 = vector.shape_cast %swap3A_381 : vector<1x16xf32> to vector<16xf32>
      %swap3A_383 = vector.shape_cast %broadcast_in_dim3A_378 : vector<16xf32> to vector<1x16xf32>
      tpu.vector_store %arg10[%swap3A_379, %swap3A_380], %swap3A_383 {strides = array<i32>} : memref<128x128xf32, #tpu.memory_space<vmem>>, vector<1x16xf32>,
      %broadcast_in_dim3A_384 = arith.constant 0.000000e+00 : f32
      %broadcast_in_dim3A_385 = vector.broadcast %broadcast_in_dim3A_384 : f32 to vector<16xf32>
      %swap3A_386 = arith.index_cast %scan3A_370 : i32 to index
      %swap3A_387 = arith.constant 32 : index
      %swap3A_388 = tpu.vector_load %arg10[%swap3A_386, %swap3A_387] {strides = array<i32>} : memref<128x128xf32, #tpu.memory_space<vmem>>, vector<1x16xf32>,
      %swap3A_389 = vector.shape_cast %swap3A_388 : vector<1x16xf32> to vector<16xf32>
      %swap3A_390 = vector.shape_cast %broadcast_in_dim3A_385 : vector<16xf32> to vector<1x16xf32>
      tpu.vector_store %arg10[%swap3A_386, %swap3A_387], %swap3A_390 {strides = array<i32>} : memref<128x128xf32, #tpu.memory_space<vmem>>, vector<1x16xf32>,
      %broadcast_in_dim3A_391 = arith.constant 0.000000e+00 : f32
      %broadcast_in_dim3A_392 = vector.broadcast %broadcast_in_dim3A_391 : f32 to vector<16xf32>
      %swap3A_393 = arith.index_cast %scan3A_370 : i32 to index
      %swap3A_394 = arith.constant 48 : index
      %swap3A_395 = tpu.vector_load %arg10[%swap3A_393, %swap3A_394] {strides = array<i32>} : memref<128x128xf32, #tpu.memory_space<vmem>>, vector<1x16xf32>,
      %swap3A_396 = vector.shape_cast %swap3A_395 : vector<1x16xf32> to vector<16xf32>
      %swap3A_397 = vector.shape_cast %broadcast_in_dim3A_392 : vector<16xf32> to vector<1x16xf32>
      tpu.vector_store %arg10[%swap3A_393, %swap3A_394], %swap3A_397 {strides = array<i32>} : memref<128x128xf32, #tpu.memory_space<vmem>>, vector<1x16xf32>,
      %broadcast_in_dim3A_398 = arith.constant 0.000000e+00 : f32
      %broadcast_in_dim3A_399 = vector.broadcast %broadcast_in_dim3A_398 : f32 to vector<16xf32>
      %swap3A_400 = arith.index_cast %scan3A_370 : i32 to index
      %swap3A_401 = arith.constant 64 : index
      %swap3A_402 = tpu.vector_load %arg10[%swap3A_400, %swap3A_401] {strides = array<i32>} : memref<128x128xf32, #tpu.memory_space<vmem>>, vector<1x16xf32>,
      %swap3A_403 = vector.shape_cast %swap3A_402 : vector<1x16xf32> to vector<16xf32>
      %swap3A_404 = vector.shape_cast %broadcast_in_dim3A_399 : vector<16xf32> to vector<1x16xf32>
      tpu.vector_store %arg10[%swap3A_400, %swap3A_401], %swap3A_404 {strides = array<i32>} : memref<128x128xf32, #tpu.memory_space<vmem>>, vector<1x16xf32>,
      %broadcast_in_dim3A_405 = arith.constant 0.000000e+00 : f32
      %broadcast_in_dim3A_406 = vector.broadcast %broadcast_in_dim3A_405 : f32 to vector<16xf32>
      %swap3A_407 = arith.index_cast %scan3A_370 : i32 to index
      %swap3A_408 = arith.constant 80 : index
      %swap3A_409 = tpu.vector_load %arg10[%swap3A_407, %swap3A_408] {strides = array<i32>} : memref<128x128xf32, #tpu.memory_space<vmem>>, vector<1x16xf32>,
      %swap3A_410 = vector.shape_cast %swap3A_409 : vector<1x16xf32> to vector<16xf32>
      %swap3A_411 = vector.shape_cast %broadcast_in_dim3A_406 : vector<16xf32> to vector<1x16xf32>
      tpu.vector_store %arg10[%swap3A_407, %swap3A_408], %swap3A_411 {strides = array<i32>} : memref<128x128xf32, #tpu.memory_space<vmem>>, vector<1x16xf32>,
      %broadcast_in_dim3A_412 = arith.constant 0.000000e+00 : f32
      %broadcast_in_dim3A_413 = vector.broadcast %broadcast_in_dim3A_412 : f32 to vector<16xf32>
      %swap3A_414 = arith.index_cast %scan3A_370 : i32 to index
      %swap3A_415 = arith.constant 96 : index
      %swap3A_416 = tpu.vector_load %arg10[%swap3A_414, %swap3A_415] {strides = array<i32>} : memref<128x128xf32, #tpu.memory_space<vmem>>, vector<1x16xf32>,
      %swap3A_417 = vector.shape_cast %swap3A_416 : vector<1x16xf32> to vector<16xf32>
      %swap3A_418 = vector.shape_cast %broadcast_in_dim3A_413 : vector<16xf32> to vector<1x16xf32>
      tpu.vector_store %arg10[%swap3A_414, %swap3A_415], %swap3A_418 {strides = array<i32>} : memref<128x128xf32, #tpu.memory_space<vmem>>, vector<1x16xf32>,
      %broadcast_in_dim3A_419 = arith.constant 0.000000e+00 : f32
      %broadcast_in_dim3A_420 = vector.broadcast %broadcast_in_dim3A_419 : f32 to vector<16xf32>
      %swap3A_421 = arith.index_cast %scan3A_370 : i32 to index
      %swap3A_422 = arith.constant 112 : index
      %swap3A_423 = tpu.vector_load %arg10[%swap3A_421, %swap3A_422] {strides = array<i32>} : memref<128x128xf32, #tpu.memory_space<vmem>>, vector<1x16xf32>,
      %swap3A_424 = vector.shape_cast %swap3A_423 : vector<1x16xf32> to vector<16xf32>
      %swap3A_425 = vector.shape_cast %broadcast_in_dim3A_420 : vector<16xf32> to vector<1x16xf32>
      tpu.vector_store %arg10[%swap3A_421, %swap3A_422], %swap3A_425 {strides = array<i32>} : memref<128x128xf32, #tpu.memory_space<vmem>>, vector<1x16xf32>,
      %scan3A_426 = arith.constant 0 : i32
      scf.yield %scan3A_426 : i32
    }
    %scan3A_8 = arith.constant 128 : i32
    %mul3A_9 = arith.constant 640 : i32
    %mul3A_10 = arith.muli %arg1, %mul3A_9 : i32
    %add3A_11 = arith.constant 0 : i32
    %add3A_12 = arith.addi %mul3A_10, %add3A_11 : i32
    "tpu.region"() ({
      %run_scoped3A = tpu.sem_alloc : memref<!tpu.dma_semaphore, #tpu.memory_space<semaphore_mem>>
      %dma_start3A_370 = arith.constant 0 : i32
      %dma_start3A_371 = tpu.memref_slice %arg12[%add3A_12, %dma_start3A_370] : memref<10240x128xf32, #tpu.memory_space<vmem_shared>> -> memref<128x128xf32, #tpu.memory_space<vmem_shared>>
      %dma_start3A_372 = arith.constant 0 : i32
      %dma_start3A_373 = tpu.memref_slice %arg12[%add3A_12, %dma_start3A_372] : memref<10240x128xf32, #tpu.memory_space<vmem_shared>> -> memref<128x128xf32, #tpu.memory_space<vmem_shared>>
      tpu.enqueue_dma source(%arg10 : memref<128x128xf32, #tpu.memory_space<vmem>>) target(%dma_start3A_373 : memref<128x128xf32, #tpu.memory_space<vmem_shared>>) target_semaphore(%run_scoped3A : memref<!tpu.dma_semaphore, #tpu.memory_space<semaphore_mem>>)
      %dma_wait3A_374 = arith.constant 0 : i32
      %dma_wait3A_375 = tpu.memref_slice %arg12[%add3A_12, %dma_wait3A_374] : memref<10240x128xf32, #tpu.memory_space<vmem_shared>> -> memref<128x128xf32, #tpu.memory_space<vmem_shared>>
      %dma_wait3A_376 = arith.constant 0 : i32
      %dma_wait3A_377 = tpu.memref_slice %arg12[%add3A_12, %dma_wait3A_376] : memref<10240x128xf32, #tpu.memory_space<vmem_shared>> -> memref<128x128xf32, #tpu.memory_space<vmem_shared>>
      tpu.wait_dma2 semaphore(%run_scoped3A : memref<!tpu.dma_semaphore, #tpu.memory_space<semaphore_mem>>) src(%arg10 : memref<128x128xf32, #tpu.memory_space<vmem>>) dst(%dma_wait3A_377 : memref<128x128xf32, #tpu.memory_space<vmem_shared>>)
      tpu.yield
    }) : () -> ()
    %mul3A_13 = arith.constant 640 : i32
    %mul3A_14 = arith.muli %arg1, %mul3A_13 : i32
    %add3A_15 = arith.constant 128 : i32
    %add3A_16 = arith.addi %mul3A_14, %add3A_15 : i32
    "tpu.region"() ({
      %run_scoped3A = tpu.sem_alloc : memref<!tpu.dma_semaphore, #tpu.memory_space<semaphore_mem>>
      %dma_start3A_370 = arith.constant 0 : i32
      %dma_start3A_371 = tpu.memref_slice %arg12[%add3A_16, %dma_start3A_370] : memref<10240x128xf32, #tpu.memory_space<vmem_shared>> -> memref<128x128xf32, #tpu.memory_space<vmem_shared>>
      %dma_start3A_372 = arith.constant 0 : i32
      %dma_start3A_373 = tpu.memref_slice %arg12[%add3A_16, %dma_start3A_372] : memref<10240x128xf32, #tpu.memory_space<vmem_shared>> -> memref<128x128xf32, #tpu.memory_space<vmem_shared>>
      tpu.enqueue_dma source(%arg10 : memref<128x128xf32, #tpu.memory_space<vmem>>) target(%dma_start3A_373 : memref<128x128xf32, #tpu.memory_space<vmem_shared>>) target_semaphore(%run_scoped3A : memref<!tpu.dma_semaphore, #tpu.memory_space<semaphore_mem>>)
      %dma_wait3A_374 = arith.constant 0 : i32
      %dma_wait3A_375 = tpu.memref_slice %arg12[%add3A_16, %dma_wait3A_374] : memref<10240x128xf32, #tpu.memory_space<vmem_shared>> -> memref<128x128xf32, #tpu.memory_space<vmem_shared>>
      %dma_wait3A_376 = arith.constant 0 : i32
      %dma_wait3A_377 = tpu.memref_slice %arg12[%add3A_16, %dma_wait3A_376] : memref<10240x128xf32, #tpu.memory_space<vmem_shared>> -> memref<128x128xf32, #tpu.memory_space<vmem_shared>>
      tpu.wait_dma2 semaphore(%run_scoped3A : memref<!tpu.dma_semaphore, #tpu.memory_space<semaphore_mem>>) src(%arg10 : memref<128x128xf32, #tpu.memory_space<vmem>>) dst(%dma_wait3A_377 : memref<128x128xf32, #tpu.memory_space<vmem_shared>>)
      tpu.yield
    }) : () -> ()
    %mul3A_17 = arith.constant 640 : i32
    %mul3A_18 = arith.muli %arg1, %mul3A_17 : i32
    %add3A_19 = arith.constant 256 : i32
    %add3A_20 = arith.addi %mul3A_18, %add3A_19 : i32
    "tpu.region"() ({
      %run_scoped3A = tpu.sem_alloc : memref<!tpu.dma_semaphore, #tpu.memory_space<semaphore_mem>>
      %dma_start3A_370 = arith.constant 0 : i32
      %dma_start3A_371 = tpu.memref_slice %arg12[%add3A_20, %dma_start3A_370] : memref<10240x128xf32, #tpu.memory_space<vmem_shared>> -> memref<128x128xf32, #tpu.memory_space<vmem_shared>>
      %dma_start3A_372 = arith.constant 0 : i32
      %dma_start3A_373 = tpu.memref_slice %arg12[%add3A_20, %dma_start3A_372] : memref<10240x128xf32, #tpu.memory_space<vmem_shared>> -> memref<128x128xf32, #tpu.memory_space<vmem_shared>>
      tpu.enqueue_dma source(%arg10 : memref<128x128xf32, #tpu.memory_space<vmem>>) target(%dma_start3A_373 : memref<128x128xf32, #tpu.memory_space<vmem_shared>>) target_semaphore(%run_scoped3A : memref<!tpu.dma_semaphore, #tpu.memory_space<semaphore_mem>>)
      %dma_wait3A_374 = arith.constant 0 : i32
      %dma_wait3A_375 = tpu.memref_slice %arg12[%add3A_20, %dma_wait3A_374] : memref<10240x128xf32, #tpu.memory_space<vmem_shared>> -> memref<128x128xf32, #tpu.memory_space<vmem_shared>>
      %dma_wait3A_376 = arith.constant 0 : i32
      %dma_wait3A_377 = tpu.memref_slice %arg12[%add3A_20, %dma_wait3A_376] : memref<10240x128xf32, #tpu.memory_space<vmem_shared>> -> memref<128x128xf32, #tpu.memory_space<vmem_shared>>
      tpu.wait_dma2 semaphore(%run_scoped3A : memref<!tpu.dma_semaphore, #tpu.memory_space<semaphore_mem>>) src(%arg10 : memref<128x128xf32, #tpu.memory_space<vmem>>) dst(%dma_wait3A_377 : memref<128x128xf32, #tpu.memory_space<vmem_shared>>)
      tpu.yield
    }) : () -> ()
    %mul3A_21 = arith.constant 640 : i32
    %mul3A_22 = arith.muli %arg1, %mul3A_21 : i32
    %add3A_23 = arith.constant 384 : i32
    %add3A_24 = arith.addi %mul3A_22, %add3A_23 : i32
    "tpu.region"() ({
      %run_scoped3A = tpu.sem_alloc : memref<!tpu.dma_semaphore, #tpu.memory_space<semaphore_mem>>
      %dma_start3A_370 = arith.constant 0 : i32
      %dma_start3A_371 = tpu.memref_slice %arg12[%add3A_24, %dma_start3A_370] : memref<10240x128xf32, #tpu.memory_space<vmem_shared>> -> memref<128x128xf32, #tpu.memory_space<vmem_shared>>
      %dma_start3A_372 = arith.constant 0 : i32
      %dma_start3A_373 = tpu.memref_slice %arg12[%add3A_24, %dma_start3A_372] : memref<10240x128xf32, #tpu.memory_space<vmem_shared>> -> memref<128x128xf32, #tpu.memory_space<vmem_shared>>
      tpu.enqueue_dma source(%arg10 : memref<128x128xf32, #tpu.memory_space<vmem>>) target(%dma_start3A_373 : memref<128x128xf32, #tpu.memory_space<vmem_shared>>) target_semaphore(%run_scoped3A : memref<!tpu.dma_semaphore, #tpu.memory_space<semaphore_mem>>)
      %dma_wait3A_374 = arith.constant 0 : i32
      %dma_wait3A_375 = tpu.memref_slice %arg12[%add3A_24, %dma_wait3A_374] : memref<10240x128xf32, #tpu.memory_space<vmem_shared>> -> memref<128x128xf32, #tpu.memory_space<vmem_shared>>
      %dma_wait3A_376 = arith.constant 0 : i32
      %dma_wait3A_377 = tpu.memref_slice %arg12[%add3A_24, %dma_wait3A_376] : memref<10240x128xf32, #tpu.memory_space<vmem_shared>> -> memref<128x128xf32, #tpu.memory_space<vmem_shared>>
      tpu.wait_dma2 semaphore(%run_scoped3A : memref<!tpu.dma_semaphore, #tpu.memory_space<semaphore_mem>>) src(%arg10 : memref<128x128xf32, #tpu.memory_space<vmem>>) dst(%dma_wait3A_377 : memref<128x128xf32, #tpu.memory_space<vmem_shared>>)
      tpu.yield
    }) : () -> ()
    %mul3A_25 = arith.constant 640 : i32
    %mul3A_26 = arith.muli %arg1, %mul3A_25 : i32
    %add3A_27 = arith.constant 512 : i32
    %add3A_28 = arith.addi %mul3A_26, %add3A_27 : i32
    "tpu.region"() ({
      %run_scoped3A = tpu.sem_alloc : memref<!tpu.dma_semaphore, #tpu.memory_space<semaphore_mem>>
      %dma_start3A_370 = arith.constant 0 : i32
      %dma_start3A_371 = tpu.memref_slice %arg12[%add3A_28, %dma_start3A_370] : memref<10240x128xf32, #tpu.memory_space<vmem_shared>> -> memref<128x128xf32, #tpu.memory_space<vmem_shared>>
      %dma_start3A_372 = arith.constant 0 : i32
      %dma_start3A_373 = tpu.memref_slice %arg12[%add3A_28, %dma_start3A_372] : memref<10240x128xf32, #tpu.memory_space<vmem_shared>> -> memref<128x128xf32, #tpu.memory_space<vmem_shared>>
      tpu.enqueue_dma source(%arg10 : memref<128x128xf32, #tpu.memory_space<vmem>>) target(%dma_start3A_373 : memref<128x128xf32, #tpu.memory_space<vmem_shared>>) target_semaphore(%run_scoped3A : memref<!tpu.dma_semaphore, #tpu.memory_space<semaphore_mem>>)
      %dma_wait3A_374 = arith.constant 0 : i32
      %dma_wait3A_375 = tpu.memref_slice %arg12[%add3A_28, %dma_wait3A_374] : memref<10240x128xf32, #tpu.memory_space<vmem_shared>> -> memref<128x128xf32, #tpu.memory_space<vmem_shared>>
      %dma_wait3A_376 = arith.constant 0 : i32
      %dma_wait3A_377 = tpu.memref_slice %arg12[%add3A_28, %dma_wait3A_376] : memref<10240x128xf32, #tpu.memory_space<vmem_shared>> -> memref<128x128xf32, #tpu.memory_space<vmem_shared>>
      tpu.wait_dma2 semaphore(%run_scoped3A : memref<!tpu.dma_semaphore, #tpu.memory_space<semaphore_mem>>) src(%arg10 : memref<128x128xf32, #tpu.memory_space<vmem>>) dst(%dma_wait3A_377 : memref<128x128xf32, #tpu.memory_space<vmem_shared>>)
      tpu.yield
    }) : () -> ()
    %barrier3A = arith.constant 0 : index
    tpu.barrier barrier_id(%barrier3A)
    %add3A_29 = arith.constant 0 : i32
    %add3A_30 = arith.addi %mul3A_2, %add3A_29 : i32
    "tpu.region"() ({
      %run_scoped3A = tpu.sem_alloc : memref<!tpu.dma_semaphore, #tpu.memory_space<semaphore_mem>>
      %dma_start3A_370 = arith.constant 0 : i32
      %dma_start3A_371 = tpu.memref_slice %arg3[%add3A_30, %dma_start3A_370] : memref<2560x128xi32, #tpu.memory_space<hbm>> -> memref<16x128xi32, #tpu.memory_space<hbm>>
      %dma_start3A_372 = arith.constant 0 : i32
      %dma_start3A_373 = tpu.memref_slice %arg3[%add3A_30, %dma_start3A_372] : memref<2560x128xi32, #tpu.memory_space<hbm>> -> memref<16x128xi32, #tpu.memory_space<hbm>>
      tpu.enqueue_dma source(%dma_start3A_373 : memref<16x128xi32, #tpu.memory_space<hbm>>) target(%arg6 : memref<16x128xi32, #tpu.memory_space<vmem>>) target_semaphore(%run_scoped3A : memref<!tpu.dma_semaphore, #tpu.memory_space<semaphore_mem>>)
      %dma_wait3A_374 = arith.constant 0 : i32
      %dma_wait3A_375 = tpu.memref_slice %arg3[%add3A_30, %dma_wait3A_374] : memref<2560x128xi32, #tpu.memory_space<hbm>> -> memref<16x128xi32, #tpu.memory_space<hbm>>
      %dma_wait3A_376 = arith.constant 0 : i32
      %dma_wait3A_377 = tpu.memref_slice %arg3[%add3A_30, %dma_wait3A_376] : memref<2560x128xi32, #tpu.memory_space<hbm>> -> memref<16x128xi32, #tpu.memory_space<hbm>>
      tpu.wait_dma2 semaphore(%run_scoped3A : memref<!tpu.dma_semaphore, #tpu.memory_space<semaphore_mem>>) src(%dma_wait3A_377 : memref<16x128xi32, #tpu.memory_space<hbm>>) dst(%arg6 : memref<16x128xi32, #tpu.memory_space<vmem>>)
      tpu.yield
    }) : () -> ()
    %add3A_31 = arith.constant 0 : i32
    %add3A_32 = arith.addi %mul3A_2, %add3A_31 : i32
    "tpu.region"() ({
      %run_scoped3A = tpu.sem_alloc : memref<!tpu.dma_semaphore, #tpu.memory_space<semaphore_mem>>
      %dma_start3A_370 = arith.constant 0 : i32
      %dma_start3A_371 = tpu.memref_slice %arg4[%add3A_32, %dma_start3A_370] : memref<2560x128xi32, #tpu.memory_space<hbm>> -> memref<16x128xi32, #tpu.memory_space<hbm>>
      %dma_start3A_372 = arith.constant 0 : i32
      %dma_start3A_373 = tpu.memref_slice %arg4[%add3A_32, %dma_start3A_372] : memref<2560x128xi32, #tpu.memory_space<hbm>> -> memref<16x128xi32, #tpu.memory_space<hbm>>
      tpu.enqueue_dma source(%dma_start3A_373 : memref<16x128xi32, #tpu.memory_space<hbm>>) target(%arg7 : memref<16x128xi32, #tpu.memory_space<vmem>>) target_semaphore(%run_scoped3A : memref<!tpu.dma_semaphore, #tpu.memory_space<semaphore_mem>>)
      %dma_wait3A_374 = arith.constant 0 : i32
      %dma_wait3A_375 = tpu.memref_slice %arg4[%add3A_32, %dma_wait3A_374] : memref<2560x128xi32, #tpu.memory_space<hbm>> -> memref<16x128xi32, #tpu.memory_space<hbm>>
      %dma_wait3A_376 = arith.constant 0 : i32
      %dma_wait3A_377 = tpu.memref_slice %arg4[%add3A_32, %dma_wait3A_376] : memref<2560x128xi32, #tpu.memory_space<hbm>> -> memref<16x128xi32, #tpu.memory_space<hbm>>
      tpu.wait_dma2 semaphore(%run_scoped3A : memref<!tpu.dma_semaphore, #tpu.memory_space<semaphore_mem>>) src(%dma_wait3A_377 : memref<16x128xi32, #tpu.memory_space<hbm>>) dst(%arg7 : memref<16x128xi32, #tpu.memory_space<vmem>>)
      tpu.yield
    }) : () -> ()
    %dma_start3A = arith.constant 0 : i32
    %dma_start3A_33 = arith.constant 0 : i32
    %dma_start3A_34 = tpu.memref_slice %arg6[%dma_start3A, %dma_start3A_33] : memref<16x128xi32, #tpu.memory_space<vmem>> -> memref<1x128xi32, #tpu.memory_space<vmem>>
    %dma_start3A_35 = tpu.memref_squeeze %dma_start3A_34 : memref<1x128xi32, #tpu.memory_space<vmem>> -> memref<128xi32, #tpu.memory_space<vmem>>
    %dma_start3A_36 = arith.constant 0 : i32
    %dma_start3A_37 = arith.constant 0 : i32
    %dma_start3A_38 = tpu.memref_slice %arg2[%dma_start3A_36, %dma_start3A_37] : memref<10240x128xf32, #tpu.memory_space<hbm>> -> memref<10240x128xf32, #tpu.memory_space<hbm>>
    tpu.enqueue_indirect_dma source(%dma_start3A_38 : memref<10240x128xf32, #tpu.memory_space<hbm>>) target(%arg10 : memref<128x128xf32, #tpu.memory_space<vmem>>) offsets(%dma_start3A_35 : memref<128xi32, #tpu.memory_space<vmem>>) semaphore(%arg13 : memref<!tpu.dma_semaphore, #tpu.memory_space<semaphore_mem>>)
    %dma_start3A_39 = arith.constant 1 : i32
    %dma_start3A_40 = arith.constant 0 : i32
    %dma_start3A_41 = tpu.memref_slice %arg6[%dma_start3A_39, %dma_start3A_40] : memref<16x128xi32, #tpu.memory_space<vmem>> -> memref<1x128xi32, #tpu.memory_space<vmem>>
    %dma_start3A_42 = tpu.memref_squeeze %dma_start3A_41 : memref<1x128xi32, #tpu.memory_space<vmem>> -> memref<128xi32, #tpu.memory_space<vmem>>
    %dma_start3A_43 = arith.constant 0 : i32
    %dma_start3A_44 = arith.constant 0 : i32
    %dma_start3A_45 = tpu.memref_slice %arg2[%dma_start3A_43, %dma_start3A_44] : memref<10240x128xf32, #tpu.memory_space<hbm>> -> memref<10240x128xf32, #tpu.memory_space<hbm>>
    tpu.enqueue_indirect_dma source(%dma_start3A_45 : memref<10240x128xf32, #tpu.memory_space<hbm>>) target(%arg11 : memref<128x128xf32, #tpu.memory_space<vmem>>) offsets(%dma_start3A_42 : memref<128xi32, #tpu.memory_space<vmem>>) semaphore(%arg14 : memref<!tpu.dma_semaphore, #tpu.memory_space<semaphore_mem>>)
    %scan3A_46 = arith.constant 0 : i32
    %scan3A_47 = arith.constant 0 : i32
    %scan3A_48 = arith.constant 7 : i32
    %scan3A_49 = arith.addi %scan3A_47, %scan3A_48 : i32
    %scan3A_50 = arith.constant 1 : i32
    %scan3A_51 = scf.for %scan3A_370 = %scan3A_47 to %scan3A_49 step %scan3A_50 iter_args(%scan3A_371 = %scan3A_46) -> (i32)  : i32 {
      %mul3A_372 = arith.constant 2 : i32
      %mul3A_373 = arith.muli %mul3A_372, %scan3A_370 : i32
      %add3A_374 = arith.constant 0 : i32
      %add3A_375 = arith.addi %mul3A_373, %add3A_374 : i32
      %dma_wait3A_376 = arith.constant 0 : i32
      %dma_wait3A_377 = tpu.memref_slice %arg6[%add3A_375, %dma_wait3A_376] : memref<16x128xi32, #tpu.memory_space<vmem>> -> memref<1x128xi32, #tpu.memory_space<vmem>>
      %dma_wait3A_378 = tpu.memref_squeeze %dma_wait3A_377 : memref<1x128xi32, #tpu.memory_space<vmem>> -> memref<128xi32, #tpu.memory_space<vmem>>
      %dma_wait3A_379 = arith.constant 0 : i32
      %dma_wait3A_380 = arith.constant 0 : i32
      %dma_wait3A_381 = tpu.memref_slice %arg2[%dma_wait3A_379, %dma_wait3A_380] : memref<10240x128xf32, #tpu.memory_space<hbm>> -> memref<10240x128xf32, #tpu.memory_space<hbm>>
      tpu.wait_indirect_dma semaphore(%arg13 : memref<!tpu.dma_semaphore, #tpu.memory_space<semaphore_mem>>) src(%dma_wait3A_381 : memref<10240x128xf32, #tpu.memory_space<hbm>>) dst(%arg10 : memref<128x128xf32, #tpu.memory_space<vmem>>)
      %mul3A_382 = arith.constant 2 : i32
      %mul3A_383 = arith.muli %mul3A_382, %scan3A_370 : i32
      %add3A_384 = arith.constant 0 : i32
      %add3A_385 = arith.addi %mul3A_383, %add3A_384 : i32
      %dma_start3A_386 = arith.constant 0 : i32
      %dma_start3A_387 = tpu.memref_slice %arg7[%add3A_385, %dma_start3A_386] : memref<16x128xi32, #tpu.memory_space<vmem>> -> memref<1x128xi32, #tpu.memory_space<vmem>>
      %dma_start3A_388 = tpu.memref_squeeze %dma_start3A_387 : memref<1x128xi32, #tpu.memory_space<vmem>> -> memref<128xi32, #tpu.memory_space<vmem>>
      %dma_start3A_389 = arith.constant 0 : i32
      %dma_start3A_390 = arith.constant 0 : i32
      %dma_start3A_391 = tpu.memref_slice %arg12[%dma_start3A_389, %dma_start3A_390] : memref<10240x128xf32, #tpu.memory_space<vmem_shared>> -> memref<10240x128xf32, #tpu.memory_space<vmem_shared>>
      tpu.enqueue_indirect_dma source(%arg10 : memref<128x128xf32, #tpu.memory_space<vmem>>) target(%dma_start3A_391 : memref<10240x128xf32, #tpu.memory_space<vmem_shared>>) offsets(%dma_start3A_388 : memref<128xi32, #tpu.memory_space<vmem>>) semaphore(%arg15 : memref<!tpu.dma_semaphore, #tpu.memory_space<semaphore_mem>>) {add = true}
      %mul3A_392 = arith.constant 2 : i32
      %mul3A_393 = arith.muli %mul3A_392, %scan3A_370 : i32
      %add3A_394 = arith.constant 1 : i32
      %add3A_395 = arith.addi %mul3A_393, %add3A_394 : i32
      %dma_wait3A_396 = arith.constant 0 : i32
      %dma_wait3A_397 = tpu.memref_slice %arg6[%add3A_395, %dma_wait3A_396] : memref<16x128xi32, #tpu.memory_space<vmem>> -> memref<1x128xi32, #tpu.memory_space<vmem>>
      %dma_wait3A_398 = tpu.memref_squeeze %dma_wait3A_397 : memref<1x128xi32, #tpu.memory_space<vmem>> -> memref<128xi32, #tpu.memory_space<vmem>>
      %dma_wait3A_399 = arith.constant 0 : i32
      %dma_wait3A_400 = arith.constant 0 : i32
      %dma_wait3A_401 = tpu.memref_slice %arg2[%dma_wait3A_399, %dma_wait3A_400] : memref<10240x128xf32, #tpu.memory_space<hbm>> -> memref<10240x128xf32, #tpu.memory_space<hbm>>
      tpu.wait_indirect_dma semaphore(%arg14 : memref<!tpu.dma_semaphore, #tpu.memory_space<semaphore_mem>>) src(%dma_wait3A_401 : memref<10240x128xf32, #tpu.memory_space<hbm>>) dst(%arg11 : memref<128x128xf32, #tpu.memory_space<vmem>>)
      %mul3A_402 = arith.constant 2 : i32
      %mul3A_403 = arith.muli %mul3A_402, %scan3A_370 : i32
      %add3A_404 = arith.constant 1 : i32
      %add3A_405 = arith.addi %mul3A_403, %add3A_404 : i32
      %dma_start3A_406 = arith.constant 0 : i32
      %dma_start3A_407 = tpu.memref_slice %arg7[%add3A_405, %dma_start3A_406] : memref<16x128xi32, #tpu.memory_space<vmem>> -> memref<1x128xi32, #tpu.memory_space<vmem>>
      %dma_start3A_408 = tpu.memref_squeeze %dma_start3A_407 : memref<1x128xi32, #tpu.memory_space<vmem>> -> memref<128xi32, #tpu.memory_space<vmem>>
      %dma_start3A_409 = arith.constant 0 : i32
      %dma_start3A_410 = arith.constant 0 : i32
      %dma_start3A_411 = tpu.memref_slice %arg12[%dma_start3A_409, %dma_start3A_410] : memref<10240x128xf32, #tpu.memory_space<vmem_shared>> -> memref<10240x128xf32, #tpu.memory_space<vmem_shared>>
      tpu.enqueue_indirect_dma source(%arg11 : memref<128x128xf32, #tpu.memory_space<vmem>>) target(%dma_start3A_411 : memref<10240x128xf32, #tpu.memory_space<vmem_shared>>) offsets(%dma_start3A_408 : memref<128xi32, #tpu.memory_space<vmem>>) semaphore(%arg16 : memref<!tpu.dma_semaphore, #tpu.memory_space<semaphore_mem>>) {add = true}
      %mul3A_412 = arith.constant 2 : i32
      %mul3A_413 = arith.muli %mul3A_412, %scan3A_370 : i32
      %add3A_414 = arith.constant 0 : i32
      %add3A_415 = arith.addi %mul3A_413, %add3A_414 : i32
      %dma_wait3A_416 = arith.constant 0 : i32
      %dma_wait3A_417 = tpu.memref_slice %arg7[%add3A_415, %dma_wait3A_416] : memref<16x128xi32, #tpu.memory_space<vmem>> -> memref<1x128xi32, #tpu.memory_space<vmem>>
      %dma_wait3A_418 = tpu.memref_squeeze %dma_wait3A_417 : memref<1x128xi32, #tpu.memory_space<vmem>> -> memref<128xi32, #tpu.memory_space<vmem>>
      %dma_wait3A_419 = arith.constant 0 : i32
      %dma_wait3A_420 = arith.constant 0 : i32
      %dma_wait3A_421 = tpu.memref_slice %arg12[%dma_wait3A_419, %dma_wait3A_420] : memref<10240x128xf32, #tpu.memory_space<vmem_shared>> -> memref<10240x128xf32, #tpu.memory_space<vmem_shared>>
      tpu.wait_indirect_dma semaphore(%arg15 : memref<!tpu.dma_semaphore, #tpu.memory_space<semaphore_mem>>) src(%arg10 : memref<128x128xf32, #tpu.memory_space<vmem>>) dst(%dma_wait3A_421 : memref<10240x128xf32, #tpu.memory_space<vmem_shared>>)
      %mul3A_422 = arith.constant 2 : i32
      %mul3A_423 = arith.muli %mul3A_422, %scan3A_370 : i32
      %add3A_424 = arith.constant 2 : i32
      %add3A_425 = arith.addi %mul3A_423, %add3A_424 : i32
      %add3A_426 = arith.constant 0 : i32
      %add3A_427 = arith.addi %add3A_425, %add3A_426 : i32
      %dma_start3A_428 = arith.constant 0 : i32
      %dma_start3A_429 = tpu.memref_slice %arg6[%add3A_427, %dma_start3A_428] : memref<16x128xi32, #tpu.memory_space<vmem>> -> memref<1x128xi32, #tpu.memory_space<vmem>>
      %dma_start3A_430 = tpu.memref_squeeze %dma_start3A_429 : memref<1x128xi32, #tpu.memory_space<vmem>> -> memref<128xi32, #tpu.memory_space<vmem>>
      %dma_start3A_431 = arith.constant 0 : i32
      %dma_start3A_432 = arith.constant 0 : i32
      %dma_start3A_433 = tpu.memref_slice %arg2[%dma_start3A_431, %dma_start3A_432] : memref<10240x128xf32, #tpu.memory_space<hbm>> -> memref<10240x128xf32, #tpu.memory_space<hbm>>
      tpu.enqueue_indirect_dma source(%dma_start3A_433 : memref<10240x128xf32, #tpu.memory_space<hbm>>) target(%arg10 : memref<128x128xf32, #tpu.memory_space<vmem>>) offsets(%dma_start3A_430 : memref<128xi32, #tpu.memory_space<vmem>>) semaphore(%arg13 : memref<!tpu.dma_semaphore, #tpu.memory_space<semaphore_mem>>)
      %mul3A_434 = arith.constant 2 : i32
      %mul3A_435 = arith.muli %mul3A_434, %scan3A_370 : i32
      %add3A_436 = arith.constant 1 : i32
      %add3A_437 = arith.addi %mul3A_435, %add3A_436 : i32
      %dma_wait3A_438 = arith.constant 0 : i32
      %dma_wait3A_439 = tpu.memref_slice %arg7[%add3A_437, %dma_wait3A_438] : memref<16x128xi32, #tpu.memory_space<vmem>> -> memref<1x128xi32, #tpu.memory_space<vmem>>
      %dma_wait3A_440 = tpu.memref_squeeze %dma_wait3A_439 : memref<1x128xi32, #tpu.memory_space<vmem>> -> memref<128xi32, #tpu.memory_space<vmem>>
      %dma_wait3A_441 = arith.constant 0 : i32
      %dma_wait3A_442 = arith.constant 0 : i32
      %dma_wait3A_443 = tpu.memref_slice %arg12[%dma_wait3A_441, %dma_wait3A_442] : memref<10240x128xf32, #tpu.memory_space<vmem_shared>> -> memref<10240x128xf32, #tpu.memory_space<vmem_shared>>
      tpu.wait_indirect_dma semaphore(%arg16 : memref<!tpu.dma_semaphore, #tpu.memory_space<semaphore_mem>>) src(%arg11 : memref<128x128xf32, #tpu.memory_space<vmem>>) dst(%dma_wait3A_443 : memref<10240x128xf32, #tpu.memory_space<vmem_shared>>)
      %mul3A_444 = arith.constant 2 : i32
      %mul3A_445 = arith.muli %mul3A_444, %scan3A_370 : i32
      %add3A_446 = arith.constant 2 : i32
      %add3A_447 = arith.addi %mul3A_445, %add3A_446 : i32
      %add3A_448 = arith.constant 1 : i32
      %add3A_449 = arith.addi %add3A_447, %add3A_448 : i32
      %dma_start3A_450 = arith.constant 0 : i32
      %dma_start3A_451 = tpu.memref_slice %arg6[%add3A_449, %dma_start3A_450] : memref<16x128xi32, #tpu.memory_space<vmem>> -> memref<1x128xi32, #tpu.memory_space<vmem>>
      %dma_start3A_452 = tpu.memref_squeeze %dma_start3A_451 : memref<1x128xi32, #tpu.memory_space<vmem>> -> memref<128xi32, #tpu.memory_space<vmem>>
      %dma_start3A_453 = arith.constant 0 : i32
      %dma_start3A_454 = arith.constant 0 : i32
      %dma_start3A_455 = tpu.memref_slice %arg2[%dma_start3A_453, %dma_start3A_454] : memref<10240x128xf32, #tpu.memory_space<hbm>> -> memref<10240x128xf32, #tpu.memory_space<hbm>>
      tpu.enqueue_indirect_dma source(%dma_start3A_455 : memref<10240x128xf32, #tpu.memory_space<hbm>>) target(%arg11 : memref<128x128xf32, #tpu.memory_space<vmem>>) offsets(%dma_start3A_452 : memref<128xi32, #tpu.memory_space<vmem>>) semaphore(%arg14 : memref<!tpu.dma_semaphore, #tpu.memory_space<semaphore_mem>>)
      %scan3A_456 = arith.constant 0 : i32
      scf.yield %scan3A_456 : i32
    }
    %scan3A_52 = arith.constant 7 : i32
    %dma_wait3A = arith.constant 14 : i32
    %dma_wait3A_53 = arith.constant 0 : i32
    %dma_wait3A_54 = tpu.memref_slice %arg6[%dma_wait3A, %dma_wait3A_53] : memref<16x128xi32, #tpu.memory_space<vmem>> -> memref<1x128xi32, #tpu.memory_space<vmem>>
    %dma_wait3A_55 = tpu.memref_squeeze %dma_wait3A_54 : memref<1x128xi32, #tpu.memory_space<vmem>> -> memref<128xi32, #tpu.memory_space<vmem>>
    %dma_wait3A_56 = arith.constant 0 : i32
    %dma_wait3A_57 = arith.constant 0 : i32
    %dma_wait3A_58 = tpu.memref_slice %arg2[%dma_wait3A_56, %dma_wait3A_57] : memref<10240x128xf32, #tpu.memory_space<hbm>> -> memref<10240x128xf32, #tpu.memory_space<hbm>>
    tpu.wait_indirect_dma semaphore(%arg13 : memref<!tpu.dma_semaphore, #tpu.memory_space<semaphore_mem>>) src(%dma_wait3A_58 : memref<10240x128xf32, #tpu.memory_space<hbm>>) dst(%arg10 : memref<128x128xf32, #tpu.memory_space<vmem>>)
    %dma_start3A_59 = arith.constant 14 : i32
    %dma_start3A_60 = arith.constant 0 : i32
    %dma_start3A_61 = tpu.memref_slice %arg7[%dma_start3A_59, %dma_start3A_60] : memref<16x128xi32, #tpu.memory_space<vmem>> -> memref<1x128xi32, #tpu.memory_space<vmem>>
    %dma_start3A_62 = tpu.memref_squeeze %dma_start3A_61 : memref<1x128xi32, #tpu.memory_space<vmem>> -> memref<128xi32, #tpu.memory_space<vmem>>
    %dma_start3A_63 = arith.constant 0 : i32
    %dma_start3A_64 = arith.constant 0 : i32
    %dma_start3A_65 = tpu.memref_slice %arg12[%dma_start3A_63, %dma_start3A_64] : memref<10240x128xf32, #tpu.memory_space<vmem_shared>> -> memref<10240x128xf32, #tpu.memory_space<vmem_shared>>
    tpu.enqueue_indirect_dma source(%arg10 : memref<128x128xf32, #tpu.memory_space<vmem>>) target(%dma_start3A_65 : memref<10240x128xf32, #tpu.memory_space<vmem_shared>>) offsets(%dma_start3A_62 : memref<128xi32, #tpu.memory_space<vmem>>) semaphore(%arg15 : memref<!tpu.dma_semaphore, #tpu.memory_space<semaphore_mem>>) {add = true}
    %dma_wait3A_66 = arith.constant 15 : i32
    %dma_wait3A_67 = arith.constant 0 : i32
    %dma_wait3A_68 = tpu.memref_slice %arg6[%dma_wait3A_66, %dma_wait3A_67] : memref<16x128xi32, #tpu.memory_space<vmem>> -> memref<1x128xi32, #tpu.memory_space<vmem>>
    %dma_wait3A_69 = tpu.memref_squeeze %dma_wait3A_68 : memref<1x128xi32, #tpu.memory_space<vmem>> -> memref<128xi32, #tpu.memory_space<vmem>>
    %dma_wait3A_70 = arith.constant 0 : i32
    %dma_wait3A_71 = arith.constant 0 : i32
    %dma_wait3A_72 = tpu.memref_slice %arg2[%dma_wait3A_70, %dma_wait3A_71] : memref<10240x128xf32, #tpu.memory_space<hbm>> -> memref<10240x128xf32, #tpu.memory_space<hbm>>
    tpu.wait_indirect_dma semaphore(%arg14 : memref<!tpu.dma_semaphore, #tpu.memory_space<semaphore_mem>>) src(%dma_wait3A_72 : memref<10240x128xf32, #tpu.memory_space<hbm>>) dst(%arg11 : memref<128x128xf32, #tpu.memory_space<vmem>>)
    %dma_start3A_73 = arith.constant 15 : i32
    %dma_start3A_74 = arith.constant 0 : i32
    %dma_start3A_75 = tpu.memref_slice %arg7[%dma_start3A_73, %dma_start3A_74] : memref<16x128xi32, #tpu.memory_space<vmem>> -> memref<1x128xi32, #tpu.memory_space<vmem>>
    %dma_start3A_76 = tpu.memref_squeeze %dma_start3A_75 : memref<1x128xi32, #tpu.memory_space<vmem>> -> memref<128xi32, #tpu.memory_space<vmem>>
    %dma_start3A_77 = arith.constant 0 : i32
    %dma_start3A_78 = arith.constant 0 : i32
    %dma_start3A_79 = tpu.memref_slice %arg12[%dma_start3A_77, %dma_start3A_78] : memref<10240x128xf32, #tpu.memory_space<vmem_shared>> -> memref<10240x128xf32, #tpu.memory_space<vmem_shared>>
    tpu.enqueue_indirect_dma source(%arg11 : memref<128x128xf32, #tpu.memory_space<vmem>>) target(%dma_start3A_79 : memref<10240x128xf32, #tpu.memory_space<vmem_shared>>) offsets(%dma_start3A_76 : memref<128xi32, #tpu.memory_space<vmem>>) semaphore(%arg16 : memref<!tpu.dma_semaphore, #tpu.memory_space<semaphore_mem>>) {add = true}
    %dma_wait3A_80 = arith.constant 14 : i32
    %dma_wait3A_81 = arith.constant 0 : i32
    %dma_wait3A_82 = tpu.memref_slice %arg7[%dma_wait3A_80, %dma_wait3A_81] : memref<16x128xi32, #tpu.memory_space<vmem>> -> memref<1x128xi32, #tpu.memory_space<vmem>>
    %dma_wait3A_83 = tpu.memref_squeeze %dma_wait3A_82 : memref<1x128xi32, #tpu.memory_space<vmem>> -> memref<128xi32, #tpu.memory_space<vmem>>
    %dma_wait3A_84 = arith.constant 0 : i32
    %dma_wait3A_85 = arith.constant 0 : i32
    %dma_wait3A_86 = tpu.memref_slice %arg12[%dma_wait3A_84, %dma_wait3A_85] : memref<10240x128xf32, #tpu.memory_space<vmem_shared>> -> memref<10240x128xf32, #tpu.memory_space<vmem_shared>>
    tpu.wait_indirect_dma semaphore(%arg15 : memref<!tpu.dma_semaphore, #tpu.memory_space<semaphore_mem>>) src(%arg10 : memref<128x128xf32, #tpu.memory_space<vmem>>) dst(%dma_wait3A_86 : memref<10240x128xf32, #tpu.memory_space<vmem_shared>>)
    %dma_wait3A_87 = arith.constant 15 : i32
    %dma_wait3A_88 = arith.constant 0 : i32
    %dma_wait3A_89 = tpu.memref_slice %arg7[%dma_wait3A_87, %dma_wait3A_88] : memref<16x128xi32, #tpu.memory_space<vmem>> -> memref<1x128xi32, #tpu.memory_space<vmem>>
    %dma_wait3A_90 = tpu.memref_squeeze %dma_wait3A_89 : memref<1x128xi32, #tpu.memory_space<vmem>> -> memref<128xi32, #tpu.memory_space<vmem>>
    %dma_wait3A_91 = arith.constant 0 : i32
    %dma_wait3A_92 = arith.constant 0 : i32
    %dma_wait3A_93 = tpu.memref_slice %arg12[%dma_wait3A_91, %dma_wait3A_92] : memref<10240x128xf32, #tpu.memory_space<vmem_shared>> -> memref<10240x128xf32, #tpu.memory_space<vmem_shared>>
    tpu.wait_indirect_dma semaphore(%arg16 : memref<!tpu.dma_semaphore, #tpu.memory_space<semaphore_mem>>) src(%arg11 : memref<128x128xf32, #tpu.memory_space<vmem>>) dst(%dma_wait3A_93 : memref<10240x128xf32, #tpu.memory_space<vmem_shared>>)
    %add3A_94 = arith.constant 16 : i32
    %add3A_95 = arith.addi %mul3A_2, %add3A_94 : i32
    "tpu.region"() ({
      %run_scoped3A = tpu.sem_alloc : memref<!tpu.dma_semaphore, #tpu.memory_space<semaphore_mem>>
      %dma_start3A_370 = arith.constant 0 : i32
      %dma_start3A_371 = tpu.memref_slice %arg3[%add3A_95, %dma_start3A_370] : memref<2560x128xi32, #tpu.memory_space<hbm>> -> memref<16x128xi32, #tpu.memory_space<hbm>>
      %dma_start3A_372 = arith.constant 0 : i32
      %dma_start3A_373 = tpu.memref_slice %arg3[%add3A_95, %dma_start3A_372] : memref<2560x128xi32, #tpu.memory_space<hbm>> -> memref<16x128xi32, #tpu.memory_space<hbm>>
      tpu.enqueue_dma source(%dma_start3A_373 : memref<16x128xi32, #tpu.memory_space<hbm>>) target(%arg8 : memref<16x128xi32, #tpu.memory_space<vmem>>) target_semaphore(%run_scoped3A : memref<!tpu.dma_semaphore, #tpu.memory_space<semaphore_mem>>)
      %dma_wait3A_374 = arith.constant 0 : i32
      %dma_wait3A_375 = tpu.memref_slice %arg3[%add3A_95, %dma_wait3A_374] : memref<2560x128xi32, #tpu.memory_space<hbm>> -> memref<16x128xi32, #tpu.memory_space<hbm>>
      %dma_wait3A_376 = arith.constant 0 : i32
      %dma_wait3A_377 = tpu.memref_slice %arg3[%add3A_95, %dma_wait3A_376] : memref<2560x128xi32, #tpu.memory_space<hbm>> -> memref<16x128xi32, #tpu.memory_space<hbm>>
      tpu.wait_dma2 semaphore(%run_scoped3A : memref<!tpu.dma_semaphore, #tpu.memory_space<semaphore_mem>>) src(%dma_wait3A_377 : memref<16x128xi32, #tpu.memory_space<hbm>>) dst(%arg8 : memref<16x128xi32, #tpu.memory_space<vmem>>)
      tpu.yield
    }) : () -> ()
    %add3A_96 = arith.constant 16 : i32
    %add3A_97 = arith.addi %mul3A_2, %add3A_96 : i32
    "tpu.region"() ({
      %run_scoped3A = tpu.sem_alloc : memref<!tpu.dma_semaphore, #tpu.memory_space<semaphore_mem>>
      %dma_start3A_370 = arith.constant 0 : i32
      %dma_start3A_371 = tpu.memref_slice %arg4[%add3A_97, %dma_start3A_370] : memref<2560x128xi32, #tpu.memory_space<hbm>> -> memref<16x128xi32, #tpu.memory_space<hbm>>
      %dma_start3A_372 = arith.constant 0 : i32
      %dma_start3A_373 = tpu.memref_slice %arg4[%add3A_97, %dma_start3A_372] : memref<2560x128xi32, #tpu.memory_space<hbm>> -> memref<16x128xi32, #tpu.memory_space<hbm>>
      tpu.enqueue_dma source(%dma_start3A_373 : memref<16x128xi32, #tpu.memory_space<hbm>>) target(%arg9 : memref<16x128xi32, #tpu.memory_space<vmem>>) target_semaphore(%run_scoped3A : memref<!tpu.dma_semaphore, #tpu.memory_space<semaphore_mem>>)
      %dma_wait3A_374 = arith.constant 0 : i32
      %dma_wait3A_375 = tpu.memref_slice %arg4[%add3A_97, %dma_wait3A_374] : memref<2560x128xi32, #tpu.memory_space<hbm>> -> memref<16x128xi32, #tpu.memory_space<hbm>>
      %dma_wait3A_376 = arith.constant 0 : i32
      %dma_wait3A_377 = tpu.memref_slice %arg4[%add3A_97, %dma_wait3A_376] : memref<2560x128xi32, #tpu.memory_space<hbm>> -> memref<16x128xi32, #tpu.memory_space<hbm>>
      tpu.wait_dma2 semaphore(%run_scoped3A : memref<!tpu.dma_semaphore, #tpu.memory_space<semaphore_mem>>) src(%dma_wait3A_377 : memref<16x128xi32, #tpu.memory_space<hbm>>) dst(%arg9 : memref<16x128xi32, #tpu.memory_space<vmem>>)
      tpu.yield
    }) : () -> ()
    %dma_start3A_98 = arith.constant 0 : i32
    %dma_start3A_99 = arith.constant 0 : i32
    %dma_start3A_100 = tpu.memref_slice %arg8[%dma_start3A_98, %dma_start3A_99] : memref<16x128xi32, #tpu.memory_space<vmem>> -> memref<1x128xi32, #tpu.memory_space<vmem>>
    %dma_start3A_101 = tpu.memref_squeeze %dma_start3A_100 : memref<1x128xi32, #tpu.memory_space<vmem>> -> memref<128xi32, #tpu.memory_space<vmem>>
    %dma_start3A_102 = arith.constant 0 : i32
    %dma_start3A_103 = arith.constant 0 : i32
    %dma_start3A_104 = tpu.memref_slice %arg2[%dma_start3A_102, %dma_start3A_103] : memref<10240x128xf32, #tpu.memory_space<hbm>> -> memref<10240x128xf32, #tpu.memory_space<hbm>>
    tpu.enqueue_indirect_dma source(%dma_start3A_104 : memref<10240x128xf32, #tpu.memory_space<hbm>>) target(%arg10 : memref<128x128xf32, #tpu.memory_space<vmem>>) offsets(%dma_start3A_101 : memref<128xi32, #tpu.memory_space<vmem>>) semaphore(%arg13 : memref<!tpu.dma_semaphore, #tpu.memory_space<semaphore_mem>>)
    %dma_start3A_105 = arith.constant 1 : i32
    %dma_start3A_106 = arith.constant 0 : i32
    %dma_start3A_107 = tpu.memref_slice %arg8[%dma_start3A_105, %dma_start3A_106] : memref<16x128xi32, #tpu.memory_space<vmem>> -> memref<1x128xi32, #tpu.memory_space<vmem>>
    %dma_start3A_108 = tpu.memref_squeeze %dma_start3A_107 : memref<1x128xi32, #tpu.memory_space<vmem>> -> memref<128xi32, #tpu.memory_space<vmem>>
    %dma_start3A_109 = arith.constant 0 : i32
    %dma_start3A_110 = arith.constant 0 : i32
    %dma_start3A_111 = tpu.memref_slice %arg2[%dma_start3A_109, %dma_start3A_110] : memref<10240x128xf32, #tpu.memory_space<hbm>> -> memref<10240x128xf32, #tpu.memory_space<hbm>>
    tpu.enqueue_indirect_dma source(%dma_start3A_111 : memref<10240x128xf32, #tpu.memory_space<hbm>>) target(%arg11 : memref<128x128xf32, #tpu.memory_space<vmem>>) offsets(%dma_start3A_108 : memref<128xi32, #tpu.memory_space<vmem>>) semaphore(%arg14 : memref<!tpu.dma_semaphore, #tpu.memory_space<semaphore_mem>>)
    %scan3A_112 = arith.constant 0 : i32
    %scan3A_113 = arith.constant 0 : i32
    %scan3A_114 = arith.constant 7 : i32
    %scan3A_115 = arith.addi %scan3A_113, %scan3A_114 : i32
    %scan3A_116 = arith.constant 1 : i32
    %scan3A_117 = scf.for %scan3A_370 = %scan3A_113 to %scan3A_115 step %scan3A_116 iter_args(%scan3A_371 = %scan3A_112) -> (i32)  : i32 {
      %mul3A_372 = arith.constant 2 : i32
      %mul3A_373 = arith.muli %mul3A_372, %scan3A_370 : i32
      %add3A_374 = arith.constant 0 : i32
      %add3A_375 = arith.addi %mul3A_373, %add3A_374 : i32
      %dma_wait3A_376 = arith.constant 0 : i32
      %dma_wait3A_377 = tpu.memref_slice %arg8[%add3A_375, %dma_wait3A_376] : memref<16x128xi32, #tpu.memory_space<vmem>> -> memref<1x128xi32, #tpu.memory_space<vmem>>
      %dma_wait3A_378 = tpu.memref_squeeze %dma_wait3A_377 : memref<1x128xi32, #tpu.memory_space<vmem>> -> memref<128xi32, #tpu.memory_space<vmem>>
      %dma_wait3A_379 = arith.constant 0 : i32
      %dma_wait3A_380 = arith.constant 0 : i32
      %dma_wait3A_381 = tpu.memref_slice %arg2[%dma_wait3A_379, %dma_wait3A_380] : memref<10240x128xf32, #tpu.memory_space<hbm>> -> memref<10240x128xf32, #tpu.memory_space<hbm>>
      tpu.wait_indirect_dma semaphore(%arg13 : memref<!tpu.dma_semaphore, #tpu.memory_space<semaphore_mem>>) src(%dma_wait3A_381 : memref<10240x128xf32, #tpu.memory_space<hbm>>) dst(%arg10 : memref<128x128xf32, #tpu.memory_space<vmem>>)
      %mul3A_382 = arith.constant 2 : i32
      %mul3A_383 = arith.muli %mul3A_382, %scan3A_370 : i32
      %add3A_384 = arith.constant 0 : i32
      %add3A_385 = arith.addi %mul3A_383, %add3A_384 : i32
      %dma_start3A_386 = arith.constant 0 : i32
      %dma_start3A_387 = tpu.memref_slice %arg9[%add3A_385, %dma_start3A_386] : memref<16x128xi32, #tpu.memory_space<vmem>> -> memref<1x128xi32, #tpu.memory_space<vmem>>
      %dma_start3A_388 = tpu.memref_squeeze %dma_start3A_387 : memref<1x128xi32, #tpu.memory_space<vmem>> -> memref<128xi32, #tpu.memory_space<vmem>>
      %dma_start3A_389 = arith.constant 0 : i32
      %dma_start3A_390 = arith.constant 0 : i32
      %dma_start3A_391 = tpu.memref_slice %arg12[%dma_start3A_389, %dma_start3A_390] : memref<10240x128xf32, #tpu.memory_space<vmem_shared>> -> memref<10240x128xf32, #tpu.memory_space<vmem_shared>>
      tpu.enqueue_indirect_dma source(%arg10 : memref<128x128xf32, #tpu.memory_space<vmem>>) target(%dma_start3A_391 : memref<10240x128xf32, #tpu.memory_space<vmem_shared>>) offsets(%dma_start3A_388 : memref<128xi32, #tpu.memory_space<vmem>>) semaphore(%arg15 : memref<!tpu.dma_semaphore, #tpu.memory_space<semaphore_mem>>) {add = true}
      %mul3A_392 = arith.constant 2 : i32
      %mul3A_393 = arith.muli %mul3A_392, %scan3A_370 : i32
      %add3A_394 = arith.constant 1 : i32
      %add3A_395 = arith.addi %mul3A_393, %add3A_394 : i32
      %dma_wait3A_396 = arith.constant 0 : i32
      %dma_wait3A_397 = tpu.memref_slice %arg8[%add3A_395, %dma_wait3A_396] : memref<16x128xi32, #tpu.memory_space<vmem>> -> memref<1x128xi32, #tpu.memory_space<vmem>>
      %dma_wait3A_398 = tpu.memref_squeeze %dma_wait3A_397 : memref<1x128xi32, #tpu.memory_space<vmem>> -> memref<128xi32, #tpu.memory_space<vmem>>
      %dma_wait3A_399 = arith.constant 0 : i32
      %dma_wait3A_400 = arith.constant 0 : i32
      %dma_wait3A_401 = tpu.memref_slice %arg2[%dma_wait3A_399, %dma_wait3A_400] : memref<10240x128xf32, #tpu.memory_space<hbm>> -> memref<10240x128xf32, #tpu.memory_space<hbm>>
      tpu.wait_indirect_dma semaphore(%arg14 : memref<!tpu.dma_semaphore, #tpu.memory_space<semaphore_mem>>) src(%dma_wait3A_401 : memref<10240x128xf32, #tpu.memory_space<hbm>>) dst(%arg11 : memref<128x128xf32, #tpu.memory_space<vmem>>)
      %mul3A_402 = arith.constant 2 : i32
      %mul3A_403 = arith.muli %mul3A_402, %scan3A_370 : i32
      %add3A_404 = arith.constant 1 : i32
      %add3A_405 = arith.addi %mul3A_403, %add3A_404 : i32
      %dma_start3A_406 = arith.constant 0 : i32
      %dma_start3A_407 = tpu.memref_slice %arg9[%add3A_405, %dma_start3A_406] : memref<16x128xi32, #tpu.memory_space<vmem>> -> memref<1x128xi32, #tpu.memory_space<vmem>>
      %dma_start3A_408 = tpu.memref_squeeze %dma_start3A_407 : memref<1x128xi32, #tpu.memory_space<vmem>> -> memref<128xi32, #tpu.memory_space<vmem>>
      %dma_start3A_409 = arith.constant 0 : i32
      %dma_start3A_410 = arith.constant 0 : i32
      %dma_start3A_411 = tpu.memref_slice %arg12[%dma_start3A_409, %dma_start3A_410] : memref<10240x128xf32, #tpu.memory_space<vmem_shared>> -> memref<10240x128xf32, #tpu.memory_space<vmem_shared>>
      tpu.enqueue_indirect_dma source(%arg11 : memref<128x128xf32, #tpu.memory_space<vmem>>) target(%dma_start3A_411 : memref<10240x128xf32, #tpu.memory_space<vmem_shared>>) offsets(%dma_start3A_408 : memref<128xi32, #tpu.memory_space<vmem>>) semaphore(%arg16 : memref<!tpu.dma_semaphore, #tpu.memory_space<semaphore_mem>>) {add = true}
      %mul3A_412 = arith.constant 2 : i32
      %mul3A_413 = arith.muli %mul3A_412, %scan3A_370 : i32
      %add3A_414 = arith.constant 0 : i32
      %add3A_415 = arith.addi %mul3A_413, %add3A_414 : i32
      %dma_wait3A_416 = arith.constant 0 : i32
      %dma_wait3A_417 = tpu.memref_slice %arg9[%add3A_415, %dma_wait3A_416] : memref<16x128xi32, #tpu.memory_space<vmem>> -> memref<1x128xi32, #tpu.memory_space<vmem>>
      %dma_wait3A_418 = tpu.memref_squeeze %dma_wait3A_417 : memref<1x128xi32, #tpu.memory_space<vmem>> -> memref<128xi32, #tpu.memory_space<vmem>>
      %dma_wait3A_419 = arith.constant 0 : i32
      %dma_wait3A_420 = arith.constant 0 : i32
      %dma_wait3A_421 = tpu.memref_slice %arg12[%dma_wait3A_419, %dma_wait3A_420] : memref<10240x128xf32, #tpu.memory_space<vmem_shared>> -> memref<10240x128xf32, #tpu.memory_space<vmem_shared>>
      tpu.wait_indirect_dma semaphore(%arg15 : memref<!tpu.dma_semaphore, #tpu.memory_space<semaphore_mem>>) src(%arg10 : memref<128x128xf32, #tpu.memory_space<vmem>>) dst(%dma_wait3A_421 : memref<10240x128xf32, #tpu.memory_space<vmem_shared>>)
      %mul3A_422 = arith.constant 2 : i32
      %mul3A_423 = arith.muli %mul3A_422, %scan3A_370 : i32
      %add3A_424 = arith.constant 2 : i32
      %add3A_425 = arith.addi %mul3A_423, %add3A_424 : i32
      %add3A_426 = arith.constant 0 : i32
      %add3A_427 = arith.addi %add3A_425, %add3A_426 : i32
      %dma_start3A_428 = arith.constant 0 : i32
      %dma_start3A_429 = tpu.memref_slice %arg8[%add3A_427, %dma_start3A_428] : memref<16x128xi32, #tpu.memory_space<vmem>> -> memref<1x128xi32, #tpu.memory_space<vmem>>
      %dma_start3A_430 = tpu.memref_squeeze %dma_start3A_429 : memref<1x128xi32, #tpu.memory_space<vmem>> -> memref<128xi32, #tpu.memory_space<vmem>>
      %dma_start3A_431 = arith.constant 0 : i32
      %dma_start3A_432 = arith.constant 0 : i32
      %dma_start3A_433 = tpu.memref_slice %arg2[%dma_start3A_431, %dma_start3A_432] : memref<10240x128xf32, #tpu.memory_space<hbm>> -> memref<10240x128xf32, #tpu.memory_space<hbm>>
      tpu.enqueue_indirect_dma source(%dma_start3A_433 : memref<10240x128xf32, #tpu.memory_space<hbm>>) target(%arg10 : memref<128x128xf32, #tpu.memory_space<vmem>>) offsets(%dma_start3A_430 : memref<128xi32, #tpu.memory_space<vmem>>) semaphore(%arg13 : memref<!tpu.dma_semaphore, #tpu.memory_space<semaphore_mem>>)
      %mul3A_434 = arith.constant 2 : i32
      %mul3A_435 = arith.muli %mul3A_434, %scan3A_370 : i32
      %add3A_436 = arith.constant 1 : i32
      %add3A_437 = arith.addi %mul3A_435, %add3A_436 : i32
      %dma_wait3A_438 = arith.constant 0 : i32
      %dma_wait3A_439 = tpu.memref_slice %arg9[%add3A_437, %dma_wait3A_438] : memref<16x128xi32, #tpu.memory_space<vmem>> -> memref<1x128xi32, #tpu.memory_space<vmem>>
      %dma_wait3A_440 = tpu.memref_squeeze %dma_wait3A_439 : memref<1x128xi32, #tpu.memory_space<vmem>> -> memref<128xi32, #tpu.memory_space<vmem>>
      %dma_wait3A_441 = arith.constant 0 : i32
      %dma_wait3A_442 = arith.constant 0 : i32
      %dma_wait3A_443 = tpu.memref_slice %arg12[%dma_wait3A_441, %dma_wait3A_442] : memref<10240x128xf32, #tpu.memory_space<vmem_shared>> -> memref<10240x128xf32, #tpu.memory_space<vmem_shared>>
      tpu.wait_indirect_dma semaphore(%arg16 : memref<!tpu.dma_semaphore, #tpu.memory_space<semaphore_mem>>) src(%arg11 : memref<128x128xf32, #tpu.memory_space<vmem>>) dst(%dma_wait3A_443 : memref<10240x128xf32, #tpu.memory_space<vmem_shared>>)
      %mul3A_444 = arith.constant 2 : i32
      %mul3A_445 = arith.muli %mul3A_444, %scan3A_370 : i32
      %add3A_446 = arith.constant 2 : i32
      %add3A_447 = arith.addi %mul3A_445, %add3A_446 : i32
      %add3A_448 = arith.constant 1 : i32
      %add3A_449 = arith.addi %add3A_447, %add3A_448 : i32
      %dma_start3A_450 = arith.constant 0 : i32
      %dma_start3A_451 = tpu.memref_slice %arg8[%add3A_449, %dma_start3A_450] : memref<16x128xi32, #tpu.memory_space<vmem>> -> memref<1x128xi32, #tpu.memory_space<vmem>>
      %dma_start3A_452 = tpu.memref_squeeze %dma_start3A_451 : memref<1x128xi32, #tpu.memory_space<vmem>> -> memref<128xi32, #tpu.memory_space<vmem>>
      %dma_start3A_453 = arith.constant 0 : i32
      %dma_start3A_454 = arith.constant 0 : i32
      %dma_start3A_455 = tpu.memref_slice %arg2[%dma_start3A_453, %dma_start3A_454] : memref<10240x128xf32, #tpu.memory_space<hbm>> -> memref<10240x128xf32, #tpu.memory_space<hbm>>
      tpu.enqueue_indirect_dma source(%dma_start3A_455 : memref<10240x128xf32, #tpu.memory_space<hbm>>) target(%arg11 : memref<128x128xf32, #tpu.memory_space<vmem>>) offsets(%dma_start3A_452 : memref<128xi32, #tpu.memory_space<vmem>>) semaphore(%arg14 : memref<!tpu.dma_semaphore, #tpu.memory_space<semaphore_mem>>)
      %scan3A_456 = arith.constant 0 : i32
      scf.yield %scan3A_456 : i32
    }
    %scan3A_118 = arith.constant 7 : i32
    %dma_wait3A_119 = arith.constant 14 : i32
    %dma_wait3A_120 = arith.constant 0 : i32
    %dma_wait3A_121 = tpu.memref_slice %arg8[%dma_wait3A_119, %dma_wait3A_120] : memref<16x128xi32, #tpu.memory_space<vmem>> -> memref<1x128xi32, #tpu.memory_space<vmem>>
    %dma_wait3A_122 = tpu.memref_squeeze %dma_wait3A_121 : memref<1x128xi32, #tpu.memory_space<vmem>> -> memref<128xi32, #tpu.memory_space<vmem>>
    %dma_wait3A_123 = arith.constant 0 : i32
    %dma_wait3A_124 = arith.constant 0 : i32
    %dma_wait3A_125 = tpu.memref_slice %arg2[%dma_wait3A_123, %dma_wait3A_124] : memref<10240x128xf32, #tpu.memory_space<hbm>> -> memref<10240x128xf32, #tpu.memory_space<hbm>>
    tpu.wait_indirect_dma semaphore(%arg13 : memref<!tpu.dma_semaphore, #tpu.memory_space<semaphore_mem>>) src(%dma_wait3A_125 : memref<10240x128xf32, #tpu.memory_space<hbm>>) dst(%arg10 : memref<128x128xf32, #tpu.memory_space<vmem>>)
    %dma_start3A_126 = arith.constant 14 : i32
    %dma_start3A_127 = arith.constant 0 : i32
    %dma_start3A_128 = tpu.memref_slice %arg9[%dma_start3A_126, %dma_start3A_127] : memref<16x128xi32, #tpu.memory_space<vmem>> -> memref<1x128xi32, #tpu.memory_space<vmem>>
    %dma_start3A_129 = tpu.memref_squeeze %dma_start3A_128 : memref<1x128xi32, #tpu.memory_space<vmem>> -> memref<128xi32, #tpu.memory_space<vmem>>
    %dma_start3A_130 = arith.constant 0 : i32
    %dma_start3A_131 = arith.constant 0 : i32
    %dma_start3A_132 = tpu.memref_slice %arg12[%dma_start3A_130, %dma_start3A_131] : memref<10240x128xf32, #tpu.memory_space<vmem_shared>> -> memref<10240x128xf32, #tpu.memory_space<vmem_shared>>
    tpu.enqueue_indirect_dma source(%arg10 : memref<128x128xf32, #tpu.memory_space<vmem>>) target(%dma_start3A_132 : memref<10240x128xf32, #tpu.memory_space<vmem_shared>>) offsets(%dma_start3A_129 : memref<128xi32, #tpu.memory_space<vmem>>) semaphore(%arg15 : memref<!tpu.dma_semaphore, #tpu.memory_space<semaphore_mem>>) {add = true}
    %dma_wait3A_133 = arith.constant 15 : i32
    %dma_wait3A_134 = arith.constant 0 : i32
    %dma_wait3A_135 = tpu.memref_slice %arg8[%dma_wait3A_133, %dma_wait3A_134] : memref<16x128xi32, #tpu.memory_space<vmem>> -> memref<1x128xi32, #tpu.memory_space<vmem>>
    %dma_wait3A_136 = tpu.memref_squeeze %dma_wait3A_135 : memref<1x128xi32, #tpu.memory_space<vmem>> -> memref<128xi32, #tpu.memory_space<vmem>>
    %dma_wait3A_137 = arith.constant 0 : i32
    %dma_wait3A_138 = arith.constant 0 : i32
    %dma_wait3A_139 = tpu.memref_slice %arg2[%dma_wait3A_137, %dma_wait3A_138] : memref<10240x128xf32, #tpu.memory_space<hbm>> -> memref<10240x128xf32, #tpu.memory_space<hbm>>
    tpu.wait_indirect_dma semaphore(%arg14 : memref<!tpu.dma_semaphore, #tpu.memory_space<semaphore_mem>>) src(%dma_wait3A_139 : memref<10240x128xf32, #tpu.memory_space<hbm>>) dst(%arg11 : memref<128x128xf32, #tpu.memory_space<vmem>>)
    %dma_start3A_140 = arith.constant 15 : i32
    %dma_start3A_141 = arith.constant 0 : i32
    %dma_start3A_142 = tpu.memref_slice %arg9[%dma_start3A_140, %dma_start3A_141] : memref<16x128xi32, #tpu.memory_space<vmem>> -> memref<1x128xi32, #tpu.memory_space<vmem>>
    %dma_start3A_143 = tpu.memref_squeeze %dma_start3A_142 : memref<1x128xi32, #tpu.memory_space<vmem>> -> memref<128xi32, #tpu.memory_space<vmem>>
    %dma_start3A_144 = arith.constant 0 : i32
    %dma_start3A_145 = arith.constant 0 : i32
    %dma_start3A_146 = tpu.memref_slice %arg12[%dma_start3A_144, %dma_start3A_145] : memref<10240x128xf32, #tpu.memory_space<vmem_shared>> -> memref<10240x128xf32, #tpu.memory_space<vmem_shared>>
    tpu.enqueue_indirect_dma source(%arg11 : memref<128x128xf32, #tpu.memory_space<vmem>>) target(%dma_start3A_146 : memref<10240x128xf32, #tpu.memory_space<vmem_shared>>) offsets(%dma_start3A_143 : memref<128xi32, #tpu.memory_space<vmem>>) semaphore(%arg16 : memref<!tpu.dma_semaphore, #tpu.memory_space<semaphore_mem>>) {add = true}
    %dma_wait3A_147 = arith.constant 14 : i32
    %dma_wait3A_148 = arith.constant 0 : i32
    %dma_wait3A_149 = tpu.memref_slice %arg9[%dma_wait3A_147, %dma_wait3A_148] : memref<16x128xi32, #tpu.memory_space<vmem>> -> memref<1x128xi32, #tpu.memory_space<vmem>>
    %dma_wait3A_150 = tpu.memref_squeeze %dma_wait3A_149 : memref<1x128xi32, #tpu.memory_space<vmem>> -> memref<128xi32, #tpu.memory_space<vmem>>
    %dma_wait3A_151 = arith.constant 0 : i32
    %dma_wait3A_152 = arith.constant 0 : i32
    %dma_wait3A_153 = tpu.memref_slice %arg12[%dma_wait3A_151, %dma_wait3A_152] : memref<10240x128xf32, #tpu.memory_space<vmem_shared>> -> memref<10240x128xf32, #tpu.memory_space<vmem_shared>>
    tpu.wait_indirect_dma semaphore(%arg15 : memref<!tpu.dma_semaphore, #tpu.memory_space<semaphore_mem>>) src(%arg10 : memref<128x128xf32, #tpu.memory_space<vmem>>) dst(%dma_wait3A_153 : memref<10240x128xf32, #tpu.memory_space<vmem_shared>>)
    %dma_wait3A_154 = arith.constant 15 : i32
    %dma_wait3A_155 = arith.constant 0 : i32
    %dma_wait3A_156 = tpu.memref_slice %arg9[%dma_wait3A_154, %dma_wait3A_155] : memref<16x128xi32, #tpu.memory_space<vmem>> -> memref<1x128xi32, #tpu.memory_space<vmem>>
    %dma_wait3A_157 = tpu.memref_squeeze %dma_wait3A_156 : memref<1x128xi32, #tpu.memory_space<vmem>> -> memref<128xi32, #tpu.memory_space<vmem>>
    %dma_wait3A_158 = arith.constant 0 : i32
    %dma_wait3A_159 = arith.constant 0 : i32
    %dma_wait3A_160 = tpu.memref_slice %arg12[%dma_wait3A_158, %dma_wait3A_159] : memref<10240x128xf32, #tpu.memory_space<vmem_shared>> -> memref<10240x128xf32, #tpu.memory_space<vmem_shared>>
    tpu.wait_indirect_dma semaphore(%arg16 : memref<!tpu.dma_semaphore, #tpu.memory_space<semaphore_mem>>) src(%arg11 : memref<128x128xf32, #tpu.memory_space<vmem>>) dst(%dma_wait3A_160 : memref<10240x128xf32, #tpu.memory_space<vmem_shared>>)
    %add3A_161 = arith.constant 32 : i32
    %add3A_162 = arith.addi %mul3A_2, %add3A_161 : i32
    "tpu.region"() ({
      %run_scoped3A = tpu.sem_alloc : memref<!tpu.dma_semaphore, #tpu.memory_space<semaphore_mem>>
      %dma_start3A_370 = arith.constant 0 : i32
      %dma_start3A_371 = tpu.memref_slice %arg3[%add3A_162, %dma_start3A_370] : memref<2560x128xi32, #tpu.memory_space<hbm>> -> memref<16x128xi32, #tpu.memory_space<hbm>>
      %dma_start3A_372 = arith.constant 0 : i32
      %dma_start3A_373 = tpu.memref_slice %arg3[%add3A_162, %dma_start3A_372] : memref<2560x128xi32, #tpu.memory_space<hbm>> -> memref<16x128xi32, #tpu.memory_space<hbm>>
      tpu.enqueue_dma source(%dma_start3A_373 : memref<16x128xi32, #tpu.memory_space<hbm>>) target(%arg6 : memref<16x128xi32, #tpu.memory_space<vmem>>) target_semaphore(%run_scoped3A : memref<!tpu.dma_semaphore, #tpu.memory_space<semaphore_mem>>)
      %dma_wait3A_374 = arith.constant 0 : i32
      %dma_wait3A_375 = tpu.memref_slice %arg3[%add3A_162, %dma_wait3A_374] : memref<2560x128xi32, #tpu.memory_space<hbm>> -> memref<16x128xi32, #tpu.memory_space<hbm>>
      %dma_wait3A_376 = arith.constant 0 : i32
      %dma_wait3A_377 = tpu.memref_slice %arg3[%add3A_162, %dma_wait3A_376] : memref<2560x128xi32, #tpu.memory_space<hbm>> -> memref<16x128xi32, #tpu.memory_space<hbm>>
      tpu.wait_dma2 semaphore(%run_scoped3A : memref<!tpu.dma_semaphore, #tpu.memory_space<semaphore_mem>>) src(%dma_wait3A_377 : memref<16x128xi32, #tpu.memory_space<hbm>>) dst(%arg6 : memref<16x128xi32, #tpu.memory_space<vmem>>)
      tpu.yield
    }) : () -> ()
    %add3A_163 = arith.constant 32 : i32
    %add3A_164 = arith.addi %mul3A_2, %add3A_163 : i32
    "tpu.region"() ({
      %run_scoped3A = tpu.sem_alloc : memref<!tpu.dma_semaphore, #tpu.memory_space<semaphore_mem>>
      %dma_start3A_370 = arith.constant 0 : i32
      %dma_start3A_371 = tpu.memref_slice %arg4[%add3A_164, %dma_start3A_370] : memref<2560x128xi32, #tpu.memory_space<hbm>> -> memref<16x128xi32, #tpu.memory_space<hbm>>
      %dma_start3A_372 = arith.constant 0 : i32
      %dma_start3A_373 = tpu.memref_slice %arg4[%add3A_164, %dma_start3A_372] : memref<2560x128xi32, #tpu.memory_space<hbm>> -> memref<16x128xi32, #tpu.memory_space<hbm>>
      tpu.enqueue_dma source(%dma_start3A_373 : memref<16x128xi32, #tpu.memory_space<hbm>>) target(%arg7 : memref<16x128xi32, #tpu.memory_space<vmem>>) target_semaphore(%run_scoped3A : memref<!tpu.dma_semaphore, #tpu.memory_space<semaphore_mem>>)
      %dma_wait3A_374 = arith.constant 0 : i32
      %dma_wait3A_375 = tpu.memref_slice %arg4[%add3A_164, %dma_wait3A_374] : memref<2560x128xi32, #tpu.memory_space<hbm>> -> memref<16x128xi32, #tpu.memory_space<hbm>>
      %dma_wait3A_376 = arith.constant 0 : i32
      %dma_wait3A_377 = tpu.memref_slice %arg4[%add3A_164, %dma_wait3A_376] : memref<2560x128xi32, #tpu.memory_space<hbm>> -> memref<16x128xi32, #tpu.memory_space<hbm>>
      tpu.wait_dma2 semaphore(%run_scoped3A : memref<!tpu.dma_semaphore, #tpu.memory_space<semaphore_mem>>) src(%dma_wait3A_377 : memref<16x128xi32, #tpu.memory_space<hbm>>) dst(%arg7 : memref<16x128xi32, #tpu.memory_space<vmem>>)
      tpu.yield
    }) : () -> ()
    %dma_start3A_165 = arith.constant 0 : i32
    %dma_start3A_166 = arith.constant 0 : i32
    %dma_start3A_167 = tpu.memref_slice %arg6[%dma_start3A_165, %dma_start3A_166] : memref<16x128xi32, #tpu.memory_space<vmem>> -> memref<1x128xi32, #tpu.memory_space<vmem>>
    %dma_start3A_168 = tpu.memref_squeeze %dma_start3A_167 : memref<1x128xi32, #tpu.memory_space<vmem>> -> memref<128xi32, #tpu.memory_space<vmem>>
    %dma_start3A_169 = arith.constant 0 : i32
    %dma_start3A_170 = arith.constant 0 : i32
    %dma_start3A_171 = tpu.memref_slice %arg2[%dma_start3A_169, %dma_start3A_170] : memref<10240x128xf32, #tpu.memory_space<hbm>> -> memref<10240x128xf32, #tpu.memory_space<hbm>>
    tpu.enqueue_indirect_dma source(%dma_start3A_171 : memref<10240x128xf32, #tpu.memory_space<hbm>>) target(%arg10 : memref<128x128xf32, #tpu.memory_space<vmem>>) offsets(%dma_start3A_168 : memref<128xi32, #tpu.memory_space<vmem>>) semaphore(%arg13 : memref<!tpu.dma_semaphore, #tpu.memory_space<semaphore_mem>>)
    %dma_start3A_172 = arith.constant 1 : i32
    %dma_start3A_173 = arith.constant 0 : i32
    %dma_start3A_174 = tpu.memref_slice %arg6[%dma_start3A_172, %dma_start3A_173] : memref<16x128xi32, #tpu.memory_space<vmem>> -> memref<1x128xi32, #tpu.memory_space<vmem>>
    %dma_start3A_175 = tpu.memref_squeeze %dma_start3A_174 : memref<1x128xi32, #tpu.memory_space<vmem>> -> memref<128xi32, #tpu.memory_space<vmem>>
    %dma_start3A_176 = arith.constant 0 : i32
    %dma_start3A_177 = arith.constant 0 : i32
    %dma_start3A_178 = tpu.memref_slice %arg2[%dma_start3A_176, %dma_start3A_177] : memref<10240x128xf32, #tpu.memory_space<hbm>> -> memref<10240x128xf32, #tpu.memory_space<hbm>>
    tpu.enqueue_indirect_dma source(%dma_start3A_178 : memref<10240x128xf32, #tpu.memory_space<hbm>>) target(%arg11 : memref<128x128xf32, #tpu.memory_space<vmem>>) offsets(%dma_start3A_175 : memref<128xi32, #tpu.memory_space<vmem>>) semaphore(%arg14 : memref<!tpu.dma_semaphore, #tpu.memory_space<semaphore_mem>>)
    %scan3A_179 = arith.constant 0 : i32
    %scan3A_180 = arith.constant 0 : i32
    %scan3A_181 = arith.constant 7 : i32
    %scan3A_182 = arith.addi %scan3A_180, %scan3A_181 : i32
    %scan3A_183 = arith.constant 1 : i32
    %scan3A_184 = scf.for %scan3A_370 = %scan3A_180 to %scan3A_182 step %scan3A_183 iter_args(%scan3A_371 = %scan3A_179) -> (i32)  : i32 {
      %mul3A_372 = arith.constant 2 : i32
      %mul3A_373 = arith.muli %mul3A_372, %scan3A_370 : i32
      %add3A_374 = arith.constant 0 : i32
      %add3A_375 = arith.addi %mul3A_373, %add3A_374 : i32
      %dma_wait3A_376 = arith.constant 0 : i32
      %dma_wait3A_377 = tpu.memref_slice %arg6[%add3A_375, %dma_wait3A_376] : memref<16x128xi32, #tpu.memory_space<vmem>> -> memref<1x128xi32, #tpu.memory_space<vmem>>
      %dma_wait3A_378 = tpu.memref_squeeze %dma_wait3A_377 : memref<1x128xi32, #tpu.memory_space<vmem>> -> memref<128xi32, #tpu.memory_space<vmem>>
      %dma_wait3A_379 = arith.constant 0 : i32
      %dma_wait3A_380 = arith.constant 0 : i32
      %dma_wait3A_381 = tpu.memref_slice %arg2[%dma_wait3A_379, %dma_wait3A_380] : memref<10240x128xf32, #tpu.memory_space<hbm>> -> memref<10240x128xf32, #tpu.memory_space<hbm>>
      tpu.wait_indirect_dma semaphore(%arg13 : memref<!tpu.dma_semaphore, #tpu.memory_space<semaphore_mem>>) src(%dma_wait3A_381 : memref<10240x128xf32, #tpu.memory_space<hbm>>) dst(%arg10 : memref<128x128xf32, #tpu.memory_space<vmem>>)
      %mul3A_382 = arith.constant 2 : i32
      %mul3A_383 = arith.muli %mul3A_382, %scan3A_370 : i32
      %add3A_384 = arith.constant 0 : i32
      %add3A_385 = arith.addi %mul3A_383, %add3A_384 : i32
      %dma_start3A_386 = arith.constant 0 : i32
      %dma_start3A_387 = tpu.memref_slice %arg7[%add3A_385, %dma_start3A_386] : memref<16x128xi32, #tpu.memory_space<vmem>> -> memref<1x128xi32, #tpu.memory_space<vmem>>
      %dma_start3A_388 = tpu.memref_squeeze %dma_start3A_387 : memref<1x128xi32, #tpu.memory_space<vmem>> -> memref<128xi32, #tpu.memory_space<vmem>>
      %dma_start3A_389 = arith.constant 0 : i32
      %dma_start3A_390 = arith.constant 0 : i32
      %dma_start3A_391 = tpu.memref_slice %arg12[%dma_start3A_389, %dma_start3A_390] : memref<10240x128xf32, #tpu.memory_space<vmem_shared>> -> memref<10240x128xf32, #tpu.memory_space<vmem_shared>>
      tpu.enqueue_indirect_dma source(%arg10 : memref<128x128xf32, #tpu.memory_space<vmem>>) target(%dma_start3A_391 : memref<10240x128xf32, #tpu.memory_space<vmem_shared>>) offsets(%dma_start3A_388 : memref<128xi32, #tpu.memory_space<vmem>>) semaphore(%arg15 : memref<!tpu.dma_semaphore, #tpu.memory_space<semaphore_mem>>) {add = true}
      %mul3A_392 = arith.constant 2 : i32
      %mul3A_393 = arith.muli %mul3A_392, %scan3A_370 : i32
      %add3A_394 = arith.constant 1 : i32
      %add3A_395 = arith.addi %mul3A_393, %add3A_394 : i32
      %dma_wait3A_396 = arith.constant 0 : i32
      %dma_wait3A_397 = tpu.memref_slice %arg6[%add3A_395, %dma_wait3A_396] : memref<16x128xi32, #tpu.memory_space<vmem>> -> memref<1x128xi32, #tpu.memory_space<vmem>>
      %dma_wait3A_398 = tpu.memref_squeeze %dma_wait3A_397 : memref<1x128xi32, #tpu.memory_space<vmem>> -> memref<128xi32, #tpu.memory_space<vmem>>
      %dma_wait3A_399 = arith.constant 0 : i32
      %dma_wait3A_400 = arith.constant 0 : i32
      %dma_wait3A_401 = tpu.memref_slice %arg2[%dma_wait3A_399, %dma_wait3A_400] : memref<10240x128xf32, #tpu.memory_space<hbm>> -> memref<10240x128xf32, #tpu.memory_space<hbm>>
      tpu.wait_indirect_dma semaphore(%arg14 : memref<!tpu.dma_semaphore, #tpu.memory_space<semaphore_mem>>) src(%dma_wait3A_401 : memref<10240x128xf32, #tpu.memory_space<hbm>>) dst(%arg11 : memref<128x128xf32, #tpu.memory_space<vmem>>)
      %mul3A_402 = arith.constant 2 : i32
      %mul3A_403 = arith.muli %mul3A_402, %scan3A_370 : i32
      %add3A_404 = arith.constant 1 : i32
      %add3A_405 = arith.addi %mul3A_403, %add3A_404 : i32
      %dma_start3A_406 = arith.constant 0 : i32
      %dma_start3A_407 = tpu.memref_slice %arg7[%add3A_405, %dma_start3A_406] : memref<16x128xi32, #tpu.memory_space<vmem>> -> memref<1x128xi32, #tpu.memory_space<vmem>>
      %dma_start3A_408 = tpu.memref_squeeze %dma_start3A_407 : memref<1x128xi32, #tpu.memory_space<vmem>> -> memref<128xi32, #tpu.memory_space<vmem>>
      %dma_start3A_409 = arith.constant 0 : i32
      %dma_start3A_410 = arith.constant 0 : i32
      %dma_start3A_411 = tpu.memref_slice %arg12[%dma_start3A_409, %dma_start3A_410] : memref<10240x128xf32, #tpu.memory_space<vmem_shared>> -> memref<10240x128xf32, #tpu.memory_space<vmem_shared>>
      tpu.enqueue_indirect_dma source(%arg11 : memref<128x128xf32, #tpu.memory_space<vmem>>) target(%dma_start3A_411 : memref<10240x128xf32, #tpu.memory_space<vmem_shared>>) offsets(%dma_start3A_408 : memref<128xi32, #tpu.memory_space<vmem>>) semaphore(%arg16 : memref<!tpu.dma_semaphore, #tpu.memory_space<semaphore_mem>>) {add = true}
      %mul3A_412 = arith.constant 2 : i32
      %mul3A_413 = arith.muli %mul3A_412, %scan3A_370 : i32
      %add3A_414 = arith.constant 0 : i32
      %add3A_415 = arith.addi %mul3A_413, %add3A_414 : i32
      %dma_wait3A_416 = arith.constant 0 : i32
      %dma_wait3A_417 = tpu.memref_slice %arg7[%add3A_415, %dma_wait3A_416] : memref<16x128xi32, #tpu.memory_space<vmem>> -> memref<1x128xi32, #tpu.memory_space<vmem>>
      %dma_wait3A_418 = tpu.memref_squeeze %dma_wait3A_417 : memref<1x128xi32, #tpu.memory_space<vmem>> -> memref<128xi32, #tpu.memory_space<vmem>>
      %dma_wait3A_419 = arith.constant 0 : i32
      %dma_wait3A_420 = arith.constant 0 : i32
      %dma_wait3A_421 = tpu.memref_slice %arg12[%dma_wait3A_419, %dma_wait3A_420] : memref<10240x128xf32, #tpu.memory_space<vmem_shared>> -> memref<10240x128xf32, #tpu.memory_space<vmem_shared>>
      tpu.wait_indirect_dma semaphore(%arg15 : memref<!tpu.dma_semaphore, #tpu.memory_space<semaphore_mem>>) src(%arg10 : memref<128x128xf32, #tpu.memory_space<vmem>>) dst(%dma_wait3A_421 : memref<10240x128xf32, #tpu.memory_space<vmem_shared>>)
      %mul3A_422 = arith.constant 2 : i32
      %mul3A_423 = arith.muli %mul3A_422, %scan3A_370 : i32
      %add3A_424 = arith.constant 2 : i32
      %add3A_425 = arith.addi %mul3A_423, %add3A_424 : i32
      %add3A_426 = arith.constant 0 : i32
      %add3A_427 = arith.addi %add3A_425, %add3A_426 : i32
      %dma_start3A_428 = arith.constant 0 : i32
      %dma_start3A_429 = tpu.memref_slice %arg6[%add3A_427, %dma_start3A_428] : memref<16x128xi32, #tpu.memory_space<vmem>> -> memref<1x128xi32, #tpu.memory_space<vmem>>
      %dma_start3A_430 = tpu.memref_squeeze %dma_start3A_429 : memref<1x128xi32, #tpu.memory_space<vmem>> -> memref<128xi32, #tpu.memory_space<vmem>>
      %dma_start3A_431 = arith.constant 0 : i32
      %dma_start3A_432 = arith.constant 0 : i32
      %dma_start3A_433 = tpu.memref_slice %arg2[%dma_start3A_431, %dma_start3A_432] : memref<10240x128xf32, #tpu.memory_space<hbm>> -> memref<10240x128xf32, #tpu.memory_space<hbm>>
      tpu.enqueue_indirect_dma source(%dma_start3A_433 : memref<10240x128xf32, #tpu.memory_space<hbm>>) target(%arg10 : memref<128x128xf32, #tpu.memory_space<vmem>>) offsets(%dma_start3A_430 : memref<128xi32, #tpu.memory_space<vmem>>) semaphore(%arg13 : memref<!tpu.dma_semaphore, #tpu.memory_space<semaphore_mem>>)
      %mul3A_434 = arith.constant 2 : i32
      %mul3A_435 = arith.muli %mul3A_434, %scan3A_370 : i32
      %add3A_436 = arith.constant 1 : i32
      %add3A_437 = arith.addi %mul3A_435, %add3A_436 : i32
      %dma_wait3A_438 = arith.constant 0 : i32
      %dma_wait3A_439 = tpu.memref_slice %arg7[%add3A_437, %dma_wait3A_438] : memref<16x128xi32, #tpu.memory_space<vmem>> -> memref<1x128xi32, #tpu.memory_space<vmem>>
      %dma_wait3A_440 = tpu.memref_squeeze %dma_wait3A_439 : memref<1x128xi32, #tpu.memory_space<vmem>> -> memref<128xi32, #tpu.memory_space<vmem>>
      %dma_wait3A_441 = arith.constant 0 : i32
      %dma_wait3A_442 = arith.constant 0 : i32
      %dma_wait3A_443 = tpu.memref_slice %arg12[%dma_wait3A_441, %dma_wait3A_442] : memref<10240x128xf32, #tpu.memory_space<vmem_shared>> -> memref<10240x128xf32, #tpu.memory_space<vmem_shared>>
      tpu.wait_indirect_dma semaphore(%arg16 : memref<!tpu.dma_semaphore, #tpu.memory_space<semaphore_mem>>) src(%arg11 : memref<128x128xf32, #tpu.memory_space<vmem>>) dst(%dma_wait3A_443 : memref<10240x128xf32, #tpu.memory_space<vmem_shared>>)
      %mul3A_444 = arith.constant 2 : i32
      %mul3A_445 = arith.muli %mul3A_444, %scan3A_370 : i32
      %add3A_446 = arith.constant 2 : i32
      %add3A_447 = arith.addi %mul3A_445, %add3A_446 : i32
      %add3A_448 = arith.constant 1 : i32
      %add3A_449 = arith.addi %add3A_447, %add3A_448 : i32
      %dma_start3A_450 = arith.constant 0 : i32
      %dma_start3A_451 = tpu.memref_slice %arg6[%add3A_449, %dma_start3A_450] : memref<16x128xi32, #tpu.memory_space<vmem>> -> memref<1x128xi32, #tpu.memory_space<vmem>>
      %dma_start3A_452 = tpu.memref_squeeze %dma_start3A_451 : memref<1x128xi32, #tpu.memory_space<vmem>> -> memref<128xi32, #tpu.memory_space<vmem>>
      %dma_start3A_453 = arith.constant 0 : i32
      %dma_start3A_454 = arith.constant 0 : i32
      %dma_start3A_455 = tpu.memref_slice %arg2[%dma_start3A_453, %dma_start3A_454] : memref<10240x128xf32, #tpu.memory_space<hbm>> -> memref<10240x128xf32, #tpu.memory_space<hbm>>
      tpu.enqueue_indirect_dma source(%dma_start3A_455 : memref<10240x128xf32, #tpu.memory_space<hbm>>) target(%arg11 : memref<128x128xf32, #tpu.memory_space<vmem>>) offsets(%dma_start3A_452 : memref<128xi32, #tpu.memory_space<vmem>>) semaphore(%arg14 : memref<!tpu.dma_semaphore, #tpu.memory_space<semaphore_mem>>)
      %scan3A_456 = arith.constant 0 : i32
      scf.yield %scan3A_456 : i32
    }
    %scan3A_185 = arith.constant 7 : i32
    %dma_wait3A_186 = arith.constant 14 : i32
    %dma_wait3A_187 = arith.constant 0 : i32
    %dma_wait3A_188 = tpu.memref_slice %arg6[%dma_wait3A_186, %dma_wait3A_187] : memref<16x128xi32, #tpu.memory_space<vmem>> -> memref<1x128xi32, #tpu.memory_space<vmem>>
    %dma_wait3A_189 = tpu.memref_squeeze %dma_wait3A_188 : memref<1x128xi32, #tpu.memory_space<vmem>> -> memref<128xi32, #tpu.memory_space<vmem>>
    %dma_wait3A_190 = arith.constant 0 : i32
    %dma_wait3A_191 = arith.constant 0 : i32
    %dma_wait3A_192 = tpu.memref_slice %arg2[%dma_wait3A_190, %dma_wait3A_191] : memref<10240x128xf32, #tpu.memory_space<hbm>> -> memref<10240x128xf32, #tpu.memory_space<hbm>>
    tpu.wait_indirect_dma semaphore(%arg13 : memref<!tpu.dma_semaphore, #tpu.memory_space<semaphore_mem>>) src(%dma_wait3A_192 : memref<10240x128xf32, #tpu.memory_space<hbm>>) dst(%arg10 : memref<128x128xf32, #tpu.memory_space<vmem>>)
    %dma_start3A_193 = arith.constant 14 : i32
    %dma_start3A_194 = arith.constant 0 : i32
    %dma_start3A_195 = tpu.memref_slice %arg7[%dma_start3A_193, %dma_start3A_194] : memref<16x128xi32, #tpu.memory_space<vmem>> -> memref<1x128xi32, #tpu.memory_space<vmem>>
    %dma_start3A_196 = tpu.memref_squeeze %dma_start3A_195 : memref<1x128xi32, #tpu.memory_space<vmem>> -> memref<128xi32, #tpu.memory_space<vmem>>
    %dma_start3A_197 = arith.constant 0 : i32
    %dma_start3A_198 = arith.constant 0 : i32
    %dma_start3A_199 = tpu.memref_slice %arg12[%dma_start3A_197, %dma_start3A_198] : memref<10240x128xf32, #tpu.memory_space<vmem_shared>> -> memref<10240x128xf32, #tpu.memory_space<vmem_shared>>
    tpu.enqueue_indirect_dma source(%arg10 : memref<128x128xf32, #tpu.memory_space<vmem>>) target(%dma_start3A_199 : memref<10240x128xf32, #tpu.memory_space<vmem_shared>>) offsets(%dma_start3A_196 : memref<128xi32, #tpu.memory_space<vmem>>) semaphore(%arg15 : memref<!tpu.dma_semaphore, #tpu.memory_space<semaphore_mem>>) {add = true}
    %dma_wait3A_200 = arith.constant 15 : i32
    %dma_wait3A_201 = arith.constant 0 : i32
    %dma_wait3A_202 = tpu.memref_slice %arg6[%dma_wait3A_200, %dma_wait3A_201] : memref<16x128xi32, #tpu.memory_space<vmem>> -> memref<1x128xi32, #tpu.memory_space<vmem>>
    %dma_wait3A_203 = tpu.memref_squeeze %dma_wait3A_202 : memref<1x128xi32, #tpu.memory_space<vmem>> -> memref<128xi32, #tpu.memory_space<vmem>>
    %dma_wait3A_204 = arith.constant 0 : i32
    %dma_wait3A_205 = arith.constant 0 : i32
    %dma_wait3A_206 = tpu.memref_slice %arg2[%dma_wait3A_204, %dma_wait3A_205] : memref<10240x128xf32, #tpu.memory_space<hbm>> -> memref<10240x128xf32, #tpu.memory_space<hbm>>
    tpu.wait_indirect_dma semaphore(%arg14 : memref<!tpu.dma_semaphore, #tpu.memory_space<semaphore_mem>>) src(%dma_wait3A_206 : memref<10240x128xf32, #tpu.memory_space<hbm>>) dst(%arg11 : memref<128x128xf32, #tpu.memory_space<vmem>>)
    %dma_start3A_207 = arith.constant 15 : i32
    %dma_start3A_208 = arith.constant 0 : i32
    %dma_start3A_209 = tpu.memref_slice %arg7[%dma_start3A_207, %dma_start3A_208] : memref<16x128xi32, #tpu.memory_space<vmem>> -> memref<1x128xi32, #tpu.memory_space<vmem>>
    %dma_start3A_210 = tpu.memref_squeeze %dma_start3A_209 : memref<1x128xi32, #tpu.memory_space<vmem>> -> memref<128xi32, #tpu.memory_space<vmem>>
    %dma_start3A_211 = arith.constant 0 : i32
    %dma_start3A_212 = arith.constant 0 : i32
    %dma_start3A_213 = tpu.memref_slice %arg12[%dma_start3A_211, %dma_start3A_212] : memref<10240x128xf32, #tpu.memory_space<vmem_shared>> -> memref<10240x128xf32, #tpu.memory_space<vmem_shared>>
    tpu.enqueue_indirect_dma source(%arg11 : memref<128x128xf32, #tpu.memory_space<vmem>>) target(%dma_start3A_213 : memref<10240x128xf32, #tpu.memory_space<vmem_shared>>) offsets(%dma_start3A_210 : memref<128xi32, #tpu.memory_space<vmem>>) semaphore(%arg16 : memref<!tpu.dma_semaphore, #tpu.memory_space<semaphore_mem>>) {add = true}
    %dma_wait3A_214 = arith.constant 14 : i32
    %dma_wait3A_215 = arith.constant 0 : i32
    %dma_wait3A_216 = tpu.memref_slice %arg7[%dma_wait3A_214, %dma_wait3A_215] : memref<16x128xi32, #tpu.memory_space<vmem>> -> memref<1x128xi32, #tpu.memory_space<vmem>>
    %dma_wait3A_217 = tpu.memref_squeeze %dma_wait3A_216 : memref<1x128xi32, #tpu.memory_space<vmem>> -> memref<128xi32, #tpu.memory_space<vmem>>
    %dma_wait3A_218 = arith.constant 0 : i32
    %dma_wait3A_219 = arith.constant 0 : i32
    %dma_wait3A_220 = tpu.memref_slice %arg12[%dma_wait3A_218, %dma_wait3A_219] : memref<10240x128xf32, #tpu.memory_space<vmem_shared>> -> memref<10240x128xf32, #tpu.memory_space<vmem_shared>>
    tpu.wait_indirect_dma semaphore(%arg15 : memref<!tpu.dma_semaphore, #tpu.memory_space<semaphore_mem>>) src(%arg10 : memref<128x128xf32, #tpu.memory_space<vmem>>) dst(%dma_wait3A_220 : memref<10240x128xf32, #tpu.memory_space<vmem_shared>>)
    %dma_wait3A_221 = arith.constant 15 : i32
    %dma_wait3A_222 = arith.constant 0 : i32
    %dma_wait3A_223 = tpu.memref_slice %arg7[%dma_wait3A_221, %dma_wait3A_222] : memref<16x128xi32, #tpu.memory_space<vmem>> -> memref<1x128xi32, #tpu.memory_space<vmem>>
    %dma_wait3A_224 = tpu.memref_squeeze %dma_wait3A_223 : memref<1x128xi32, #tpu.memory_space<vmem>> -> memref<128xi32, #tpu.memory_space<vmem>>
    %dma_wait3A_225 = arith.constant 0 : i32
    %dma_wait3A_226 = arith.constant 0 : i32
    %dma_wait3A_227 = tpu.memref_slice %arg12[%dma_wait3A_225, %dma_wait3A_226] : memref<10240x128xf32, #tpu.memory_space<vmem_shared>> -> memref<10240x128xf32, #tpu.memory_space<vmem_shared>>
    tpu.wait_indirect_dma semaphore(%arg16 : memref<!tpu.dma_semaphore, #tpu.memory_space<semaphore_mem>>) src(%arg11 : memref<128x128xf32, #tpu.memory_space<vmem>>) dst(%dma_wait3A_227 : memref<10240x128xf32, #tpu.memory_space<vmem_shared>>)
    %add3A_228 = arith.constant 48 : i32
    %add3A_229 = arith.addi %mul3A_2, %add3A_228 : i32
    "tpu.region"() ({
      %run_scoped3A = tpu.sem_alloc : memref<!tpu.dma_semaphore, #tpu.memory_space<semaphore_mem>>
      %dma_start3A_370 = arith.constant 0 : i32
      %dma_start3A_371 = tpu.memref_slice %arg3[%add3A_229, %dma_start3A_370] : memref<2560x128xi32, #tpu.memory_space<hbm>> -> memref<16x128xi32, #tpu.memory_space<hbm>>
      %dma_start3A_372 = arith.constant 0 : i32
      %dma_start3A_373 = tpu.memref_slice %arg3[%add3A_229, %dma_start3A_372] : memref<2560x128xi32, #tpu.memory_space<hbm>> -> memref<16x128xi32, #tpu.memory_space<hbm>>
      tpu.enqueue_dma source(%dma_start3A_373 : memref<16x128xi32, #tpu.memory_space<hbm>>) target(%arg8 : memref<16x128xi32, #tpu.memory_space<vmem>>) target_semaphore(%run_scoped3A : memref<!tpu.dma_semaphore, #tpu.memory_space<semaphore_mem>>)
      %dma_wait3A_374 = arith.constant 0 : i32
      %dma_wait3A_375 = tpu.memref_slice %arg3[%add3A_229, %dma_wait3A_374] : memref<2560x128xi32, #tpu.memory_space<hbm>> -> memref<16x128xi32, #tpu.memory_space<hbm>>
      %dma_wait3A_376 = arith.constant 0 : i32
      %dma_wait3A_377 = tpu.memref_slice %arg3[%add3A_229, %dma_wait3A_376] : memref<2560x128xi32, #tpu.memory_space<hbm>> -> memref<16x128xi32, #tpu.memory_space<hbm>>
      tpu.wait_dma2 semaphore(%run_scoped3A : memref<!tpu.dma_semaphore, #tpu.memory_space<semaphore_mem>>) src(%dma_wait3A_377 : memref<16x128xi32, #tpu.memory_space<hbm>>) dst(%arg8 : memref<16x128xi32, #tpu.memory_space<vmem>>)
      tpu.yield
    }) : () -> ()
    %add3A_230 = arith.constant 48 : i32
    %add3A_231 = arith.addi %mul3A_2, %add3A_230 : i32
    "tpu.region"() ({
      %run_scoped3A = tpu.sem_alloc : memref<!tpu.dma_semaphore, #tpu.memory_space<semaphore_mem>>
      %dma_start3A_370 = arith.constant 0 : i32
      %dma_start3A_371 = tpu.memref_slice %arg4[%add3A_231, %dma_start3A_370] : memref<2560x128xi32, #tpu.memory_space<hbm>> -> memref<16x128xi32, #tpu.memory_space<hbm>>
      %dma_start3A_372 = arith.constant 0 : i32
      %dma_start3A_373 = tpu.memref_slice %arg4[%add3A_231, %dma_start3A_372] : memref<2560x128xi32, #tpu.memory_space<hbm>> -> memref<16x128xi32, #tpu.memory_space<hbm>>
      tpu.enqueue_dma source(%dma_start3A_373 : memref<16x128xi32, #tpu.memory_space<hbm>>) target(%arg9 : memref<16x128xi32, #tpu.memory_space<vmem>>) target_semaphore(%run_scoped3A : memref<!tpu.dma_semaphore, #tpu.memory_space<semaphore_mem>>)
      %dma_wait3A_374 = arith.constant 0 : i32
      %dma_wait3A_375 = tpu.memref_slice %arg4[%add3A_231, %dma_wait3A_374] : memref<2560x128xi32, #tpu.memory_space<hbm>> -> memref<16x128xi32, #tpu.memory_space<hbm>>
      %dma_wait3A_376 = arith.constant 0 : i32
      %dma_wait3A_377 = tpu.memref_slice %arg4[%add3A_231, %dma_wait3A_376] : memref<2560x128xi32, #tpu.memory_space<hbm>> -> memref<16x128xi32, #tpu.memory_space<hbm>>
      tpu.wait_dma2 semaphore(%run_scoped3A : memref<!tpu.dma_semaphore, #tpu.memory_space<semaphore_mem>>) src(%dma_wait3A_377 : memref<16x128xi32, #tpu.memory_space<hbm>>) dst(%arg9 : memref<16x128xi32, #tpu.memory_space<vmem>>)
      tpu.yield
    }) : () -> ()
    %dma_start3A_232 = arith.constant 0 : i32
    %dma_start3A_233 = arith.constant 0 : i32
    %dma_start3A_234 = tpu.memref_slice %arg8[%dma_start3A_232, %dma_start3A_233] : memref<16x128xi32, #tpu.memory_space<vmem>> -> memref<1x128xi32, #tpu.memory_space<vmem>>
    %dma_start3A_235 = tpu.memref_squeeze %dma_start3A_234 : memref<1x128xi32, #tpu.memory_space<vmem>> -> memref<128xi32, #tpu.memory_space<vmem>>
    %dma_start3A_236 = arith.constant 0 : i32
    %dma_start3A_237 = arith.constant 0 : i32
    %dma_start3A_238 = tpu.memref_slice %arg2[%dma_start3A_236, %dma_start3A_237] : memref<10240x128xf32, #tpu.memory_space<hbm>> -> memref<10240x128xf32, #tpu.memory_space<hbm>>
    tpu.enqueue_indirect_dma source(%dma_start3A_238 : memref<10240x128xf32, #tpu.memory_space<hbm>>) target(%arg10 : memref<128x128xf32, #tpu.memory_space<vmem>>) offsets(%dma_start3A_235 : memref<128xi32, #tpu.memory_space<vmem>>) semaphore(%arg13 : memref<!tpu.dma_semaphore, #tpu.memory_space<semaphore_mem>>)
    %dma_start3A_239 = arith.constant 1 : i32
    %dma_start3A_240 = arith.constant 0 : i32
    %dma_start3A_241 = tpu.memref_slice %arg8[%dma_start3A_239, %dma_start3A_240] : memref<16x128xi32, #tpu.memory_space<vmem>> -> memref<1x128xi32, #tpu.memory_space<vmem>>
    %dma_start3A_242 = tpu.memref_squeeze %dma_start3A_241 : memref<1x128xi32, #tpu.memory_space<vmem>> -> memref<128xi32, #tpu.memory_space<vmem>>
    %dma_start3A_243 = arith.constant 0 : i32
    %dma_start3A_244 = arith.constant 0 : i32
    %dma_start3A_245 = tpu.memref_slice %arg2[%dma_start3A_243, %dma_start3A_244] : memref<10240x128xf32, #tpu.memory_space<hbm>> -> memref<10240x128xf32, #tpu.memory_space<hbm>>
    tpu.enqueue_indirect_dma source(%dma_start3A_245 : memref<10240x128xf32, #tpu.memory_space<hbm>>) target(%arg11 : memref<128x128xf32, #tpu.memory_space<vmem>>) offsets(%dma_start3A_242 : memref<128xi32, #tpu.memory_space<vmem>>) semaphore(%arg14 : memref<!tpu.dma_semaphore, #tpu.memory_space<semaphore_mem>>)
    %scan3A_246 = arith.constant 0 : i32
    %scan3A_247 = arith.constant 0 : i32
    %scan3A_248 = arith.constant 7 : i32
    %scan3A_249 = arith.addi %scan3A_247, %scan3A_248 : i32
    %scan3A_250 = arith.constant 1 : i32
    %scan3A_251 = scf.for %scan3A_370 = %scan3A_247 to %scan3A_249 step %scan3A_250 iter_args(%scan3A_371 = %scan3A_246) -> (i32)  : i32 {
      %mul3A_372 = arith.constant 2 : i32
      %mul3A_373 = arith.muli %mul3A_372, %scan3A_370 : i32
      %add3A_374 = arith.constant 0 : i32
      %add3A_375 = arith.addi %mul3A_373, %add3A_374 : i32
      %dma_wait3A_376 = arith.constant 0 : i32
      %dma_wait3A_377 = tpu.memref_slice %arg8[%add3A_375, %dma_wait3A_376] : memref<16x128xi32, #tpu.memory_space<vmem>> -> memref<1x128xi32, #tpu.memory_space<vmem>>
      %dma_wait3A_378 = tpu.memref_squeeze %dma_wait3A_377 : memref<1x128xi32, #tpu.memory_space<vmem>> -> memref<128xi32, #tpu.memory_space<vmem>>
      %dma_wait3A_379 = arith.constant 0 : i32
      %dma_wait3A_380 = arith.constant 0 : i32
      %dma_wait3A_381 = tpu.memref_slice %arg2[%dma_wait3A_379, %dma_wait3A_380] : memref<10240x128xf32, #tpu.memory_space<hbm>> -> memref<10240x128xf32, #tpu.memory_space<hbm>>
      tpu.wait_indirect_dma semaphore(%arg13 : memref<!tpu.dma_semaphore, #tpu.memory_space<semaphore_mem>>) src(%dma_wait3A_381 : memref<10240x128xf32, #tpu.memory_space<hbm>>) dst(%arg10 : memref<128x128xf32, #tpu.memory_space<vmem>>)
      %mul3A_382 = arith.constant 2 : i32
      %mul3A_383 = arith.muli %mul3A_382, %scan3A_370 : i32
      %add3A_384 = arith.constant 0 : i32
      %add3A_385 = arith.addi %mul3A_383, %add3A_384 : i32
      %dma_start3A_386 = arith.constant 0 : i32
      %dma_start3A_387 = tpu.memref_slice %arg9[%add3A_385, %dma_start3A_386] : memref<16x128xi32, #tpu.memory_space<vmem>> -> memref<1x128xi32, #tpu.memory_space<vmem>>
      %dma_start3A_388 = tpu.memref_squeeze %dma_start3A_387 : memref<1x128xi32, #tpu.memory_space<vmem>> -> memref<128xi32, #tpu.memory_space<vmem>>
      %dma_start3A_389 = arith.constant 0 : i32
      %dma_start3A_390 = arith.constant 0 : i32
      %dma_start3A_391 = tpu.memref_slice %arg12[%dma_start3A_389, %dma_start3A_390] : memref<10240x128xf32, #tpu.memory_space<vmem_shared>> -> memref<10240x128xf32, #tpu.memory_space<vmem_shared>>
      tpu.enqueue_indirect_dma source(%arg10 : memref<128x128xf32, #tpu.memory_space<vmem>>) target(%dma_start3A_391 : memref<10240x128xf32, #tpu.memory_space<vmem_shared>>) offsets(%dma_start3A_388 : memref<128xi32, #tpu.memory_space<vmem>>) semaphore(%arg15 : memref<!tpu.dma_semaphore, #tpu.memory_space<semaphore_mem>>) {add = true}
      %mul3A_392 = arith.constant 2 : i32
      %mul3A_393 = arith.muli %mul3A_392, %scan3A_370 : i32
      %add3A_394 = arith.constant 1 : i32
      %add3A_395 = arith.addi %mul3A_393, %add3A_394 : i32
      %dma_wait3A_396 = arith.constant 0 : i32
      %dma_wait3A_397 = tpu.memref_slice %arg8[%add3A_395, %dma_wait3A_396] : memref<16x128xi32, #tpu.memory_space<vmem>> -> memref<1x128xi32, #tpu.memory_space<vmem>>
      %dma_wait3A_398 = tpu.memref_squeeze %dma_wait3A_397 : memref<1x128xi32, #tpu.memory_space<vmem>> -> memref<128xi32, #tpu.memory_space<vmem>>
      %dma_wait3A_399 = arith.constant 0 : i32
      %dma_wait3A_400 = arith.constant 0 : i32
      %dma_wait3A_401 = tpu.memref_slice %arg2[%dma_wait3A_399, %dma_wait3A_400] : memref<10240x128xf32, #tpu.memory_space<hbm>> -> memref<10240x128xf32, #tpu.memory_space<hbm>>
      tpu.wait_indirect_dma semaphore(%arg14 : memref<!tpu.dma_semaphore, #tpu.memory_space<semaphore_mem>>) src(%dma_wait3A_401 : memref<10240x128xf32, #tpu.memory_space<hbm>>) dst(%arg11 : memref<128x128xf32, #tpu.memory_space<vmem>>)
      %mul3A_402 = arith.constant 2 : i32
      %mul3A_403 = arith.muli %mul3A_402, %scan3A_370 : i32
      %add3A_404 = arith.constant 1 : i32
      %add3A_405 = arith.addi %mul3A_403, %add3A_404 : i32
      %dma_start3A_406 = arith.constant 0 : i32
      %dma_start3A_407 = tpu.memref_slice %arg9[%add3A_405, %dma_start3A_406] : memref<16x128xi32, #tpu.memory_space<vmem>> -> memref<1x128xi32, #tpu.memory_space<vmem>>
      %dma_start3A_408 = tpu.memref_squeeze %dma_start3A_407 : memref<1x128xi32, #tpu.memory_space<vmem>> -> memref<128xi32, #tpu.memory_space<vmem>>
      %dma_start3A_409 = arith.constant 0 : i32
      %dma_start3A_410 = arith.constant 0 : i32
      %dma_start3A_411 = tpu.memref_slice %arg12[%dma_start3A_409, %dma_start3A_410] : memref<10240x128xf32, #tpu.memory_space<vmem_shared>> -> memref<10240x128xf32, #tpu.memory_space<vmem_shared>>
      tpu.enqueue_indirect_dma source(%arg11 : memref<128x128xf32, #tpu.memory_space<vmem>>) target(%dma_start3A_411 : memref<10240x128xf32, #tpu.memory_space<vmem_shared>>) offsets(%dma_start3A_408 : memref<128xi32, #tpu.memory_space<vmem>>) semaphore(%arg16 : memref<!tpu.dma_semaphore, #tpu.memory_space<semaphore_mem>>) {add = true}
      %mul3A_412 = arith.constant 2 : i32
      %mul3A_413 = arith.muli %mul3A_412, %scan3A_370 : i32
      %add3A_414 = arith.constant 0 : i32
      %add3A_415 = arith.addi %mul3A_413, %add3A_414 : i32
      %dma_wait3A_416 = arith.constant 0 : i32
      %dma_wait3A_417 = tpu.memref_slice %arg9[%add3A_415, %dma_wait3A_416] : memref<16x128xi32, #tpu.memory_space<vmem>> -> memref<1x128xi32, #tpu.memory_space<vmem>>
      %dma_wait3A_418 = tpu.memref_squeeze %dma_wait3A_417 : memref<1x128xi32, #tpu.memory_space<vmem>> -> memref<128xi32, #tpu.memory_space<vmem>>
      %dma_wait3A_419 = arith.constant 0 : i32
      %dma_wait3A_420 = arith.constant 0 : i32
      %dma_wait3A_421 = tpu.memref_slice %arg12[%dma_wait3A_419, %dma_wait3A_420] : memref<10240x128xf32, #tpu.memory_space<vmem_shared>> -> memref<10240x128xf32, #tpu.memory_space<vmem_shared>>
      tpu.wait_indirect_dma semaphore(%arg15 : memref<!tpu.dma_semaphore, #tpu.memory_space<semaphore_mem>>) src(%arg10 : memref<128x128xf32, #tpu.memory_space<vmem>>) dst(%dma_wait3A_421 : memref<10240x128xf32, #tpu.memory_space<vmem_shared>>)
      %mul3A_422 = arith.constant 2 : i32
      %mul3A_423 = arith.muli %mul3A_422, %scan3A_370 : i32
      %add3A_424 = arith.constant 2 : i32
      %add3A_425 = arith.addi %mul3A_423, %add3A_424 : i32
      %add3A_426 = arith.constant 0 : i32
      %add3A_427 = arith.addi %add3A_425, %add3A_426 : i32
      %dma_start3A_428 = arith.constant 0 : i32
      %dma_start3A_429 = tpu.memref_slice %arg8[%add3A_427, %dma_start3A_428] : memref<16x128xi32, #tpu.memory_space<vmem>> -> memref<1x128xi32, #tpu.memory_space<vmem>>
      %dma_start3A_430 = tpu.memref_squeeze %dma_start3A_429 : memref<1x128xi32, #tpu.memory_space<vmem>> -> memref<128xi32, #tpu.memory_space<vmem>>
      %dma_start3A_431 = arith.constant 0 : i32
      %dma_start3A_432 = arith.constant 0 : i32
      %dma_start3A_433 = tpu.memref_slice %arg2[%dma_start3A_431, %dma_start3A_432] : memref<10240x128xf32, #tpu.memory_space<hbm>> -> memref<10240x128xf32, #tpu.memory_space<hbm>>
      tpu.enqueue_indirect_dma source(%dma_start3A_433 : memref<10240x128xf32, #tpu.memory_space<hbm>>) target(%arg10 : memref<128x128xf32, #tpu.memory_space<vmem>>) offsets(%dma_start3A_430 : memref<128xi32, #tpu.memory_space<vmem>>) semaphore(%arg13 : memref<!tpu.dma_semaphore, #tpu.memory_space<semaphore_mem>>)
      %mul3A_434 = arith.constant 2 : i32
      %mul3A_435 = arith.muli %mul3A_434, %scan3A_370 : i32
      %add3A_436 = arith.constant 1 : i32
      %add3A_437 = arith.addi %mul3A_435, %add3A_436 : i32
      %dma_wait3A_438 = arith.constant 0 : i32
      %dma_wait3A_439 = tpu.memref_slice %arg9[%add3A_437, %dma_wait3A_438] : memref<16x128xi32, #tpu.memory_space<vmem>> -> memref<1x128xi32, #tpu.memory_space<vmem>>
      %dma_wait3A_440 = tpu.memref_squeeze %dma_wait3A_439 : memref<1x128xi32, #tpu.memory_space<vmem>> -> memref<128xi32, #tpu.memory_space<vmem>>
      %dma_wait3A_441 = arith.constant 0 : i32
      %dma_wait3A_442 = arith.constant 0 : i32
      %dma_wait3A_443 = tpu.memref_slice %arg12[%dma_wait3A_441, %dma_wait3A_442] : memref<10240x128xf32, #tpu.memory_space<vmem_shared>> -> memref<10240x128xf32, #tpu.memory_space<vmem_shared>>
      tpu.wait_indirect_dma semaphore(%arg16 : memref<!tpu.dma_semaphore, #tpu.memory_space<semaphore_mem>>) src(%arg11 : memref<128x128xf32, #tpu.memory_space<vmem>>) dst(%dma_wait3A_443 : memref<10240x128xf32, #tpu.memory_space<vmem_shared>>)
      %mul3A_444 = arith.constant 2 : i32
      %mul3A_445 = arith.muli %mul3A_444, %scan3A_370 : i32
      %add3A_446 = arith.constant 2 : i32
      %add3A_447 = arith.addi %mul3A_445, %add3A_446 : i32
      %add3A_448 = arith.constant 1 : i32
      %add3A_449 = arith.addi %add3A_447, %add3A_448 : i32
      %dma_start3A_450 = arith.constant 0 : i32
      %dma_start3A_451 = tpu.memref_slice %arg8[%add3A_449, %dma_start3A_450] : memref<16x128xi32, #tpu.memory_space<vmem>> -> memref<1x128xi32, #tpu.memory_space<vmem>>
      %dma_start3A_452 = tpu.memref_squeeze %dma_start3A_451 : memref<1x128xi32, #tpu.memory_space<vmem>> -> memref<128xi32, #tpu.memory_space<vmem>>
      %dma_start3A_453 = arith.constant 0 : i32
      %dma_start3A_454 = arith.constant 0 : i32
      %dma_start3A_455 = tpu.memref_slice %arg2[%dma_start3A_453, %dma_start3A_454] : memref<10240x128xf32, #tpu.memory_space<hbm>> -> memref<10240x128xf32, #tpu.memory_space<hbm>>
      tpu.enqueue_indirect_dma source(%dma_start3A_455 : memref<10240x128xf32, #tpu.memory_space<hbm>>) target(%arg11 : memref<128x128xf32, #tpu.memory_space<vmem>>) offsets(%dma_start3A_452 : memref<128xi32, #tpu.memory_space<vmem>>) semaphore(%arg14 : memref<!tpu.dma_semaphore, #tpu.memory_space<semaphore_mem>>)
      %scan3A_456 = arith.constant 0 : i32
      scf.yield %scan3A_456 : i32
    }
    %scan3A_252 = arith.constant 7 : i32
    %dma_wait3A_253 = arith.constant 14 : i32
    %dma_wait3A_254 = arith.constant 0 : i32
    %dma_wait3A_255 = tpu.memref_slice %arg8[%dma_wait3A_253, %dma_wait3A_254] : memref<16x128xi32, #tpu.memory_space<vmem>> -> memref<1x128xi32, #tpu.memory_space<vmem>>
    %dma_wait3A_256 = tpu.memref_squeeze %dma_wait3A_255 : memref<1x128xi32, #tpu.memory_space<vmem>> -> memref<128xi32, #tpu.memory_space<vmem>>
    %dma_wait3A_257 = arith.constant 0 : i32
    %dma_wait3A_258 = arith.constant 0 : i32
    %dma_wait3A_259 = tpu.memref_slice %arg2[%dma_wait3A_257, %dma_wait3A_258] : memref<10240x128xf32, #tpu.memory_space<hbm>> -> memref<10240x128xf32, #tpu.memory_space<hbm>>
    tpu.wait_indirect_dma semaphore(%arg13 : memref<!tpu.dma_semaphore, #tpu.memory_space<semaphore_mem>>) src(%dma_wait3A_259 : memref<10240x128xf32, #tpu.memory_space<hbm>>) dst(%arg10 : memref<128x128xf32, #tpu.memory_space<vmem>>)
    %dma_start3A_260 = arith.constant 14 : i32
    %dma_start3A_261 = arith.constant 0 : i32
    %dma_start3A_262 = tpu.memref_slice %arg9[%dma_start3A_260, %dma_start3A_261] : memref<16x128xi32, #tpu.memory_space<vmem>> -> memref<1x128xi32, #tpu.memory_space<vmem>>
    %dma_start3A_263 = tpu.memref_squeeze %dma_start3A_262 : memref<1x128xi32, #tpu.memory_space<vmem>> -> memref<128xi32, #tpu.memory_space<vmem>>
    %dma_start3A_264 = arith.constant 0 : i32
    %dma_start3A_265 = arith.constant 0 : i32
    %dma_start3A_266 = tpu.memref_slice %arg12[%dma_start3A_264, %dma_start3A_265] : memref<10240x128xf32, #tpu.memory_space<vmem_shared>> -> memref<10240x128xf32, #tpu.memory_space<vmem_shared>>
    tpu.enqueue_indirect_dma source(%arg10 : memref<128x128xf32, #tpu.memory_space<vmem>>) target(%dma_start3A_266 : memref<10240x128xf32, #tpu.memory_space<vmem_shared>>) offsets(%dma_start3A_263 : memref<128xi32, #tpu.memory_space<vmem>>) semaphore(%arg15 : memref<!tpu.dma_semaphore, #tpu.memory_space<semaphore_mem>>) {add = true}
    %dma_wait3A_267 = arith.constant 15 : i32
    %dma_wait3A_268 = arith.constant 0 : i32
    %dma_wait3A_269 = tpu.memref_slice %arg8[%dma_wait3A_267, %dma_wait3A_268] : memref<16x128xi32, #tpu.memory_space<vmem>> -> memref<1x128xi32, #tpu.memory_space<vmem>>
    %dma_wait3A_270 = tpu.memref_squeeze %dma_wait3A_269 : memref<1x128xi32, #tpu.memory_space<vmem>> -> memref<128xi32, #tpu.memory_space<vmem>>
    %dma_wait3A_271 = arith.constant 0 : i32
    %dma_wait3A_272 = arith.constant 0 : i32
    %dma_wait3A_273 = tpu.memref_slice %arg2[%dma_wait3A_271, %dma_wait3A_272] : memref<10240x128xf32, #tpu.memory_space<hbm>> -> memref<10240x128xf32, #tpu.memory_space<hbm>>
    tpu.wait_indirect_dma semaphore(%arg14 : memref<!tpu.dma_semaphore, #tpu.memory_space<semaphore_mem>>) src(%dma_wait3A_273 : memref<10240x128xf32, #tpu.memory_space<hbm>>) dst(%arg11 : memref<128x128xf32, #tpu.memory_space<vmem>>)
    %dma_start3A_274 = arith.constant 15 : i32
    %dma_start3A_275 = arith.constant 0 : i32
    %dma_start3A_276 = tpu.memref_slice %arg9[%dma_start3A_274, %dma_start3A_275] : memref<16x128xi32, #tpu.memory_space<vmem>> -> memref<1x128xi32, #tpu.memory_space<vmem>>
    %dma_start3A_277 = tpu.memref_squeeze %dma_start3A_276 : memref<1x128xi32, #tpu.memory_space<vmem>> -> memref<128xi32, #tpu.memory_space<vmem>>
    %dma_start3A_278 = arith.constant 0 : i32
    %dma_start3A_279 = arith.constant 0 : i32
    %dma_start3A_280 = tpu.memref_slice %arg12[%dma_start3A_278, %dma_start3A_279] : memref<10240x128xf32, #tpu.memory_space<vmem_shared>> -> memref<10240x128xf32, #tpu.memory_space<vmem_shared>>
    tpu.enqueue_indirect_dma source(%arg11 : memref<128x128xf32, #tpu.memory_space<vmem>>) target(%dma_start3A_280 : memref<10240x128xf32, #tpu.memory_space<vmem_shared>>) offsets(%dma_start3A_277 : memref<128xi32, #tpu.memory_space<vmem>>) semaphore(%arg16 : memref<!tpu.dma_semaphore, #tpu.memory_space<semaphore_mem>>) {add = true}
    %dma_wait3A_281 = arith.constant 14 : i32
    %dma_wait3A_282 = arith.constant 0 : i32
    %dma_wait3A_283 = tpu.memref_slice %arg9[%dma_wait3A_281, %dma_wait3A_282] : memref<16x128xi32, #tpu.memory_space<vmem>> -> memref<1x128xi32, #tpu.memory_space<vmem>>
    %dma_wait3A_284 = tpu.memref_squeeze %dma_wait3A_283 : memref<1x128xi32, #tpu.memory_space<vmem>> -> memref<128xi32, #tpu.memory_space<vmem>>
    %dma_wait3A_285 = arith.constant 0 : i32
    %dma_wait3A_286 = arith.constant 0 : i32
    %dma_wait3A_287 = tpu.memref_slice %arg12[%dma_wait3A_285, %dma_wait3A_286] : memref<10240x128xf32, #tpu.memory_space<vmem_shared>> -> memref<10240x128xf32, #tpu.memory_space<vmem_shared>>
    tpu.wait_indirect_dma semaphore(%arg15 : memref<!tpu.dma_semaphore, #tpu.memory_space<semaphore_mem>>) src(%arg10 : memref<128x128xf32, #tpu.memory_space<vmem>>) dst(%dma_wait3A_287 : memref<10240x128xf32, #tpu.memory_space<vmem_shared>>)
    %dma_wait3A_288 = arith.constant 15 : i32
    %dma_wait3A_289 = arith.constant 0 : i32
    %dma_wait3A_290 = tpu.memref_slice %arg9[%dma_wait3A_288, %dma_wait3A_289] : memref<16x128xi32, #tpu.memory_space<vmem>> -> memref<1x128xi32, #tpu.memory_space<vmem>>
    %dma_wait3A_291 = tpu.memref_squeeze %dma_wait3A_290 : memref<1x128xi32, #tpu.memory_space<vmem>> -> memref<128xi32, #tpu.memory_space<vmem>>
    %dma_wait3A_292 = arith.constant 0 : i32
    %dma_wait3A_293 = arith.constant 0 : i32
    %dma_wait3A_294 = tpu.memref_slice %arg12[%dma_wait3A_292, %dma_wait3A_293] : memref<10240x128xf32, #tpu.memory_space<vmem_shared>> -> memref<10240x128xf32, #tpu.memory_space<vmem_shared>>
    tpu.wait_indirect_dma semaphore(%arg16 : memref<!tpu.dma_semaphore, #tpu.memory_space<semaphore_mem>>) src(%arg11 : memref<128x128xf32, #tpu.memory_space<vmem>>) dst(%dma_wait3A_294 : memref<10240x128xf32, #tpu.memory_space<vmem_shared>>)
    %add3A_295 = arith.constant 64 : i32
    %add3A_296 = arith.addi %mul3A_2, %add3A_295 : i32
    "tpu.region"() ({
      %run_scoped3A = tpu.sem_alloc : memref<!tpu.dma_semaphore, #tpu.memory_space<semaphore_mem>>
      %dma_start3A_370 = arith.constant 0 : i32
      %dma_start3A_371 = tpu.memref_slice %arg3[%add3A_296, %dma_start3A_370] : memref<2560x128xi32, #tpu.memory_space<hbm>> -> memref<16x128xi32, #tpu.memory_space<hbm>>
      %dma_start3A_372 = arith.constant 0 : i32
      %dma_start3A_373 = tpu.memref_slice %arg3[%add3A_296, %dma_start3A_372] : memref<2560x128xi32, #tpu.memory_space<hbm>> -> memref<16x128xi32, #tpu.memory_space<hbm>>
      tpu.enqueue_dma source(%dma_start3A_373 : memref<16x128xi32, #tpu.memory_space<hbm>>) target(%arg6 : memref<16x128xi32, #tpu.memory_space<vmem>>) target_semaphore(%run_scoped3A : memref<!tpu.dma_semaphore, #tpu.memory_space<semaphore_mem>>)
      %dma_wait3A_374 = arith.constant 0 : i32
      %dma_wait3A_375 = tpu.memref_slice %arg3[%add3A_296, %dma_wait3A_374] : memref<2560x128xi32, #tpu.memory_space<hbm>> -> memref<16x128xi32, #tpu.memory_space<hbm>>
      %dma_wait3A_376 = arith.constant 0 : i32
      %dma_wait3A_377 = tpu.memref_slice %arg3[%add3A_296, %dma_wait3A_376] : memref<2560x128xi32, #tpu.memory_space<hbm>> -> memref<16x128xi32, #tpu.memory_space<hbm>>
      tpu.wait_dma2 semaphore(%run_scoped3A : memref<!tpu.dma_semaphore, #tpu.memory_space<semaphore_mem>>) src(%dma_wait3A_377 : memref<16x128xi32, #tpu.memory_space<hbm>>) dst(%arg6 : memref<16x128xi32, #tpu.memory_space<vmem>>)
      tpu.yield
    }) : () -> ()
    %add3A_297 = arith.constant 64 : i32
    %add3A_298 = arith.addi %mul3A_2, %add3A_297 : i32
    "tpu.region"() ({
      %run_scoped3A = tpu.sem_alloc : memref<!tpu.dma_semaphore, #tpu.memory_space<semaphore_mem>>
      %dma_start3A_370 = arith.constant 0 : i32
      %dma_start3A_371 = tpu.memref_slice %arg4[%add3A_298, %dma_start3A_370] : memref<2560x128xi32, #tpu.memory_space<hbm>> -> memref<16x128xi32, #tpu.memory_space<hbm>>
      %dma_start3A_372 = arith.constant 0 : i32
      %dma_start3A_373 = tpu.memref_slice %arg4[%add3A_298, %dma_start3A_372] : memref<2560x128xi32, #tpu.memory_space<hbm>> -> memref<16x128xi32, #tpu.memory_space<hbm>>
      tpu.enqueue_dma source(%dma_start3A_373 : memref<16x128xi32, #tpu.memory_space<hbm>>) target(%arg7 : memref<16x128xi32, #tpu.memory_space<vmem>>) target_semaphore(%run_scoped3A : memref<!tpu.dma_semaphore, #tpu.memory_space<semaphore_mem>>)
      %dma_wait3A_374 = arith.constant 0 : i32
      %dma_wait3A_375 = tpu.memref_slice %arg4[%add3A_298, %dma_wait3A_374] : memref<2560x128xi32, #tpu.memory_space<hbm>> -> memref<16x128xi32, #tpu.memory_space<hbm>>
      %dma_wait3A_376 = arith.constant 0 : i32
      %dma_wait3A_377 = tpu.memref_slice %arg4[%add3A_298, %dma_wait3A_376] : memref<2560x128xi32, #tpu.memory_space<hbm>> -> memref<16x128xi32, #tpu.memory_space<hbm>>
      tpu.wait_dma2 semaphore(%run_scoped3A : memref<!tpu.dma_semaphore, #tpu.memory_space<semaphore_mem>>) src(%dma_wait3A_377 : memref<16x128xi32, #tpu.memory_space<hbm>>) dst(%arg7 : memref<16x128xi32, #tpu.memory_space<vmem>>)
      tpu.yield
    }) : () -> ()
    %dma_start3A_299 = arith.constant 0 : i32
    %dma_start3A_300 = arith.constant 0 : i32
    %dma_start3A_301 = tpu.memref_slice %arg6[%dma_start3A_299, %dma_start3A_300] : memref<16x128xi32, #tpu.memory_space<vmem>> -> memref<1x128xi32, #tpu.memory_space<vmem>>
    %dma_start3A_302 = tpu.memref_squeeze %dma_start3A_301 : memref<1x128xi32, #tpu.memory_space<vmem>> -> memref<128xi32, #tpu.memory_space<vmem>>
    %dma_start3A_303 = arith.constant 0 : i32
    %dma_start3A_304 = arith.constant 0 : i32
    %dma_start3A_305 = tpu.memref_slice %arg2[%dma_start3A_303, %dma_start3A_304] : memref<10240x128xf32, #tpu.memory_space<hbm>> -> memref<10240x128xf32, #tpu.memory_space<hbm>>
    tpu.enqueue_indirect_dma source(%dma_start3A_305 : memref<10240x128xf32, #tpu.memory_space<hbm>>) target(%arg10 : memref<128x128xf32, #tpu.memory_space<vmem>>) offsets(%dma_start3A_302 : memref<128xi32, #tpu.memory_space<vmem>>) semaphore(%arg13 : memref<!tpu.dma_semaphore, #tpu.memory_space<semaphore_mem>>)
    %dma_start3A_306 = arith.constant 1 : i32
    %dma_start3A_307 = arith.constant 0 : i32
    %dma_start3A_308 = tpu.memref_slice %arg6[%dma_start3A_306, %dma_start3A_307] : memref<16x128xi32, #tpu.memory_space<vmem>> -> memref<1x128xi32, #tpu.memory_space<vmem>>
    %dma_start3A_309 = tpu.memref_squeeze %dma_start3A_308 : memref<1x128xi32, #tpu.memory_space<vmem>> -> memref<128xi32, #tpu.memory_space<vmem>>
    %dma_start3A_310 = arith.constant 0 : i32
    %dma_start3A_311 = arith.constant 0 : i32
    %dma_start3A_312 = tpu.memref_slice %arg2[%dma_start3A_310, %dma_start3A_311] : memref<10240x128xf32, #tpu.memory_space<hbm>> -> memref<10240x128xf32, #tpu.memory_space<hbm>>
    tpu.enqueue_indirect_dma source(%dma_start3A_312 : memref<10240x128xf32, #tpu.memory_space<hbm>>) target(%arg11 : memref<128x128xf32, #tpu.memory_space<vmem>>) offsets(%dma_start3A_309 : memref<128xi32, #tpu.memory_space<vmem>>) semaphore(%arg14 : memref<!tpu.dma_semaphore, #tpu.memory_space<semaphore_mem>>)
    %scan3A_313 = arith.constant 0 : i32
    %scan3A_314 = arith.constant 0 : i32
    %scan3A_315 = arith.constant 7 : i32
    %scan3A_316 = arith.addi %scan3A_314, %scan3A_315 : i32
    %scan3A_317 = arith.constant 1 : i32
    %scan3A_318 = scf.for %scan3A_370 = %scan3A_314 to %scan3A_316 step %scan3A_317 iter_args(%scan3A_371 = %scan3A_313) -> (i32)  : i32 {
      %mul3A_372 = arith.constant 2 : i32
      %mul3A_373 = arith.muli %mul3A_372, %scan3A_370 : i32
      %add3A_374 = arith.constant 0 : i32
      %add3A_375 = arith.addi %mul3A_373, %add3A_374 : i32
      %dma_wait3A_376 = arith.constant 0 : i32
      %dma_wait3A_377 = tpu.memref_slice %arg6[%add3A_375, %dma_wait3A_376] : memref<16x128xi32, #tpu.memory_space<vmem>> -> memref<1x128xi32, #tpu.memory_space<vmem>>
      %dma_wait3A_378 = tpu.memref_squeeze %dma_wait3A_377 : memref<1x128xi32, #tpu.memory_space<vmem>> -> memref<128xi32, #tpu.memory_space<vmem>>
      %dma_wait3A_379 = arith.constant 0 : i32
      %dma_wait3A_380 = arith.constant 0 : i32
      %dma_wait3A_381 = tpu.memref_slice %arg2[%dma_wait3A_379, %dma_wait3A_380] : memref<10240x128xf32, #tpu.memory_space<hbm>> -> memref<10240x128xf32, #tpu.memory_space<hbm>>
      tpu.wait_indirect_dma semaphore(%arg13 : memref<!tpu.dma_semaphore, #tpu.memory_space<semaphore_mem>>) src(%dma_wait3A_381 : memref<10240x128xf32, #tpu.memory_space<hbm>>) dst(%arg10 : memref<128x128xf32, #tpu.memory_space<vmem>>)
      %mul3A_382 = arith.constant 2 : i32
      %mul3A_383 = arith.muli %mul3A_382, %scan3A_370 : i32
      %add3A_384 = arith.constant 0 : i32
      %add3A_385 = arith.addi %mul3A_383, %add3A_384 : i32
      %dma_start3A_386 = arith.constant 0 : i32
      %dma_start3A_387 = tpu.memref_slice %arg7[%add3A_385, %dma_start3A_386] : memref<16x128xi32, #tpu.memory_space<vmem>> -> memref<1x128xi32, #tpu.memory_space<vmem>>
      %dma_start3A_388 = tpu.memref_squeeze %dma_start3A_387 : memref<1x128xi32, #tpu.memory_space<vmem>> -> memref<128xi32, #tpu.memory_space<vmem>>
      %dma_start3A_389 = arith.constant 0 : i32
      %dma_start3A_390 = arith.constant 0 : i32
      %dma_start3A_391 = tpu.memref_slice %arg12[%dma_start3A_389, %dma_start3A_390] : memref<10240x128xf32, #tpu.memory_space<vmem_shared>> -> memref<10240x128xf32, #tpu.memory_space<vmem_shared>>
      tpu.enqueue_indirect_dma source(%arg10 : memref<128x128xf32, #tpu.memory_space<vmem>>) target(%dma_start3A_391 : memref<10240x128xf32, #tpu.memory_space<vmem_shared>>) offsets(%dma_start3A_388 : memref<128xi32, #tpu.memory_space<vmem>>) semaphore(%arg15 : memref<!tpu.dma_semaphore, #tpu.memory_space<semaphore_mem>>) {add = true}
      %mul3A_392 = arith.constant 2 : i32
      %mul3A_393 = arith.muli %mul3A_392, %scan3A_370 : i32
      %add3A_394 = arith.constant 1 : i32
      %add3A_395 = arith.addi %mul3A_393, %add3A_394 : i32
      %dma_wait3A_396 = arith.constant 0 : i32
      %dma_wait3A_397 = tpu.memref_slice %arg6[%add3A_395, %dma_wait3A_396] : memref<16x128xi32, #tpu.memory_space<vmem>> -> memref<1x128xi32, #tpu.memory_space<vmem>>
      %dma_wait3A_398 = tpu.memref_squeeze %dma_wait3A_397 : memref<1x128xi32, #tpu.memory_space<vmem>> -> memref<128xi32, #tpu.memory_space<vmem>>
      %dma_wait3A_399 = arith.constant 0 : i32
      %dma_wait3A_400 = arith.constant 0 : i32
      %dma_wait3A_401 = tpu.memref_slice %arg2[%dma_wait3A_399, %dma_wait3A_400] : memref<10240x128xf32, #tpu.memory_space<hbm>> -> memref<10240x128xf32, #tpu.memory_space<hbm>>
      tpu.wait_indirect_dma semaphore(%arg14 : memref<!tpu.dma_semaphore, #tpu.memory_space<semaphore_mem>>) src(%dma_wait3A_401 : memref<10240x128xf32, #tpu.memory_space<hbm>>) dst(%arg11 : memref<128x128xf32, #tpu.memory_space<vmem>>)
      %mul3A_402 = arith.constant 2 : i32
      %mul3A_403 = arith.muli %mul3A_402, %scan3A_370 : i32
      %add3A_404 = arith.constant 1 : i32
      %add3A_405 = arith.addi %mul3A_403, %add3A_404 : i32
      %dma_start3A_406 = arith.constant 0 : i32
      %dma_start3A_407 = tpu.memref_slice %arg7[%add3A_405, %dma_start3A_406] : memref<16x128xi32, #tpu.memory_space<vmem>> -> memref<1x128xi32, #tpu.memory_space<vmem>>
      %dma_start3A_408 = tpu.memref_squeeze %dma_start3A_407 : memref<1x128xi32, #tpu.memory_space<vmem>> -> memref<128xi32, #tpu.memory_space<vmem>>
      %dma_start3A_409 = arith.constant 0 : i32
      %dma_start3A_410 = arith.constant 0 : i32
      %dma_start3A_411 = tpu.memref_slice %arg12[%dma_start3A_409, %dma_start3A_410] : memref<10240x128xf32, #tpu.memory_space<vmem_shared>> -> memref<10240x128xf32, #tpu.memory_space<vmem_shared>>
      tpu.enqueue_indirect_dma source(%arg11 : memref<128x128xf32, #tpu.memory_space<vmem>>) target(%dma_start3A_411 : memref<10240x128xf32, #tpu.memory_space<vmem_shared>>) offsets(%dma_start3A_408 : memref<128xi32, #tpu.memory_space<vmem>>) semaphore(%arg16 : memref<!tpu.dma_semaphore, #tpu.memory_space<semaphore_mem>>) {add = true}
      %mul3A_412 = arith.constant 2 : i32
      %mul3A_413 = arith.muli %mul3A_412, %scan3A_370 : i32
      %add3A_414 = arith.constant 0 : i32
      %add3A_415 = arith.addi %mul3A_413, %add3A_414 : i32
      %dma_wait3A_416 = arith.constant 0 : i32
      %dma_wait3A_417 = tpu.memref_slice %arg7[%add3A_415, %dma_wait3A_416] : memref<16x128xi32, #tpu.memory_space<vmem>> -> memref<1x128xi32, #tpu.memory_space<vmem>>
      %dma_wait3A_418 = tpu.memref_squeeze %dma_wait3A_417 : memref<1x128xi32, #tpu.memory_space<vmem>> -> memref<128xi32, #tpu.memory_space<vmem>>
      %dma_wait3A_419 = arith.constant 0 : i32
      %dma_wait3A_420 = arith.constant 0 : i32
      %dma_wait3A_421 = tpu.memref_slice %arg12[%dma_wait3A_419, %dma_wait3A_420] : memref<10240x128xf32, #tpu.memory_space<vmem_shared>> -> memref<10240x128xf32, #tpu.memory_space<vmem_shared>>
      tpu.wait_indirect_dma semaphore(%arg15 : memref<!tpu.dma_semaphore, #tpu.memory_space<semaphore_mem>>) src(%arg10 : memref<128x128xf32, #tpu.memory_space<vmem>>) dst(%dma_wait3A_421 : memref<10240x128xf32, #tpu.memory_space<vmem_shared>>)
      %mul3A_422 = arith.constant 2 : i32
      %mul3A_423 = arith.muli %mul3A_422, %scan3A_370 : i32
      %add3A_424 = arith.constant 2 : i32
      %add3A_425 = arith.addi %mul3A_423, %add3A_424 : i32
      %add3A_426 = arith.constant 0 : i32
      %add3A_427 = arith.addi %add3A_425, %add3A_426 : i32
      %dma_start3A_428 = arith.constant 0 : i32
      %dma_start3A_429 = tpu.memref_slice %arg6[%add3A_427, %dma_start3A_428] : memref<16x128xi32, #tpu.memory_space<vmem>> -> memref<1x128xi32, #tpu.memory_space<vmem>>
      %dma_start3A_430 = tpu.memref_squeeze %dma_start3A_429 : memref<1x128xi32, #tpu.memory_space<vmem>> -> memref<128xi32, #tpu.memory_space<vmem>>
      %dma_start3A_431 = arith.constant 0 : i32
      %dma_start3A_432 = arith.constant 0 : i32
      %dma_start3A_433 = tpu.memref_slice %arg2[%dma_start3A_431, %dma_start3A_432] : memref<10240x128xf32, #tpu.memory_space<hbm>> -> memref<10240x128xf32, #tpu.memory_space<hbm>>
      tpu.enqueue_indirect_dma source(%dma_start3A_433 : memref<10240x128xf32, #tpu.memory_space<hbm>>) target(%arg10 : memref<128x128xf32, #tpu.memory_space<vmem>>) offsets(%dma_start3A_430 : memref<128xi32, #tpu.memory_space<vmem>>) semaphore(%arg13 : memref<!tpu.dma_semaphore, #tpu.memory_space<semaphore_mem>>)
      %mul3A_434 = arith.constant 2 : i32
      %mul3A_435 = arith.muli %mul3A_434, %scan3A_370 : i32
      %add3A_436 = arith.constant 1 : i32
      %add3A_437 = arith.addi %mul3A_435, %add3A_436 : i32
      %dma_wait3A_438 = arith.constant 0 : i32
      %dma_wait3A_439 = tpu.memref_slice %arg7[%add3A_437, %dma_wait3A_438] : memref<16x128xi32, #tpu.memory_space<vmem>> -> memref<1x128xi32, #tpu.memory_space<vmem>>
      %dma_wait3A_440 = tpu.memref_squeeze %dma_wait3A_439 : memref<1x128xi32, #tpu.memory_space<vmem>> -> memref<128xi32, #tpu.memory_space<vmem>>
      %dma_wait3A_441 = arith.constant 0 : i32
      %dma_wait3A_442 = arith.constant 0 : i32
      %dma_wait3A_443 = tpu.memref_slice %arg12[%dma_wait3A_441, %dma_wait3A_442] : memref<10240x128xf32, #tpu.memory_space<vmem_shared>> -> memref<10240x128xf32, #tpu.memory_space<vmem_shared>>
      tpu.wait_indirect_dma semaphore(%arg16 : memref<!tpu.dma_semaphore, #tpu.memory_space<semaphore_mem>>) src(%arg11 : memref<128x128xf32, #tpu.memory_space<vmem>>) dst(%dma_wait3A_443 : memref<10240x128xf32, #tpu.memory_space<vmem_shared>>)
      %mul3A_444 = arith.constant 2 : i32
      %mul3A_445 = arith.muli %mul3A_444, %scan3A_370 : i32
      %add3A_446 = arith.constant 2 : i32
      %add3A_447 = arith.addi %mul3A_445, %add3A_446 : i32
      %add3A_448 = arith.constant 1 : i32
      %add3A_449 = arith.addi %add3A_447, %add3A_448 : i32
      %dma_start3A_450 = arith.constant 0 : i32
      %dma_start3A_451 = tpu.memref_slice %arg6[%add3A_449, %dma_start3A_450] : memref<16x128xi32, #tpu.memory_space<vmem>> -> memref<1x128xi32, #tpu.memory_space<vmem>>
      %dma_start3A_452 = tpu.memref_squeeze %dma_start3A_451 : memref<1x128xi32, #tpu.memory_space<vmem>> -> memref<128xi32, #tpu.memory_space<vmem>>
      %dma_start3A_453 = arith.constant 0 : i32
      %dma_start3A_454 = arith.constant 0 : i32
      %dma_start3A_455 = tpu.memref_slice %arg2[%dma_start3A_453, %dma_start3A_454] : memref<10240x128xf32, #tpu.memory_space<hbm>> -> memref<10240x128xf32, #tpu.memory_space<hbm>>
      tpu.enqueue_indirect_dma source(%dma_start3A_455 : memref<10240x128xf32, #tpu.memory_space<hbm>>) target(%arg11 : memref<128x128xf32, #tpu.memory_space<vmem>>) offsets(%dma_start3A_452 : memref<128xi32, #tpu.memory_space<vmem>>) semaphore(%arg14 : memref<!tpu.dma_semaphore, #tpu.memory_space<semaphore_mem>>)
      %scan3A_456 = arith.constant 0 : i32
      scf.yield %scan3A_456 : i32
    }
    %scan3A_319 = arith.constant 7 : i32
    %dma_wait3A_320 = arith.constant 14 : i32
    %dma_wait3A_321 = arith.constant 0 : i32
    %dma_wait3A_322 = tpu.memref_slice %arg6[%dma_wait3A_320, %dma_wait3A_321] : memref<16x128xi32, #tpu.memory_space<vmem>> -> memref<1x128xi32, #tpu.memory_space<vmem>>
    %dma_wait3A_323 = tpu.memref_squeeze %dma_wait3A_322 : memref<1x128xi32, #tpu.memory_space<vmem>> -> memref<128xi32, #tpu.memory_space<vmem>>
    %dma_wait3A_324 = arith.constant 0 : i32
    %dma_wait3A_325 = arith.constant 0 : i32
    %dma_wait3A_326 = tpu.memref_slice %arg2[%dma_wait3A_324, %dma_wait3A_325] : memref<10240x128xf32, #tpu.memory_space<hbm>> -> memref<10240x128xf32, #tpu.memory_space<hbm>>
    tpu.wait_indirect_dma semaphore(%arg13 : memref<!tpu.dma_semaphore, #tpu.memory_space<semaphore_mem>>) src(%dma_wait3A_326 : memref<10240x128xf32, #tpu.memory_space<hbm>>) dst(%arg10 : memref<128x128xf32, #tpu.memory_space<vmem>>)
    %dma_start3A_327 = arith.constant 14 : i32
    %dma_start3A_328 = arith.constant 0 : i32
    %dma_start3A_329 = tpu.memref_slice %arg7[%dma_start3A_327, %dma_start3A_328] : memref<16x128xi32, #tpu.memory_space<vmem>> -> memref<1x128xi32, #tpu.memory_space<vmem>>
    %dma_start3A_330 = tpu.memref_squeeze %dma_start3A_329 : memref<1x128xi32, #tpu.memory_space<vmem>> -> memref<128xi32, #tpu.memory_space<vmem>>
    %dma_start3A_331 = arith.constant 0 : i32
    %dma_start3A_332 = arith.constant 0 : i32
    %dma_start3A_333 = tpu.memref_slice %arg12[%dma_start3A_331, %dma_start3A_332] : memref<10240x128xf32, #tpu.memory_space<vmem_shared>> -> memref<10240x128xf32, #tpu.memory_space<vmem_shared>>
    tpu.enqueue_indirect_dma source(%arg10 : memref<128x128xf32, #tpu.memory_space<vmem>>) target(%dma_start3A_333 : memref<10240x128xf32, #tpu.memory_space<vmem_shared>>) offsets(%dma_start3A_330 : memref<128xi32, #tpu.memory_space<vmem>>) semaphore(%arg15 : memref<!tpu.dma_semaphore, #tpu.memory_space<semaphore_mem>>) {add = true}
    %dma_wait3A_334 = arith.constant 15 : i32
    %dma_wait3A_335 = arith.constant 0 : i32
    %dma_wait3A_336 = tpu.memref_slice %arg6[%dma_wait3A_334, %dma_wait3A_335] : memref<16x128xi32, #tpu.memory_space<vmem>> -> memref<1x128xi32, #tpu.memory_space<vmem>>
    %dma_wait3A_337 = tpu.memref_squeeze %dma_wait3A_336 : memref<1x128xi32, #tpu.memory_space<vmem>> -> memref<128xi32, #tpu.memory_space<vmem>>
    %dma_wait3A_338 = arith.constant 0 : i32
    %dma_wait3A_339 = arith.constant 0 : i32
    %dma_wait3A_340 = tpu.memref_slice %arg2[%dma_wait3A_338, %dma_wait3A_339] : memref<10240x128xf32, #tpu.memory_space<hbm>> -> memref<10240x128xf32, #tpu.memory_space<hbm>>
    tpu.wait_indirect_dma semaphore(%arg14 : memref<!tpu.dma_semaphore, #tpu.memory_space<semaphore_mem>>) src(%dma_wait3A_340 : memref<10240x128xf32, #tpu.memory_space<hbm>>) dst(%arg11 : memref<128x128xf32, #tpu.memory_space<vmem>>)
    %dma_start3A_341 = arith.constant 15 : i32
    %dma_start3A_342 = arith.constant 0 : i32
    %dma_start3A_343 = tpu.memref_slice %arg7[%dma_start3A_341, %dma_start3A_342] : memref<16x128xi32, #tpu.memory_space<vmem>> -> memref<1x128xi32, #tpu.memory_space<vmem>>
    %dma_start3A_344 = tpu.memref_squeeze %dma_start3A_343 : memref<1x128xi32, #tpu.memory_space<vmem>> -> memref<128xi32, #tpu.memory_space<vmem>>
    %dma_start3A_345 = arith.constant 0 : i32
    %dma_start3A_346 = arith.constant 0 : i32
    %dma_start3A_347 = tpu.memref_slice %arg12[%dma_start3A_345, %dma_start3A_346] : memref<10240x128xf32, #tpu.memory_space<vmem_shared>> -> memref<10240x128xf32, #tpu.memory_space<vmem_shared>>
    tpu.enqueue_indirect_dma source(%arg11 : memref<128x128xf32, #tpu.memory_space<vmem>>) target(%dma_start3A_347 : memref<10240x128xf32, #tpu.memory_space<vmem_shared>>) offsets(%dma_start3A_344 : memref<128xi32, #tpu.memory_space<vmem>>) semaphore(%arg16 : memref<!tpu.dma_semaphore, #tpu.memory_space<semaphore_mem>>) {add = true}
    %dma_wait3A_348 = arith.constant 14 : i32
    %dma_wait3A_349 = arith.constant 0 : i32
    %dma_wait3A_350 = tpu.memref_slice %arg7[%dma_wait3A_348, %dma_wait3A_349] : memref<16x128xi32, #tpu.memory_space<vmem>> -> memref<1x128xi32, #tpu.memory_space<vmem>>
    %dma_wait3A_351 = tpu.memref_squeeze %dma_wait3A_350 : memref<1x128xi32, #tpu.memory_space<vmem>> -> memref<128xi32, #tpu.memory_space<vmem>>
    %dma_wait3A_352 = arith.constant 0 : i32
    %dma_wait3A_353 = arith.constant 0 : i32
    %dma_wait3A_354 = tpu.memref_slice %arg12[%dma_wait3A_352, %dma_wait3A_353] : memref<10240x128xf32, #tpu.memory_space<vmem_shared>> -> memref<10240x128xf32, #tpu.memory_space<vmem_shared>>
    tpu.wait_indirect_dma semaphore(%arg15 : memref<!tpu.dma_semaphore, #tpu.memory_space<semaphore_mem>>) src(%arg10 : memref<128x128xf32, #tpu.memory_space<vmem>>) dst(%dma_wait3A_354 : memref<10240x128xf32, #tpu.memory_space<vmem_shared>>)
    %dma_wait3A_355 = arith.constant 15 : i32
    %dma_wait3A_356 = arith.constant 0 : i32
    %dma_wait3A_357 = tpu.memref_slice %arg7[%dma_wait3A_355, %dma_wait3A_356] : memref<16x128xi32, #tpu.memory_space<vmem>> -> memref<1x128xi32, #tpu.memory_space<vmem>>
    %dma_wait3A_358 = tpu.memref_squeeze %dma_wait3A_357 : memref<1x128xi32, #tpu.memory_space<vmem>> -> memref<128xi32, #tpu.memory_space<vmem>>
    %dma_wait3A_359 = arith.constant 0 : i32
    %dma_wait3A_360 = arith.constant 0 : i32
    %dma_wait3A_361 = tpu.memref_slice %arg12[%dma_wait3A_359, %dma_wait3A_360] : memref<10240x128xf32, #tpu.memory_space<vmem_shared>> -> memref<10240x128xf32, #tpu.memory_space<vmem_shared>>
    tpu.wait_indirect_dma semaphore(%arg16 : memref<!tpu.dma_semaphore, #tpu.memory_space<semaphore_mem>>) src(%arg11 : memref<128x128xf32, #tpu.memory_space<vmem>>) dst(%dma_wait3A_361 : memref<10240x128xf32, #tpu.memory_space<vmem_shared>>)
    %barrier3A_362 = arith.constant 0 : index
    tpu.barrier barrier_id(%barrier3A_362)
    %mul3A_363 = arith.constant 640 : i32
    %mul3A_364 = arith.muli %arg1, %mul3A_363 : i32
    %mul3A_365 = arith.constant 10240 : i32
    %mul3A_366 = arith.muli %arg0, %mul3A_365 : i32
    %mul3A_367 = arith.constant 640 : i32
    %mul3A_368 = arith.muli %arg1, %mul3A_367 : i32
    %add3A_369 = arith.addi %mul3A_366, %mul3A_368 : i32
    "tpu.region"() ({
      %run_scoped3A = tpu.sem_alloc : memref<!tpu.dma_semaphore, #tpu.memory_space<semaphore_mem>>
      %dma_start3A_370 = arith.constant 0 : i32
      %dma_start3A_371 = tpu.memref_slice %arg5[%add3A_369, %dma_start3A_370] : memref<20480x128xf32, #tpu.memory_space<hbm>> -> memref<640x128xf32, #tpu.memory_space<hbm>>
      %dma_start3A_372 = arith.constant 0 : i32
      %dma_start3A_373 = tpu.memref_slice %arg12[%mul3A_364, %dma_start3A_372] : memref<10240x128xf32, #tpu.memory_space<vmem_shared>> -> memref<640x128xf32, #tpu.memory_space<vmem_shared>>
      tpu.enqueue_dma source(%dma_start3A_373 : memref<640x128xf32, #tpu.memory_space<vmem_shared>>) target(%dma_start3A_371 : memref<640x128xf32, #tpu.memory_space<hbm>>) target_semaphore(%run_scoped3A : memref<!tpu.dma_semaphore, #tpu.memory_space<semaphore_mem>>)
      %dma_wait3A_374 = arith.constant 0 : i32
      %dma_wait3A_375 = tpu.memref_slice %arg5[%add3A_369, %dma_wait3A_374] : memref<20480x128xf32, #tpu.memory_space<hbm>> -> memref<640x128xf32, #tpu.memory_space<hbm>>
      %dma_wait3A_376 = arith.constant 0 : i32
      %dma_wait3A_377 = tpu.memref_slice %arg12[%mul3A_364, %dma_wait3A_376] : memref<10240x128xf32, #tpu.memory_space<vmem_shared>> -> memref<640x128xf32, #tpu.memory_space<vmem_shared>>
      tpu.wait_dma2 semaphore(%run_scoped3A : memref<!tpu.dma_semaphore, #tpu.memory_space<semaphore_mem>>) src(%dma_wait3A_377 : memref<640x128xf32, #tpu.memory_space<vmem_shared>>) dst(%dma_wait3A_375 : memref<640x128xf32, #tpu.memory_space<hbm>>)
      tpu.yield
    }) : () -> ()
    return
  }
}

module attributes {stable_mosaic.version = 14 : i64} {
  func.func @_tc2_body(%arg0: i32, %arg1: memref<2x1024x128xf32, #tpu.memory_space<vmem>>, %arg2: memref<1024x128xf32, #tpu.memory_space<vmem>>, %arg3: memref<2x1024x128xf32, #tpu.memory_space<vmem>>, %arg4: memref<1x128xf32, #tpu.memory_space<vmem>>, %arg5: memref<128x128xf32, #tpu.memory_space<vmem>>, %arg6: memref<1024x128xf32, #tpu.memory_space<vmem>>) attributes {dimension_semantics = [#tpu.dimension_semantics<arbitrary>], iteration_bounds = array<i64: 10>, scalar_prefetch = 0 : i64, scratch_operands = 0 : i64, tpu.core_type = #tpu.core_type<tc>, window_params = [{transform_indices = @transform_0, window_bounds = array<i64: 2, 1024, 128>}, {transform_indices = @transform_1, window_bounds = array<i64: 1024, 128>}, {transform_indices = @transform_2, window_bounds = array<i64: 2, 1024, 128>}, {pipeline_mode = #tpu.pipeline_mode<synchronous>, transform_indices = @transform_3, window_bounds = array<i64: 1, 128>}, {pipeline_mode = #tpu.pipeline_mode<synchronous>, transform_indices = @transform_4, window_bounds = array<i64: 128, 128>}, {transform_indices = @transform_5, window_bounds = array<i64: 1024, 128>}]} {
    %get3A = arith.constant 0 : index
    %get3A_0 = arith.constant 0 : index
    %get3A_1 = arith.constant 0 : index
    %get3A_2 = vector.load %arg3[%get3A, %get3A_0, %get3A_1] : memref<2x1024x128xf32, #tpu.memory_space<vmem>>, vector<1x1024x1xf32>
    %get3A_3 = vector.shape_cast %get3A_2 : vector<1x1024x1xf32> to vector<1024x1xf32>
    %get3A_4 = arith.constant 1 : index
    %get3A_5 = arith.constant 0 : index
    %get3A_6 = arith.constant 0 : index
    %get3A_7 = vector.load %arg3[%get3A_4, %get3A_5, %get3A_6] : memref<2x1024x128xf32, #tpu.memory_space<vmem>>, vector<1x1024x1xf32>
    %get3A_8 = vector.shape_cast %get3A_7 : vector<1x1024x1xf32> to vector<1024x1xf32>
    %add3A = arith.addf %get3A_3, %get3A_8 : vector<1024x1xf32>
    %add3A_9 = arith.constant 1.000000e+00 : f32
    %add3A_10 = vector.broadcast %add3A_9 : f32 to vector<1024x1xf32>
    %add3A_11 = arith.addf %add3A, %add3A_10 : vector<1024x1xf32>
    %max3A = arith.constant 9.99999996E-13 : f32
    %max3A_12 = vector.broadcast %max3A : f32 to vector<1024x1xf32>
    %max3A_13 = arith.maximumf %add3A_11, %max3A_12 : vector<1024x1xf32>
    %rsqrt3A = math.rsqrt %max3A_13 : vector<1024x1xf32>
    %get3A_14 = arith.constant 0 : index
    %get3A_15 = arith.constant 0 : index
    %get3A_16 = arith.constant 0 : index
    %get3A_17 = vector.load %arg1[%get3A_14, %get3A_15, %get3A_16] : memref<2x1024x128xf32, #tpu.memory_space<vmem>>, vector<1x1024x128xf32>
    %get3A_18 = vector.shape_cast %get3A_17 : vector<1x1024x128xf32> to vector<1024x128xf32>
    %get3A_19 = arith.constant 1 : index
    %get3A_20 = arith.constant 0 : index
    %get3A_21 = arith.constant 0 : index
    %get3A_22 = vector.load %arg1[%get3A_19, %get3A_20, %get3A_21] : memref<2x1024x128xf32, #tpu.memory_space<vmem>>, vector<1x1024x128xf32>
    %get3A_23 = vector.shape_cast %get3A_22 : vector<1x1024x128xf32> to vector<1024x128xf32>
    %add3A_24 = arith.addf %get3A_18, %get3A_23 : vector<1024x128xf32>
    %get3A_25 = arith.constant 0 : index
    %get3A_26 = arith.constant 0 : index
    %get3A_27 = vector.load %arg2[%get3A_25, %get3A_26] : memref<1024x128xf32, #tpu.memory_space<vmem>>, vector<1024x128xf32>
    %add3A_28 = arith.addf %add3A_24, %get3A_27 : vector<1024x128xf32>
    %mul3A = vector.broadcast %rsqrt3A : vector<1024x1xf32> to vector<1024x128xf32>
    %mul3A_29 = arith.mulf %add3A_28, %mul3A : vector<1024x128xf32>
    %get3A_30 = arith.constant 0 : index
    %get3A_31 = arith.constant 0 : index
    %get3A_32 = vector.load %arg4[%get3A_30, %get3A_31] : memref<1x128xf32, #tpu.memory_space<vmem>>, vector<1x128xf32>
    %add3A_33 = vector.broadcast %get3A_32 : vector<1x128xf32> to vector<1024x128xf32>
    %add3A_34 = arith.addf %mul3A_29, %add3A_33 : vector<1024x128xf32>
    %max3A_35 = arith.constant 0.000000e+00 : f32
    %max3A_36 = vector.broadcast %max3A_35 : f32 to vector<1024x128xf32>
    %max3A_37 = arith.maximumf %add3A_34, %max3A_36 : vector<1024x128xf32>
    %get3A_38 = arith.constant 0 : index
    %get3A_39 = arith.constant 0 : index
    %get3A_40 = vector.load %arg5[%get3A_38, %get3A_39] : memref<128x128xf32, #tpu.memory_space<vmem>>, vector<128x128xf32>
    %dot_general3A = arith.constant dense<0.000000e+00> : vector<1024x128xf32>
    %dot_general3A_41 = tpu.matmul %max3A_37, %get3A_40, %dot_general3A {dimension_numbers = #tpu.dot_dimension_numbers<[1], [0], [0], [1], [0, 0, 1, 1], [], []>, precision = #tpu.contract_precision<fp32>, transpose_lhs_hint = false} : vector<1024x128xf32>, vector<128x128xf32>, vector<1024x128xf32> -> vector<1024x128xf32>
    %mul3A_42 = vector.broadcast %rsqrt3A : vector<1024x1xf32> to vector<1024x128xf32>
    %mul3A_43 = arith.mulf %dot_general3A_41, %mul3A_42 : vector<1024x128xf32>
    %swap3A = arith.constant 0 : index
    %swap3A_44 = arith.constant 0 : index
    %swap3A_45 = vector.load %arg6[%swap3A, %swap3A_44] : memref<1024x128xf32, #tpu.memory_space<vmem>>, vector<1024x128xf32>
    tpu.vector_store %arg6[%swap3A, %swap3A_44], %mul3A_43 {strides = array<i32>} : memref<1024x128xf32, #tpu.memory_space<vmem>>, vector<1024x128xf32>,
    return
  }
  func.func @transform_0(%arg0: i32) -> (i32, i32, i32) {
    %c0_i32 = arith.constant 0 : i32
    %c0_i32_0 = arith.constant 0 : i32
    %c0_i32_1 = arith.constant 0 : i32
    return %c0_i32, %arg0, %c0_i32_0 : i32, i32, i32
  }
  func.func @transform_1(%arg0: i32) -> (i32, i32) {
    %c0_i32 = arith.constant 0 : i32
    %c0_i32_0 = arith.constant 0 : i32
    return %arg0, %c0_i32 : i32, i32
  }
  func.func @transform_2(%arg0: i32) -> (i32, i32, i32) {
    %c0_i32 = arith.constant 0 : i32
    %c0_i32_0 = arith.constant 0 : i32
    %c0_i32_1 = arith.constant 0 : i32
    return %c0_i32, %arg0, %c0_i32_0 : i32, i32, i32
  }
  func.func @transform_3(%arg0: i32) -> (i32, i32) {
    %c0_i32 = arith.constant 0 : i32
    %c0_i32_0 = arith.constant 0 : i32
    %c0_i32_1 = arith.constant 0 : i32
    return %c0_i32, %c0_i32_0 : i32, i32
  }
  func.func @transform_4(%arg0: i32) -> (i32, i32) {
    %c0_i32 = arith.constant 0 : i32
    %c0_i32_0 = arith.constant 0 : i32
    %c0_i32_1 = arith.constant 0 : i32
    return %c0_i32, %c0_i32_0 : i32, i32
  }
  func.func @transform_5(%arg0: i32) -> (i32, i32) {
    %c0_i32 = arith.constant 0 : i32
    %c0_i32_0 = arith.constant 0 : i32
    return %arg0, %c0_i32 : i32, i32
  }
}

module attributes {stable_mosaic.version = 14 : i64} {
  func.func @_tc1_body(%arg0: i32, %arg1: memref<1024x128xf32, #tpu.memory_space<vmem>>, %arg2: memref<128x128xf32, #tpu.memory_space<vmem>>, %arg3: memref<2x1024x128xf32, #tpu.memory_space<vmem>>, %arg4: memref<1024x128xf32, #tpu.memory_space<vmem>>) attributes {dimension_semantics = [#tpu.dimension_semantics<arbitrary>], iteration_bounds = array<i64: 10>, scalar_prefetch = 0 : i64, scratch_operands = 0 : i64, tpu.core_type = #tpu.core_type<tc>, window_params = [{transform_indices = @transform_0, window_bounds = array<i64: 1024, 128>}, {pipeline_mode = #tpu.pipeline_mode<synchronous>, transform_indices = @transform_1, window_bounds = array<i64: 128, 128>}, {transform_indices = @transform_2, window_bounds = array<i64: 2, 1024, 128>}, {transform_indices = @transform_3, window_bounds = array<i64: 1024, 128>}]} {
    %get3A = arith.constant 0 : index
    %get3A_0 = arith.constant 0 : index
    %get3A_1 = arith.constant 0 : index
    %get3A_2 = vector.load %arg3[%get3A, %get3A_0, %get3A_1] : memref<2x1024x128xf32, #tpu.memory_space<vmem>>, vector<1x1024x1xf32>
    %get3A_3 = vector.shape_cast %get3A_2 : vector<1x1024x1xf32> to vector<1024x1xf32>
    %get3A_4 = arith.constant 1 : index
    %get3A_5 = arith.constant 0 : index
    %get3A_6 = arith.constant 0 : index
    %get3A_7 = vector.load %arg3[%get3A_4, %get3A_5, %get3A_6] : memref<2x1024x128xf32, #tpu.memory_space<vmem>>, vector<1x1024x1xf32>
    %get3A_8 = vector.shape_cast %get3A_7 : vector<1x1024x1xf32> to vector<1024x1xf32>
    %add3A = arith.addf %get3A_3, %get3A_8 : vector<1024x1xf32>
    %add3A_9 = arith.constant 1.000000e+00 : f32
    %add3A_10 = vector.broadcast %add3A_9 : f32 to vector<1024x1xf32>
    %add3A_11 = arith.addf %add3A, %add3A_10 : vector<1024x1xf32>
    %max3A = arith.constant 9.99999996E-13 : f32
    %max3A_12 = vector.broadcast %max3A : f32 to vector<1024x1xf32>
    %max3A_13 = arith.maximumf %add3A_11, %max3A_12 : vector<1024x1xf32>
    %rsqrt3A = math.rsqrt %max3A_13 : vector<1024x1xf32>
    %get3A_14 = arith.constant 0 : index
    %get3A_15 = arith.constant 0 : index
    %get3A_16 = vector.load %arg1[%get3A_14, %get3A_15] : memref<1024x128xf32, #tpu.memory_space<vmem>>, vector<1024x128xf32>
    %get3A_17 = arith.constant 0 : index
    %get3A_18 = arith.constant 0 : index
    %get3A_19 = vector.load %arg2[%get3A_17, %get3A_18] : memref<128x128xf32, #tpu.memory_space<vmem>>, vector<128x128xf32>
    %dot_general3A = arith.constant dense<0.000000e+00> : vector<1024x128xf32>
    %dot_general3A_20 = tpu.matmul %get3A_16, %get3A_19, %dot_general3A {dimension_numbers = #tpu.dot_dimension_numbers<[1], [0], [0], [1], [0, 0, 1, 1], [], []>, precision = #tpu.contract_precision<fp32>, transpose_lhs_hint = false} : vector<1024x128xf32>, vector<128x128xf32>, vector<1024x128xf32> -> vector<1024x128xf32>
    %mul3A = vector.broadcast %rsqrt3A : vector<1024x1xf32> to vector<1024x128xf32>
    %mul3A_21 = arith.mulf %dot_general3A_20, %mul3A : vector<1024x128xf32>
    %swap3A = arith.constant 0 : index
    %swap3A_22 = arith.constant 0 : index
    %swap3A_23 = vector.load %arg4[%swap3A, %swap3A_22] : memref<1024x128xf32, #tpu.memory_space<vmem>>, vector<1024x128xf32>
    tpu.vector_store %arg4[%swap3A, %swap3A_22], %mul3A_21 {strides = array<i32>} : memref<1024x128xf32, #tpu.memory_space<vmem>>, vector<1024x128xf32>,
    return
  }
  func.func @transform_0(%arg0: i32) -> (i32, i32) {
    %c0_i32 = arith.constant 0 : i32
    %c0_i32_0 = arith.constant 0 : i32
    return %arg0, %c0_i32 : i32, i32
  }
  func.func @transform_1(%arg0: i32) -> (i32, i32) {
    %c0_i32 = arith.constant 0 : i32
    %c0_i32_0 = arith.constant 0 : i32
    %c0_i32_1 = arith.constant 0 : i32
    return %c0_i32, %c0_i32_0 : i32, i32
  }
  func.func @transform_2(%arg0: i32) -> (i32, i32, i32) {
    %c0_i32 = arith.constant 0 : i32
    %c0_i32_0 = arith.constant 0 : i32
    %c0_i32_1 = arith.constant 0 : i32
    return %c0_i32, %arg0, %c0_i32_0 : i32, i32, i32
  }
  func.func @transform_3(%arg0: i32) -> (i32, i32) {
    %c0_i32 = arith.constant 0 : i32
    %c0_i32_0 = arith.constant 0 : i32
    return %arg0, %c0_i32 : i32, i32
  }
}

module attributes {stable_mosaic.version = 14 : i64} {
  func.func @_tc3_body(%arg0: i32, %arg1: memref<2x1024x128xf32, #tpu.memory_space<vmem>>, %arg2: memref<1024x128xf32, #tpu.memory_space<vmem>>, %arg3: memref<2x1024x128xf32, #tpu.memory_space<vmem>>, %arg4: memref<1x128xf32, #tpu.memory_space<vmem>>, %arg5: memref<1024x128xf32, #tpu.memory_space<vmem>>) attributes {dimension_semantics = [#tpu.dimension_semantics<arbitrary>], iteration_bounds = array<i64: 10>, scalar_prefetch = 0 : i64, scratch_operands = 0 : i64, tpu.core_type = #tpu.core_type<tc>, window_params = [{transform_indices = @transform_0, window_bounds = array<i64: 2, 1024, 128>}, {transform_indices = @transform_1, window_bounds = array<i64: 1024, 128>}, {transform_indices = @transform_2, window_bounds = array<i64: 2, 1024, 128>}, {pipeline_mode = #tpu.pipeline_mode<synchronous>, transform_indices = @transform_3, window_bounds = array<i64: 1, 128>}, {transform_indices = @transform_4, window_bounds = array<i64: 1024, 128>}]} {
    %get3A = arith.constant 0 : index
    %get3A_0 = arith.constant 0 : index
    %get3A_1 = arith.constant 0 : index
    %get3A_2 = vector.load %arg3[%get3A, %get3A_0, %get3A_1] : memref<2x1024x128xf32, #tpu.memory_space<vmem>>, vector<1x1024x1xf32>
    %get3A_3 = vector.shape_cast %get3A_2 : vector<1x1024x1xf32> to vector<1024x1xf32>
    %get3A_4 = arith.constant 1 : index
    %get3A_5 = arith.constant 0 : index
    %get3A_6 = arith.constant 0 : index
    %get3A_7 = vector.load %arg3[%get3A_4, %get3A_5, %get3A_6] : memref<2x1024x128xf32, #tpu.memory_space<vmem>>, vector<1x1024x1xf32>
    %get3A_8 = vector.shape_cast %get3A_7 : vector<1x1024x1xf32> to vector<1024x1xf32>
    %add3A = arith.addf %get3A_3, %get3A_8 : vector<1024x1xf32>
    %add3A_9 = arith.constant 1.000000e+00 : f32
    %add3A_10 = vector.broadcast %add3A_9 : f32 to vector<1024x1xf32>
    %add3A_11 = arith.addf %add3A, %add3A_10 : vector<1024x1xf32>
    %max3A = arith.constant 9.99999996E-13 : f32
    %max3A_12 = vector.broadcast %max3A : f32 to vector<1024x1xf32>
    %max3A_13 = arith.maximumf %add3A_11, %max3A_12 : vector<1024x1xf32>
    %rsqrt3A = math.rsqrt %max3A_13 : vector<1024x1xf32>
    %get3A_14 = arith.constant 0 : index
    %get3A_15 = arith.constant 0 : index
    %get3A_16 = arith.constant 0 : index
    %get3A_17 = vector.load %arg1[%get3A_14, %get3A_15, %get3A_16] : memref<2x1024x128xf32, #tpu.memory_space<vmem>>, vector<1x1024x128xf32>
    %get3A_18 = vector.shape_cast %get3A_17 : vector<1x1024x128xf32> to vector<1024x128xf32>
    %get3A_19 = arith.constant 1 : index
    %get3A_20 = arith.constant 0 : index
    %get3A_21 = arith.constant 0 : index
    %get3A_22 = vector.load %arg1[%get3A_19, %get3A_20, %get3A_21] : memref<2x1024x128xf32, #tpu.memory_space<vmem>>, vector<1x1024x128xf32>
    %get3A_23 = vector.shape_cast %get3A_22 : vector<1x1024x128xf32> to vector<1024x128xf32>
    %add3A_24 = arith.addf %get3A_18, %get3A_23 : vector<1024x128xf32>
    %get3A_25 = arith.constant 0 : index
    %get3A_26 = arith.constant 0 : index
    %get3A_27 = vector.load %arg2[%get3A_25, %get3A_26] : memref<1024x128xf32, #tpu.memory_space<vmem>>, vector<1024x128xf32>
    %add3A_28 = arith.addf %add3A_24, %get3A_27 : vector<1024x128xf32>
    %mul3A = vector.broadcast %rsqrt3A : vector<1024x1xf32> to vector<1024x128xf32>
    %mul3A_29 = arith.mulf %add3A_28, %mul3A : vector<1024x128xf32>
    %get3A_30 = arith.constant 0 : index
    %get3A_31 = arith.constant 0 : index
    %get3A_32 = vector.load %arg4[%get3A_30, %get3A_31] : memref<1x128xf32, #tpu.memory_space<vmem>>, vector<1x128xf32>
    %add3A_33 = vector.broadcast %get3A_32 : vector<1x128xf32> to vector<1024x128xf32>
    %add3A_34 = arith.addf %mul3A_29, %add3A_33 : vector<1024x128xf32>
    %max3A_35 = arith.constant 0.000000e+00 : f32
    %max3A_36 = vector.broadcast %max3A_35 : f32 to vector<1024x128xf32>
    %max3A_37 = arith.maximumf %add3A_34, %max3A_36 : vector<1024x128xf32>
    %swap3A = arith.constant 0 : index
    %swap3A_38 = arith.constant 0 : index
    %swap3A_39 = vector.load %arg5[%swap3A, %swap3A_38] : memref<1024x128xf32, #tpu.memory_space<vmem>>, vector<1024x128xf32>
    tpu.vector_store %arg5[%swap3A, %swap3A_38], %max3A_37 {strides = array<i32>} : memref<1024x128xf32, #tpu.memory_space<vmem>>, vector<1024x128xf32>,
    return
  }
  func.func @transform_0(%arg0: i32) -> (i32, i32, i32) {
    %c0_i32 = arith.constant 0 : i32
    %c0_i32_0 = arith.constant 0 : i32
    %c0_i32_1 = arith.constant 0 : i32
    return %c0_i32, %arg0, %c0_i32_0 : i32, i32, i32
  }
  func.func @transform_1(%arg0: i32) -> (i32, i32) {
    %c0_i32 = arith.constant 0 : i32
    %c0_i32_0 = arith.constant 0 : i32
    return %arg0, %c0_i32 : i32, i32
  }
  func.func @transform_2(%arg0: i32) -> (i32, i32, i32) {
    %c0_i32 = arith.constant 0 : i32
    %c0_i32_0 = arith.constant 0 : i32
    %c0_i32_1 = arith.constant 0 : i32
    return %c0_i32, %arg0, %c0_i32_0 : i32, i32, i32
  }
  func.func @transform_3(%arg0: i32) -> (i32, i32) {
    %c0_i32 = arith.constant 0 : i32
    %c0_i32_0 = arith.constant 0 : i32
    %c0_i32_1 = arith.constant 0 : i32
    return %c0_i32, %c0_i32_0 : i32, i32
  }
  func.func @transform_4(%arg0: i32) -> (i32, i32) {
    %c0_i32 = arith.constant 0 : i32
    %c0_i32_0 = arith.constant 0 : i32
    return %arg0, %c0_i32 : i32, i32
  }
}

</mosaic_0001>

<sc_bundles>
// kernel: kernel.11.cloned.1.call-start
scs
__scs_entry_jumppad:
0x0: {  	(pc) =	sbr.rel $0x88, $3  }
0x1: {  	(tag) =	ssettag $0x0;
	lr =	simm.s32 $0x1  }
0x2: {  	[smem:$0x3F9B] =	sst lr;
	_ =	strace $0xD0000000  }
0x3: {  	_ = 	snop  }
0x4: {  	_ = 	snop  }
0x5: {  	_ = 	snop  }
0x6: {  	_ = 	snop  }
0x7: {  	_ = 	snop  }
__scs_overlays_trampoline_lowered:
0x8: {  	[smem:$0x3FAA] =	sst s0  }
0x9: {  	[smem:$0x3FAB] =	sst s1  }
0xa: {  	[smem:$0x3FAC] =	sst s2  }
0xb: {  	[smem:$0x3FAD] =	sst s3  }
0xc: {  	[smem:$0x3FAE] =	sst s4  }
0xd: {  	[smem:$0x3FAF] =	sst s5  }
0xe: {  	[smem:$0x3FB0] =	sst s6  }
0xf: {  	[smem:$0x3FB1] =	sst s7  }
0x10: {  	[smem:$0x3FB2] =	sst s8  }
0x11: {  	[smem:$0x3FB3] =	sst s9;
	s0 =	simm.s32 @!p0 $0x0  }
0x12: {  	s1 =	sld [smem:$0x3F99];
	s0 =	simm.s32 @p0 $0x1  }
0x13: {  	[smem:$0x3FB4] =	sst s0;
	s0 =	simm.s32 @!p1 $0x0  }
0x14: {  	s2 =	sld [smem:$0x3F98];
	s0 =	simm.s32 @p1 $0x1  }
0x15: {  	[smem:$0x3FB5] =	sst s0;
	s0 =	simm.s32 @!p2 $0x0  }
0x16: {  	s3 =	sld [smem:$0x3FDB];
	s0 =	simm.s32 @p2 $0x1  }
0x17: {  	s4 =	simm.s32 $0x1BF5;
	[smem:$0x3FB7] =	sst s0  }
0x18: {  	s0 =	sld [smem:$0x3F9A];
	_ =	swait.ge [sflag:s4], $0x0  }
0x19: {  	s7 =	sld [smem:$0x3F9B]  }
0x1a: {  	s8 =	sadd.s32 $0xFFFFE003, lr  }
0x1b: {  	s9 =	sadd.s32 $0xFFFFFEF7, lr;
	s5 =	simm.s32 $0xFFFFFFFF;
	p2 =	slt.u32 s8, $0xFFFFF086  }
0x1c: {  	p1 =	slt.u32 s9, $0xF7A;
	s5 =	simm.s32 @!p2 $0x0  }
0x1d: {  	s5 =	simm.s32 @p1 $0x1;
	p0 =	seq.s32 s7, s2  }
0x1e: {  	s7 =	smul.u32 @!p0 $0xF7A, s2;
	p2 =	seq.s32 @!p0 s5, $0x0  }
0x1f: {  	s9 =	smul.u32 $0xF7A, s1;
	s8 =	simm.s32 @!p0 $0x1BF5;
	p2 =	por !p2, p0  }
0x20: {  	[sflag:s8] =	ssyncset.s32 @!p0 $0xFFFFF086;
	s6 =	sadd.s32 @!p0 s3, s7;
	s7 =	simm.s32 @!p0 $0x108  }
0x21: {  	s3 =	sadd.s32 s3, s9;
	s6 =	sadd.s32 @!p0 $0x88, s6;
	s7 =	simm.s32 @p2 $0x1082  }
0x22: {  	[simem:s7], [sflag:s8] =	dma.local @!p0 [hbm:s6], $0xF7A  }
0x23: {  	s9 =	sor.u32 $0xD0000000, s2;
	s6 =	simm.s32 $0x108;
	_ =	swait.ge @!p0 [sflag:s8], $0x0  }
0x24: {  	s3 =	sadd.s32 $0x88, s3;
	s6 =	simm.s32 @!p1 $0x1082;
	[sflag:s4] =	ssyncset.s32 $0xFFFFF086  }
0x25: {  	[simem:s6], [sflag:s4] =	dma.local [hbm:s3], $0xF7A  }
0x26: {  	[smem:$0x3F9B] =	sst s1;
	(tag) =	ssettag s2;
	_ =	strace s9  }
0x27: {  	s1 =	sld [smem:$0x3FAB]  }
0x28: {  	s2 =	sld [smem:$0x3FAC]  }
0x29: {  	s4 =	sld [smem:$0x3FAE]  }
0x2a: {  	p0 =	seq.s32 s5, $0x0;
	s5 =	sld [smem:$0x3FAF]  }
0x2b: {  	s6 =	sld [smem:$0x3FB0]  }
0x2c: {  	s7 =	sld [smem:$0x3FB1]  }
0x2d: {  	s3 =	simm.s32 $0x108;
	s8 =	sld [smem:$0x3FB2]  }
0x2e: {  	s3 =	simm.s32 @!p0 $0x1082;
	s9 =	sld [smem:$0x3FB3]  }
0x2f: {  	lr =	sadd.s32 s0, s3;
	s0 =	sld [smem:$0x3FAA]  }
0x30: {  	s3 =	sld [smem:$0x3FAD]  }
0x31: {  	[smem:$0x3FB6] =	sst s10  }
0x32: {  	s10 =	sld [smem:$0x3FB4];
	_ =	sdelay $0x3  }
0x33: {  	p0 =	seq.s32 s10, $0x1;
	s10 =	sld [smem:$0x3FB6];
	_ =	sdelay $0x3  }
0x34: {  	[smem:$0x3FB6] =	sst s10  }
0x35: {  	s10 =	sld [smem:$0x3FB5];
	_ =	sdelay $0x3  }
0x36: {  	p1 =	seq.s32 s10, $0x1;
	s10 =	sld [smem:$0x3FB6];
	_ =	sdelay $0x3  }
0x37: {  	[smem:$0x3FB6] =	sst s10  }
0x38: {  	s10 =	sld [smem:$0x3FB7]  }
0x39: {  	_ = 	snop;
	(pc) =	sbr.ind lr, $3  }
0x3a: {  	_ = 	snop  }
0x3b: {  	_ = 	snop  }
0x3c: {  	p2 =	seq.s32 s10, $0x1;
	s10 =	sld [smem:$0x3FB6]  }
0x3d: {  	_ =	shalt  }
0x3e: {  	_ =	shalt  }
0x3f: {  	_ =	shalt  }
0x40: {  	_ =	shalt  }
0x41: {  	_ =	shalt  }
0x42: {  	_ =	shalt  }
0x43: {  	_ =	shalt  }
0x44: {  	_ =	shalt  }
0x45: {  	_ =	shalt  }
0x46: {  	_ =	shalt  }
0x47: {  	_ =	shalt  }
0x48: {  	_ =	shalt  }
0x49: {  	_ =	shalt  }
0x4a: {  	_ =	shalt  }
0x4b: {  	_ =	shalt  }
0x4c: {  	_ =	shalt  }
0x4d: {  	_ =	shalt  }
0x4e: {  	_ =	shalt  }
0x4f: {  	_ =	shalt  }
0x50: {  	_ =	shalt  }
0x51: {  	_ =	shalt  }
0x52: {  	_ =	shalt  }
0x53: {  	_ =	shalt  }
0x54: {  	_ =	shalt  }
0x55: {  	_ =	shalt  }
0x56: {  	_ =	shalt  }
0x57: {  	_ =	shalt  }
0x58: {  	_ =	shalt  }
0x59: {  	_ =	shalt  }
0x5a: {  	_ =	shalt  }
0x5b: {  	_ =	shalt  }
0x5c: {  	_ =	shalt  }
0x5d: {  	_ =	shalt  }
0x5e: {  	_ =	shalt  }
0x5f: {  	_ =	shalt  }
0x60: {  	_ =	shalt  }
0x61: {  	_ =	shalt  }
0x62: {  	_ =	shalt  }
0x63: {  	_ =	shalt  }
0x64: {  	_ =	shalt  }
0x65: {  	_ =	shalt  }
0x66: {  	_ =	shalt  }
0x67: {  	_ =	shalt  }
0x68: {  	_ =	shalt  }
0x69: {  	_ =	shalt  }
0x6a: {  	_ =	shalt  }
0x6b: {  	_ =	shalt  }
0x6c: {  	_ =	shalt  }
0x6d: {  	_ =	shalt  }
0x6e: {  	_ =	shalt  }
0x6f: {  	_ =	shalt  }
0x70: {  	_ =	shalt  }
0x71: {  	_ =	shalt  }
0x72: {  	_ =	shalt  }
0x73: {  	_ =	shalt  }
0x74: {  	_ =	shalt  }
0x75: {  	_ =	shalt  }
0x76: {  	_ =	shalt  }
0x77: {  	_ =	shalt  }
0x78: {  	_ =	shalt  }
0x79: {  	_ =	shalt  }
0x7a: {  	_ =	shalt  }
0x7b: {  	_ =	shalt  }
0x7c: {  	_ =	shalt  }
0x7d: {  	_ =	shalt  }
0x7e: {  	_ =	shalt  }
0x7f: {  	_ =	shalt  }
0x80: {  	_ =	shalt  }
0x81: {  	_ =	shalt  }
0x82: {  	_ =	shalt  }
0x83: {  	_ =	shalt  }
0x84: {  	_ =	shalt  }
0x85: {  	_ =	shalt  }
0x86: {  	_ =	shalt  }
0x87: {  	_ =	shalt  }
.Lfunc_end0:
.L_simem_size_0:
called_computation.1_lowered:
.L_overlay_start_0:
0x88: {  	s2 =	sld [smem:$0x3FD9]  }
0x89: {  	s3 =	sld [smem:$0x3FFE];
	_ =	sdelay $0x1  }
0x8a: {  	s1 =	srdreg.scid  }
0x8b: {  	s0 =	sand.u32 $0x1, s1  }
0x8c: {  	s17 =	sshll.u32 s0, $0xA;
	s2 =	sadd.s32 s3, s2  }
0x8d: {  	s2 =	sadd.s32 s2, s17  }
0x8e: {  	[smem:$0x3FC2] =	sst s2  }
0x8f: {  	_ = 	snop  }
0x90: {  	s2 =	sld [smem:$0x3FD0];
	(tm) =	ssettm $0x1  }
0x91: {  	s18 =	sld [smem:$0x3FFB];
	_ =	sdelay $0x3  }
0x92: {  	_ =	strace s18  }
0x93: {  	s3 =	sld [smem:$0x3FFC];
	_ =	sdelay $0x3  }
0x94: {  	_ =	strace s3  }
0x95: {  	s3 =	sld [smem:$0x3FFD];
	_ =	sdelay $0x3  }
0x96: {  	_ =	strace s3  }
0x97: {  	_ =	strace $0x8FFFFFFF  }
0x98: {  	s19 =	sld [smem:$0x3FDB];
	_ =	sdelay $0x1  }
0x99: {  	s4 =	simm.s32 $_scs_section_size  }
0x9a: {  	s5 =	simm.s32 $_size__tile_overlayer_lowered;
	s6 =	simm.s32 $_tile_overlayer_lowered  }
0x9b: {  	s22 =	simm.s32 $0x1BFF;
	s21 =	sshll.u32 s6, $0x1;
	s3 =	sadd.s32 s4, s19  }
0x9c: {  	s7 =	simm.s32 $0x0;
	s20 =	sshll.u32 s5, $0x1;
	s5 =	sadd.s32 s21, s3  }
0x9d: {  	[timem:s7], [sflag:s22] =	dma.local [hbm:s5], s20  }
0x9e: {  	_ =	swait.ge [sflag:s22], s20  }
0x9f: {  	s4 =	ssub.s32 $0x0, s20;
	[sflag:s22] =	ssyncset.done $0x0  }
0xa0: {  	[sflag:s22] =	ssyncadd.s32 s4;
	_ =	sdelay $0x1  }
0xa1: {  	s23 =	simm.s32 $0x1B8B  }
0xa2: {  	_ =	swait.ge [sflag:s23], $0x1  }
0xa3: {  	[sflag:s23] =	ssyncset.done $0x0  }
0xa4: {  	s25 =	simm.s32 $0x1B8E;
	s24 =	sld [smem:$0x3FFE];
	[sflag:s23] =	ssyncadd.s32 $0xFFFFFFFF  }
0xa5: {  	s26 =	simm.s32 $execute0_lowered;
	[smem:$0x3FD2] =	sst s25  }
0xa6: {  	s5 =	sshll.u32 s26, $0x1;
	_ =	strace $0x80000049;
	[dreg:$0x1] =	wrdreg $0xFFFFFFFF  }
0xa7: {  	s28 =	simm.s32 $_size_execute0_lowered;
	s3 =	sadd.s32 s3, s5;
	[dreg:$0x0] =	wrdreg $0x0  }
0xa8: {  	s5 =	sshll.u32 s28, $0x1;
	[dreg:$0x2] =	wrdreg s3  }
0xa9: {  	[dreg:$0x3] =	wrdreg s5  }
0xaa: {  	[dreg:$0x4] =	wrdreg $0xC0  }
0xab: {  	_ =	task [dreg:s7], $0x5FFFF  }
0xac: {  	[dreg:$0x1] =	wrdreg $0xFFFFFFFF  }
0xad: {  	[dreg:$0x0] =	wrdreg $0x60  }
0xae: {  	[dreg:$0x2] =	wrdreg s24  }
0xaf: {  	[dreg:$0x3] =	wrdreg s2  }
0xb0: {  	[dreg:$0x4] =	wrdreg $0xA0000  }
0xb1: {  	[dreg:$0x5] =	wrdreg $0x9  }
0xb2: {  	_ =	task.clear_ibuf [dreg:s7], $0x6FFFF;
	_ =	strace $0x90000049  }
0xb3: {  	s29 =	simm.s32 $0x9;
	_ =	strace $0x8000004B  }
0xb4: {  	_ =	swait.ge [sflag:s29], $0x1  }
0xb5: {  	[sflag:s29] =	ssyncadd.s32 $0xFFFFFFFF  }
0xb6: {  	_ =	strace $0x9000004B  }
0xb7: {  	_ =	sfence  }
0xb8: {  	s30 =	sld [smem:$0x0];
	_ =	sdelay $0x2  }
0xb9: {  	s31 =	sshll.u32 s1, $0xD;
	s1 =	sshrl.u32 s1, $0x2  }
0xba: {  	s3 =	sand.u32 $0x4000, s31;
	s1 =	sadd.s32 s1, s30  }
0xbb: {  	s0 =	sor.u32 s3, s0;
	s1 =	sshll.u32 s1, $0x11  }
0xbc: {  	s0 =	sor.u32 s1, s0  }
0xbd: {  	s0 =	sadd.s32 $0x8F2B, s0  }
0xbe: {  	[sflag:s0] =	ssyncadd.remote.s32 $0x1  }
0xbf: {  	_ =	sfence.sel $0xFFFF  }
0xc0: {  	[dreg:$0x0] =	wrdreg $0xFFFFFFFF;
	(pc) =	sbr.abs _section_cstart, $3  }
0xc1: {  	[dreg:$0x1] =	wrdreg $0xFFFFFFFF  }
0xc2: {  	_ =	task.clear_ibuf [dreg:s7], $0x2FFFF;
	_ =	strace $0x9FFFFFFF  }
0xc3: {  	(tm) =	ssettm $0x7FFFFFFF  }
tec
execute0_lowered:
.L_overlay_start_1:
0x0: {  	(tag) =	ssettag $0x1  }
0x1: {  	s0 =	rddreg [dreg:$0x0]  }
0x2: {  	s1 =	rddreg [dreg:$0x1]  }
0x3: {  	s2 =	rddreg [dreg:$0x2]  }
0x4: {  	s4 =	srdreg.scid;
	s9 =	stileid.u32;
	s3 =	simm.s32 $0x0  }
0x5: {  	s28 =	simm.s32 $0x1;
	s29 =	simm.s32 $0x2;
	s31 =	simm.s32 $0x3  }
0x6: {  	s30 =	simm.s32 $0x1B00;
	s5 =	sand.u32 $0x1, s4;
	s6 =	smul.u32 $0x2800, s9  }
0x7: {  	[smem:$0x7FF] =	sst s3;
	s4 =	sadd.s32 $0x66A00, s0;
	s11 =	smul.u32 $0x50000, s9  }
0x8: {  	s8 =	sadd.s32 $0xCA00, s0;
	s9 =	sshll.u32 s9, $0x1;
	s7 =	smul.u32 $0x28000, s5  }
0x9: {  	_ =	strace $0x8000004A;
	s12 =	ssub.s32 $0x2, s5;
	s9 =	sor.u32 s5, s9  }
0xa: {  	s10 =	sshrl.u32 s12, $0x1;
	s13 =	sshrl.u32 s11, $0x2;
	s14 =	smul.u32 $0x2800, s9  }
0xb: {  	s9 =	smul.u32 $0x500, s9;
	s11 =	simm.s32 $0x1200;
	s6 =	sadd.s32 s6, s7  }
0xc: {  	s5 =	sadd.s32 s13, s2;
	s13 =	simm.s32 $0x1A00;
	s0 =	sadd.s32 s6, s0  }
0xd: {  	s6 =	ssub.s32 s12, s10;
	s15 =	sadd.s32 $0x4000, s5;
	[dreg:$0x14] =	wrdreg s5  }
0xe: {  	s16 =	sadd.s32 $0x8000, s5;
	s17 =	sadd.s32 $0xC000, s5;
	[dreg:$0x4] =	wrdreg s15  }
0xf: {  	s18 =	sadd.s32 $0x10000, s5;
	s7 =	sshrl.u32 s14, $0x3;
	[dreg:$0x5] =	wrdreg s16  }
0x10: {  	s19 =	sadd.s32 s8, s9;
	s9 =	sadd.s32 s1, s9;
	[dreg:$0x6] =	wrdreg s17  }
0x11: {  	s5 =	simm.s32 $0x800;
	s10 =	simm.s32 $0x1980;
	[dreg:$0x7] =	wrdreg s18  }
0x12: {  	s12 =	simm.s32 $0x1280;
	s14 =	simm.s32 $0x1A80;
	[dreg:$0x8] =	wrdreg s19  }
0x13: {  	[dreg:$0x9] =	wrdreg s9;
	s20 =	sadd.s32 $0x100, s7;
	s22 =	sadd.s32 $0x200, s7  }
0x14: {  	s24 =	sadd.s32 $0x300, s7;
	s7 =	sadd.s32 $0x400, s7;
	s0 =	sadd.s32 $0x8EA00, s0  }
0x15: {  	s26 =	smax.u32 s6, $0x1;
	s17 =	simm.s32 $0x0;
	[dreg:$0x12] =	wrdreg s0  }
0x16: {  	s15 =	simm.s32 $0x1080;
	s21 =	sadd.s32 s8, s20;
	[dreg:$0x13] =	wrdreg s26  }
0x17: {  	s6 =	simm.s32 $0x1880;
	s9 =	sadd.s32 s1, s20;
	[dreg:$0xa] =	wrdreg s21  }
0x18: {  	s16 =	simm.s32 $0x1300;
	s23 =	sadd.s32 s8, s22;
	[dreg:$0xb] =	wrdreg s9  }
0x19: {  	s25 =	sadd.s32 s8, s24;
	s8 =	sadd.s32 s8, s7;
	[dreg:$0xc] =	wrdreg s23  }
0x1a: {  	s26 =	simm.s32 $0x6000;
	s9 =	sadd.s32 s1, s22;
	[dreg:$0xe] =	wrdreg s25  }
0x1b: {  	[dreg:$0x10] =	wrdreg s8;
	s22 =	simm.s32 $0x2000;
	s23 =	simm.s32 $0x5  }
0x1c: {  	s25 =	simm.s32 $0x80;
	s8 =	simm.s32 $0x1180;
	s21 =	simm.s32 $0x1380  }
0x1d: {  	[dreg:$0xd] =	wrdreg s9;
	s9 =	sadd.s32 s1, s24;
	s1 =	sadd.s32 s1, s7  }
0x1e: {  	s24 =	simm.s32 $0x1800;
	s7 =	simm.s32 $0x1100;
	[dreg:$0xf] =	wrdreg s9  }
0x1f: {  	v0 =	vimm.f32 $0.0e+00;
	[dreg:$0x11] =	wrdreg s1;
	s1 =	simm.s32 $0x4;
	s9 =	simm.s32 $0x1900  }
.LBB2_1:
0x20: {  	s18 =	simm.s32 $0x0;
	s19 =	simm.s32 $0x200  }
.LBB2_2:
0x21: {  	p0 =	sne.s32 s19, $0xFE00;
	[tilespmem:s18+$0x2070] =	vst v0  }
0x22: {  	[tilespmem:s18+$0x2000] =	vst v0  }
0x23: {  	[tilespmem:s18+$0x2010] =	vst v0  }
.Ltmp0:
0x24: {  	[tilespmem:s18+$0x2020] =	vst v0;
	(pc) =	sbr.rel @p0 .LBB2_2-.Ltmp0, $4  }
0x25: {  	[tilespmem:s18+$0x2030] =	vst v0  }
0x26: {  	[tilespmem:s18+$0x2040] =	vst v0  }
0x27: {  	[tilespmem:s18+$0x2050] =	vst v0  }
0x28: {  	[tilespmem:s18+$0x2060] =	vst v0;
	s18 =	sshra.s32 s19, $0x2;
	s19 =	sadd.s32 $0x200, s19  }
0x29: {  	[tilespmem:s18+$0x2070] =	vst v0  }
0x2a: {  	[tilespmem:s18+$0x2000] =	vst v0  }
0x2b: {  	[tilespmem:s18+$0x2010] =	vst v0  }
0x2c: {  	[tilespmem:s18+$0x2020] =	vst v0  }
0x2d: {  	[tilespmem:s18+$0x2030] =	vst v0  }
0x2e: {  	[tilespmem:s18+$0x2040] =	vst v0  }
0x2f: {  	[tilespmem:s18+$0x2050] =	vst v0  }
0x30: {  	[tilespmem:s18+$0x2060] =	vst v0;
	s0 =	rddreg [dreg:$0x14]  }
0x31: {  	[spmem:s0] =	stream.linear.scatter [tilespmem:s22], [sflag:$0x5], $0x4000, $0x38;
	[tilespmem:$0x1E000] =	vst v63  }
0x32: {  	_ =	swait.ge [sflag:s23], $0x4000  }
0x33: {  	[sflag:s23] =	ssyncset.done $0x0  }
0x34: {  	s19 =	rddreg [dreg:$0x4];
	[sflag:s23] =	ssyncadd.s32 $0xFFFFC000  }
0x35: {  	[spmem:s19] =	stream.linear.scatter [tilespmem:s22], [sflag:$0x5], $0x4000, $0x38;
	[tilespmem:$0x1E000] =	vst v63  }
0x36: {  	_ =	swait.ge [sflag:s23], $0x4000  }
0x37: {  	[sflag:s23] =	ssyncset.done $0x0  }
0x38: {  	s20 =	rddreg [dreg:$0x5];
	[sflag:s23] =	ssyncadd.s32 $0xFFFFC000  }
0x39: {  	[spmem:s20] =	stream.linear.scatter [tilespmem:s22], [sflag:$0x5], $0x4000, $0x38;
	[tilespmem:$0x1E000] =	vst v63  }
0x3a: {  	_ =	swait.ge [sflag:s23], $0x4000  }
0x3b: {  	[sflag:s23] =	ssyncset.done $0x0  }
0x3c: {  	s0 =	rddreg [dreg:$0x6];
	[sflag:s23] =	ssyncadd.s32 $0xFFFFC000  }
0x3d: {  	[spmem:s0] =	stream.linear.scatter [tilespmem:s22], [sflag:$0x5], $0x4000, $0x38;
	[tilespmem:$0x1E000] =	vst v63  }
0x3e: {  	_ =	swait.ge [sflag:s23], $0x4000  }
0x3f: {  	[sflag:s23] =	ssyncset.done $0x0  }
0x40: {  	s19 =	rddreg [dreg:$0x7];
	[sflag:s23] =	ssyncadd.s32 $0xFFFFC000  }
0x41: {  	[spmem:s19] =	stream.linear.scatter [tilespmem:s22], [sflag:$0x5], $0x4000, $0x38;
	[tilespmem:$0x1E000] =	vst v63  }
0x42: {  	_ =	swait.ge [sflag:s23], $0x4000  }
0x43: {  	[sflag:s23] =	ssyncset.done $0x0  }
0x44: {  	[sflag:s23] =	ssyncadd.s32 $0xFFFFC000  }
0x45: {  	[bflag:$0x0] =	sbarrier.arrive $0xFFFF  }
0x46: {  	s20 =	rddreg [dreg:$0x8]  }
0x47: {  	[tilespmem:s3], [sflag:$0x5] =	stream.linear.gather [hbm4b:s20+s3], $0x800, $0x38;
	[tilespmem:$0x1E000] =	vst v63  }
0x48: {  	_ =	swait.ge [sflag:s23], $0x800  }
0x49: {  	[sflag:s23] =	ssyncset.done $0x0  }
0x4a: {  	s0 =	rddreg [dreg:$0x9];
	[sflag:s23] =	ssyncadd.s32 $0xFFFFF800  }
0x4b: {  	[tilespmem:s5], [sflag:$0x5] =	stream.linear.gather [hbm4b:s0+s3], $0x800, $0x38;
	[tilespmem:$0x1E000] =	vst v63  }
0x4c: {  	_ =	swait.ge [sflag:s23], $0x800  }
0x4d: {  	[sflag:s23] =	ssyncset.done $0x0  }
0x4e: {  	[sflag:s23] =	ssyncadd.s32 $0xFFFFF800  }
0x4f: {  	[tilespmem:s22], [sflag:$0x1] =	stream.indirect.gather [hbm4b:s4+s25], $0x80, s3, s25, $0xb8;
	[tilespmem:$0x1E000] =	vst v63  }
0x50: {  	_ = 	snop  }
0x51: {  	[tilespmem:s26], [sflag:$0x2] =	stream.indirect.gather [hbm4b:s4+s25], $0x80, s25, s25, $0xb8;
	[tilespmem:$0x1E000] =	vst v63  }
0x52: {  	_ =	swait.ge [sflag:s28], $0x4000  }
0x53: {  	[sflag:s28] =	ssyncset.done $0x0  }
0x54: {  	[sflag:s28] =	ssyncadd.s32 $0xFFFFC000  }
0x55: {  	[spmem:s2] =	stream.indirect.scatter.add.f32 [tilespmem:s22], [sflag:$0x3], $0x80, s5, s25, $0xb8;
	[tilespmem:$0x1E000] =	vst v63  }
0x56: {  	_ =	swait.ge [sflag:s29], $0x4000  }
0x57: {  	[sflag:s29] =	ssyncset.done $0x0  }
0x58: {  	s18 =	simm.s32 $0x880;
	[sflag:s29] =	ssyncadd.s32 $0xFFFFC000  }
0x59: {  	[spmem:s2] =	stream.indirect.scatter.add.f32 [tilespmem:s26], [sflag:$0x4], $0x80, s18, s25, $0xb8;
	[tilespmem:$0x1E000] =	vst v63  }
0x5a: {  	_ =	swait.ge [sflag:s31], $0x4000  }
0x5b: {  	[sflag:s31] =	ssyncset.done $0x0  }
0x5c: {  	s19 =	simm.s32 $0x100;
	[sflag:s31] =	ssyncadd.s32 $0xFFFFC000  }
0x5d: {  	[tilespmem:s22], [sflag:$0x1] =	stream.indirect.gather [hbm4b:s4+s25], $0x80, s19, s25, $0xb8;
	[tilespmem:$0x1E000] =	vst v63  }
0x5e: {  	_ =	swait.ge [sflag:s1], $0x4000  }
0x5f: {  	[sflag:s1] =	ssyncset.done $0x0  }
0x60: {  	s20 =	simm.s32 $0x180;
	[sflag:s1] =	ssyncadd.s32 $0xFFFFC000  }
0x61: {  	[tilespmem:s26], [sflag:$0x2] =	stream.indirect.gather [hbm4b:s4+s25], $0x80, s20, s25, $0xb8;
	[tilespmem:$0x1E000] =	vst v63  }
0x62: {  	_ =	swait.ge [sflag:s28], $0x4000  }
0x63: {  	[sflag:s28] =	ssyncset.done $0x0  }
0x64: {  	s18 =	simm.s32 $0x900;
	[sflag:s28] =	ssyncadd.s32 $0xFFFFC000  }
0x65: {  	[spmem:s2] =	stream.indirect.scatter.add.f32 [tilespmem:s22], [sflag:$0x3], $0x80, s18, s25, $0xb8;
	[tilespmem:$0x1E000] =	vst v63  }
0x66: {  	_ =	swait.ge [sflag:s29], $0x4000  }
0x67: {  	[sflag:s29] =	ssyncset.done $0x0  }
0x68: {  	s19 =	simm.s32 $0x980;
	[sflag:s29] =	ssyncadd.s32 $0xFFFFC000  }
0x69: {  	[spmem:s2] =	stream.indirect.scatter.add.f32 [tilespmem:s26], [sflag:$0x4], $0x80, s19, s25, $0xb8;
	[tilespmem:$0x1E000] =	vst v63  }
0x6a: {  	_ =	swait.ge [sflag:s31], $0x4000  }
0x6b: {  	[sflag:s31] =	ssyncset.done $0x0  }
0x6c: {  	s20 =	simm.s32 $0x200;
	[sflag:s31] =	ssyncadd.s32 $0xFFFFC000  }
0x6d: {  	[tilespmem:s22], [sflag:$0x1] =	stream.indirect.gather [hbm4b:s4+s25], $0x80, s20, s25, $0xb8;
	[tilespmem:$0x1E000] =	vst v63  }
0x6e: {  	_ =	swait.ge [sflag:s1], $0x4000  }
0x6f: {  	[sflag:s1] =	ssyncset.done $0x0  }
0x70: {  	s18 =	simm.s32 $0x280;
	[sflag:s1] =	ssyncadd.s32 $0xFFFFC000  }
0x71: {  	[tilespmem:s26], [sflag:$0x2] =	stream.indirect.gather [hbm4b:s4+s25], $0x80, s18, s25, $0xb8;
	[tilespmem:$0x1E000] =	vst v63  }
0x72: {  	_ =	swait.ge [sflag:s28], $0x4000  }
0x73: {  	[sflag:s28] =	ssyncset.done $0x0  }
0x74: {  	s19 =	simm.s32 $0xA00;
	[sflag:s28] =	ssyncadd.s32 $0xFFFFC000  }
0x75: {  	[spmem:s2] =	stream.indirect.scatter.add.f32 [tilespmem:s22], [sflag:$0x3], $0x80, s19, s25, $0xb8;
	[tilespmem:$0x1E000] =	vst v63  }
0x76: {  	_ =	swait.ge [sflag:s29], $0x4000  }
0x77: {  	[sflag:s29] =	ssyncset.done $0x0  }
0x78: {  	s20 =	simm.s32 $0xA80;
	[sflag:s29] =	ssyncadd.s32 $0xFFFFC000  }
0x79: {  	[spmem:s2] =	stream.indirect.scatter.add.f32 [tilespmem:s26], [sflag:$0x4], $0x80, s20, s25, $0xb8;
	[tilespmem:$0x1E000] =	vst v63  }
0x7a: {  	_ =	swait.ge [sflag:s31], $0x4000  }
0x7b: {  	[sflag:s31] =	ssyncset.done $0x0  }
0x7c: {  	s18 =	simm.s32 $0x300;
	[sflag:s31] =	ssyncadd.s32 $0xFFFFC000  }
0x7d: {  	[tilespmem:s22], [sflag:$0x1] =	stream.indirect.gather [hbm4b:s4+s25], $0x80, s18, s25, $0xb8;
	[tilespmem:$0x1E000] =	vst v63  }
0x7e: {  	_ =	swait.ge [sflag:s1], $0x4000  }
0x7f: {  	[sflag:s1] =	ssyncset.done $0x0  }
0x80: {  	s19 =	simm.s32 $0x380;
	[sflag:s1] =	ssyncadd.s32 $0xFFFFC000  }
0x81: {  	[tilespmem:s26], [sflag:$0x2] =	stream.indirect.gather [hbm4b:s4+s25], $0x80, s19, s25, $0xb8;
	[tilespmem:$0x1E000] =	vst v63  }
0x82: {  	_ =	swait.ge [sflag:s28], $0x4000  }
0x83: {  	[sflag:s28] =	ssyncset.done $0x0  }
0x84: {  	s20 =	simm.s32 $0xB00;
	[sflag:s28] =	ssyncadd.s32 $0xFFFFC000  }
0x85: {  	[spmem:s2] =	stream.indirect.scatter.add.f32 [tilespmem:s22], [sflag:$0x3], $0x80, s20, s25, $0xb8;
	[tilespmem:$0x1E000] =	vst v63  }
0x86: {  	_ =	swait.ge [sflag:s29], $0x4000  }
0x87: {  	[sflag:s29] =	ssyncset.done $0x0  }
0x88: {  	s18 =	simm.s32 $0xB80;
	[sflag:s29] =	ssyncadd.s32 $0xFFFFC000  }
0x89: {  	[spmem:s2] =	stream.indirect.scatter.add.f32 [tilespmem:s26], [sflag:$0x4], $0x80, s18, s25, $0xb8;
	[tilespmem:$0x1E000] =	vst v63  }
0x8a: {  	_ =	swait.ge [sflag:s31], $0x4000  }
0x8b: {  	[sflag:s31] =	ssyncset.done $0x0  }
0x8c: {  	s19 =	simm.s32 $0x400;
	[sflag:s31] =	ssyncadd.s32 $0xFFFFC000  }
0x8d: {  	[tilespmem:s22], [sflag:$0x1] =	stream.indirect.gather [hbm4b:s4+s25], $0x80, s19, s25, $0xb8;
	[tilespmem:$0x1E000] =	vst v63  }
0x8e: {  	_ =	swait.ge [sflag:s1], $0x4000  }
0x8f: {  	[sflag:s1] =	ssyncset.done $0x0  }
0x90: {  	s20 =	simm.s32 $0x480;
	[sflag:s1] =	ssyncadd.s32 $0xFFFFC000  }
0x91: {  	[tilespmem:s26], [sflag:$0x2] =	stream.indirect.gather [hbm4b:s4+s25], $0x80, s20, s25, $0xb8;
	[tilespmem:$0x1E000] =	vst v63  }
0x92: {  	_ =	swait.ge [sflag:s28], $0x4000  }
0x93: {  	[sflag:s28] =	ssyncset.done $0x0  }
0x94: {  	s18 =	simm.s32 $0xC00;
	[sflag:s28] =	ssyncadd.s32 $0xFFFFC000  }
0x95: {  	[spmem:s2] =	stream.indirect.scatter.add.f32 [tilespmem:s22], [sflag:$0x3], $0x80, s18, s25, $0xb8;
	[tilespmem:$0x1E000] =	vst v63  }
0x96: {  	_ =	swait.ge [sflag:s29], $0x4000  }
0x97: {  	[sflag:s29] =	ssyncset.done $0x0  }
0x98: {  	s19 =	simm.s32 $0xC80;
	[sflag:s29] =	ssyncadd.s32 $0xFFFFC000  }
0x99: {  	[spmem:s2] =	stream.indirect.scatter.add.f32 [tilespmem:s26], [sflag:$0x4], $0x80, s19, s25, $0xb8;
	[tilespmem:$0x1E000] =	vst v63  }
0x9a: {  	_ =	swait.ge [sflag:s31], $0x4000  }
0x9b: {  	[sflag:s31] =	ssyncset.done $0x0  }
0x9c: {  	s20 =	simm.s32 $0x500;
	[sflag:s31] =	ssyncadd.s32 $0xFFFFC000  }
0x9d: {  	[tilespmem:s22], [sflag:$0x1] =	stream.indirect.gather [hbm4b:s4+s25], $0x80, s20, s25, $0xb8;
	[tilespmem:$0x1E000] =	vst v63  }
0x9e: {  	_ =	swait.ge [sflag:s1], $0x4000  }
0x9f: {  	[sflag:s1] =	ssyncset.done $0x0  }
0xa0: {  	s18 =	simm.s32 $0x580;
	[sflag:s1] =	ssyncadd.s32 $0xFFFFC000  }
0xa1: {  	[tilespmem:s26], [sflag:$0x2] =	stream.indirect.gather [hbm4b:s4+s25], $0x80, s18, s25, $0xb8;
	[tilespmem:$0x1E000] =	vst v63  }
0xa2: {  	_ =	swait.ge [sflag:s28], $0x4000  }
0xa3: {  	[sflag:s28] =	ssyncset.done $0x0  }
0xa4: {  	s19 =	simm.s32 $0xD00;
	[sflag:s28] =	ssyncadd.s32 $0xFFFFC000  }
0xa5: {  	[spmem:s2] =	stream.indirect.scatter.add.f32 [tilespmem:s22], [sflag:$0x3], $0x80, s19, s25, $0xb8;
	[tilespmem:$0x1E000] =	vst v63  }
0xa6: {  	_ =	swait.ge [sflag:s29], $0x4000  }
0xa7: {  	[sflag:s29] =	ssyncset.done $0x0  }
0xa8: {  	s20 =	simm.s32 $0xD80;
	[sflag:s29] =	ssyncadd.s32 $0xFFFFC000  }
0xa9: {  	[spmem:s2] =	stream.indirect.scatter.add.f32 [tilespmem:s26], [sflag:$0x4], $0x80, s20, s25, $0xb8;
	[tilespmem:$0x1E000] =	vst v63  }
0xaa: {  	_ =	swait.ge [sflag:s31], $0x4000  }
0xab: {  	[sflag:s31] =	ssyncset.done $0x0  }
0xac: {  	s18 =	simm.s32 $0x600;
	[sflag:s31] =	ssyncadd.s32 $0xFFFFC000  }
0xad: {  	[tilespmem:s22], [sflag:$0x1] =	stream.indirect.gather [hbm4b:s4+s25], $0x80, s18, s25, $0xb8;
	[tilespmem:$0x1E000] =	vst v63  }
0xae: {  	_ =	swait.ge [sflag:s1], $0x4000  }
0xaf: {  	[sflag:s1] =	ssyncset.done $0x0  }
0xb0: {  	s19 =	simm.s32 $0x680;
	[sflag:s1] =	ssyncadd.s32 $0xFFFFC000  }
0xb1: {  	[tilespmem:s26], [sflag:$0x2] =	stream.indirect.gather [hbm4b:s4+s25], $0x80, s19, s25, $0xb8;
	[tilespmem:$0x1E000] =	vst v63  }
0xb2: {  	_ =	swait.ge [sflag:s28], $0x4000  }
0xb3: {  	[sflag:s28] =	ssyncset.done $0x0  }
0xb4: {  	s20 =	simm.s32 $0xE00;
	[sflag:s28] =	ssyncadd.s32 $0xFFFFC000  }
0xb5: {  	[spmem:s2] =	stream.indirect.scatter.add.f32 [tilespmem:s22], [sflag:$0x3], $0x80, s20, s25, $0xb8;
	[tilespmem:$0x1E000] =	vst v63  }
0xb6: {  	_ =	swait.ge [sflag:s29], $0x4000  }
0xb7: {  	[sflag:s29] =	ssyncset.done $0x0  }
0xb8: {  	s18 =	simm.s32 $0xE80;
	[sflag:s29] =	ssyncadd.s32 $0xFFFFC000  }
0xb9: {  	[spmem:s2] =	stream.indirect.scatter.add.f32 [tilespmem:s26], [sflag:$0x4], $0x80, s18, s25, $0xb8;
	[tilespmem:$0x1E000] =	vst v63  }
0xba: {  	_ =	swait.ge [sflag:s31], $0x4000  }
0xbb: {  	[sflag:s31] =	ssyncset.done $0x0  }
0xbc: {  	s19 =	simm.s32 $0x700;
	[sflag:s31] =	ssyncadd.s32 $0xFFFFC000  }
0xbd: {  	[tilespmem:s22], [sflag:$0x1] =	stream.indirect.gather [hbm4b:s4+s25], $0x80, s19, s25, $0xb8;
	[tilespmem:$0x1E000] =	vst v63  }
0xbe: {  	_ =	swait.ge [sflag:s1], $0x4000  }
0xbf: {  	[sflag:s1] =	ssyncset.done $0x0  }
0xc0: {  	s20 =	simm.s32 $0x780;
	[sflag:s1] =	ssyncadd.s32 $0xFFFFC000  }
0xc1: {  	[tilespmem:s26], [sflag:$0x2] =	stream.indirect.gather [hbm4b:s4+s25], $0x80, s20, s25, $0xb8;
	[tilespmem:$0x1E000] =	vst v63  }
0xc2: {  	_ =	swait.ge [sflag:s28], $0x4000  }
0xc3: {  	[sflag:s28] =	ssyncset.done $0x0  }
0xc4: {  	s18 =	simm.s32 $0xF00;
	[sflag:s28] =	ssyncadd.s32 $0xFFFFC000  }
0xc5: {  	[spmem:s2] =	stream.indirect.scatter.add.f32 [tilespmem:s22], [sflag:$0x3], $0x80, s18, s25, $0xb8;
	[tilespmem:$0x1E000] =	vst v63  }
0xc6: {  	_ =	swait.ge [sflag:s29], $0x4000  }
0xc7: {  	[sflag:s29] =	ssyncset.done $0x0  }
0xc8: {  	s19 =	simm.s32 $0xF80;
	[sflag:s29] =	ssyncadd.s32 $0xFFFFC000  }
0xc9: {  	[spmem:s2] =	stream.indirect.scatter.add.f32 [tilespmem:s26], [sflag:$0x4], $0x80, s19, s25, $0xb8;
	[tilespmem:$0x1E000] =	vst v63  }
0xca: {  	_ =	swait.ge [sflag:s31], $0x4000  }
0xcb: {  	[sflag:s31] =	ssyncset.done $0x0  }
0xcc: {  	[sflag:s31] =	ssyncadd.s32 $0xFFFFC000  }
0xcd: {  	_ =	swait.ge [sflag:s1], $0x4000  }
0xce: {  	[sflag:s1] =	ssyncset.done $0x0  }
0xcf: {  	s0 =	simm.s32 $0x1000;
	s20 =	rddreg [dreg:$0xa];
	[sflag:s1] =	ssyncadd.s32 $0xFFFFC000  }
0xd0: {  	[tilespmem:s0], [sflag:$0x5] =	stream.linear.gather [hbm4b:s20+s3], $0x800, $0x38;
	[tilespmem:$0x1E000] =	vst v63  }
0xd1: {  	_ =	swait.ge [sflag:s23], $0x800  }
0xd2: {  	[sflag:s23] =	ssyncset.done $0x0  }
0xd3: {  	s19 =	rddreg [dreg:$0xb];
	[sflag:s23] =	ssyncadd.s32 $0xFFFFF800  }
0xd4: {  	[tilespmem:s24], [sflag:$0x5] =	stream.linear.gather [hbm4b:s19+s3], $0x800, $0x38;
	[tilespmem:$0x1E000] =	vst v63  }
0xd5: {  	_ =	swait.ge [sflag:s23], $0x800  }
0xd6: {  	[sflag:s23] =	ssyncset.done $0x0  }
0xd7: {  	[sflag:s23] =	ssyncadd.s32 $0xFFFFF800  }
0xd8: {  	[tilespmem:s22], [sflag:$0x1] =	stream.indirect.gather [hbm4b:s4+s25], $0x80, s0, s25, $0xb8;
	[tilespmem:$0x1E000] =	vst v63  }
0xd9: {  	_ = 	snop  }
0xda: {  	[tilespmem:s26], [sflag:$0x2] =	stream.indirect.gather [hbm4b:s4+s25], $0x80, s15, s25, $0xb8;
	[tilespmem:$0x1E000] =	vst v63  }
0xdb: {  	_ =	swait.ge [sflag:s28], $0x4000  }
0xdc: {  	[sflag:s28] =	ssyncset.done $0x0  }
0xdd: {  	[sflag:s28] =	ssyncadd.s32 $0xFFFFC000  }
0xde: {  	[spmem:s2] =	stream.indirect.scatter.add.f32 [tilespmem:s22], [sflag:$0x3], $0x80, s24, s25, $0xb8;
	[tilespmem:$0x1E000] =	vst v63  }
0xdf: {  	_ =	swait.ge [sflag:s29], $0x4000  }
0xe0: {  	[sflag:s29] =	ssyncset.done $0x0  }
0xe1: {  	[sflag:s29] =	ssyncadd.s32 $0xFFFFC000  }
0xe2: {  	[spmem:s2] =	stream.indirect.scatter.add.f32 [tilespmem:s26], [sflag:$0x4], $0x80, s6, s25, $0xb8;
	[tilespmem:$0x1E000] =	vst v63  }
0xe3: {  	_ =	swait.ge [sflag:s31], $0x4000  }
0xe4: {  	[sflag:s31] =	ssyncset.done $0x0  }
0xe5: {  	[sflag:s31] =	ssyncadd.s32 $0xFFFFC000  }
0xe6: {  	[tilespmem:s22], [sflag:$0x1] =	stream.indirect.gather [hbm4b:s4+s25], $0x80, s7, s25, $0xb8;
	[tilespmem:$0x1E000] =	vst v63  }
0xe7: {  	_ =	swait.ge [sflag:s1], $0x4000  }
0xe8: {  	[sflag:s1] =	ssyncset.done $0x0  }
0xe9: {  	[sflag:s1] =	ssyncadd.s32 $0xFFFFC000  }
0xea: {  	[tilespmem:s26], [sflag:$0x2] =	stream.indirect.gather [hbm4b:s4+s25], $0x80, s8, s25, $0xb8;
	[tilespmem:$0x1E000] =	vst v63  }
0xeb: {  	_ =	swait.ge [sflag:s28], $0x4000  }
0xec: {  	[sflag:s28] =	ssyncset.done $0x0  }
0xed: {  	[sflag:s28] =	ssyncadd.s32 $0xFFFFC000  }
0xee: {  	[spmem:s2] =	stream.indirect.scatter.add.f32 [tilespmem:s22], [sflag:$0x3], $0x80, s9, s25, $0xb8;
	[tilespmem:$0x1E000] =	vst v63  }
0xef: {  	_ =	swait.ge [sflag:s29], $0x4000  }
0xf0: {  	[sflag:s29] =	ssyncset.done $0x0  }
0xf1: {  	[sflag:s29] =	ssyncadd.s32 $0xFFFFC000  }
0xf2: {  	[spmem:s2] =	stream.indirect.scatter.add.f32 [tilespmem:s26], [sflag:$0x4], $0x80, s10, s25, $0xb8;
	[tilespmem:$0x1E000] =	vst v63  }
0xf3: {  	_ =	swait.ge [sflag:s31], $0x4000  }
0xf4: {  	[sflag:s31] =	ssyncset.done $0x0  }
0xf5: {  	[sflag:s31] =	ssyncadd.s32 $0xFFFFC000  }
0xf6: {  	[tilespmem:s22], [sflag:$0x1] =	stream.indirect.gather [hbm4b:s4+s25], $0x80, s11, s25, $0xb8;
	[tilespmem:$0x1E000] =	vst v63  }
0xf7: {  	_ =	swait.ge [sflag:s1], $0x4000  }
0xf8: {  	[sflag:s1] =	ssyncset.done $0x0  }
0xf9: {  	[sflag:s1] =	ssyncadd.s32 $0xFFFFC000  }
0xfa: {  	[tilespmem:s26], [sflag:$0x2] =	stream.indirect.gather [hbm4b:s4+s25], $0x80, s12, s25, $0xb8;
	[tilespmem:$0x1E000] =	vst v63  }
0xfb: {  	_ =	swait.ge [sflag:s28], $0x4000  }
0xfc: {  	[sflag:s28] =	ssyncset.done $0x0  }
0xfd: {  	[sflag:s28] =	ssyncadd.s32 $0xFFFFC000  }
0xfe: {  	[spmem:s2] =	stream.indirect.scatter.add.f32 [tilespmem:s22], [sflag:$0x3], $0x80, s13, s25, $0xb8;
	[tilespmem:$0x1E000] =	vst v63  }
0xff: {  	_ =	swait.ge [sflag:s29], $0x4000  }
0x100: {  	[sflag:s29] =	ssyncset.done $0x0  }
0x101: {  	[sflag:s29] =	ssyncadd.s32 $0xFFFFC000  }
0x102: {  	[spmem:s2] =	stream.indirect.scatter.add.f32 [tilespmem:s26], [sflag:$0x4], $0x80, s14, s25, $0xb8;
	[tilespmem:$0x1E000] =	vst v63  }
0x103: {  	_ =	swait.ge [sflag:s31], $0x4000  }
0x104: {  	[sflag:s31] =	ssyncset.done $0x0  }
0x105: {  	[sflag:s31] =	ssyncadd.s32 $0xFFFFC000  }
0x106: {  	[tilespmem:s22], [sflag:$0x1] =	stream.indirect.gather [hbm4b:s4+s25], $0x80, s16, s25, $0xb8;
	[tilespmem:$0x1E000] =	vst v63  }
0x107: {  	_ =	swait.ge [sflag:s1], $0x4000  }
0x108: {  	[sflag:s1] =	ssyncset.done $0x0  }
0x109: {  	[sflag:s1] =	ssyncadd.s32 $0xFFFFC000  }
0x10a: {  	[tilespmem:s26], [sflag:$0x2] =	stream.indirect.gather [hbm4b:s4+s25], $0x80, s21, s25, $0xb8;
	[tilespmem:$0x1E000] =	vst v63  }
0x10b: {  	_ =	swait.ge [sflag:s28], $0x4000  }
0x10c: {  	[sflag:s28] =	ssyncset.done $0x0  }
0x10d: {  	[sflag:s28] =	ssyncadd.s32 $0xFFFFC000  }
0x10e: {  	[spmem:s2] =	stream.indirect.scatter.add.f32 [tilespmem:s22], [sflag:$0x3], $0x80, s30, s25, $0xb8;
	[tilespmem:$0x1E000] =	vst v63  }
0x10f: {  	_ =	swait.ge [sflag:s29], $0x4000  }
0x110: {  	[sflag:s29] =	ssyncset.done $0x0  }
0x111: {  	s19 =	simm.s32 $0x1B80;
	[sflag:s29] =	ssyncadd.s32 $0xFFFFC000  }
0x112: {  	[spmem:s2] =	stream.indirect.scatter.add.f32 [tilespmem:s26], [sflag:$0x4], $0x80, s19, s25, $0xb8;
	[tilespmem:$0x1E000] =	vst v63  }
0x113: {  	_ =	swait.ge [sflag:s31], $0x4000  }
0x114: {  	[sflag:s31] =	ssyncset.done $0x0  }
0x115: {  	s20 =	simm.s32 $0x1400;
	[sflag:s31] =	ssyncadd.s32 $0xFFFFC000  }
0x116: {  	[tilespmem:s22], [sflag:$0x1] =	stream.indirect.gather [hbm4b:s4+s25], $0x80, s20, s25, $0xb8;
	[tilespmem:$0x1E000] =	vst v63  }
0x117: {  	_ =	swait.ge [sflag:s1], $0x4000  }
0x118: {  	[sflag:s1] =	ssyncset.done $0x0  }
0x119: {  	s18 =	simm.s32 $0x1480;
	[sflag:s1] =	ssyncadd.s32 $0xFFFFC000  }
0x11a: {  	[tilespmem:s26], [sflag:$0x2] =	stream.indirect.gather [hbm4b:s4+s25], $0x80, s18, s25, $0xb8;
	[tilespmem:$0x1E000] =	vst v63  }
0x11b: {  	_ =	swait.ge [sflag:s28], $0x4000  }
0x11c: {  	[sflag:s28] =	ssyncset.done $0x0  }
0x11d: {  	s18 =	simm.s32 $0x1C00;
	[sflag:s28] =	ssyncadd.s32 $0xFFFFC000  }
0x11e: {  	[spmem:s2] =	stream.indirect.scatter.add.f32 [tilespmem:s22], [sflag:$0x3], $0x80, s18, s25, $0xb8;
	[tilespmem:$0x1E000] =	vst v63  }
0x11f: {  	_ =	swait.ge [sflag:s29], $0x4000  }
0x120: {  	[sflag:s29] =	ssyncset.done $0x0  }
0x121: {  	s18 =	simm.s32 $0x1C80;
	[sflag:s29] =	ssyncadd.s32 $0xFFFFC000  }
0x122: {  	[spmem:s2] =	stream.indirect.scatter.add.f32 [tilespmem:s26], [sflag:$0x4], $0x80, s18, s25, $0xb8;
	[tilespmem:$0x1E000] =	vst v63  }
0x123: {  	_ =	swait.ge [sflag:s31], $0x4000  }
0x124: {  	[sflag:s31] =	ssyncset.done $0x0  }
0x125: {  	s18 =	simm.s32 $0x1500;
	[sflag:s31] =	ssyncadd.s32 $0xFFFFC000  }
0x126: {  	[tilespmem:s22], [sflag:$0x1] =	stream.indirect.gather [hbm4b:s4+s25], $0x80, s18, s25, $0xb8;
	[tilespmem:$0x1E000] =	vst v63  }
0x127: {  	_ =	swait.ge [sflag:s1], $0x4000  }
0x128: {  	[sflag:s1] =	ssyncset.done $0x0  }
0x129: {  	s18 =	simm.s32 $0x1580;
	[sflag:s1] =	ssyncadd.s32 $0xFFFFC000  }
0x12a: {  	[tilespmem:s26], [sflag:$0x2] =	stream.indirect.gather [hbm4b:s4+s25], $0x80, s18, s25, $0xb8;
	[tilespmem:$0x1E000] =	vst v63  }
0x12b: {  	_ =	swait.ge [sflag:s28], $0x4000  }
0x12c: {  	[sflag:s28] =	ssyncset.done $0x0  }
0x12d: {  	s18 =	simm.s32 $0x1D00;
	[sflag:s28] =	ssyncadd.s32 $0xFFFFC000  }
0x12e: {  	[spmem:s2] =	stream.indirect.scatter.add.f32 [tilespmem:s22], [sflag:$0x3], $0x80, s18, s25, $0xb8;
	[tilespmem:$0x1E000] =	vst v63  }
0x12f: {  	_ =	swait.ge [sflag:s29], $0x4000  }
0x130: {  	[sflag:s29] =	ssyncset.done $0x0  }
0x131: {  	s18 =	simm.s32 $0x1D80;
	[sflag:s29] =	ssyncadd.s32 $0xFFFFC000  }
0x132: {  	[spmem:s2] =	stream.indirect.scatter.add.f32 [tilespmem:s26], [sflag:$0x4], $0x80, s18, s25, $0xb8;
	[tilespmem:$0x1E000] =	vst v63  }
0x133: {  	_ =	swait.ge [sflag:s31], $0x4000  }
0x134: {  	[sflag:s31] =	ssyncset.done $0x0  }
0x135: {  	s18 =	simm.s32 $0x1600;
	[sflag:s31] =	ssyncadd.s32 $0xFFFFC000  }
0x136: {  	[tilespmem:s22], [sflag:$0x1] =	stream.indirect.gather [hbm4b:s4+s25], $0x80, s18, s25, $0xb8;
	[tilespmem:$0x1E000] =	vst v63  }
0x137: {  	_ =	swait.ge [sflag:s1], $0x4000  }
0x138: {  	[sflag:s1] =	ssyncset.done $0x0  }
0x139: {  	s18 =	simm.s32 $0x1680;
	[sflag:s1] =	ssyncadd.s32 $0xFFFFC000  }
0x13a: {  	[tilespmem:s26], [sflag:$0x2] =	stream.indirect.gather [hbm4b:s4+s25], $0x80, s18, s25, $0xb8;
	[tilespmem:$0x1E000] =	vst v63  }
0x13b: {  	_ =	swait.ge [sflag:s28], $0x4000  }
0x13c: {  	[sflag:s28] =	ssyncset.done $0x0  }
0x13d: {  	s18 =	simm.s32 $0x1E00;
	[sflag:s28] =	ssyncadd.s32 $0xFFFFC000  }
0x13e: {  	[spmem:s2] =	stream.indirect.scatter.add.f32 [tilespmem:s22], [sflag:$0x3], $0x80, s18, s25, $0xb8;
	[tilespmem:$0x1E000] =	vst v63  }
0x13f: {  	_ =	swait.ge [sflag:s29], $0x4000  }
0x140: {  	[sflag:s29] =	ssyncset.done $0x0  }
0x141: {  	s18 =	simm.s32 $0x1E80;
	[sflag:s29] =	ssyncadd.s32 $0xFFFFC000  }
0x142: {  	[spmem:s2] =	stream.indirect.scatter.add.f32 [tilespmem:s26], [sflag:$0x4], $0x80, s18, s25, $0xb8;
	[tilespmem:$0x1E000] =	vst v63  }
0x143: {  	_ =	swait.ge [sflag:s31], $0x4000  }
0x144: {  	[sflag:s31] =	ssyncset.done $0x0  }
0x145: {  	s18 =	simm.s32 $0x1700;
	[sflag:s31] =	ssyncadd.s32 $0xFFFFC000  }
0x146: {  	[tilespmem:s22], [sflag:$0x1] =	stream.indirect.gather [hbm4b:s4+s25], $0x80, s18, s25, $0xb8;
	[tilespmem:$0x1E000] =	vst v63  }
0x147: {  	_ =	swait.ge [sflag:s1], $0x4000  }
0x148: {  	[sflag:s1] =	ssyncset.done $0x0  }
0x149: {  	s18 =	simm.s32 $0x1780;
	[sflag:s1] =	ssyncadd.s32 $0xFFFFC000  }
0x14a: {  	[tilespmem:s26], [sflag:$0x2] =	stream.indirect.gather [hbm4b:s4+s25], $0x80, s18, s25, $0xb8;
	[tilespmem:$0x1E000] =	vst v63  }
0x14b: {  	_ =	swait.ge [sflag:s28], $0x4000  }
0x14c: {  	[sflag:s28] =	ssyncset.done $0x0  }
0x14d: {  	s18 =	simm.s32 $0x1F00;
	[sflag:s28] =	ssyncadd.s32 $0xFFFFC000  }
0x14e: {  	[spmem:s2] =	stream.indirect.scatter.add.f32 [tilespmem:s22], [sflag:$0x3], $0x80, s18, s25, $0xb8;
	[tilespmem:$0x1E000] =	vst v63  }
0x14f: {  	_ =	swait.ge [sflag:s29], $0x4000  }
0x150: {  	[sflag:s29] =	ssyncset.done $0x0  }
0x151: {  	s18 =	simm.s32 $0x1F80;
	[sflag:s29] =	ssyncadd.s32 $0xFFFFC000  }
0x152: {  	[spmem:s2] =	stream.indirect.scatter.add.f32 [tilespmem:s26], [sflag:$0x4], $0x80, s18, s25, $0xb8;
	[tilespmem:$0x1E000] =	vst v63  }
0x153: {  	_ =	swait.ge [sflag:s31], $0x4000  }
0x154: {  	[sflag:s31] =	ssyncset.done $0x0  }
0x155: {  	[sflag:s31] =	ssyncadd.s32 $0xFFFFC000  }
0x156: {  	_ =	swait.ge [sflag:s1], $0x4000  }
0x157: {  	[sflag:s1] =	ssyncset.done $0x0  }
0x158: {  	s18 =	rddreg [dreg:$0xc];
	[sflag:s1] =	ssyncadd.s32 $0xFFFFC000  }
0x159: {  	[tilespmem:s3], [sflag:$0x5] =	stream.linear.gather [hbm4b:s18+s3], $0x800, $0x38;
	[tilespmem:$0x1E000] =	vst v63  }
0x15a: {  	_ =	swait.ge [sflag:s23], $0x800  }
0x15b: {  	[sflag:s23] =	ssyncset.done $0x0  }
0x15c: {  	s18 =	rddreg [dreg:$0xd];
	[sflag:s23] =	ssyncadd.s32 $0xFFFFF800  }
0x15d: {  	[tilespmem:s5], [sflag:$0x5] =	stream.linear.gather [hbm4b:s18+s3], $0x800, $0x38;
	[tilespmem:$0x1E000] =	vst v63  }
0x15e: {  	_ =	swait.ge [sflag:s23], $0x800  }
0x15f: {  	[sflag:s23] =	ssyncset.done $0x0  }
0x160: {  	[sflag:s23] =	ssyncadd.s32 $0xFFFFF800  }
0x161: {  	[tilespmem:s22], [sflag:$0x1] =	stream.indirect.gather [hbm4b:s4+s25], $0x80, s3, s25, $0xb8;
	[tilespmem:$0x1E000] =	vst v63  }
0x162: {  	_ = 	snop  }
0x163: {  	[tilespmem:s26], [sflag:$0x2] =	stream.indirect.gather [hbm4b:s4+s25], $0x80, s25, s25, $0xb8;
	[tilespmem:$0x1E000] =	vst v63  }
0x164: {  	_ =	swait.ge [sflag:s28], $0x4000  }
0x165: {  	[sflag:s28] =	ssyncset.done $0x0  }
0x166: {  	[sflag:s28] =	ssyncadd.s32 $0xFFFFC000  }
0x167: {  	[spmem:s2] =	stream.indirect.scatter.add.f32 [tilespmem:s22], [sflag:$0x3], $0x80, s5, s25, $0xb8;
	[tilespmem:$0x1E000] =	vst v63  }
0x168: {  	_ =	swait.ge [sflag:s29], $0x4000  }
0x169: {  	[sflag:s29] =	ssyncset.done $0x0  }
0x16a: {  	s18 =	simm.s32 $0x880;
	[sflag:s29] =	ssyncadd.s32 $0xFFFFC000  }
0x16b: {  	[spmem:s2] =	stream.indirect.scatter.add.f32 [tilespmem:s26], [sflag:$0x4], $0x80, s18, s25, $0xb8;
	[tilespmem:$0x1E000] =	vst v63  }
0x16c: {  	_ =	swait.ge [sflag:s31], $0x4000  }
0x16d: {  	[sflag:s31] =	ssyncset.done $0x0  }
0x16e: {  	s18 =	simm.s32 $0x100;
	[sflag:s31] =	ssyncadd.s32 $0xFFFFC000  }
0x16f: {  	[tilespmem:s22], [sflag:$0x1] =	stream.indirect.gather [hbm4b:s4+s25], $0x80, s18, s25, $0xb8;
	[tilespmem:$0x1E000] =	vst v63  }
0x170: {  	_ =	swait.ge [sflag:s1], $0x4000  }
0x171: {  	[sflag:s1] =	ssyncset.done $0x0  }
0x172: {  	s18 =	simm.s32 $0x180;
	[sflag:s1] =	ssyncadd.s32 $0xFFFFC000  }
0x173: {  	[tilespmem:s26], [sflag:$0x2] =	stream.indirect.gather [hbm4b:s4+s25], $0x80, s18, s25, $0xb8;
	[tilespmem:$0x1E000] =	vst v63  }
0x174: {  	_ =	swait.ge [sflag:s28], $0x4000  }
0x175: {  	[sflag:s28] =	ssyncset.done $0x0  }
0x176: {  	s18 =	simm.s32 $0x900;
	[sflag:s28] =	ssyncadd.s32 $0xFFFFC000  }
0x177: {  	[spmem:s2] =	stream.indirect.scatter.add.f32 [tilespmem:s22], [sflag:$0x3], $0x80, s18, s25, $0xb8;
	[tilespmem:$0x1E000] =	vst v63  }
0x178: {  	_ =	swait.ge [sflag:s29], $0x4000  }
0x179: {  	[sflag:s29] =	ssyncset.done $0x0  }
0x17a: {  	s18 =	simm.s32 $0x980;
	[sflag:s29] =	ssyncadd.s32 $0xFFFFC000  }
0x17b: {  	[spmem:s2] =	stream.indirect.scatter.add.f32 [tilespmem:s26], [sflag:$0x4], $0x80, s18, s25, $0xb8;
	[tilespmem:$0x1E000] =	vst v63  }
0x17c: {  	_ =	swait.ge [sflag:s31], $0x4000  }
0x17d: {  	[sflag:s31] =	ssyncset.done $0x0  }
0x17e: {  	s18 =	simm.s32 $0x200;
	[sflag:s31] =	ssyncadd.s32 $0xFFFFC000  }
0x17f: {  	[tilespmem:s22], [sflag:$0x1] =	stream.indirect.gather [hbm4b:s4+s25], $0x80, s18, s25, $0xb8;
	[tilespmem:$0x1E000] =	vst v63  }
0x180: {  	_ =	swait.ge [sflag:s1], $0x4000  }
0x181: {  	[sflag:s1] =	ssyncset.done $0x0  }
0x182: {  	s18 =	simm.s32 $0x280;
	[sflag:s1] =	ssyncadd.s32 $0xFFFFC000  }
0x183: {  	[tilespmem:s26], [sflag:$0x2] =	stream.indirect.gather [hbm4b:s4+s25], $0x80, s18, s25, $0xb8;
	[tilespmem:$0x1E000] =	vst v63  }
0x184: {  	_ =	swait.ge [sflag:s28], $0x4000  }
0x185: {  	[sflag:s28] =	ssyncset.done $0x0  }
0x186: {  	s18 =	simm.s32 $0xA00;
	[sflag:s28] =	ssyncadd.s32 $0xFFFFC000  }
0x187: {  	[spmem:s2] =	stream.indirect.scatter.add.f32 [tilespmem:s22], [sflag:$0x3], $0x80, s18, s25, $0xb8;
	[tilespmem:$0x1E000] =	vst v63  }
0x188: {  	_ =	swait.ge [sflag:s29], $0x4000  }
0x189: {  	[sflag:s29] =	ssyncset.done $0x0  }
0x18a: {  	s18 =	simm.s32 $0xA80;
	[sflag:s29] =	ssyncadd.s32 $0xFFFFC000  }
0x18b: {  	[spmem:s2] =	stream.indirect.scatter.add.f32 [tilespmem:s26], [sflag:$0x4], $0x80, s18, s25, $0xb8;
	[tilespmem:$0x1E000] =	vst v63  }
0x18c: {  	_ =	swait.ge [sflag:s31], $0x4000  }
0x18d: {  	[sflag:s31] =	ssyncset.done $0x0  }
0x18e: {  	s18 =	simm.s32 $0x300;
	[sflag:s31] =	ssyncadd.s32 $0xFFFFC000  }
0x18f: {  	[tilespmem:s22], [sflag:$0x1] =	stream.indirect.gather [hbm4b:s4+s25], $0x80, s18, s25, $0xb8;
	[tilespmem:$0x1E000] =	vst v63  }
0x190: {  	_ =	swait.ge [sflag:s1], $0x4000  }
0x191: {  	[sflag:s1] =	ssyncset.done $0x0  }
0x192: {  	s18 =	simm.s32 $0x380;
	[sflag:s1] =	ssyncadd.s32 $0xFFFFC000  }
0x193: {  	[tilespmem:s26], [sflag:$0x2] =	stream.indirect.gather [hbm4b:s4+s25], $0x80, s18, s25, $0xb8;
	[tilespmem:$0x1E000] =	vst v63  }
0x194: {  	_ =	swait.ge [sflag:s28], $0x4000  }
0x195: {  	[sflag:s28] =	ssyncset.done $0x0  }
0x196: {  	s18 =	simm.s32 $0xB00;
	[sflag:s28] =	ssyncadd.s32 $0xFFFFC000  }
0x197: {  	[spmem:s2] =	stream.indirect.scatter.add.f32 [tilespmem:s22], [sflag:$0x3], $0x80, s18, s25, $0xb8;
	[tilespmem:$0x1E000] =	vst v63  }
0x198: {  	_ =	swait.ge [sflag:s29], $0x4000  }
0x199: {  	[sflag:s29] =	ssyncset.done $0x0  }
0x19a: {  	s18 =	simm.s32 $0xB80;
	[sflag:s29] =	ssyncadd.s32 $0xFFFFC000  }
0x19b: {  	[spmem:s2] =	stream.indirect.scatter.add.f32 [tilespmem:s26], [sflag:$0x4], $0x80, s18, s25, $0xb8;
	[tilespmem:$0x1E000] =	vst v63  }
0x19c: {  	_ =	swait.ge [sflag:s31], $0x4000  }
0x19d: {  	[sflag:s31] =	ssyncset.done $0x0  }
0x19e: {  	s18 =	simm.s32 $0x400;
	[sflag:s31] =	ssyncadd.s32 $0xFFFFC000  }
0x19f: {  	[tilespmem:s22], [sflag:$0x1] =	stream.indirect.gather [hbm4b:s4+s25], $0x80, s18, s25, $0xb8;
	[tilespmem:$0x1E000] =	vst v63  }
0x1a0: {  	_ =	swait.ge [sflag:s1], $0x4000  }
0x1a1: {  	[sflag:s1] =	ssyncset.done $0x0  }
0x1a2: {  	s18 =	simm.s32 $0x480;
	[sflag:s1] =	ssyncadd.s32 $0xFFFFC000  }
0x1a3: {  	[tilespmem:s26], [sflag:$0x2] =	stream.indirect.gather [hbm4b:s4+s25], $0x80, s18, s25, $0xb8;
	[tilespmem:$0x1E000] =	vst v63  }
0x1a4: {  	_ =	swait.ge [sflag:s28], $0x4000  }
0x1a5: {  	[sflag:s28] =	ssyncset.done $0x0  }
0x1a6: {  	s18 =	simm.s32 $0xC00;
	[sflag:s28] =	ssyncadd.s32 $0xFFFFC000  }
0x1a7: {  	[spmem:s2] =	stream.indirect.scatter.add.f32 [tilespmem:s22], [sflag:$0x3], $0x80, s18, s25, $0xb8;
	[tilespmem:$0x1E000] =	vst v63  }
0x1a8: {  	_ =	swait.ge [sflag:s29], $0x4000  }
0x1a9: {  	[sflag:s29] =	ssyncset.done $0x0  }
0x1aa: {  	s18 =	simm.s32 $0xC80;
	[sflag:s29] =	ssyncadd.s32 $0xFFFFC000  }
0x1ab: {  	[spmem:s2] =	stream.indirect.scatter.add.f32 [tilespmem:s26], [sflag:$0x4], $0x80, s18, s25, $0xb8;
	[tilespmem:$0x1E000] =	vst v63  }
0x1ac: {  	_ =	swait.ge [sflag:s31], $0x4000  }
0x1ad: {  	[sflag:s31] =	ssyncset.done $0x0  }
0x1ae: {  	s18 =	simm.s32 $0x500;
	[sflag:s31] =	ssyncadd.s32 $0xFFFFC000  }
0x1af: {  	[tilespmem:s22], [sflag:$0x1] =	stream.indirect.gather [hbm4b:s4+s25], $0x80, s18, s25, $0xb8;
	[tilespmem:$0x1E000] =	vst v63  }
0x1b0: {  	_ =	swait.ge [sflag:s1], $0x4000  }
0x1b1: {  	[sflag:s1] =	ssyncset.done $0x0  }
0x1b2: {  	s18 =	simm.s32 $0x580;
	[sflag:s1] =	ssyncadd.s32 $0xFFFFC000  }
0x1b3: {  	[tilespmem:s26], [sflag:$0x2] =	stream.indirect.gather [hbm4b:s4+s25], $0x80, s18, s25, $0xb8;
	[tilespmem:$0x1E000] =	vst v63  }
0x1b4: {  	_ =	swait.ge [sflag:s28], $0x4000  }
0x1b5: {  	[sflag:s28] =	ssyncset.done $0x0  }
0x1b6: {  	s18 =	simm.s32 $0xD00;
	[sflag:s28] =	ssyncadd.s32 $0xFFFFC000  }
0x1b7: {  	[spmem:s2] =	stream.indirect.scatter.add.f32 [tilespmem:s22], [sflag:$0x3], $0x80, s18, s25, $0xb8;
	[tilespmem:$0x1E000] =	vst v63  }
0x1b8: {  	_ =	swait.ge [sflag:s29], $0x4000  }
0x1b9: {  	[sflag:s29] =	ssyncset.done $0x0  }
0x1ba: {  	s18 =	simm.s32 $0xD80;
	[sflag:s29] =	ssyncadd.s32 $0xFFFFC000  }
0x1bb: {  	[spmem:s2] =	stream.indirect.scatter.add.f32 [tilespmem:s26], [sflag:$0x4], $0x80, s18, s25, $0xb8;
	[tilespmem:$0x1E000] =	vst v63  }
0x1bc: {  	_ =	swait.ge [sflag:s31], $0x4000  }
0x1bd: {  	[sflag:s31] =	ssyncset.done $0x0  }
0x1be: {  	s18 =	simm.s32 $0x600;
	[sflag:s31] =	ssyncadd.s32 $0xFFFFC000  }
0x1bf: {  	[tilespmem:s22], [sflag:$0x1] =	stream.indirect.gather [hbm4b:s4+s25], $0x80, s18, s25, $0xb8;
	[tilespmem:$0x1E000] =	vst v63  }
0x1c0: {  	_ =	swait.ge [sflag:s1], $0x4000  }
0x1c1: {  	[sflag:s1] =	ssyncset.done $0x0  }
0x1c2: {  	s18 =	simm.s32 $0x680;
	[sflag:s1] =	ssyncadd.s32 $0xFFFFC000  }
0x1c3: {  	[tilespmem:s26], [sflag:$0x2] =	stream.indirect.gather [hbm4b:s4+s25], $0x80, s18, s25, $0xb8;
	[tilespmem:$0x1E000] =	vst v63  }
0x1c4: {  	_ =	swait.ge [sflag:s28], $0x4000  }
0x1c5: {  	[sflag:s28] =	ssyncset.done $0x0  }
0x1c6: {  	s18 =	simm.s32 $0xE00;
	[sflag:s28] =	ssyncadd.s32 $0xFFFFC000  }
0x1c7: {  	[spmem:s2] =	stream.indirect.scatter.add.f32 [tilespmem:s22], [sflag:$0x3], $0x80, s18, s25, $0xb8;
	[tilespmem:$0x1E000] =	vst v63  }
0x1c8: {  	_ =	swait.ge [sflag:s29], $0x4000  }
0x1c9: {  	[sflag:s29] =	ssyncset.done $0x0  }
0x1ca: {  	s18 =	simm.s32 $0xE80;
	[sflag:s29] =	ssyncadd.s32 $0xFFFFC000  }
0x1cb: {  	[spmem:s2] =	stream.indirect.scatter.add.f32 [tilespmem:s26], [sflag:$0x4], $0x80, s18, s25, $0xb8;
	[tilespmem:$0x1E000] =	vst v63  }
0x1cc: {  	_ =	swait.ge [sflag:s31], $0x4000  }
0x1cd: {  	[sflag:s31] =	ssyncset.done $0x0  }
0x1ce: {  	s18 =	simm.s32 $0x700;
	[sflag:s31] =	ssyncadd.s32 $0xFFFFC000  }
0x1cf: {  	[tilespmem:s22], [sflag:$0x1] =	stream.indirect.gather [hbm4b:s4+s25], $0x80, s18, s25, $0xb8;
	[tilespmem:$0x1E000] =	vst v63  }
0x1d0: {  	_ =	swait.ge [sflag:s1], $0x4000  }
0x1d1: {  	[sflag:s1] =	ssyncset.done $0x0  }
0x1d2: {  	s18 =	simm.s32 $0x780;
	[sflag:s1] =	ssyncadd.s32 $0xFFFFC000  }
0x1d3: {  	[tilespmem:s26], [sflag:$0x2] =	stream.indirect.gather [hbm4b:s4+s25], $0x80, s18, s25, $0xb8;
	[tilespmem:$0x1E000] =	vst v63  }
0x1d4: {  	_ =	swait.ge [sflag:s28], $0x4000  }
0x1d5: {  	[sflag:s28] =	ssyncset.done $0x0  }
0x1d6: {  	s18 =	simm.s32 $0xF00;
	[sflag:s28] =	ssyncadd.s32 $0xFFFFC000  }
0x1d7: {  	[spmem:s2] =	stream.indirect.scatter.add.f32 [tilespmem:s22], [sflag:$0x3], $0x80, s18, s25, $0xb8;
	[tilespmem:$0x1E000] =	vst v63  }
0x1d8: {  	_ =	swait.ge [sflag:s29], $0x4000  }
0x1d9: {  	[sflag:s29] =	ssyncset.done $0x0  }
0x1da: {  	s18 =	simm.s32 $0xF80;
	[sflag:s29] =	ssyncadd.s32 $0xFFFFC000  }
0x1db: {  	[spmem:s2] =	stream.indirect.scatter.add.f32 [tilespmem:s26], [sflag:$0x4], $0x80, s18, s25, $0xb8;
	[tilespmem:$0x1E000] =	vst v63  }
0x1dc: {  	_ =	swait.ge [sflag:s31], $0x4000  }
0x1dd: {  	[sflag:s31] =	ssyncset.done $0x0  }
0x1de: {  	[sflag:s31] =	ssyncadd.s32 $0xFFFFC000  }
0x1df: {  	_ =	swait.ge [sflag:s1], $0x4000  }
0x1e0: {  	[sflag:s1] =	ssyncset.done $0x0  }
0x1e1: {  	s18 =	rddreg [dreg:$0xe];
	[sflag:s1] =	ssyncadd.s32 $0xFFFFC000  }
0x1e2: {  	[tilespmem:s0], [sflag:$0x5] =	stream.linear.gather [hbm4b:s18+s3], $0x800, $0x38;
	[tilespmem:$0x1E000] =	vst v63  }
0x1e3: {  	_ =	swait.ge [sflag:s23], $0x800  }
0x1e4: {  	[sflag:s23] =	ssyncset.done $0x0  }
0x1e5: {  	s18 =	rddreg [dreg:$0xf];
	[sflag:s23] =	ssyncadd.s32 $0xFFFFF800  }
0x1e6: {  	[tilespmem:s24], [sflag:$0x5] =	stream.linear.gather [hbm4b:s18+s3], $0x800, $0x38;
	[tilespmem:$0x1E000] =	vst v63  }
0x1e7: {  	_ =	swait.ge [sflag:s23], $0x800  }
0x1e8: {  	[sflag:s23] =	ssyncset.done $0x0  }
0x1e9: {  	[sflag:s23] =	ssyncadd.s32 $0xFFFFF800  }
0x1ea: {  	[tilespmem:s22], [sflag:$0x1] =	stream.indirect.gather [hbm4b:s4+s25], $0x80, s0, s25, $0xb8;
	[tilespmem:$0x1E000] =	vst v63  }
0x1eb: {  	_ = 	snop  }
0x1ec: {  	[tilespmem:s26], [sflag:$0x2] =	stream.indirect.gather [hbm4b:s4+s25], $0x80, s15, s25, $0xb8;
	[tilespmem:$0x1E000] =	vst v63  }
0x1ed: {  	_ =	swait.ge [sflag:s28], $0x4000  }
0x1ee: {  	[sflag:s28] =	ssyncset.done $0x0  }
0x1ef: {  	[sflag:s28] =	ssyncadd.s32 $0xFFFFC000  }
0x1f0: {  	[spmem:s2] =	stream.indirect.scatter.add.f32 [tilespmem:s22], [sflag:$0x3], $0x80, s24, s25, $0xb8;
	[tilespmem:$0x1E000] =	vst v63  }
0x1f1: {  	_ =	swait.ge [sflag:s29], $0x4000  }
0x1f2: {  	[sflag:s29] =	ssyncset.done $0x0  }
0x1f3: {  	[sflag:s29] =	ssyncadd.s32 $0xFFFFC000  }
0x1f4: {  	[spmem:s2] =	stream.indirect.scatter.add.f32 [tilespmem:s26], [sflag:$0x4], $0x80, s6, s25, $0xb8;
	[tilespmem:$0x1E000] =	vst v63  }
0x1f5: {  	_ =	swait.ge [sflag:s31], $0x4000  }
0x1f6: {  	[sflag:s31] =	ssyncset.done $0x0  }
0x1f7: {  	[sflag:s31] =	ssyncadd.s32 $0xFFFFC000  }
0x1f8: {  	[tilespmem:s22], [sflag:$0x1] =	stream.indirect.gather [hbm4b:s4+s25], $0x80, s7, s25, $0xb8;
	[tilespmem:$0x1E000] =	vst v63  }
0x1f9: {  	_ =	swait.ge [sflag:s1], $0x4000  }
0x1fa: {  	[sflag:s1] =	ssyncset.done $0x0  }
0x1fb: {  	[sflag:s1] =	ssyncadd.s32 $0xFFFFC000  }
0x1fc: {  	[tilespmem:s26], [sflag:$0x2] =	stream.indirect.gather [hbm4b:s4+s25], $0x80, s8, s25, $0xb8;
	[tilespmem:$0x1E000] =	vst v63  }
0x1fd: {  	_ =	swait.ge [sflag:s28], $0x4000  }
0x1fe: {  	[sflag:s28] =	ssyncset.done $0x0  }
0x1ff: {  	[sflag:s28] =	ssyncadd.s32 $0xFFFFC000  }
0x200: {  	[spmem:s2] =	stream.indirect.scatter.add.f32 [tilespmem:s22], [sflag:$0x3], $0x80, s9, s25, $0xb8;
	[tilespmem:$0x1E000] =	vst v63  }
0x201: {  	_ =	swait.ge [sflag:s29], $0x4000  }
0x202: {  	[sflag:s29] =	ssyncset.done $0x0  }
0x203: {  	[sflag:s29] =	ssyncadd.s32 $0xFFFFC000  }
0x204: {  	[spmem:s2] =	stream.indirect.scatter.add.f32 [tilespmem:s26], [sflag:$0x4], $0x80, s10, s25, $0xb8;
	[tilespmem:$0x1E000] =	vst v63  }
0x205: {  	_ =	swait.ge [sflag:s31], $0x4000  }
0x206: {  	[sflag:s31] =	ssyncset.done $0x0  }
0x207: {  	[sflag:s31] =	ssyncadd.s32 $0xFFFFC000  }
0x208: {  	[tilespmem:s22], [sflag:$0x1] =	stream.indirect.gather [hbm4b:s4+s25], $0x80, s11, s25, $0xb8;
	[tilespmem:$0x1E000] =	vst v63  }
0x209: {  	_ =	swait.ge [sflag:s1], $0x4000  }
0x20a: {  	[sflag:s1] =	ssyncset.done $0x0  }
0x20b: {  	[sflag:s1] =	ssyncadd.s32 $0xFFFFC000  }
0x20c: {  	[tilespmem:s26], [sflag:$0x2] =	stream.indirect.gather [hbm4b:s4+s25], $0x80, s12, s25, $0xb8;
	[tilespmem:$0x1E000] =	vst v63  }
0x20d: {  	_ =	swait.ge [sflag:s28], $0x4000  }
0x20e: {  	[sflag:s28] =	ssyncset.done $0x0  }
0x20f: {  	[sflag:s28] =	ssyncadd.s32 $0xFFFFC000  }
0x210: {  	[spmem:s2] =	stream.indirect.scatter.add.f32 [tilespmem:s22], [sflag:$0x3], $0x80, s13, s25, $0xb8;
	[tilespmem:$0x1E000] =	vst v63  }
0x211: {  	_ =	swait.ge [sflag:s29], $0x4000  }
0x212: {  	[sflag:s29] =	ssyncset.done $0x0  }
0x213: {  	[sflag:s29] =	ssyncadd.s32 $0xFFFFC000  }
0x214: {  	[spmem:s2] =	stream.indirect.scatter.add.f32 [tilespmem:s26], [sflag:$0x4], $0x80, s14, s25, $0xb8;
	[tilespmem:$0x1E000] =	vst v63  }
0x215: {  	_ =	swait.ge [sflag:s31], $0x4000  }
0x216: {  	[sflag:s31] =	ssyncset.done $0x0  }
0x217: {  	[sflag:s31] =	ssyncadd.s32 $0xFFFFC000  }
0x218: {  	[tilespmem:s22], [sflag:$0x1] =	stream.indirect.gather [hbm4b:s4+s25], $0x80, s16, s25, $0xb8;
	[tilespmem:$0x1E000] =	vst v63  }
0x219: {  	_ =	swait.ge [sflag:s1], $0x4000  }
0x21a: {  	[sflag:s1] =	ssyncset.done $0x0  }
0x21b: {  	[sflag:s1] =	ssyncadd.s32 $0xFFFFC000  }
0x21c: {  	[tilespmem:s26], [sflag:$0x2] =	stream.indirect.gather [hbm4b:s4+s25], $0x80, s21, s25, $0xb8;
	[tilespmem:$0x1E000] =	vst v63  }
0x21d: {  	_ =	swait.ge [sflag:s28], $0x4000  }
0x21e: {  	[sflag:s28] =	ssyncset.done $0x0  }
0x21f: {  	[sflag:s28] =	ssyncadd.s32 $0xFFFFC000  }
0x220: {  	[spmem:s2] =	stream.indirect.scatter.add.f32 [tilespmem:s22], [sflag:$0x3], $0x80, s30, s25, $0xb8;
	[tilespmem:$0x1E000] =	vst v63  }
0x221: {  	_ =	swait.ge [sflag:s29], $0x4000  }
0x222: {  	[sflag:s29] =	ssyncset.done $0x0  }
0x223: {  	[sflag:s29] =	ssyncadd.s32 $0xFFFFC000  }
0x224: {  	[spmem:s2] =	stream.indirect.scatter.add.f32 [tilespmem:s26], [sflag:$0x4], $0x80, s19, s25, $0xb8;
	[tilespmem:$0x1E000] =	vst v63  }
0x225: {  	_ =	swait.ge [sflag:s31], $0x4000  }
0x226: {  	[sflag:s31] =	ssyncset.done $0x0  }
0x227: {  	[sflag:s31] =	ssyncadd.s32 $0xFFFFC000  }
0x228: {  	[tilespmem:s22], [sflag:$0x1] =	stream.indirect.gather [hbm4b:s4+s25], $0x80, s20, s25, $0xb8;
	[tilespmem:$0x1E000] =	vst v63  }
0x229: {  	_ =	swait.ge [sflag:s1], $0x4000  }
0x22a: {  	[sflag:s1] =	ssyncset.done $0x0  }
0x22b: {  	s20 =	simm.s32 $0x1480;
	[sflag:s1] =	ssyncadd.s32 $0xFFFFC000  }
0x22c: {  	[tilespmem:s26], [sflag:$0x2] =	stream.indirect.gather [hbm4b:s4+s25], $0x80, s20, s25, $0xb8;
	[tilespmem:$0x1E000] =	vst v63  }
0x22d: {  	_ =	swait.ge [sflag:s28], $0x4000  }
0x22e: {  	[sflag:s28] =	ssyncset.done $0x0  }
0x22f: {  	s18 =	simm.s32 $0x1C00;
	[sflag:s28] =	ssyncadd.s32 $0xFFFFC000  }
0x230: {  	[spmem:s2] =	stream.indirect.scatter.add.f32 [tilespmem:s22], [sflag:$0x3], $0x80, s18, s25, $0xb8;
	[tilespmem:$0x1E000] =	vst v63  }
0x231: {  	_ =	swait.ge [sflag:s29], $0x4000  }
0x232: {  	[sflag:s29] =	ssyncset.done $0x0  }
0x233: {  	s19 =	simm.s32 $0x1C80;
	[sflag:s29] =	ssyncadd.s32 $0xFFFFC000  }
0x234: {  	[spmem:s2] =	stream.indirect.scatter.add.f32 [tilespmem:s26], [sflag:$0x4], $0x80, s19, s25, $0xb8;
	[tilespmem:$0x1E000] =	vst v63  }
0x235: {  	_ =	swait.ge [sflag:s31], $0x4000  }
0x236: {  	[sflag:s31] =	ssyncset.done $0x0  }
0x237: {  	s20 =	simm.s32 $0x1500;
	[sflag:s31] =	ssyncadd.s32 $0xFFFFC000  }
0x238: {  	[tilespmem:s22], [sflag:$0x1] =	stream.indirect.gather [hbm4b:s4+s25], $0x80, s20, s25, $0xb8;
	[tilespmem:$0x1E000] =	vst v63  }
0x239: {  	_ =	swait.ge [sflag:s1], $0x4000  }
0x23a: {  	[sflag:s1] =	ssyncset.done $0x0  }
0x23b: {  	s18 =	simm.s32 $0x1580;
	[sflag:s1] =	ssyncadd.s32 $0xFFFFC000  }
0x23c: {  	[tilespmem:s26], [sflag:$0x2] =	stream.indirect.gather [hbm4b:s4+s25], $0x80, s18, s25, $0xb8;
	[tilespmem:$0x1E000] =	vst v63  }
0x23d: {  	_ =	swait.ge [sflag:s28], $0x4000  }
0x23e: {  	[sflag:s28] =	ssyncset.done $0x0  }
0x23f: {  	s19 =	simm.s32 $0x1D00;
	[sflag:s28] =	ssyncadd.s32 $0xFFFFC000  }
0x240: {  	[spmem:s2] =	stream.indirect.scatter.add.f32 [tilespmem:s22], [sflag:$0x3], $0x80, s19, s25, $0xb8;
	[tilespmem:$0x1E000] =	vst v63  }
0x241: {  	_ =	swait.ge [sflag:s29], $0x4000  }
0x242: {  	[sflag:s29] =	ssyncset.done $0x0  }
0x243: {  	s20 =	simm.s32 $0x1D80;
	[sflag:s29] =	ssyncadd.s32 $0xFFFFC000  }
0x244: {  	[spmem:s2] =	stream.indirect.scatter.add.f32 [tilespmem:s26], [sflag:$0x4], $0x80, s20, s25, $0xb8;
	[tilespmem:$0x1E000] =	vst v63  }
0x245: {  	_ =	swait.ge [sflag:s31], $0x4000  }
0x246: {  	[sflag:s31] =	ssyncset.done $0x0  }
0x247: {  	s18 =	simm.s32 $0x1600;
	[sflag:s31] =	ssyncadd.s32 $0xFFFFC000  }
0x248: {  	[tilespmem:s22], [sflag:$0x1] =	stream.indirect.gather [hbm4b:s4+s25], $0x80, s18, s25, $0xb8;
	[tilespmem:$0x1E000] =	vst v63  }
0x249: {  	_ =	swait.ge [sflag:s1], $0x4000  }
0x24a: {  	[sflag:s1] =	ssyncset.done $0x0  }
0x24b: {  	s19 =	simm.s32 $0x1680;
	[sflag:s1] =	ssyncadd.s32 $0xFFFFC000  }
0x24c: {  	[tilespmem:s26], [sflag:$0x2] =	stream.indirect.gather [hbm4b:s4+s25], $0x80, s19, s25, $0xb8;
	[tilespmem:$0x1E000] =	vst v63  }
0x24d: {  	_ =	swait.ge [sflag:s28], $0x4000  }
0x24e: {  	[sflag:s28] =	ssyncset.done $0x0  }
0x24f: {  	s20 =	simm.s32 $0x1E00;
	[sflag:s28] =	ssyncadd.s32 $0xFFFFC000  }
0x250: {  	[spmem:s2] =	stream.indirect.scatter.add.f32 [tilespmem:s22], [sflag:$0x3], $0x80, s20, s25, $0xb8;
	[tilespmem:$0x1E000] =	vst v63  }
0x251: {  	_ =	swait.ge [sflag:s29], $0x4000  }
0x252: {  	[sflag:s29] =	ssyncset.done $0x0  }
0x253: {  	s18 =	simm.s32 $0x1E80;
	[sflag:s29] =	ssyncadd.s32 $0xFFFFC000  }
0x254: {  	[spmem:s2] =	stream.indirect.scatter.add.f32 [tilespmem:s26], [sflag:$0x4], $0x80, s18, s25, $0xb8;
	[tilespmem:$0x1E000] =	vst v63  }
0x255: {  	_ =	swait.ge [sflag:s31], $0x4000  }
0x256: {  	[sflag:s31] =	ssyncset.done $0x0  }
0x257: {  	s19 =	simm.s32 $0x1700;
	[sflag:s31] =	ssyncadd.s32 $0xFFFFC000  }
0x258: {  	[tilespmem:s22], [sflag:$0x1] =	stream.indirect.gather [hbm4b:s4+s25], $0x80, s19, s25, $0xb8;
	[tilespmem:$0x1E000] =	vst v63  }
0x259: {  	_ =	swait.ge [sflag:s1], $0x4000  }
0x25a: {  	[sflag:s1] =	ssyncset.done $0x0  }
0x25b: {  	s20 =	simm.s32 $0x1780;
	[sflag:s1] =	ssyncadd.s32 $0xFFFFC000  }
0x25c: {  	[tilespmem:s26], [sflag:$0x2] =	stream.indirect.gather [hbm4b:s4+s25], $0x80, s20, s25, $0xb8;
	[tilespmem:$0x1E000] =	vst v63  }
0x25d: {  	_ =	swait.ge [sflag:s28], $0x4000  }
0x25e: {  	[sflag:s28] =	ssyncset.done $0x0  }
0x25f: {  	s18 =	simm.s32 $0x1F00;
	[sflag:s28] =	ssyncadd.s32 $0xFFFFC000  }
0x260: {  	[spmem:s2] =	stream.indirect.scatter.add.f32 [tilespmem:s22], [sflag:$0x3], $0x80, s18, s25, $0xb8;
	[tilespmem:$0x1E000] =	vst v63  }
0x261: {  	_ =	swait.ge [sflag:s29], $0x4000  }
0x262: {  	[sflag:s29] =	ssyncset.done $0x0  }
0x263: {  	s19 =	simm.s32 $0x1F80;
	[sflag:s29] =	ssyncadd.s32 $0xFFFFC000  }
0x264: {  	[spmem:s2] =	stream.indirect.scatter.add.f32 [tilespmem:s26], [sflag:$0x4], $0x80, s19, s25, $0xb8;
	[tilespmem:$0x1E000] =	vst v63  }
0x265: {  	_ =	swait.ge [sflag:s31], $0x4000  }
0x266: {  	[sflag:s31] =	ssyncset.done $0x0  }
0x267: {  	[sflag:s31] =	ssyncadd.s32 $0xFFFFC000  }
0x268: {  	_ =	swait.ge [sflag:s1], $0x4000  }
0x269: {  	[sflag:s1] =	ssyncset.done $0x0  }
0x26a: {  	s20 =	rddreg [dreg:$0x10];
	[sflag:s1] =	ssyncadd.s32 $0xFFFFC000  }
0x26b: {  	[tilespmem:s3], [sflag:$0x5] =	stream.linear.gather [hbm4b:s20+s3], $0x800, $0x38;
	[tilespmem:$0x1E000] =	vst v63  }
0x26c: {  	_ =	swait.ge [sflag:s23], $0x800  }
0x26d: {  	[sflag:s23] =	ssyncset.done $0x0  }
0x26e: {  	s0 =	rddreg [dreg:$0x11];
	[sflag:s23] =	ssyncadd.s32 $0xFFFFF800  }
0x26f: {  	[tilespmem:s5], [sflag:$0x5] =	stream.linear.gather [hbm4b:s0+s3], $0x800, $0x38;
	[tilespmem:$0x1E000] =	vst v63  }
0x270: {  	_ =	swait.ge [sflag:s23], $0x800  }
0x271: {  	[sflag:s23] =	ssyncset.done $0x0  }
0x272: {  	[sflag:s23] =	ssyncadd.s32 $0xFFFFF800  }
0x273: {  	[tilespmem:s22], [sflag:$0x1] =	stream.indirect.gather [hbm4b:s4+s25], $0x80, s3, s25, $0xb8;
	[tilespmem:$0x1E000] =	vst v63  }
0x274: {  	_ = 	snop  }
0x275: {  	[tilespmem:s26], [sflag:$0x2] =	stream.indirect.gather [hbm4b:s4+s25], $0x80, s25, s25, $0xb8;
	[tilespmem:$0x1E000] =	vst v63  }
0x276: {  	_ =	swait.ge [sflag:s28], $0x4000  }
0x277: {  	[sflag:s28] =	ssyncset.done $0x0  }
0x278: {  	[sflag:s28] =	ssyncadd.s32 $0xFFFFC000  }
0x279: {  	[spmem:s2] =	stream.indirect.scatter.add.f32 [tilespmem:s22], [sflag:$0x3], $0x80, s5, s25, $0xb8;
	[tilespmem:$0x1E000] =	vst v63  }
0x27a: {  	_ =	swait.ge [sflag:s29], $0x4000  }
0x27b: {  	[sflag:s29] =	ssyncset.done $0x0  }
0x27c: {  	s19 =	simm.s32 $0x880;
	[sflag:s29] =	ssyncadd.s32 $0xFFFFC000  }
0x27d: {  	[spmem:s2] =	stream.indirect.scatter.add.f32 [tilespmem:s26], [sflag:$0x4], $0x80, s19, s25, $0xb8;
	[tilespmem:$0x1E000] =	vst v63  }
0x27e: {  	_ =	swait.ge [sflag:s31], $0x4000  }
0x27f: {  	[sflag:s31] =	ssyncset.done $0x0  }
0x280: {  	s20 =	simm.s32 $0x100;
	[sflag:s31] =	ssyncadd.s32 $0xFFFFC000  }
0x281: {  	[tilespmem:s22], [sflag:$0x1] =	stream.indirect.gather [hbm4b:s4+s25], $0x80, s20, s25, $0xb8;
	[tilespmem:$0x1E000] =	vst v63  }
0x282: {  	_ =	swait.ge [sflag:s1], $0x4000  }
0x283: {  	[sflag:s1] =	ssyncset.done $0x0  }
0x284: {  	s18 =	simm.s32 $0x180;
	[sflag:s1] =	ssyncadd.s32 $0xFFFFC000  }
0x285: {  	[tilespmem:s26], [sflag:$0x2] =	stream.indirect.gather [hbm4b:s4+s25], $0x80, s18, s25, $0xb8;
	[tilespmem:$0x1E000] =	vst v63  }
0x286: {  	_ =	swait.ge [sflag:s28], $0x4000  }
0x287: {  	[sflag:s28] =	ssyncset.done $0x0  }
0x288: {  	s19 =	simm.s32 $0x900;
	[sflag:s28] =	ssyncadd.s32 $0xFFFFC000  }
0x289: {  	[spmem:s2] =	stream.indirect.scatter.add.f32 [tilespmem:s22], [sflag:$0x3], $0x80, s19, s25, $0xb8;
	[tilespmem:$0x1E000] =	vst v63  }
0x28a: {  	_ =	swait.ge [sflag:s29], $0x4000  }
0x28b: {  	[sflag:s29] =	ssyncset.done $0x0  }
0x28c: {  	s20 =	simm.s32 $0x980;
	[sflag:s29] =	ssyncadd.s32 $0xFFFFC000  }
0x28d: {  	[spmem:s2] =	stream.indirect.scatter.add.f32 [tilespmem:s26], [sflag:$0x4], $0x80, s20, s25, $0xb8;
	[tilespmem:$0x1E000] =	vst v63  }
0x28e: {  	_ =	swait.ge [sflag:s31], $0x4000  }
0x28f: {  	[sflag:s31] =	ssyncset.done $0x0  }
0x290: {  	s18 =	simm.s32 $0x200;
	[sflag:s31] =	ssyncadd.s32 $0xFFFFC000  }
0x291: {  	[tilespmem:s22], [sflag:$0x1] =	stream.indirect.gather [hbm4b:s4+s25], $0x80, s18, s25, $0xb8;
	[tilespmem:$0x1E000] =	vst v63  }
0x292: {  	_ =	swait.ge [sflag:s1], $0x4000  }
0x293: {  	[sflag:s1] =	ssyncset.done $0x0  }
0x294: {  	s19 =	simm.s32 $0x280;
	[sflag:s1] =	ssyncadd.s32 $0xFFFFC000  }
0x295: {  	[tilespmem:s26], [sflag:$0x2] =	stream.indirect.gather [hbm4b:s4+s25], $0x80, s19, s25, $0xb8;
	[tilespmem:$0x1E000] =	vst v63  }
0x296: {  	_ =	swait.ge [sflag:s28], $0x4000  }
0x297: {  	[sflag:s28] =	ssyncset.done $0x0  }
0x298: {  	s20 =	simm.s32 $0xA00;
	[sflag:s28] =	ssyncadd.s32 $0xFFFFC000  }
0x299: {  	[spmem:s2] =	stream.indirect.scatter.add.f32 [tilespmem:s22], [sflag:$0x3], $0x80, s20, s25, $0xb8;
	[tilespmem:$0x1E000] =	vst v63  }
0x29a: {  	_ =	swait.ge [sflag:s29], $0x4000  }
0x29b: {  	[sflag:s29] =	ssyncset.done $0x0  }
0x29c: {  	s18 =	simm.s32 $0xA80;
	[sflag:s29] =	ssyncadd.s32 $0xFFFFC000  }
0x29d: {  	[spmem:s2] =	stream.indirect.scatter.add.f32 [tilespmem:s26], [sflag:$0x4], $0x80, s18, s25, $0xb8;
	[tilespmem:$0x1E000] =	vst v63  }
0x29e: {  	_ =	swait.ge [sflag:s31], $0x4000  }
0x29f: {  	[sflag:s31] =	ssyncset.done $0x0  }
0x2a0: {  	s19 =	simm.s32 $0x300;
	[sflag:s31] =	ssyncadd.s32 $0xFFFFC000  }
0x2a1: {  	[tilespmem:s22], [sflag:$0x1] =	stream.indirect.gather [hbm4b:s4+s25], $0x80, s19, s25, $0xb8;
	[tilespmem:$0x1E000] =	vst v63  }
0x2a2: {  	_ =	swait.ge [sflag:s1], $0x4000  }
0x2a3: {  	[sflag:s1] =	ssyncset.done $0x0  }
0x2a4: {  	s20 =	simm.s32 $0x380;
	[sflag:s1] =	ssyncadd.s32 $0xFFFFC000  }
0x2a5: {  	[tilespmem:s26], [sflag:$0x2] =	stream.indirect.gather [hbm4b:s4+s25], $0x80, s20, s25, $0xb8;
	[tilespmem:$0x1E000] =	vst v63  }
0x2a6: {  	_ =	swait.ge [sflag:s28], $0x4000  }
0x2a7: {  	[sflag:s28] =	ssyncset.done $0x0  }
0x2a8: {  	s18 =	simm.s32 $0xB00;
	[sflag:s28] =	ssyncadd.s32 $0xFFFFC000  }
0x2a9: {  	[spmem:s2] =	stream.indirect.scatter.add.f32 [tilespmem:s22], [sflag:$0x3], $0x80, s18, s25, $0xb8;
	[tilespmem:$0x1E000] =	vst v63  }
0x2aa: {  	_ =	swait.ge [sflag:s29], $0x4000  }
0x2ab: {  	[sflag:s29] =	ssyncset.done $0x0  }
0x2ac: {  	s19 =	simm.s32 $0xB80;
	[sflag:s29] =	ssyncadd.s32 $0xFFFFC000  }
0x2ad: {  	[spmem:s2] =	stream.indirect.scatter.add.f32 [tilespmem:s26], [sflag:$0x4], $0x80, s19, s25, $0xb8;
	[tilespmem:$0x1E000] =	vst v63  }
0x2ae: {  	_ =	swait.ge [sflag:s31], $0x4000  }
0x2af: {  	[sflag:s31] =	ssyncset.done $0x0  }
0x2b0: {  	s20 =	simm.s32 $0x400;
	[sflag:s31] =	ssyncadd.s32 $0xFFFFC000  }
0x2b1: {  	[tilespmem:s22], [sflag:$0x1] =	stream.indirect.gather [hbm4b:s4+s25], $0x80, s20, s25, $0xb8;
	[tilespmem:$0x1E000] =	vst v63  }
0x2b2: {  	_ =	swait.ge [sflag:s1], $0x4000  }
0x2b3: {  	[sflag:s1] =	ssyncset.done $0x0  }
0x2b4: {  	s18 =	simm.s32 $0x480;
	[sflag:s1] =	ssyncadd.s32 $0xFFFFC000  }
0x2b5: {  	[tilespmem:s26], [sflag:$0x2] =	stream.indirect.gather [hbm4b:s4+s25], $0x80, s18, s25, $0xb8;
	[tilespmem:$0x1E000] =	vst v63  }
0x2b6: {  	_ =	swait.ge [sflag:s28], $0x4000  }
0x2b7: {  	[sflag:s28] =	ssyncset.done $0x0  }
0x2b8: {  	s19 =	simm.s32 $0xC00;
	[sflag:s28] =	ssyncadd.s32 $0xFFFFC000  }
0x2b9: {  	[spmem:s2] =	stream.indirect.scatter.add.f32 [tilespmem:s22], [sflag:$0x3], $0x80, s19, s25, $0xb8;
	[tilespmem:$0x1E000] =	vst v63  }
0x2ba: {  	_ =	swait.ge [sflag:s29], $0x4000  }
0x2bb: {  	[sflag:s29] =	ssyncset.done $0x0  }
0x2bc: {  	s20 =	simm.s32 $0xC80;
	[sflag:s29] =	ssyncadd.s32 $0xFFFFC000  }
0x2bd: {  	[spmem:s2] =	stream.indirect.scatter.add.f32 [tilespmem:s26], [sflag:$0x4], $0x80, s20, s25, $0xb8;
	[tilespmem:$0x1E000] =	vst v63  }
0x2be: {  	_ =	swait.ge [sflag:s31], $0x4000  }
0x2bf: {  	[sflag:s31] =	ssyncset.done $0x0  }
0x2c0: {  	s18 =	simm.s32 $0x500;
	[sflag:s31] =	ssyncadd.s32 $0xFFFFC000  }
0x2c1: {  	[tilespmem:s22], [sflag:$0x1] =	stream.indirect.gather [hbm4b:s4+s25], $0x80, s18, s25, $0xb8;
	[tilespmem:$0x1E000] =	vst v63  }
0x2c2: {  	_ =	swait.ge [sflag:s1], $0x4000  }
0x2c3: {  	[sflag:s1] =	ssyncset.done $0x0  }
0x2c4: {  	s19 =	simm.s32 $0x580;
	[sflag:s1] =	ssyncadd.s32 $0xFFFFC000  }
0x2c5: {  	[tilespmem:s26], [sflag:$0x2] =	stream.indirect.gather [hbm4b:s4+s25], $0x80, s19, s25, $0xb8;
	[tilespmem:$0x1E000] =	vst v63  }
0x2c6: {  	_ =	swait.ge [sflag:s28], $0x4000  }
0x2c7: {  	[sflag:s28] =	ssyncset.done $0x0  }
0x2c8: {  	s20 =	simm.s32 $0xD00;
	[sflag:s28] =	ssyncadd.s32 $0xFFFFC000  }
0x2c9: {  	[spmem:s2] =	stream.indirect.scatter.add.f32 [tilespmem:s22], [sflag:$0x3], $0x80, s20, s25, $0xb8;
	[tilespmem:$0x1E000] =	vst v63  }
0x2ca: {  	_ =	swait.ge [sflag:s29], $0x4000  }
0x2cb: {  	[sflag:s29] =	ssyncset.done $0x0  }
0x2cc: {  	s18 =	simm.s32 $0xD80;
	[sflag:s29] =	ssyncadd.s32 $0xFFFFC000  }
0x2cd: {  	[spmem:s2] =	stream.indirect.scatter.add.f32 [tilespmem:s26], [sflag:$0x4], $0x80, s18, s25, $0xb8;
	[tilespmem:$0x1E000] =	vst v63  }
0x2ce: {  	_ =	swait.ge [sflag:s31], $0x4000  }
0x2cf: {  	[sflag:s31] =	ssyncset.done $0x0  }
0x2d0: {  	s19 =	simm.s32 $0x600;
	[sflag:s31] =	ssyncadd.s32 $0xFFFFC000  }
0x2d1: {  	[tilespmem:s22], [sflag:$0x1] =	stream.indirect.gather [hbm4b:s4+s25], $0x80, s19, s25, $0xb8;
	[tilespmem:$0x1E000] =	vst v63  }
0x2d2: {  	_ =	swait.ge [sflag:s1], $0x4000  }
0x2d3: {  	[sflag:s1] =	ssyncset.done $0x0  }
0x2d4: {  	s20 =	simm.s32 $0x680;
	[sflag:s1] =	ssyncadd.s32 $0xFFFFC000  }
0x2d5: {  	[tilespmem:s26], [sflag:$0x2] =	stream.indirect.gather [hbm4b:s4+s25], $0x80, s20, s25, $0xb8;
	[tilespmem:$0x1E000] =	vst v63  }
0x2d6: {  	_ =	swait.ge [sflag:s28], $0x4000  }
0x2d7: {  	[sflag:s28] =	ssyncset.done $0x0  }
0x2d8: {  	s18 =	simm.s32 $0xE00;
	[sflag:s28] =	ssyncadd.s32 $0xFFFFC000  }
0x2d9: {  	[spmem:s2] =	stream.indirect.scatter.add.f32 [tilespmem:s22], [sflag:$0x3], $0x80, s18, s25, $0xb8;
	[tilespmem:$0x1E000] =	vst v63  }
0x2da: {  	_ =	swait.ge [sflag:s29], $0x4000  }
0x2db: {  	[sflag:s29] =	ssyncset.done $0x0  }
0x2dc: {  	s19 =	simm.s32 $0xE80;
	[sflag:s29] =	ssyncadd.s32 $0xFFFFC000  }
0x2dd: {  	[spmem:s2] =	stream.indirect.scatter.add.f32 [tilespmem:s26], [sflag:$0x4], $0x80, s19, s25, $0xb8;
	[tilespmem:$0x1E000] =	vst v63  }
0x2de: {  	_ =	swait.ge [sflag:s31], $0x4000  }
0x2df: {  	[sflag:s31] =	ssyncset.done $0x0  }
0x2e0: {  	s20 =	simm.s32 $0x700;
	[sflag:s31] =	ssyncadd.s32 $0xFFFFC000  }
0x2e1: {  	[tilespmem:s22], [sflag:$0x1] =	stream.indirect.gather [hbm4b:s4+s25], $0x80, s20, s25, $0xb8;
	[tilespmem:$0x1E000] =	vst v63  }
0x2e2: {  	_ =	swait.ge [sflag:s1], $0x4000  }
0x2e3: {  	[sflag:s1] =	ssyncset.done $0x0  }
0x2e4: {  	s18 =	simm.s32 $0x780;
	[sflag:s1] =	ssyncadd.s32 $0xFFFFC000  }
0x2e5: {  	[tilespmem:s26], [sflag:$0x2] =	stream.indirect.gather [hbm4b:s4+s25], $0x80, s18, s25, $0xb8;
	[tilespmem:$0x1E000] =	vst v63  }
0x2e6: {  	_ =	swait.ge [sflag:s28], $0x4000  }
0x2e7: {  	[sflag:s28] =	ssyncset.done $0x0  }
0x2e8: {  	s19 =	simm.s32 $0xF00;
	[sflag:s28] =	ssyncadd.s32 $0xFFFFC000  }
0x2e9: {  	[spmem:s2] =	stream.indirect.scatter.add.f32 [tilespmem:s22], [sflag:$0x3], $0x80, s19, s25, $0xb8;
	[tilespmem:$0x1E000] =	vst v63  }
0x2ea: {  	_ =	swait.ge [sflag:s29], $0x4000  }
0x2eb: {  	[sflag:s29] =	ssyncset.done $0x0  }
0x2ec: {  	s20 =	simm.s32 $0xF80;
	[sflag:s29] =	ssyncadd.s32 $0xFFFFC000  }
0x2ed: {  	[spmem:s2] =	stream.indirect.scatter.add.f32 [tilespmem:s26], [sflag:$0x4], $0x80, s20, s25, $0xb8;
	[tilespmem:$0x1E000] =	vst v63  }
0x2ee: {  	_ =	swait.ge [sflag:s31], $0x4000  }
0x2ef: {  	[sflag:s31] =	ssyncset.done $0x0  }
0x2f0: {  	[sflag:s31] =	ssyncadd.s32 $0xFFFFC000  }
0x2f1: {  	_ =	swait.ge [sflag:s1], $0x4000  }
0x2f2: {  	[sflag:s1] =	ssyncset.done $0x0  }
0x2f3: {  	[sflag:s1] =	ssyncadd.s32 $0xFFFFC000  }
0x2f4: {  	s0 =	stileid.u32;
	[bflag:$0x0] =	sbarrier.arrive $0xFFFF  }
0x2f5: {  	s18 =	sshll.u32 s0, $0x6;
	s19 =	rddreg [dreg:$0x14]  }
0x2f6: {  	s18 =	sor.u32 $0x1C05, s18;
	s0 =	rddreg [dreg:$0x12];
	s20 =	sshrl.u32 s19, $0x3  }
0x2f7: {  	[hbm:s0], [sflag:s18] =	dma.local [spmem:s20], $0x2800  }
0x2f8: {  	_ =	swait.ge [sflag:s23], $0x2800  }
0x2f9: {  	s17 =	sadd.s32 $0x1, s17;
	s20 =	rddreg [dreg:$0x13]  }
0x2fa: {  	p0 =	sne.s32 s17, s20  }
.Ltmp1:
0x2fb: {  	_ = 	snop;
	(pc) =	sbr.rel @p0 .LBB2_1-.Ltmp1, $3  }
0x2fc: {  	_ =	sdelay $0x1  }
0x2fd: {  	[sflag:s23] =	ssyncset.done $0x0  }
0x2fe: {  	[sflag:s23] =	ssyncadd.s32 $0xFFFFD800  }
0x2ff: {  	_ =	sfence.sel $0x180000  }
0x300: {  	[bflag:$0x0] =	sbarrier.arrive $0xFFFF  }
0x301: {  	_ =	strace $0x9000004A  }
0x302: {  	s0 =	stileid.u32;
	[bflag:$0x2] =	sbarrier.arrive $0xFFFF  }
0x303: {  	p0 =	sne.s32 s0, $0x0;
	s0 =	rddreg [dreg:$0x3]  }
0x304: {  	s0 =	sadd.s32 @!p0 $0x100000, s0  }
0x305: {  	[sflag:s0] =	ssyncadd.tile.s32 @!p0 $0x1;
	_ =	shalt  }
.Lfunc_end2:
_tile_overlayer_lowered:
.L_overlay_start_2:
0x306: {  	(tag) =	ssettag $0x2  }
0x307: {  	s0 =	rddreg [dreg:$0x0];
	s2 =	stileid.u32  }
0x308: {  	s1 =	rddreg [dreg:$0x1];
	p0 =	sne.s32 s2, $0x0  }
0x309: {  	s3 =	rddreg [dreg:$0x2];
	[bflag:$0x3] =	sbarrier.arrive $0xFFFF;
	s2 =	simm.s32 @!p0 $0x1C05  }
0x30a: {  	[timem:s3], [sflag:s2] =	dma.local @!p0 [hbm:s0], s1  }
0x30b: {  	s0 =	simm.s32 @!p0 $0x5  }
0x30c: {  	_ =	swait.ge @!p0 [sflag:s0], s1  }
0x30d: {  	s1 =	ssub.s32 @!p0 $0x0, s1;
	[sflag:s0] =	ssyncset.done @!p0 $0x0  }
0x30e: {  	[sflag:s0] =	ssyncadd.s32 @!p0 s1  }
0x30f: {  	[bflag:$0x3] =	sbarrier.arrive $0xFFFF  }
0x310: {  	_ =	shalt  }

// kernel: kernel.14.cloned.1.call-start
scs
__scs_entry_jumppad:
0x0: {  	(pc) =	sbr.rel $0x88, $3  }
0x1: {  	(tag) =	ssettag $0x0;
	lr =	simm.s32 $0x1  }
0x2: {  	[smem:$0x3F9B] =	sst lr;
	_ =	strace $0xD0000000  }
0x3: {  	_ = 	snop  }
0x4: {  	_ = 	snop  }
0x5: {  	_ = 	snop  }
0x6: {  	_ = 	snop  }
0x7: {  	_ = 	snop  }
__scs_overlays_trampoline_lowered:
0x8: {  	[smem:$0x3FAA] =	sst s0  }
0x9: {  	[smem:$0x3FAB] =	sst s1  }
0xa: {  	[smem:$0x3FAC] =	sst s2  }
0xb: {  	[smem:$0x3FAD] =	sst s3  }
0xc: {  	[smem:$0x3FAE] =	sst s4  }
0xd: {  	[smem:$0x3FAF] =	sst s5  }
0xe: {  	[smem:$0x3FB0] =	sst s6  }
0xf: {  	[smem:$0x3FB1] =	sst s7  }
0x10: {  	[smem:$0x3FB2] =	sst s8  }
0x11: {  	[smem:$0x3FB3] =	sst s9;
	s0 =	simm.s32 @!p0 $0x0  }
0x12: {  	s1 =	sld [smem:$0x3F99];
	s0 =	simm.s32 @p0 $0x1  }
0x13: {  	[smem:$0x3FB4] =	sst s0;
	s0 =	simm.s32 @!p1 $0x0  }
0x14: {  	s2 =	sld [smem:$0x3F98];
	s0 =	simm.s32 @p1 $0x1  }
0x15: {  	[smem:$0x3FB5] =	sst s0;
	s0 =	simm.s32 @!p2 $0x0  }
0x16: {  	s3 =	sld [smem:$0x3FDB];
	s0 =	simm.s32 @p2 $0x1  }
0x17: {  	s4 =	simm.s32 $0x1BF5;
	[smem:$0x3FB7] =	sst s0  }
0x18: {  	s0 =	sld [smem:$0x3F9A];
	_ =	swait.ge [sflag:s4], $0x0  }
0x19: {  	s7 =	sld [smem:$0x3F9B]  }
0x1a: {  	s8 =	sadd.s32 $0xFFFFE003, lr  }
0x1b: {  	s9 =	sadd.s32 $0xFFFFFEF7, lr;
	s5 =	simm.s32 $0xFFFFFFFF;
	p2 =	slt.u32 s8, $0xFFFFF086  }
0x1c: {  	p1 =	slt.u32 s9, $0xF7A;
	s5 =	simm.s32 @!p2 $0x0  }
0x1d: {  	s5 =	simm.s32 @p1 $0x1;
	p0 =	seq.s32 s7, s2  }
0x1e: {  	s7 =	smul.u32 @!p0 $0xF7A, s2;
	p2 =	seq.s32 @!p0 s5, $0x0  }
0x1f: {  	s9 =	smul.u32 $0xF7A, s1;
	s8 =	simm.s32 @!p0 $0x1BF5;
	p2 =	por !p2, p0  }
0x20: {  	[sflag:s8] =	ssyncset.s32 @!p0 $0xFFFFF086;
	s6 =	sadd.s32 @!p0 s3, s7;
	s7 =	simm.s32 @!p0 $0x108  }
0x21: {  	s3 =	sadd.s32 s3, s9;
	s6 =	sadd.s32 @!p0 $0x88, s6;
	s7 =	simm.s32 @p2 $0x1082  }
0x22: {  	[simem:s7], [sflag:s8] =	dma.local @!p0 [hbm:s6], $0xF7A  }
0x23: {  	s9 =	sor.u32 $0xD0000000, s2;
	s6 =	simm.s32 $0x108;
	_ =	swait.ge @!p0 [sflag:s8], $0x0  }
0x24: {  	s3 =	sadd.s32 $0x88, s3;
	s6 =	simm.s32 @!p1 $0x1082;
	[sflag:s4] =	ssyncset.s32 $0xFFFFF086  }
0x25: {  	[simem:s6], [sflag:s4] =	dma.local [hbm:s3], $0xF7A  }
0x26: {  	[smem:$0x3F9B] =	sst s1;
	(tag) =	ssettag s2;
	_ =	strace s9  }
0x27: {  	s1 =	sld [smem:$0x3FAB]  }
0x28: {  	s2 =	sld [smem:$0x3FAC]  }
0x29: {  	s4 =	sld [smem:$0x3FAE]  }
0x2a: {  	p0 =	seq.s32 s5, $0x0;
	s5 =	sld [smem:$0x3FAF]  }
0x2b: {  	s6 =	sld [smem:$0x3FB0]  }
0x2c: {  	s7 =	sld [smem:$0x3FB1]  }
0x2d: {  	s3 =	simm.s32 $0x108;
	s8 =	sld [smem:$0x3FB2]  }
0x2e: {  	s3 =	simm.s32 @!p0 $0x1082;
	s9 =	sld [smem:$0x3FB3]  }
0x2f: {  	lr =	sadd.s32 s0, s3;
	s0 =	sld [smem:$0x3FAA]  }
0x30: {  	s3 =	sld [smem:$0x3FAD]  }
0x31: {  	[smem:$0x3FB6] =	sst s10  }
0x32: {  	s10 =	sld [smem:$0x3FB4];
	_ =	sdelay $0x3  }
0x33: {  	p0 =	seq.s32 s10, $0x1;
	s10 =	sld [smem:$0x3FB6];
	_ =	sdelay $0x3  }
0x34: {  	[smem:$0x3FB6] =	sst s10  }
0x35: {  	s10 =	sld [smem:$0x3FB5];
	_ =	sdelay $0x3  }
0x36: {  	p1 =	seq.s32 s10, $0x1;
	s10 =	sld [smem:$0x3FB6];
	_ =	sdelay $0x3  }
0x37: {  	[smem:$0x3FB6] =	sst s10  }
0x38: {  	s10 =	sld [smem:$0x3FB7]  }
0x39: {  	_ = 	snop;
	(pc) =	sbr.ind lr, $3  }
0x3a: {  	_ = 	snop  }
0x3b: {  	_ = 	snop  }
0x3c: {  	p2 =	seq.s32 s10, $0x1;
	s10 =	sld [smem:$0x3FB6]  }
0x3d: {  	_ =	shalt  }
0x3e: {  	_ =	shalt  }
0x3f: {  	_ =	shalt  }
0x40: {  	_ =	shalt  }
0x41: {  	_ =	shalt  }
0x42: {  	_ =	shalt  }
0x43: {  	_ =	shalt  }
0x44: {  	_ =	shalt  }
0x45: {  	_ =	shalt  }
0x46: {  	_ =	shalt  }
0x47: {  	_ =	shalt  }
0x48: {  	_ =	shalt  }
0x49: {  	_ =	shalt  }
0x4a: {  	_ =	shalt  }
0x4b: {  	_ =	shalt  }
0x4c: {  	_ =	shalt  }
0x4d: {  	_ =	shalt  }
0x4e: {  	_ =	shalt  }
0x4f: {  	_ =	shalt  }
0x50: {  	_ =	shalt  }
0x51: {  	_ =	shalt  }
0x52: {  	_ =	shalt  }
0x53: {  	_ =	shalt  }
0x54: {  	_ =	shalt  }
0x55: {  	_ =	shalt  }
0x56: {  	_ =	shalt  }
0x57: {  	_ =	shalt  }
0x58: {  	_ =	shalt  }
0x59: {  	_ =	shalt  }
0x5a: {  	_ =	shalt  }
0x5b: {  	_ =	shalt  }
0x5c: {  	_ =	shalt  }
0x5d: {  	_ =	shalt  }
0x5e: {  	_ =	shalt  }
0x5f: {  	_ =	shalt  }
0x60: {  	_ =	shalt  }
0x61: {  	_ =	shalt  }
0x62: {  	_ =	shalt  }
0x63: {  	_ =	shalt  }
0x64: {  	_ =	shalt  }
0x65: {  	_ =	shalt  }
0x66: {  	_ =	shalt  }
0x67: {  	_ =	shalt  }
0x68: {  	_ =	shalt  }
0x69: {  	_ =	shalt  }
0x6a: {  	_ =	shalt  }
0x6b: {  	_ =	shalt  }
0x6c: {  	_ =	shalt  }
0x6d: {  	_ =	shalt  }
0x6e: {  	_ =	shalt  }
0x6f: {  	_ =	shalt  }
0x70: {  	_ =	shalt  }
0x71: {  	_ =	shalt  }
0x72: {  	_ =	shalt  }
0x73: {  	_ =	shalt  }
0x74: {  	_ =	shalt  }
0x75: {  	_ =	shalt  }
0x76: {  	_ =	shalt  }
0x77: {  	_ =	shalt  }
0x78: {  	_ =	shalt  }
0x79: {  	_ =	shalt  }
0x7a: {  	_ =	shalt  }
0x7b: {  	_ =	shalt  }
0x7c: {  	_ =	shalt  }
0x7d: {  	_ =	shalt  }
0x7e: {  	_ =	shalt  }
0x7f: {  	_ =	shalt  }
0x80: {  	_ =	shalt  }
0x81: {  	_ =	shalt  }
0x82: {  	_ =	shalt  }
0x83: {  	_ =	shalt  }
0x84: {  	_ =	shalt  }
0x85: {  	_ =	shalt  }
0x86: {  	_ =	shalt  }
0x87: {  	_ =	shalt  }
.Lfunc_end0:
.L_simem_size_0:
called_computation.2_lowered:
.L_overlay_start_0:
0x88: {  	s2 =	sld [smem:$0x3FD9]  }
0x89: {  	s3 =	sld [smem:$0x3FFE];
	_ =	sdelay $0x1  }
0x8a: {  	s1 =	srdreg.scid  }
0x8b: {  	s0 =	sand.u32 $0x1, s1  }
0x8c: {  	s17 =	sshll.u32 s0, $0xA;
	s2 =	sadd.s32 s3, s2  }
0x8d: {  	s2 =	sadd.s32 s2, s17  }
0x8e: {  	[smem:$0x3FC2] =	sst s2  }
0x8f: {  	_ = 	snop  }
0x90: {  	s2 =	sld [smem:$0x3FD0];
	(tm) =	ssettm $0x1  }
0x91: {  	s18 =	sld [smem:$0x3FFB];
	_ =	sdelay $0x3  }
0x92: {  	_ =	strace s18  }
0x93: {  	s3 =	sld [smem:$0x3FFC];
	_ =	sdelay $0x3  }
0x94: {  	_ =	strace s3  }
0x95: {  	s3 =	sld [smem:$0x3FFD];
	_ =	sdelay $0x3  }
0x96: {  	_ =	strace s3  }
0x97: {  	_ =	strace $0x8FFFFFFF  }
0x98: {  	s19 =	sld [smem:$0x3FDB];
	_ =	sdelay $0x1  }
0x99: {  	s4 =	simm.s32 $_scs_section_size  }
0x9a: {  	s5 =	simm.s32 $_size__tile_overlayer_lowered;
	s6 =	simm.s32 $_tile_overlayer_lowered  }
0x9b: {  	s22 =	simm.s32 $0x1BFF;
	s21 =	sshll.u32 s6, $0x1;
	s3 =	sadd.s32 s4, s19  }
0x9c: {  	s7 =	simm.s32 $0x0;
	s20 =	sshll.u32 s5, $0x1;
	s5 =	sadd.s32 s21, s3  }
0x9d: {  	[timem:s7], [sflag:s22] =	dma.local [hbm:s5], s20  }
0x9e: {  	_ =	swait.ge [sflag:s22], s20  }
0x9f: {  	s4 =	ssub.s32 $0x0, s20;
	[sflag:s22] =	ssyncset.done $0x0  }
0xa0: {  	[sflag:s22] =	ssyncadd.s32 s4;
	_ =	sdelay $0x1  }
0xa1: {  	s23 =	simm.s32 $0x1B8B  }
0xa2: {  	_ =	swait.ge [sflag:s23], $0x1  }
0xa3: {  	[sflag:s23] =	ssyncset.done $0x0  }
0xa4: {  	s25 =	simm.s32 $0x1B8E;
	s24 =	sld [smem:$0x3FFE];
	[sflag:s23] =	ssyncadd.s32 $0xFFFFFFFF  }
0xa5: {  	s26 =	simm.s32 $execute0_lowered;
	[smem:$0x3FD2] =	sst s25  }
0xa6: {  	s5 =	sshll.u32 s26, $0x1;
	_ =	strace $0x8000004C;
	[dreg:$0x1] =	wrdreg $0xFFFFFFFF  }
0xa7: {  	s28 =	simm.s32 $_size_execute0_lowered;
	s3 =	sadd.s32 s3, s5;
	[dreg:$0x0] =	wrdreg $0x0  }
0xa8: {  	s5 =	sshll.u32 s28, $0x1;
	[dreg:$0x2] =	wrdreg s3  }
0xa9: {  	[dreg:$0x3] =	wrdreg s5  }
0xaa: {  	[dreg:$0x4] =	wrdreg $0xC0  }
0xab: {  	_ =	task [dreg:s7], $0x5FFFF  }
0xac: {  	[dreg:$0x1] =	wrdreg $0xFFFFFFFF  }
0xad: {  	[dreg:$0x0] =	wrdreg $0x60  }
0xae: {  	[dreg:$0x2] =	wrdreg s24  }
0xaf: {  	[dreg:$0x3] =	wrdreg s2  }
0xb0: {  	[dreg:$0x4] =	wrdreg $0xA0000  }
0xb1: {  	[dreg:$0x5] =	wrdreg $0x9  }
0xb2: {  	_ =	task.clear_ibuf [dreg:s7], $0x6FFFF;
	_ =	strace $0x9000004C  }
0xb3: {  	s29 =	simm.s32 $0x9;
	_ =	strace $0x8000004E  }
0xb4: {  	_ =	swait.ge [sflag:s29], $0x1  }
0xb5: {  	[sflag:s29] =	ssyncadd.s32 $0xFFFFFFFF  }
0xb6: {  	_ =	strace $0x9000004E  }
0xb7: {  	_ =	sfence  }
0xb8: {  	s30 =	sld [smem:$0x0];
	_ =	sdelay $0x2  }
0xb9: {  	s31 =	sshll.u32 s1, $0xD;
	s1 =	sshrl.u32 s1, $0x2  }
0xba: {  	s3 =	sand.u32 $0x4000, s31;
	s1 =	sadd.s32 s1, s30  }
0xbb: {  	s0 =	sor.u32 s3, s0;
	s1 =	sshll.u32 s1, $0x11  }
0xbc: {  	s0 =	sor.u32 s1, s0  }
0xbd: {  	s0 =	sadd.s32 $0x8F2B, s0  }
0xbe: {  	[sflag:s0] =	ssyncadd.remote.s32 $0x1  }
0xbf: {  	_ =	sfence.sel $0xFFFF  }
0xc0: {  	[dreg:$0x0] =	wrdreg $0xFFFFFFFF;
	(pc) =	sbr.abs _section_cstart, $3  }
0xc1: {  	[dreg:$0x1] =	wrdreg $0xFFFFFFFF  }
0xc2: {  	_ =	task.clear_ibuf [dreg:s7], $0x2FFFF;
	_ =	strace $0x9FFFFFFF  }
0xc3: {  	(tm) =	ssettm $0x7FFFFFFF  }
tec
execute0_lowered:
.L_overlay_start_1:
0x0: {  	(tag) =	ssettag $0x1  }
0x1: {  	s0 =	rddreg [dreg:$0x0]  }
0x2: {  	s1 =	rddreg [dreg:$0x1]  }
0x3: {  	s2 =	rddreg [dreg:$0x2]  }
0x4: {  	s4 =	srdreg.scid;
	s9 =	stileid.u32;
	s3 =	simm.s32 $0x0  }
0x5: {  	s28 =	simm.s32 $0x1;
	s29 =	simm.s32 $0x2;
	s31 =	simm.s32 $0x3  }
0x6: {  	s30 =	simm.s32 $0x1B00;
	s5 =	sand.u32 $0x1, s4;
	s6 =	smul.u32 $0x2800, s9  }
0x7: {  	[smem:$0x7FF] =	sst s3;
	s4 =	sadd.s32 $0x66A00, s0;
	s11 =	smul.u32 $0x50000, s9  }
0x8: {  	s8 =	sadd.s32 $0xCA00, s0;
	s9 =	sshll.u32 s9, $0x1;
	s7 =	smul.u32 $0x28000, s5  }
0x9: {  	_ =	strace $0x8000004D;
	s12 =	ssub.s32 $0x2, s5;
	s9 =	sor.u32 s5, s9  }
0xa: {  	s10 =	sshrl.u32 s12, $0x1;
	s13 =	sshrl.u32 s11, $0x2;
	s14 =	smul.u32 $0x2800, s9  }
0xb: {  	s9 =	smul.u32 $0x500, s9;
	s11 =	simm.s32 $0x1200;
	s6 =	sadd.s32 s6, s7  }
0xc: {  	s5 =	sadd.s32 s13, s2;
	s13 =	simm.s32 $0x1A00;
	s0 =	sadd.s32 s6, s0  }
0xd: {  	s6 =	ssub.s32 s12, s10;
	s15 =	sadd.s32 $0x4000, s5;
	[dreg:$0x14] =	wrdreg s5  }
0xe: {  	s16 =	sadd.s32 $0x8000, s5;
	s17 =	sadd.s32 $0xC000, s5;
	[dreg:$0x4] =	wrdreg s15  }
0xf: {  	s18 =	sadd.s32 $0x10000, s5;
	s7 =	sshrl.u32 s14, $0x3;
	[dreg:$0x5] =	wrdreg s16  }
0x10: {  	s19 =	sadd.s32 s8, s9;
	s9 =	sadd.s32 s1, s9;
	[dreg:$0x6] =	wrdreg s17  }
0x11: {  	s5 =	simm.s32 $0x800;
	s10 =	simm.s32 $0x1980;
	[dreg:$0x7] =	wrdreg s18  }
0x12: {  	s12 =	simm.s32 $0x1280;
	s14 =	simm.s32 $0x1A80;
	[dreg:$0x8] =	wrdreg s19  }
0x13: {  	[dreg:$0x9] =	wrdreg s9;
	s20 =	sadd.s32 $0x100, s7;
	s22 =	sadd.s32 $0x200, s7  }
0x14: {  	s24 =	sadd.s32 $0x300, s7;
	s7 =	sadd.s32 $0x400, s7;
	s0 =	sadd.s32 $0x8EA00, s0  }
0x15: {  	s26 =	smax.u32 s6, $0x1;
	s17 =	simm.s32 $0x0;
	[dreg:$0x12] =	wrdreg s0  }
0x16: {  	s15 =	simm.s32 $0x1080;
	s21 =	sadd.s32 s8, s20;
	[dreg:$0x13] =	wrdreg s26  }
0x17: {  	s6 =	simm.s32 $0x1880;
	s9 =	sadd.s32 s1, s20;
	[dreg:$0xa] =	wrdreg s21  }
0x18: {  	s16 =	simm.s32 $0x1300;
	s23 =	sadd.s32 s8, s22;
	[dreg:$0xb] =	wrdreg s9  }
0x19: {  	s25 =	sadd.s32 s8, s24;
	s8 =	sadd.s32 s8, s7;
	[dreg:$0xc] =	wrdreg s23  }
0x1a: {  	s26 =	simm.s32 $0x6000;
	s9 =	sadd.s32 s1, s22;
	[dreg:$0xe] =	wrdreg s25  }
0x1b: {  	[dreg:$0x10] =	wrdreg s8;
	s22 =	simm.s32 $0x2000;
	s23 =	simm.s32 $0x5  }
0x1c: {  	s25 =	simm.s32 $0x80;
	s8 =	simm.s32 $0x1180;
	s21 =	simm.s32 $0x1380  }
0x1d: {  	[dreg:$0xd] =	wrdreg s9;
	s9 =	sadd.s32 s1, s24;
	s1 =	sadd.s32 s1, s7  }
0x1e: {  	s24 =	simm.s32 $0x1800;
	s7 =	simm.s32 $0x1100;
	[dreg:$0xf] =	wrdreg s9  }
0x1f: {  	v0 =	vimm.f32 $0.0e+00;
	[dreg:$0x11] =	wrdreg s1;
	s1 =	simm.s32 $0x4;
	s9 =	simm.s32 $0x1900  }
.LBB2_1:
0x20: {  	s18 =	simm.s32 $0x0;
	s19 =	simm.s32 $0x200  }
.LBB2_2:
0x21: {  	p0 =	sne.s32 s19, $0xFE00;
	[tilespmem:s18+$0x2070] =	vst v0  }
0x22: {  	[tilespmem:s18+$0x2000] =	vst v0  }
0x23: {  	[tilespmem:s18+$0x2010] =	vst v0  }
.Ltmp0:
0x24: {  	[tilespmem:s18+$0x2020] =	vst v0;
	(pc) =	sbr.rel @p0 .LBB2_2-.Ltmp0, $4  }
0x25: {  	[tilespmem:s18+$0x2030] =	vst v0  }
0x26: {  	[tilespmem:s18+$0x2040] =	vst v0  }
0x27: {  	[tilespmem:s18+$0x2050] =	vst v0  }
0x28: {  	[tilespmem:s18+$0x2060] =	vst v0;
	s18 =	sshra.s32 s19, $0x2;
	s19 =	sadd.s32 $0x200, s19  }
0x29: {  	[tilespmem:s18+$0x2070] =	vst v0  }
0x2a: {  	[tilespmem:s18+$0x2000] =	vst v0  }
0x2b: {  	[tilespmem:s18+$0x2010] =	vst v0  }
0x2c: {  	[tilespmem:s18+$0x2020] =	vst v0  }
0x2d: {  	[tilespmem:s18+$0x2030] =	vst v0  }
0x2e: {  	[tilespmem:s18+$0x2040] =	vst v0  }
0x2f: {  	[tilespmem:s18+$0x2050] =	vst v0  }
0x30: {  	[tilespmem:s18+$0x2060] =	vst v0;
	s0 =	rddreg [dreg:$0x14]  }
0x31: {  	[spmem:s0] =	stream.linear.scatter [tilespmem:s22], [sflag:$0x5], $0x4000, $0x38;
	[tilespmem:$0x1E000] =	vst v63  }
0x32: {  	_ =	swait.ge [sflag:s23], $0x4000  }
0x33: {  	[sflag:s23] =	ssyncset.done $0x0  }
0x34: {  	s19 =	rddreg [dreg:$0x4];
	[sflag:s23] =	ssyncadd.s32 $0xFFFFC000  }
0x35: {  	[spmem:s19] =	stream.linear.scatter [tilespmem:s22], [sflag:$0x5], $0x4000, $0x38;
	[tilespmem:$0x1E000] =	vst v63  }
0x36: {  	_ =	swait.ge [sflag:s23], $0x4000  }
0x37: {  	[sflag:s23] =	ssyncset.done $0x0  }
0x38: {  	s20 =	rddreg [dreg:$0x5];
	[sflag:s23] =	ssyncadd.s32 $0xFFFFC000  }
0x39: {  	[spmem:s20] =	stream.linear.scatter [tilespmem:s22], [sflag:$0x5], $0x4000, $0x38;
	[tilespmem:$0x1E000] =	vst v63  }
0x3a: {  	_ =	swait.ge [sflag:s23], $0x4000  }
0x3b: {  	[sflag:s23] =	ssyncset.done $0x0  }
0x3c: {  	s0 =	rddreg [dreg:$0x6];
	[sflag:s23] =	ssyncadd.s32 $0xFFFFC000  }
0x3d: {  	[spmem:s0] =	stream.linear.scatter [tilespmem:s22], [sflag:$0x5], $0x4000, $0x38;
	[tilespmem:$0x1E000] =	vst v63  }
0x3e: {  	_ =	swait.ge [sflag:s23], $0x4000  }
0x3f: {  	[sflag:s23] =	ssyncset.done $0x0  }
0x40: {  	s19 =	rddreg [dreg:$0x7];
	[sflag:s23] =	ssyncadd.s32 $0xFFFFC000  }
0x41: {  	[spmem:s19] =	stream.linear.scatter [tilespmem:s22], [sflag:$0x5], $0x4000, $0x38;
	[tilespmem:$0x1E000] =	vst v63  }
0x42: {  	_ =	swait.ge [sflag:s23], $0x4000  }
0x43: {  	[sflag:s23] =	ssyncset.done $0x0  }
0x44: {  	[sflag:s23] =	ssyncadd.s32 $0xFFFFC000  }
0x45: {  	[bflag:$0x0] =	sbarrier.arrive $0xFFFF  }
0x46: {  	s20 =	rddreg [dreg:$0x8]  }
0x47: {  	[tilespmem:s3], [sflag:$0x5] =	stream.linear.gather [hbm4b:s20+s3], $0x800, $0x38;
	[tilespmem:$0x1E000] =	vst v63  }
0x48: {  	_ =	swait.ge [sflag:s23], $0x800  }
0x49: {  	[sflag:s23] =	ssyncset.done $0x0  }
0x4a: {  	s0 =	rddreg [dreg:$0x9];
	[sflag:s23] =	ssyncadd.s32 $0xFFFFF800  }
0x4b: {  	[tilespmem:s5], [sflag:$0x5] =	stream.linear.gather [hbm4b:s0+s3], $0x800, $0x38;
	[tilespmem:$0x1E000] =	vst v63  }
0x4c: {  	_ =	swait.ge [sflag:s23], $0x800  }
0x4d: {  	[sflag:s23] =	ssyncset.done $0x0  }
0x4e: {  	[sflag:s23] =	ssyncadd.s32 $0xFFFFF800  }
0x4f: {  	[tilespmem:s22], [sflag:$0x1] =	stream.indirect.gather [hbm4b:s4+s25], $0x80, s3, s25, $0xb8;
	[tilespmem:$0x1E000] =	vst v63  }
0x50: {  	_ = 	snop  }
0x51: {  	[tilespmem:s26], [sflag:$0x2] =	stream.indirect.gather [hbm4b:s4+s25], $0x80, s25, s25, $0xb8;
	[tilespmem:$0x1E000] =	vst v63  }
0x52: {  	_ =	swait.ge [sflag:s28], $0x4000  }
0x53: {  	[sflag:s28] =	ssyncset.done $0x0  }
0x54: {  	[sflag:s28] =	ssyncadd.s32 $0xFFFFC000  }
0x55: {  	[spmem:s2] =	stream.indirect.scatter.add.f32 [tilespmem:s22], [sflag:$0x3], $0x80, s5, s25, $0xb8;
	[tilespmem:$0x1E000] =	vst v63  }
0x56: {  	_ =	swait.ge [sflag:s29], $0x4000  }
0x57: {  	[sflag:s29] =	ssyncset.done $0x0  }
0x58: {  	s18 =	simm.s32 $0x880;
	[sflag:s29] =	ssyncadd.s32 $0xFFFFC000  }
0x59: {  	[spmem:s2] =	stream.indirect.scatter.add.f32 [tilespmem:s26], [sflag:$0x4], $0x80, s18, s25, $0xb8;
	[tilespmem:$0x1E000] =	vst v63  }
0x5a: {  	_ =	swait.ge [sflag:s31], $0x4000  }
0x5b: {  	[sflag:s31] =	ssyncset.done $0x0  }
0x5c: {  	s19 =	simm.s32 $0x100;
	[sflag:s31] =	ssyncadd.s32 $0xFFFFC000  }
0x5d: {  	[tilespmem:s22], [sflag:$0x1] =	stream.indirect.gather [hbm4b:s4+s25], $0x80, s19, s25, $0xb8;
	[tilespmem:$0x1E000] =	vst v63  }
0x5e: {  	_ =	swait.ge [sflag:s1], $0x4000  }
0x5f: {  	[sflag:s1] =	ssyncset.done $0x0  }
0x60: {  	s20 =	simm.s32 $0x180;
	[sflag:s1] =	ssyncadd.s32 $0xFFFFC000  }
0x61: {  	[tilespmem:s26], [sflag:$0x2] =	stream.indirect.gather [hbm4b:s4+s25], $0x80, s20, s25, $0xb8;
	[tilespmem:$0x1E000] =	vst v63  }
0x62: {  	_ =	swait.ge [sflag:s28], $0x4000  }
0x63: {  	[sflag:s28] =	ssyncset.done $0x0  }
0x64: {  	s18 =	simm.s32 $0x900;
	[sflag:s28] =	ssyncadd.s32 $0xFFFFC000  }
0x65: {  	[spmem:s2] =	stream.indirect.scatter.add.f32 [tilespmem:s22], [sflag:$0x3], $0x80, s18, s25, $0xb8;
	[tilespmem:$0x1E000] =	vst v63  }
0x66: {  	_ =	swait.ge [sflag:s29], $0x4000  }
0x67: {  	[sflag:s29] =	ssyncset.done $0x0  }
0x68: {  	s19 =	simm.s32 $0x980;
	[sflag:s29] =	ssyncadd.s32 $0xFFFFC000  }
0x69: {  	[spmem:s2] =	stream.indirect.scatter.add.f32 [tilespmem:s26], [sflag:$0x4], $0x80, s19, s25, $0xb8;
	[tilespmem:$0x1E000] =	vst v63  }
0x6a: {  	_ =	swait.ge [sflag:s31], $0x4000  }
0x6b: {  	[sflag:s31] =	ssyncset.done $0x0  }
0x6c: {  	s20 =	simm.s32 $0x200;
	[sflag:s31] =	ssyncadd.s32 $0xFFFFC000  }
0x6d: {  	[tilespmem:s22], [sflag:$0x1] =	stream.indirect.gather [hbm4b:s4+s25], $0x80, s20, s25, $0xb8;
	[tilespmem:$0x1E000] =	vst v63  }
0x6e: {  	_ =	swait.ge [sflag:s1], $0x4000  }
0x6f: {  	[sflag:s1] =	ssyncset.done $0x0  }
0x70: {  	s18 =	simm.s32 $0x280;
	[sflag:s1] =	ssyncadd.s32 $0xFFFFC000  }
0x71: {  	[tilespmem:s26], [sflag:$0x2] =	stream.indirect.gather [hbm4b:s4+s25], $0x80, s18, s25, $0xb8;
	[tilespmem:$0x1E000] =	vst v63  }
0x72: {  	_ =	swait.ge [sflag:s28], $0x4000  }
0x73: {  	[sflag:s28] =	ssyncset.done $0x0  }
0x74: {  	s19 =	simm.s32 $0xA00;
	[sflag:s28] =	ssyncadd.s32 $0xFFFFC000  }
0x75: {  	[spmem:s2] =	stream.indirect.scatter.add.f32 [tilespmem:s22], [sflag:$0x3], $0x80, s19, s25, $0xb8;
	[tilespmem:$0x1E000] =	vst v63  }
0x76: {  	_ =	swait.ge [sflag:s29], $0x4000  }
0x77: {  	[sflag:s29] =	ssyncset.done $0x0  }
0x78: {  	s20 =	simm.s32 $0xA80;
	[sflag:s29] =	ssyncadd.s32 $0xFFFFC000  }
0x79: {  	[spmem:s2] =	stream.indirect.scatter.add.f32 [tilespmem:s26], [sflag:$0x4], $0x80, s20, s25, $0xb8;
	[tilespmem:$0x1E000] =	vst v63  }
0x7a: {  	_ =	swait.ge [sflag:s31], $0x4000  }
0x7b: {  	[sflag:s31] =	ssyncset.done $0x0  }
0x7c: {  	s18 =	simm.s32 $0x300;
	[sflag:s31] =	ssyncadd.s32 $0xFFFFC000  }
0x7d: {  	[tilespmem:s22], [sflag:$0x1] =	stream.indirect.gather [hbm4b:s4+s25], $0x80, s18, s25, $0xb8;
	[tilespmem:$0x1E000] =	vst v63  }
0x7e: {  	_ =	swait.ge [sflag:s1], $0x4000  }
0x7f: {  	[sflag:s1] =	ssyncset.done $0x0  }
0x80: {  	s19 =	simm.s32 $0x380;
	[sflag:s1] =	ssyncadd.s32 $0xFFFFC000  }
0x81: {  	[tilespmem:s26], [sflag:$0x2] =	stream.indirect.gather [hbm4b:s4+s25], $0x80, s19, s25, $0xb8;
	[tilespmem:$0x1E000] =	vst v63  }
0x82: {  	_ =	swait.ge [sflag:s28], $0x4000  }
0x83: {  	[sflag:s28] =	ssyncset.done $0x0  }
0x84: {  	s20 =	simm.s32 $0xB00;
	[sflag:s28] =	ssyncadd.s32 $0xFFFFC000  }
0x85: {  	[spmem:s2] =	stream.indirect.scatter.add.f32 [tilespmem:s22], [sflag:$0x3], $0x80, s20, s25, $0xb8;
	[tilespmem:$0x1E000] =	vst v63  }
0x86: {  	_ =	swait.ge [sflag:s29], $0x4000  }
0x87: {  	[sflag:s29] =	ssyncset.done $0x0  }
0x88: {  	s18 =	simm.s32 $0xB80;
	[sflag:s29] =	ssyncadd.s32 $0xFFFFC000  }
0x89: {  	[spmem:s2] =	stream.indirect.scatter.add.f32 [tilespmem:s26], [sflag:$0x4], $0x80, s18, s25, $0xb8;
	[tilespmem:$0x1E000] =	vst v63  }
0x8a: {  	_ =	swait.ge [sflag:s31], $0x4000  }
0x8b: {  	[sflag:s31] =	ssyncset.done $0x0  }
0x8c: {  	s19 =	simm.s32 $0x400;
	[sflag:s31] =	ssyncadd.s32 $0xFFFFC000  }
0x8d: {  	[tilespmem:s22], [sflag:$0x1] =	stream.indirect.gather [hbm4b:s4+s25], $0x80, s19, s25, $0xb8;
	[tilespmem:$0x1E000] =	vst v63  }
0x8e: {  	_ =	swait.ge [sflag:s1], $0x4000  }
0x8f: {  	[sflag:s1] =	ssyncset.done $0x0  }
0x90: {  	s20 =	simm.s32 $0x480;
	[sflag:s1] =	ssyncadd.s32 $0xFFFFC000  }
0x91: {  	[tilespmem:s26], [sflag:$0x2] =	stream.indirect.gather [hbm4b:s4+s25], $0x80, s20, s25, $0xb8;
	[tilespmem:$0x1E000] =	vst v63  }
0x92: {  	_ =	swait.ge [sflag:s28], $0x4000  }
0x93: {  	[sflag:s28] =	ssyncset.done $0x0  }
0x94: {  	s18 =	simm.s32 $0xC00;
	[sflag:s28] =	ssyncadd.s32 $0xFFFFC000  }
0x95: {  	[spmem:s2] =	stream.indirect.scatter.add.f32 [tilespmem:s22], [sflag:$0x3], $0x80, s18, s25, $0xb8;
	[tilespmem:$0x1E000] =	vst v63  }
0x96: {  	_ =	swait.ge [sflag:s29], $0x4000  }
0x97: {  	[sflag:s29] =	ssyncset.done $0x0  }
0x98: {  	s19 =	simm.s32 $0xC80;
	[sflag:s29] =	ssyncadd.s32 $0xFFFFC000  }
0x99: {  	[spmem:s2] =	stream.indirect.scatter.add.f32 [tilespmem:s26], [sflag:$0x4], $0x80, s19, s25, $0xb8;
	[tilespmem:$0x1E000] =	vst v63  }
0x9a: {  	_ =	swait.ge [sflag:s31], $0x4000  }
0x9b: {  	[sflag:s31] =	ssyncset.done $0x0  }
0x9c: {  	s20 =	simm.s32 $0x500;
	[sflag:s31] =	ssyncadd.s32 $0xFFFFC000  }
0x9d: {  	[tilespmem:s22], [sflag:$0x1] =	stream.indirect.gather [hbm4b:s4+s25], $0x80, s20, s25, $0xb8;
	[tilespmem:$0x1E000] =	vst v63  }
0x9e: {  	_ =	swait.ge [sflag:s1], $0x4000  }
0x9f: {  	[sflag:s1] =	ssyncset.done $0x0  }
0xa0: {  	s18 =	simm.s32 $0x580;
	[sflag:s1] =	ssyncadd.s32 $0xFFFFC000  }
0xa1: {  	[tilespmem:s26], [sflag:$0x2] =	stream.indirect.gather [hbm4b:s4+s25], $0x80, s18, s25, $0xb8;
	[tilespmem:$0x1E000] =	vst v63  }
0xa2: {  	_ =	swait.ge [sflag:s28], $0x4000  }
0xa3: {  	[sflag:s28] =	ssyncset.done $0x0  }
0xa4: {  	s19 =	simm.s32 $0xD00;
	[sflag:s28] =	ssyncadd.s32 $0xFFFFC000  }
0xa5: {  	[spmem:s2] =	stream.indirect.scatter.add.f32 [tilespmem:s22], [sflag:$0x3], $0x80, s19, s25, $0xb8;
	[tilespmem:$0x1E000] =	vst v63  }
0xa6: {  	_ =	swait.ge [sflag:s29], $0x4000  }
0xa7: {  	[sflag:s29] =	ssyncset.done $0x0  }
0xa8: {  	s20 =	simm.s32 $0xD80;
	[sflag:s29] =	ssyncadd.s32 $0xFFFFC000  }
0xa9: {  	[spmem:s2] =	stream.indirect.scatter.add.f32 [tilespmem:s26], [sflag:$0x4], $0x80, s20, s25, $0xb8;
	[tilespmem:$0x1E000] =	vst v63  }
0xaa: {  	_ =	swait.ge [sflag:s31], $0x4000  }
0xab: {  	[sflag:s31] =	ssyncset.done $0x0  }
0xac: {  	s18 =	simm.s32 $0x600;
	[sflag:s31] =	ssyncadd.s32 $0xFFFFC000  }
0xad: {  	[tilespmem:s22], [sflag:$0x1] =	stream.indirect.gather [hbm4b:s4+s25], $0x80, s18, s25, $0xb8;
	[tilespmem:$0x1E000] =	vst v63  }
0xae: {  	_ =	swait.ge [sflag:s1], $0x4000  }
0xaf: {  	[sflag:s1] =	ssyncset.done $0x0  }
0xb0: {  	s19 =	simm.s32 $0x680;
	[sflag:s1] =	ssyncadd.s32 $0xFFFFC000  }
0xb1: {  	[tilespmem:s26], [sflag:$0x2] =	stream.indirect.gather [hbm4b:s4+s25], $0x80, s19, s25, $0xb8;
	[tilespmem:$0x1E000] =	vst v63  }
0xb2: {  	_ =	swait.ge [sflag:s28], $0x4000  }
0xb3: {  	[sflag:s28] =	ssyncset.done $0x0  }
0xb4: {  	s20 =	simm.s32 $0xE00;
	[sflag:s28] =	ssyncadd.s32 $0xFFFFC000  }
0xb5: {  	[spmem:s2] =	stream.indirect.scatter.add.f32 [tilespmem:s22], [sflag:$0x3], $0x80, s20, s25, $0xb8;
	[tilespmem:$0x1E000] =	vst v63  }
0xb6: {  	_ =	swait.ge [sflag:s29], $0x4000  }
0xb7: {  	[sflag:s29] =	ssyncset.done $0x0  }
0xb8: {  	s18 =	simm.s32 $0xE80;
	[sflag:s29] =	ssyncadd.s32 $0xFFFFC000  }
0xb9: {  	[spmem:s2] =	stream.indirect.scatter.add.f32 [tilespmem:s26], [sflag:$0x4], $0x80, s18, s25, $0xb8;
	[tilespmem:$0x1E000] =	vst v63  }
0xba: {  	_ =	swait.ge [sflag:s31], $0x4000  }
0xbb: {  	[sflag:s31] =	ssyncset.done $0x0  }
0xbc: {  	s19 =	simm.s32 $0x700;
	[sflag:s31] =	ssyncadd.s32 $0xFFFFC000  }
0xbd: {  	[tilespmem:s22], [sflag:$0x1] =	stream.indirect.gather [hbm4b:s4+s25], $0x80, s19, s25, $0xb8;
	[tilespmem:$0x1E000] =	vst v63  }
0xbe: {  	_ =	swait.ge [sflag:s1], $0x4000  }
0xbf: {  	[sflag:s1] =	ssyncset.done $0x0  }
0xc0: {  	s20 =	simm.s32 $0x780;
	[sflag:s1] =	ssyncadd.s32 $0xFFFFC000  }
0xc1: {  	[tilespmem:s26], [sflag:$0x2] =	stream.indirect.gather [hbm4b:s4+s25], $0x80, s20, s25, $0xb8;
	[tilespmem:$0x1E000] =	vst v63  }
0xc2: {  	_ =	swait.ge [sflag:s28], $0x4000  }
0xc3: {  	[sflag:s28] =	ssyncset.done $0x0  }
0xc4: {  	s18 =	simm.s32 $0xF00;
	[sflag:s28] =	ssyncadd.s32 $0xFFFFC000  }
0xc5: {  	[spmem:s2] =	stream.indirect.scatter.add.f32 [tilespmem:s22], [sflag:$0x3], $0x80, s18, s25, $0xb8;
	[tilespmem:$0x1E000] =	vst v63  }
0xc6: {  	_ =	swait.ge [sflag:s29], $0x4000  }
0xc7: {  	[sflag:s29] =	ssyncset.done $0x0  }
0xc8: {  	s19 =	simm.s32 $0xF80;
	[sflag:s29] =	ssyncadd.s32 $0xFFFFC000  }
0xc9: {  	[spmem:s2] =	stream.indirect.scatter.add.f32 [tilespmem:s26], [sflag:$0x4], $0x80, s19, s25, $0xb8;
	[tilespmem:$0x1E000] =	vst v63  }
0xca: {  	_ =	swait.ge [sflag:s31], $0x4000  }
0xcb: {  	[sflag:s31] =	ssyncset.done $0x0  }
0xcc: {  	[sflag:s31] =	ssyncadd.s32 $0xFFFFC000  }
0xcd: {  	_ =	swait.ge [sflag:s1], $0x4000  }
0xce: {  	[sflag:s1] =	ssyncset.done $0x0  }
0xcf: {  	s0 =	simm.s32 $0x1000;
	s20 =	rddreg [dreg:$0xa];
	[sflag:s1] =	ssyncadd.s32 $0xFFFFC000  }
0xd0: {  	[tilespmem:s0], [sflag:$0x5] =	stream.linear.gather [hbm4b:s20+s3], $0x800, $0x38;
	[tilespmem:$0x1E000] =	vst v63  }
0xd1: {  	_ =	swait.ge [sflag:s23], $0x800  }
0xd2: {  	[sflag:s23] =	ssyncset.done $0x0  }
0xd3: {  	s19 =	rddreg [dreg:$0xb];
	[sflag:s23] =	ssyncadd.s32 $0xFFFFF800  }
0xd4: {  	[tilespmem:s24], [sflag:$0x5] =	stream.linear.gather [hbm4b:s19+s3], $0x800, $0x38;
	[tilespmem:$0x1E000] =	vst v63  }
0xd5: {  	_ =	swait.ge [sflag:s23], $0x800  }
0xd6: {  	[sflag:s23] =	ssyncset.done $0x0  }
0xd7: {  	[sflag:s23] =	ssyncadd.s32 $0xFFFFF800  }
0xd8: {  	[tilespmem:s22], [sflag:$0x1] =	stream.indirect.gather [hbm4b:s4+s25], $0x80, s0, s25, $0xb8;
	[tilespmem:$0x1E000] =	vst v63  }
0xd9: {  	_ = 	snop  }
0xda: {  	[tilespmem:s26], [sflag:$0x2] =	stream.indirect.gather [hbm4b:s4+s25], $0x80, s15, s25, $0xb8;
	[tilespmem:$0x1E000] =	vst v63  }
0xdb: {  	_ =	swait.ge [sflag:s28], $0x4000  }
0xdc: {  	[sflag:s28] =	ssyncset.done $0x0  }
0xdd: {  	[sflag:s28] =	ssyncadd.s32 $0xFFFFC000  }
0xde: {  	[spmem:s2] =	stream.indirect.scatter.add.f32 [tilespmem:s22], [sflag:$0x3], $0x80, s24, s25, $0xb8;
	[tilespmem:$0x1E000] =	vst v63  }
0xdf: {  	_ =	swait.ge [sflag:s29], $0x4000  }
0xe0: {  	[sflag:s29] =	ssyncset.done $0x0  }
0xe1: {  	[sflag:s29] =	ssyncadd.s32 $0xFFFFC000  }
0xe2: {  	[spmem:s2] =	stream.indirect.scatter.add.f32 [tilespmem:s26], [sflag:$0x4], $0x80, s6, s25, $0xb8;
	[tilespmem:$0x1E000] =	vst v63  }
0xe3: {  	_ =	swait.ge [sflag:s31], $0x4000  }
0xe4: {  	[sflag:s31] =	ssyncset.done $0x0  }
0xe5: {  	[sflag:s31] =	ssyncadd.s32 $0xFFFFC000  }
0xe6: {  	[tilespmem:s22], [sflag:$0x1] =	stream.indirect.gather [hbm4b:s4+s25], $0x80, s7, s25, $0xb8;
	[tilespmem:$0x1E000] =	vst v63  }
0xe7: {  	_ =	swait.ge [sflag:s1], $0x4000  }
0xe8: {  	[sflag:s1] =	ssyncset.done $0x0  }
0xe9: {  	[sflag:s1] =	ssyncadd.s32 $0xFFFFC000  }
0xea: {  	[tilespmem:s26], [sflag:$0x2] =	stream.indirect.gather [hbm4b:s4+s25], $0x80, s8, s25, $0xb8;
	[tilespmem:$0x1E000] =	vst v63  }
0xeb: {  	_ =	swait.ge [sflag:s28], $0x4000  }
0xec: {  	[sflag:s28] =	ssyncset.done $0x0  }
0xed: {  	[sflag:s28] =	ssyncadd.s32 $0xFFFFC000  }
0xee: {  	[spmem:s2] =	stream.indirect.scatter.add.f32 [tilespmem:s22], [sflag:$0x3], $0x80, s9, s25, $0xb8;
	[tilespmem:$0x1E000] =	vst v63  }
0xef: {  	_ =	swait.ge [sflag:s29], $0x4000  }
0xf0: {  	[sflag:s29] =	ssyncset.done $0x0  }
0xf1: {  	[sflag:s29] =	ssyncadd.s32 $0xFFFFC000  }
0xf2: {  	[spmem:s2] =	stream.indirect.scatter.add.f32 [tilespmem:s26], [sflag:$0x4], $0x80, s10, s25, $0xb8;
	[tilespmem:$0x1E000] =	vst v63  }
0xf3: {  	_ =	swait.ge [sflag:s31], $0x4000  }
0xf4: {  	[sflag:s31] =	ssyncset.done $0x0  }
0xf5: {  	[sflag:s31] =	ssyncadd.s32 $0xFFFFC000  }
0xf6: {  	[tilespmem:s22], [sflag:$0x1] =	stream.indirect.gather [hbm4b:s4+s25], $0x80, s11, s25, $0xb8;
	[tilespmem:$0x1E000] =	vst v63  }
0xf7: {  	_ =	swait.ge [sflag:s1], $0x4000  }
0xf8: {  	[sflag:s1] =	ssyncset.done $0x0  }
0xf9: {  	[sflag:s1] =	ssyncadd.s32 $0xFFFFC000  }
0xfa: {  	[tilespmem:s26], [sflag:$0x2] =	stream.indirect.gather [hbm4b:s4+s25], $0x80, s12, s25, $0xb8;
	[tilespmem:$0x1E000] =	vst v63  }
0xfb: {  	_ =	swait.ge [sflag:s28], $0x4000  }
0xfc: {  	[sflag:s28] =	ssyncset.done $0x0  }
0xfd: {  	[sflag:s28] =	ssyncadd.s32 $0xFFFFC000  }
0xfe: {  	[spmem:s2] =	stream.indirect.scatter.add.f32 [tilespmem:s22], [sflag:$0x3], $0x80, s13, s25, $0xb8;
	[tilespmem:$0x1E000] =	vst v63  }
0xff: {  	_ =	swait.ge [sflag:s29], $0x4000  }
0x100: {  	[sflag:s29] =	ssyncset.done $0x0  }
0x101: {  	[sflag:s29] =	ssyncadd.s32 $0xFFFFC000  }
0x102: {  	[spmem:s2] =	stream.indirect.scatter.add.f32 [tilespmem:s26], [sflag:$0x4], $0x80, s14, s25, $0xb8;
	[tilespmem:$0x1E000] =	vst v63  }
0x103: {  	_ =	swait.ge [sflag:s31], $0x4000  }
0x104: {  	[sflag:s31] =	ssyncset.done $0x0  }
0x105: {  	[sflag:s31] =	ssyncadd.s32 $0xFFFFC000  }
0x106: {  	[tilespmem:s22], [sflag:$0x1] =	stream.indirect.gather [hbm4b:s4+s25], $0x80, s16, s25, $0xb8;
	[tilespmem:$0x1E000] =	vst v63  }
0x107: {  	_ =	swait.ge [sflag:s1], $0x4000  }
0x108: {  	[sflag:s1] =	ssyncset.done $0x0  }
0x109: {  	[sflag:s1] =	ssyncadd.s32 $0xFFFFC000  }
0x10a: {  	[tilespmem:s26], [sflag:$0x2] =	stream.indirect.gather [hbm4b:s4+s25], $0x80, s21, s25, $0xb8;
	[tilespmem:$0x1E000] =	vst v63  }
0x10b: {  	_ =	swait.ge [sflag:s28], $0x4000  }
0x10c: {  	[sflag:s28] =	ssyncset.done $0x0  }
0x10d: {  	[sflag:s28] =	ssyncadd.s32 $0xFFFFC000  }
0x10e: {  	[spmem:s2] =	stream.indirect.scatter.add.f32 [tilespmem:s22], [sflag:$0x3], $0x80, s30, s25, $0xb8;
	[tilespmem:$0x1E000] =	vst v63  }
0x10f: {  	_ =	swait.ge [sflag:s29], $0x4000  }
0x110: {  	[sflag:s29] =	ssyncset.done $0x0  }
0x111: {  	s19 =	simm.s32 $0x1B80;
	[sflag:s29] =	ssyncadd.s32 $0xFFFFC000  }
0x112: {  	[spmem:s2] =	stream.indirect.scatter.add.f32 [tilespmem:s26], [sflag:$0x4], $0x80, s19, s25, $0xb8;
	[tilespmem:$0x1E000] =	vst v63  }
0x113: {  	_ =	swait.ge [sflag:s31], $0x4000  }
0x114: {  	[sflag:s31] =	ssyncset.done $0x0  }
0x115: {  	s20 =	simm.s32 $0x1400;
	[sflag:s31] =	ssyncadd.s32 $0xFFFFC000  }
0x116: {  	[tilespmem:s22], [sflag:$0x1] =	stream.indirect.gather [hbm4b:s4+s25], $0x80, s20, s25, $0xb8;
	[tilespmem:$0x1E000] =	vst v63  }
0x117: {  	_ =	swait.ge [sflag:s1], $0x4000  }
0x118: {  	[sflag:s1] =	ssyncset.done $0x0  }
0x119: {  	s18 =	simm.s32 $0x1480;
	[sflag:s1] =	ssyncadd.s32 $0xFFFFC000  }
0x11a: {  	[tilespmem:s26], [sflag:$0x2] =	stream.indirect.gather [hbm4b:s4+s25], $0x80, s18, s25, $0xb8;
	[tilespmem:$0x1E000] =	vst v63  }
0x11b: {  	_ =	swait.ge [sflag:s28], $0x4000  }
0x11c: {  	[sflag:s28] =	ssyncset.done $0x0  }
0x11d: {  	s18 =	simm.s32 $0x1C00;
	[sflag:s28] =	ssyncadd.s32 $0xFFFFC000  }
0x11e: {  	[spmem:s2] =	stream.indirect.scatter.add.f32 [tilespmem:s22], [sflag:$0x3], $0x80, s18, s25, $0xb8;
	[tilespmem:$0x1E000] =	vst v63  }
0x11f: {  	_ =	swait.ge [sflag:s29], $0x4000  }
0x120: {  	[sflag:s29] =	ssyncset.done $0x0  }
0x121: {  	s18 =	simm.s32 $0x1C80;
	[sflag:s29] =	ssyncadd.s32 $0xFFFFC000  }
0x122: {  	[spmem:s2] =	stream.indirect.scatter.add.f32 [tilespmem:s26], [sflag:$0x4], $0x80, s18, s25, $0xb8;
	[tilespmem:$0x1E000] =	vst v63  }
0x123: {  	_ =	swait.ge [sflag:s31], $0x4000  }
0x124: {  	[sflag:s31] =	ssyncset.done $0x0  }
0x125: {  	s18 =	simm.s32 $0x1500;
	[sflag:s31] =	ssyncadd.s32 $0xFFFFC000  }
0x126: {  	[tilespmem:s22], [sflag:$0x1] =	stream.indirect.gather [hbm4b:s4+s25], $0x80, s18, s25, $0xb8;
	[tilespmem:$0x1E000] =	vst v63  }
0x127: {  	_ =	swait.ge [sflag:s1], $0x4000  }
0x128: {  	[sflag:s1] =	ssyncset.done $0x0  }
0x129: {  	s18 =	simm.s32 $0x1580;
	[sflag:s1] =	ssyncadd.s32 $0xFFFFC000  }
0x12a: {  	[tilespmem:s26], [sflag:$0x2] =	stream.indirect.gather [hbm4b:s4+s25], $0x80, s18, s25, $0xb8;
	[tilespmem:$0x1E000] =	vst v63  }
0x12b: {  	_ =	swait.ge [sflag:s28], $0x4000  }
0x12c: {  	[sflag:s28] =	ssyncset.done $0x0  }
0x12d: {  	s18 =	simm.s32 $0x1D00;
	[sflag:s28] =	ssyncadd.s32 $0xFFFFC000  }
0x12e: {  	[spmem:s2] =	stream.indirect.scatter.add.f32 [tilespmem:s22], [sflag:$0x3], $0x80, s18, s25, $0xb8;
	[tilespmem:$0x1E000] =	vst v63  }
0x12f: {  	_ =	swait.ge [sflag:s29], $0x4000  }
0x130: {  	[sflag:s29] =	ssyncset.done $0x0  }
0x131: {  	s18 =	simm.s32 $0x1D80;
	[sflag:s29] =	ssyncadd.s32 $0xFFFFC000  }
0x132: {  	[spmem:s2] =	stream.indirect.scatter.add.f32 [tilespmem:s26], [sflag:$0x4], $0x80, s18, s25, $0xb8;
	[tilespmem:$0x1E000] =	vst v63  }
0x133: {  	_ =	swait.ge [sflag:s31], $0x4000  }
0x134: {  	[sflag:s31] =	ssyncset.done $0x0  }
0x135: {  	s18 =	simm.s32 $0x1600;
	[sflag:s31] =	ssyncadd.s32 $0xFFFFC000  }
0x136: {  	[tilespmem:s22], [sflag:$0x1] =	stream.indirect.gather [hbm4b:s4+s25], $0x80, s18, s25, $0xb8;
	[tilespmem:$0x1E000] =	vst v63  }
0x137: {  	_ =	swait.ge [sflag:s1], $0x4000  }
0x138: {  	[sflag:s1] =	ssyncset.done $0x0  }
0x139: {  	s18 =	simm.s32 $0x1680;
	[sflag:s1] =	ssyncadd.s32 $0xFFFFC000  }
0x13a: {  	[tilespmem:s26], [sflag:$0x2] =	stream.indirect.gather [hbm4b:s4+s25], $0x80, s18, s25, $0xb8;
	[tilespmem:$0x1E000] =	vst v63  }
0x13b: {  	_ =	swait.ge [sflag:s28], $0x4000  }
0x13c: {  	[sflag:s28] =	ssyncset.done $0x0  }
0x13d: {  	s18 =	simm.s32 $0x1E00;
	[sflag:s28] =	ssyncadd.s32 $0xFFFFC000  }
0x13e: {  	[spmem:s2] =	stream.indirect.scatter.add.f32 [tilespmem:s22], [sflag:$0x3], $0x80, s18, s25, $0xb8;
	[tilespmem:$0x1E000] =	vst v63  }
0x13f: {  	_ =	swait.ge [sflag:s29], $0x4000  }
0x140: {  	[sflag:s29] =	ssyncset.done $0x0  }
0x141: {  	s18 =	simm.s32 $0x1E80;
	[sflag:s29] =	ssyncadd.s32 $0xFFFFC000  }
0x142: {  	[spmem:s2] =	stream.indirect.scatter.add.f32 [tilespmem:s26], [sflag:$0x4], $0x80, s18, s25, $0xb8;
	[tilespmem:$0x1E000] =	vst v63  }
0x143: {  	_ =	swait.ge [sflag:s31], $0x4000  }
0x144: {  	[sflag:s31] =	ssyncset.done $0x0  }
0x145: {  	s18 =	simm.s32 $0x1700;
	[sflag:s31] =	ssyncadd.s32 $0xFFFFC000  }
0x146: {  	[tilespmem:s22], [sflag:$0x1] =	stream.indirect.gather [hbm4b:s4+s25], $0x80, s18, s25, $0xb8;
	[tilespmem:$0x1E000] =	vst v63  }
0x147: {  	_ =	swait.ge [sflag:s1], $0x4000  }
0x148: {  	[sflag:s1] =	ssyncset.done $0x0  }
0x149: {  	s18 =	simm.s32 $0x1780;
	[sflag:s1] =	ssyncadd.s32 $0xFFFFC000  }
0x14a: {  	[tilespmem:s26], [sflag:$0x2] =	stream.indirect.gather [hbm4b:s4+s25], $0x80, s18, s25, $0xb8;
	[tilespmem:$0x1E000] =	vst v63  }
0x14b: {  	_ =	swait.ge [sflag:s28], $0x4000  }
0x14c: {  	[sflag:s28] =	ssyncset.done $0x0  }
0x14d: {  	s18 =	simm.s32 $0x1F00;
	[sflag:s28] =	ssyncadd.s32 $0xFFFFC000  }
0x14e: {  	[spmem:s2] =	stream.indirect.scatter.add.f32 [tilespmem:s22], [sflag:$0x3], $0x80, s18, s25, $0xb8;
	[tilespmem:$0x1E000] =	vst v63  }
0x14f: {  	_ =	swait.ge [sflag:s29], $0x4000  }
0x150: {  	[sflag:s29] =	ssyncset.done $0x0  }
0x151: {  	s18 =	simm.s32 $0x1F80;
	[sflag:s29] =	ssyncadd.s32 $0xFFFFC000  }
0x152: {  	[spmem:s2] =	stream.indirect.scatter.add.f32 [tilespmem:s26], [sflag:$0x4], $0x80, s18, s25, $0xb8;
	[tilespmem:$0x1E000] =	vst v63  }
0x153: {  	_ =	swait.ge [sflag:s31], $0x4000  }
0x154: {  	[sflag:s31] =	ssyncset.done $0x0  }
0x155: {  	[sflag:s31] =	ssyncadd.s32 $0xFFFFC000  }
0x156: {  	_ =	swait.ge [sflag:s1], $0x4000  }
0x157: {  	[sflag:s1] =	ssyncset.done $0x0  }
0x158: {  	s18 =	rddreg [dreg:$0xc];
	[sflag:s1] =	ssyncadd.s32 $0xFFFFC000  }
0x159: {  	[tilespmem:s3], [sflag:$0x5] =	stream.linear.gather [hbm4b:s18+s3], $0x800, $0x38;
	[tilespmem:$0x1E000] =	vst v63  }
0x15a: {  	_ =	swait.ge [sflag:s23], $0x800  }
0x15b: {  	[sflag:s23] =	ssyncset.done $0x0  }
0x15c: {  	s18 =	rddreg [dreg:$0xd];
	[sflag:s23] =	ssyncadd.s32 $0xFFFFF800  }
0x15d: {  	[tilespmem:s5], [sflag:$0x5] =	stream.linear.gather [hbm4b:s18+s3], $0x800, $0x38;
	[tilespmem:$0x1E000] =	vst v63  }
0x15e: {  	_ =	swait.ge [sflag:s23], $0x800  }
0x15f: {  	[sflag:s23] =	ssyncset.done $0x0  }
0x160: {  	[sflag:s23] =	ssyncadd.s32 $0xFFFFF800  }
0x161: {  	[tilespmem:s22], [sflag:$0x1] =	stream.indirect.gather [hbm4b:s4+s25], $0x80, s3, s25, $0xb8;
	[tilespmem:$0x1E000] =	vst v63  }
0x162: {  	_ = 	snop  }
0x163: {  	[tilespmem:s26], [sflag:$0x2] =	stream.indirect.gather [hbm4b:s4+s25], $0x80, s25, s25, $0xb8;
	[tilespmem:$0x1E000] =	vst v63  }
0x164: {  	_ =	swait.ge [sflag:s28], $0x4000  }
0x165: {  	[sflag:s28] =	ssyncset.done $0x0  }
0x166: {  	[sflag:s28] =	ssyncadd.s32 $0xFFFFC000  }
0x167: {  	[spmem:s2] =	stream.indirect.scatter.add.f32 [tilespmem:s22], [sflag:$0x3], $0x80, s5, s25, $0xb8;
	[tilespmem:$0x1E000] =	vst v63  }
0x168: {  	_ =	swait.ge [sflag:s29], $0x4000  }
0x169: {  	[sflag:s29] =	ssyncset.done $0x0  }
0x16a: {  	s18 =	simm.s32 $0x880;
	[sflag:s29] =	ssyncadd.s32 $0xFFFFC000  }
0x16b: {  	[spmem:s2] =	stream.indirect.scatter.add.f32 [tilespmem:s26], [sflag:$0x4], $0x80, s18, s25, $0xb8;
	[tilespmem:$0x1E000] =	vst v63  }
0x16c: {  	_ =	swait.ge [sflag:s31], $0x4000  }
0x16d: {  	[sflag:s31] =	ssyncset.done $0x0  }
0x16e: {  	s18 =	simm.s32 $0x100;
	[sflag:s31] =	ssyncadd.s32 $0xFFFFC000  }
0x16f: {  	[tilespmem:s22], [sflag:$0x1] =	stream.indirect.gather [hbm4b:s4+s25], $0x80, s18, s25, $0xb8;
	[tilespmem:$0x1E000] =	vst v63  }
0x170: {  	_ =	swait.ge [sflag:s1], $0x4000  }
0x171: {  	[sflag:s1] =	ssyncset.done $0x0  }
0x172: {  	s18 =	simm.s32 $0x180;
	[sflag:s1] =	ssyncadd.s32 $0xFFFFC000  }
0x173: {  	[tilespmem:s26], [sflag:$0x2] =	stream.indirect.gather [hbm4b:s4+s25], $0x80, s18, s25, $0xb8;
	[tilespmem:$0x1E000] =	vst v63  }
0x174: {  	_ =	swait.ge [sflag:s28], $0x4000  }
0x175: {  	[sflag:s28] =	ssyncset.done $0x0  }
0x176: {  	s18 =	simm.s32 $0x900;
	[sflag:s28] =	ssyncadd.s32 $0xFFFFC000  }
0x177: {  	[spmem:s2] =	stream.indirect.scatter.add.f32 [tilespmem:s22], [sflag:$0x3], $0x80, s18, s25, $0xb8;
	[tilespmem:$0x1E000] =	vst v63  }
0x178: {  	_ =	swait.ge [sflag:s29], $0x4000  }
0x179: {  	[sflag:s29] =	ssyncset.done $0x0  }
0x17a: {  	s18 =	simm.s32 $0x980;
	[sflag:s29] =	ssyncadd.s32 $0xFFFFC000  }
0x17b: {  	[spmem:s2] =	stream.indirect.scatter.add.f32 [tilespmem:s26], [sflag:$0x4], $0x80, s18, s25, $0xb8;
	[tilespmem:$0x1E000] =	vst v63  }
0x17c: {  	_ =	swait.ge [sflag:s31], $0x4000  }
0x17d: {  	[sflag:s31] =	ssyncset.done $0x0  }
0x17e: {  	s18 =	simm.s32 $0x200;
	[sflag:s31] =	ssyncadd.s32 $0xFFFFC000  }
0x17f: {  	[tilespmem:s22], [sflag:$0x1] =	stream.indirect.gather [hbm4b:s4+s25], $0x80, s18, s25, $0xb8;
	[tilespmem:$0x1E000] =	vst v63  }
0x180: {  	_ =	swait.ge [sflag:s1], $0x4000  }
0x181: {  	[sflag:s1] =	ssyncset.done $0x0  }
0x182: {  	s18 =	simm.s32 $0x280;
	[sflag:s1] =	ssyncadd.s32 $0xFFFFC000  }
0x183: {  	[tilespmem:s26], [sflag:$0x2] =	stream.indirect.gather [hbm4b:s4+s25], $0x80, s18, s25, $0xb8;
	[tilespmem:$0x1E000] =	vst v63  }
0x184: {  	_ =	swait.ge [sflag:s28], $0x4000  }
0x185: {  	[sflag:s28] =	ssyncset.done $0x0  }
0x186: {  	s18 =	simm.s32 $0xA00;
	[sflag:s28] =	ssyncadd.s32 $0xFFFFC000  }
0x187: {  	[spmem:s2] =	stream.indirect.scatter.add.f32 [tilespmem:s22], [sflag:$0x3], $0x80, s18, s25, $0xb8;
	[tilespmem:$0x1E000] =	vst v63  }
0x188: {  	_ =	swait.ge [sflag:s29], $0x4000  }
0x189: {  	[sflag:s29] =	ssyncset.done $0x0  }
0x18a: {  	s18 =	simm.s32 $0xA80;
	[sflag:s29] =	ssyncadd.s32 $0xFFFFC000  }
0x18b: {  	[spmem:s2] =	stream.indirect.scatter.add.f32 [tilespmem:s26], [sflag:$0x4], $0x80, s18, s25, $0xb8;
	[tilespmem:$0x1E000] =	vst v63  }
0x18c: {  	_ =	swait.ge [sflag:s31], $0x4000  }
0x18d: {  	[sflag:s31] =	ssyncset.done $0x0  }
0x18e: {  	s18 =	simm.s32 $0x300;
	[sflag:s31] =	ssyncadd.s32 $0xFFFFC000  }
0x18f: {  	[tilespmem:s22], [sflag:$0x1] =	stream.indirect.gather [hbm4b:s4+s25], $0x80, s18, s25, $0xb8;
	[tilespmem:$0x1E000] =	vst v63  }
0x190: {  	_ =	swait.ge [sflag:s1], $0x4000  }
0x191: {  	[sflag:s1] =	ssyncset.done $0x0  }
0x192: {  	s18 =	simm.s32 $0x380;
	[sflag:s1] =	ssyncadd.s32 $0xFFFFC000  }
0x193: {  	[tilespmem:s26], [sflag:$0x2] =	stream.indirect.gather [hbm4b:s4+s25], $0x80, s18, s25, $0xb8;
	[tilespmem:$0x1E000] =	vst v63  }
0x194: {  	_ =	swait.ge [sflag:s28], $0x4000  }
0x195: {  	[sflag:s28] =	ssyncset.done $0x0  }
0x196: {  	s18 =	simm.s32 $0xB00;
	[sflag:s28] =	ssyncadd.s32 $0xFFFFC000  }
0x197: {  	[spmem:s2] =	stream.indirect.scatter.add.f32 [tilespmem:s22], [sflag:$0x3], $0x80, s18, s25, $0xb8;
	[tilespmem:$0x1E000] =	vst v63  }
0x198: {  	_ =	swait.ge [sflag:s29], $0x4000  }
0x199: {  	[sflag:s29] =	ssyncset.done $0x0  }
0x19a: {  	s18 =	simm.s32 $0xB80;
	[sflag:s29] =	ssyncadd.s32 $0xFFFFC000  }
0x19b: {  	[spmem:s2] =	stream.indirect.scatter.add.f32 [tilespmem:s26], [sflag:$0x4], $0x80, s18, s25, $0xb8;
	[tilespmem:$0x1E000] =	vst v63  }
0x19c: {  	_ =	swait.ge [sflag:s31], $0x4000  }
0x19d: {  	[sflag:s31] =	ssyncset.done $0x0  }
0x19e: {  	s18 =	simm.s32 $0x400;
	[sflag:s31] =	ssyncadd.s32 $0xFFFFC000  }
0x19f: {  	[tilespmem:s22], [sflag:$0x1] =	stream.indirect.gather [hbm4b:s4+s25], $0x80, s18, s25, $0xb8;
	[tilespmem:$0x1E000] =	vst v63  }
0x1a0: {  	_ =	swait.ge [sflag:s1], $0x4000  }
0x1a1: {  	[sflag:s1] =	ssyncset.done $0x0  }
0x1a2: {  	s18 =	simm.s32 $0x480;
	[sflag:s1] =	ssyncadd.s32 $0xFFFFC000  }
0x1a3: {  	[tilespmem:s26], [sflag:$0x2] =	stream.indirect.gather [hbm4b:s4+s25], $0x80, s18, s25, $0xb8;
	[tilespmem:$0x1E000] =	vst v63  }
0x1a4: {  	_ =	swait.ge [sflag:s28], $0x4000  }
0x1a5: {  	[sflag:s28] =	ssyncset.done $0x0  }
0x1a6: {  	s18 =	simm.s32 $0xC00;
	[sflag:s28] =	ssyncadd.s32 $0xFFFFC000  }
0x1a7: {  	[spmem:s2] =	stream.indirect.scatter.add.f32 [tilespmem:s22], [sflag:$0x3], $0x80, s18, s25, $0xb8;
	[tilespmem:$0x1E000] =	vst v63  }
0x1a8: {  	_ =	swait.ge [sflag:s29], $0x4000  }
0x1a9: {  	[sflag:s29] =	ssyncset.done $0x0  }
0x1aa: {  	s18 =	simm.s32 $0xC80;
	[sflag:s29] =	ssyncadd.s32 $0xFFFFC000  }
0x1ab: {  	[spmem:s2] =	stream.indirect.scatter.add.f32 [tilespmem:s26], [sflag:$0x4], $0x80, s18, s25, $0xb8;
	[tilespmem:$0x1E000] =	vst v63  }
0x1ac: {  	_ =	swait.ge [sflag:s31], $0x4000  }
0x1ad: {  	[sflag:s31] =	ssyncset.done $0x0  }
0x1ae: {  	s18 =	simm.s32 $0x500;
	[sflag:s31] =	ssyncadd.s32 $0xFFFFC000  }
0x1af: {  	[tilespmem:s22], [sflag:$0x1] =	stream.indirect.gather [hbm4b:s4+s25], $0x80, s18, s25, $0xb8;
	[tilespmem:$0x1E000] =	vst v63  }
0x1b0: {  	_ =	swait.ge [sflag:s1], $0x4000  }
0x1b1: {  	[sflag:s1] =	ssyncset.done $0x0  }
0x1b2: {  	s18 =	simm.s32 $0x580;
	[sflag:s1] =	ssyncadd.s32 $0xFFFFC000  }
0x1b3: {  	[tilespmem:s26], [sflag:$0x2] =	stream.indirect.gather [hbm4b:s4+s25], $0x80, s18, s25, $0xb8;
	[tilespmem:$0x1E000] =	vst v63  }
0x1b4: {  	_ =	swait.ge [sflag:s28], $0x4000  }
0x1b5: {  	[sflag:s28] =	ssyncset.done $0x0  }
0x1b6: {  	s18 =	simm.s32 $0xD00;
	[sflag:s28] =	ssyncadd.s32 $0xFFFFC000  }
0x1b7: {  	[spmem:s2] =	stream.indirect.scatter.add.f32 [tilespmem:s22], [sflag:$0x3], $0x80, s18, s25, $0xb8;
	[tilespmem:$0x1E000] =	vst v63  }
0x1b8: {  	_ =	swait.ge [sflag:s29], $0x4000  }
0x1b9: {  	[sflag:s29] =	ssyncset.done $0x0  }
0x1ba: {  	s18 =	simm.s32 $0xD80;
	[sflag:s29] =	ssyncadd.s32 $0xFFFFC000  }
0x1bb: {  	[spmem:s2] =	stream.indirect.scatter.add.f32 [tilespmem:s26], [sflag:$0x4], $0x80, s18, s25, $0xb8;
	[tilespmem:$0x1E000] =	vst v63  }
0x1bc: {  	_ =	swait.ge [sflag:s31], $0x4000  }
0x1bd: {  	[sflag:s31] =	ssyncset.done $0x0  }
0x1be: {  	s18 =	simm.s32 $0x600;
	[sflag:s31] =	ssyncadd.s32 $0xFFFFC000  }
0x1bf: {  	[tilespmem:s22], [sflag:$0x1] =	stream.indirect.gather [hbm4b:s4+s25], $0x80, s18, s25, $0xb8;
	[tilespmem:$0x1E000] =	vst v63  }
0x1c0: {  	_ =	swait.ge [sflag:s1], $0x4000  }
0x1c1: {  	[sflag:s1] =	ssyncset.done $0x0  }
0x1c2: {  	s18 =	simm.s32 $0x680;
	[sflag:s1] =	ssyncadd.s32 $0xFFFFC000  }
0x1c3: {  	[tilespmem:s26], [sflag:$0x2] =	stream.indirect.gather [hbm4b:s4+s25], $0x80, s18, s25, $0xb8;
	[tilespmem:$0x1E000] =	vst v63  }
0x1c4: {  	_ =	swait.ge [sflag:s28], $0x4000  }
0x1c5: {  	[sflag:s28] =	ssyncset.done $0x0  }
0x1c6: {  	s18 =	simm.s32 $0xE00;
	[sflag:s28] =	ssyncadd.s32 $0xFFFFC000  }
0x1c7: {  	[spmem:s2] =	stream.indirect.scatter.add.f32 [tilespmem:s22], [sflag:$0x3], $0x80, s18, s25, $0xb8;
	[tilespmem:$0x1E000] =	vst v63  }
0x1c8: {  	_ =	swait.ge [sflag:s29], $0x4000  }
0x1c9: {  	[sflag:s29] =	ssyncset.done $0x0  }
0x1ca: {  	s18 =	simm.s32 $0xE80;
	[sflag:s29] =	ssyncadd.s32 $0xFFFFC000  }
0x1cb: {  	[spmem:s2] =	stream.indirect.scatter.add.f32 [tilespmem:s26], [sflag:$0x4], $0x80, s18, s25, $0xb8;
	[tilespmem:$0x1E000] =	vst v63  }
0x1cc: {  	_ =	swait.ge [sflag:s31], $0x4000  }
0x1cd: {  	[sflag:s31] =	ssyncset.done $0x0  }
0x1ce: {  	s18 =	simm.s32 $0x700;
	[sflag:s31] =	ssyncadd.s32 $0xFFFFC000  }
0x1cf: {  	[tilespmem:s22], [sflag:$0x1] =	stream.indirect.gather [hbm4b:s4+s25], $0x80, s18, s25, $0xb8;
	[tilespmem:$0x1E000] =	vst v63  }
0x1d0: {  	_ =	swait.ge [sflag:s1], $0x4000  }
0x1d1: {  	[sflag:s1] =	ssyncset.done $0x0  }
0x1d2: {  	s18 =	simm.s32 $0x780;
	[sflag:s1] =	ssyncadd.s32 $0xFFFFC000  }
0x1d3: {  	[tilespmem:s26], [sflag:$0x2] =	stream.indirect.gather [hbm4b:s4+s25], $0x80, s18, s25, $0xb8;
	[tilespmem:$0x1E000] =	vst v63  }
0x1d4: {  	_ =	swait.ge [sflag:s28], $0x4000  }
0x1d5: {  	[sflag:s28] =	ssyncset.done $0x0  }
0x1d6: {  	s18 =	simm.s32 $0xF00;
	[sflag:s28] =	ssyncadd.s32 $0xFFFFC000  }
0x1d7: {  	[spmem:s2] =	stream.indirect.scatter.add.f32 [tilespmem:s22], [sflag:$0x3], $0x80, s18, s25, $0xb8;
	[tilespmem:$0x1E000] =	vst v63  }
0x1d8: {  	_ =	swait.ge [sflag:s29], $0x4000  }
0x1d9: {  	[sflag:s29] =	ssyncset.done $0x0  }
0x1da: {  	s18 =	simm.s32 $0xF80;
	[sflag:s29] =	ssyncadd.s32 $0xFFFFC000  }
0x1db: {  	[spmem:s2] =	stream.indirect.scatter.add.f32 [tilespmem:s26], [sflag:$0x4], $0x80, s18, s25, $0xb8;
	[tilespmem:$0x1E000] =	vst v63  }
0x1dc: {  	_ =	swait.ge [sflag:s31], $0x4000  }
0x1dd: {  	[sflag:s31] =	ssyncset.done $0x0  }
0x1de: {  	[sflag:s31] =	ssyncadd.s32 $0xFFFFC000  }
0x1df: {  	_ =	swait.ge [sflag:s1], $0x4000  }
0x1e0: {  	[sflag:s1] =	ssyncset.done $0x0  }
0x1e1: {  	s18 =	rddreg [dreg:$0xe];
	[sflag:s1] =	ssyncadd.s32 $0xFFFFC000  }
0x1e2: {  	[tilespmem:s0], [sflag:$0x5] =	stream.linear.gather [hbm4b:s18+s3], $0x800, $0x38;
	[tilespmem:$0x1E000] =	vst v63  }
0x1e3: {  	_ =	swait.ge [sflag:s23], $0x800  }
0x1e4: {  	[sflag:s23] =	ssyncset.done $0x0  }
0x1e5: {  	s18 =	rddreg [dreg:$0xf];
	[sflag:s23] =	ssyncadd.s32 $0xFFFFF800  }
0x1e6: {  	[tilespmem:s24], [sflag:$0x5] =	stream.linear.gather [hbm4b:s18+s3], $0x800, $0x38;
	[tilespmem:$0x1E000] =	vst v63  }
0x1e7: {  	_ =	swait.ge [sflag:s23], $0x800  }
0x1e8: {  	[sflag:s23] =	ssyncset.done $0x0  }
0x1e9: {  	[sflag:s23] =	ssyncadd.s32 $0xFFFFF800  }
0x1ea: {  	[tilespmem:s22], [sflag:$0x1] =	stream.indirect.gather [hbm4b:s4+s25], $0x80, s0, s25, $0xb8;
	[tilespmem:$0x1E000] =	vst v63  }
0x1eb: {  	_ = 	snop  }
0x1ec: {  	[tilespmem:s26], [sflag:$0x2] =	stream.indirect.gather [hbm4b:s4+s25], $0x80, s15, s25, $0xb8;
	[tilespmem:$0x1E000] =	vst v63  }
0x1ed: {  	_ =	swait.ge [sflag:s28], $0x4000  }
0x1ee: {  	[sflag:s28] =	ssyncset.done $0x0  }
0x1ef: {  	[sflag:s28] =	ssyncadd.s32 $0xFFFFC000  }
0x1f0: {  	[spmem:s2] =	stream.indirect.scatter.add.f32 [tilespmem:s22], [sflag:$0x3], $0x80, s24, s25, $0xb8;
	[tilespmem:$0x1E000] =	vst v63  }
0x1f1: {  	_ =	swait.ge [sflag:s29], $0x4000  }
0x1f2: {  	[sflag:s29] =	ssyncset.done $0x0  }
0x1f3: {  	[sflag:s29] =	ssyncadd.s32 $0xFFFFC000  }
0x1f4: {  	[spmem:s2] =	stream.indirect.scatter.add.f32 [tilespmem:s26], [sflag:$0x4], $0x80, s6, s25, $0xb8;
	[tilespmem:$0x1E000] =	vst v63  }
0x1f5: {  	_ =	swait.ge [sflag:s31], $0x4000  }
0x1f6: {  	[sflag:s31] =	ssyncset.done $0x0  }
0x1f7: {  	[sflag:s31] =	ssyncadd.s32 $0xFFFFC000  }
0x1f8: {  	[tilespmem:s22], [sflag:$0x1] =	stream.indirect.gather [hbm4b:s4+s25], $0x80, s7, s25, $0xb8;
	[tilespmem:$0x1E000] =	vst v63  }
0x1f9: {  	_ =	swait.ge [sflag:s1], $0x4000  }
0x1fa: {  	[sflag:s1] =	ssyncset.done $0x0  }
0x1fb: {  	[sflag:s1] =	ssyncadd.s32 $0xFFFFC000  }
0x1fc: {  	[tilespmem:s26], [sflag:$0x2] =	stream.indirect.gather [hbm4b:s4+s25], $0x80, s8, s25, $0xb8;
	[tilespmem:$0x1E000] =	vst v63  }
0x1fd: {  	_ =	swait.ge [sflag:s28], $0x4000  }
0x1fe: {  	[sflag:s28] =	ssyncset.done $0x0  }
0x1ff: {  	[sflag:s28] =	ssyncadd.s32 $0xFFFFC000  }
0x200: {  	[spmem:s2] =	stream.indirect.scatter.add.f32 [tilespmem:s22], [sflag:$0x3], $0x80, s9, s25, $0xb8;
	[tilespmem:$0x1E000] =	vst v63  }
0x201: {  	_ =	swait.ge [sflag:s29], $0x4000  }
0x202: {  	[sflag:s29] =	ssyncset.done $0x0  }
0x203: {  	[sflag:s29] =	ssyncadd.s32 $0xFFFFC000  }
0x204: {  	[spmem:s2] =	stream.indirect.scatter.add.f32 [tilespmem:s26], [sflag:$0x4], $0x80, s10, s25, $0xb8;
	[tilespmem:$0x1E000] =	vst v63  }
0x205: {  	_ =	swait.ge [sflag:s31], $0x4000  }
0x206: {  	[sflag:s31] =	ssyncset.done $0x0  }
0x207: {  	[sflag:s31] =	ssyncadd.s32 $0xFFFFC000  }
0x208: {  	[tilespmem:s22], [sflag:$0x1] =	stream.indirect.gather [hbm4b:s4+s25], $0x80, s11, s25, $0xb8;
	[tilespmem:$0x1E000] =	vst v63  }
0x209: {  	_ =	swait.ge [sflag:s1], $0x4000  }
0x20a: {  	[sflag:s1] =	ssyncset.done $0x0  }
0x20b: {  	[sflag:s1] =	ssyncadd.s32 $0xFFFFC000  }
0x20c: {  	[tilespmem:s26], [sflag:$0x2] =	stream.indirect.gather [hbm4b:s4+s25], $0x80, s12, s25, $0xb8;
	[tilespmem:$0x1E000] =	vst v63  }
0x20d: {  	_ =	swait.ge [sflag:s28], $0x4000  }
0x20e: {  	[sflag:s28] =	ssyncset.done $0x0  }
0x20f: {  	[sflag:s28] =	ssyncadd.s32 $0xFFFFC000  }
0x210: {  	[spmem:s2] =	stream.indirect.scatter.add.f32 [tilespmem:s22], [sflag:$0x3], $0x80, s13, s25, $0xb8;
	[tilespmem:$0x1E000] =	vst v63  }
0x211: {  	_ =	swait.ge [sflag:s29], $0x4000  }
0x212: {  	[sflag:s29] =	ssyncset.done $0x0  }
0x213: {  	[sflag:s29] =	ssyncadd.s32 $0xFFFFC000  }
0x214: {  	[spmem:s2] =	stream.indirect.scatter.add.f32 [tilespmem:s26], [sflag:$0x4], $0x80, s14, s25, $0xb8;
	[tilespmem:$0x1E000] =	vst v63  }
0x215: {  	_ =	swait.ge [sflag:s31], $0x4000  }
0x216: {  	[sflag:s31] =	ssyncset.done $0x0  }
0x217: {  	[sflag:s31] =	ssyncadd.s32 $0xFFFFC000  }
0x218: {  	[tilespmem:s22], [sflag:$0x1] =	stream.indirect.gather [hbm4b:s4+s25], $0x80, s16, s25, $0xb8;
	[tilespmem:$0x1E000] =	vst v63  }
0x219: {  	_ =	swait.ge [sflag:s1], $0x4000  }
0x21a: {  	[sflag:s1] =	ssyncset.done $0x0  }
0x21b: {  	[sflag:s1] =	ssyncadd.s32 $0xFFFFC000  }
0x21c: {  	[tilespmem:s26], [sflag:$0x2] =	stream.indirect.gather [hbm4b:s4+s25], $0x80, s21, s25, $0xb8;
	[tilespmem:$0x1E000] =	vst v63  }
0x21d: {  	_ =	swait.ge [sflag:s28], $0x4000  }
0x21e: {  	[sflag:s28] =	ssyncset.done $0x0  }
0x21f: {  	[sflag:s28] =	ssyncadd.s32 $0xFFFFC000  }
0x220: {  	[spmem:s2] =	stream.indirect.scatter.add.f32 [tilespmem:s22], [sflag:$0x3], $0x80, s30, s25, $0xb8;
	[tilespmem:$0x1E000] =	vst v63  }
0x221: {  	_ =	swait.ge [sflag:s29], $0x4000  }
0x222: {  	[sflag:s29] =	ssyncset.done $0x0  }
0x223: {  	[sflag:s29] =	ssyncadd.s32 $0xFFFFC000  }
0x224: {  	[spmem:s2] =	stream.indirect.scatter.add.f32 [tilespmem:s26], [sflag:$0x4], $0x80, s19, s25, $0xb8;
	[tilespmem:$0x1E000] =	vst v63  }
0x225: {  	_ =	swait.ge [sflag:s31], $0x4000  }
0x226: {  	[sflag:s31] =	ssyncset.done $0x0  }
0x227: {  	[sflag:s31] =	ssyncadd.s32 $0xFFFFC000  }
0x228: {  	[tilespmem:s22], [sflag:$0x1] =	stream.indirect.gather [hbm4b:s4+s25], $0x80, s20, s25, $0xb8;
	[tilespmem:$0x1E000] =	vst v63  }
0x229: {  	_ =	swait.ge [sflag:s1], $0x4000  }
0x22a: {  	[sflag:s1] =	ssyncset.done $0x0  }
0x22b: {  	s20 =	simm.s32 $0x1480;
	[sflag:s1] =	ssyncadd.s32 $0xFFFFC000  }
0x22c: {  	[tilespmem:s26], [sflag:$0x2] =	stream.indirect.gather [hbm4b:s4+s25], $0x80, s20, s25, $0xb8;
	[tilespmem:$0x1E000] =	vst v63  }
0x22d: {  	_ =	swait.ge [sflag:s28], $0x4000  }
0x22e: {  	[sflag:s28] =	ssyncset.done $0x0  }
0x22f: {  	s18 =	simm.s32 $0x1C00;
	[sflag:s28] =	ssyncadd.s32 $0xFFFFC000  }
0x230: {  	[spmem:s2] =	stream.indirect.scatter.add.f32 [tilespmem:s22], [sflag:$0x3], $0x80, s18, s25, $0xb8;
	[tilespmem:$0x1E000] =	vst v63  }
0x231: {  	_ =	swait.ge [sflag:s29], $0x4000  }
0x232: {  	[sflag:s29] =	ssyncset.done $0x0  }
0x233: {  	s19 =	simm.s32 $0x1C80;
	[sflag:s29] =	ssyncadd.s32 $0xFFFFC000  }
0x234: {  	[spmem:s2] =	stream.indirect.scatter.add.f32 [tilespmem:s26], [sflag:$0x4], $0x80, s19, s25, $0xb8;
	[tilespmem:$0x1E000] =	vst v63  }
0x235: {  	_ =	swait.ge [sflag:s31], $0x4000  }
0x236: {  	[sflag:s31] =	ssyncset.done $0x0  }
0x237: {  	s20 =	simm.s32 $0x1500;
	[sflag:s31] =	ssyncadd.s32 $0xFFFFC000  }
0x238: {  	[tilespmem:s22], [sflag:$0x1] =	stream.indirect.gather [hbm4b:s4+s25], $0x80, s20, s25, $0xb8;
	[tilespmem:$0x1E000] =	vst v63  }
0x239: {  	_ =	swait.ge [sflag:s1], $0x4000  }
0x23a: {  	[sflag:s1] =	ssyncset.done $0x0  }
0x23b: {  	s18 =	simm.s32 $0x1580;
	[sflag:s1] =	ssyncadd.s32 $0xFFFFC000  }
0x23c: {  	[tilespmem:s26], [sflag:$0x2] =	stream.indirect.gather [hbm4b:s4+s25], $0x80, s18, s25, $0xb8;
	[tilespmem:$0x1E000] =	vst v63  }
0x23d: {  	_ =	swait.ge [sflag:s28], $0x4000  }
0x23e: {  	[sflag:s28] =	ssyncset.done $0x0  }
0x23f: {  	s19 =	simm.s32 $0x1D00;
	[sflag:s28] =	ssyncadd.s32 $0xFFFFC000  }
0x240: {  	[spmem:s2] =	stream.indirect.scatter.add.f32 [tilespmem:s22], [sflag:$0x3], $0x80, s19, s25, $0xb8;
	[tilespmem:$0x1E000] =	vst v63  }
0x241: {  	_ =	swait.ge [sflag:s29], $0x4000  }
0x242: {  	[sflag:s29] =	ssyncset.done $0x0  }
0x243: {  	s20 =	simm.s32 $0x1D80;
	[sflag:s29] =	ssyncadd.s32 $0xFFFFC000  }
0x244: {  	[spmem:s2] =	stream.indirect.scatter.add.f32 [tilespmem:s26], [sflag:$0x4], $0x80, s20, s25, $0xb8;
	[tilespmem:$0x1E000] =	vst v63  }
0x245: {  	_ =	swait.ge [sflag:s31], $0x4000  }
0x246: {  	[sflag:s31] =	ssyncset.done $0x0  }
0x247: {  	s18 =	simm.s32 $0x1600;
	[sflag:s31] =	ssyncadd.s32 $0xFFFFC000  }
0x248: {  	[tilespmem:s22], [sflag:$0x1] =	stream.indirect.gather [hbm4b:s4+s25], $0x80, s18, s25, $0xb8;
	[tilespmem:$0x1E000] =	vst v63  }
0x249: {  	_ =	swait.ge [sflag:s1], $0x4000  }
0x24a: {  	[sflag:s1] =	ssyncset.done $0x0  }
0x24b: {  	s19 =	simm.s32 $0x1680;
	[sflag:s1] =	ssyncadd.s32 $0xFFFFC000  }
0x24c: {  	[tilespmem:s26], [sflag:$0x2] =	stream.indirect.gather [hbm4b:s4+s25], $0x80, s19, s25, $0xb8;
	[tilespmem:$0x1E000] =	vst v63  }
0x24d: {  	_ =	swait.ge [sflag:s28], $0x4000  }
0x24e: {  	[sflag:s28] =	ssyncset.done $0x0  }
0x24f: {  	s20 =	simm.s32 $0x1E00;
	[sflag:s28] =	ssyncadd.s32 $0xFFFFC000  }
0x250: {  	[spmem:s2] =	stream.indirect.scatter.add.f32 [tilespmem:s22], [sflag:$0x3], $0x80, s20, s25, $0xb8;
	[tilespmem:$0x1E000] =	vst v63  }
0x251: {  	_ =	swait.ge [sflag:s29], $0x4000  }
0x252: {  	[sflag:s29] =	ssyncset.done $0x0  }
0x253: {  	s18 =	simm.s32 $0x1E80;
	[sflag:s29] =	ssyncadd.s32 $0xFFFFC000  }
0x254: {  	[spmem:s2] =	stream.indirect.scatter.add.f32 [tilespmem:s26], [sflag:$0x4], $0x80, s18, s25, $0xb8;
	[tilespmem:$0x1E000] =	vst v63  }
0x255: {  	_ =	swait.ge [sflag:s31], $0x4000  }
0x256: {  	[sflag:s31] =	ssyncset.done $0x0  }
0x257: {  	s19 =	simm.s32 $0x1700;
	[sflag:s31] =	ssyncadd.s32 $0xFFFFC000  }
0x258: {  	[tilespmem:s22], [sflag:$0x1] =	stream.indirect.gather [hbm4b:s4+s25], $0x80, s19, s25, $0xb8;
	[tilespmem:$0x1E000] =	vst v63  }
0x259: {  	_ =	swait.ge [sflag:s1], $0x4000  }
0x25a: {  	[sflag:s1] =	ssyncset.done $0x0  }
0x25b: {  	s20 =	simm.s32 $0x1780;
	[sflag:s1] =	ssyncadd.s32 $0xFFFFC000  }
0x25c: {  	[tilespmem:s26], [sflag:$0x2] =	stream.indirect.gather [hbm4b:s4+s25], $0x80, s20, s25, $0xb8;
	[tilespmem:$0x1E000] =	vst v63  }
0x25d: {  	_ =	swait.ge [sflag:s28], $0x4000  }
0x25e: {  	[sflag:s28] =	ssyncset.done $0x0  }
0x25f: {  	s18 =	simm.s32 $0x1F00;
	[sflag:s28] =	ssyncadd.s32 $0xFFFFC000  }
0x260: {  	[spmem:s2] =	stream.indirect.scatter.add.f32 [tilespmem:s22], [sflag:$0x3], $0x80, s18, s25, $0xb8;
	[tilespmem:$0x1E000] =	vst v63  }
0x261: {  	_ =	swait.ge [sflag:s29], $0x4000  }
0x262: {  	[sflag:s29] =	ssyncset.done $0x0  }
0x263: {  	s19 =	simm.s32 $0x1F80;
	[sflag:s29] =	ssyncadd.s32 $0xFFFFC000  }
0x264: {  	[spmem:s2] =	stream.indirect.scatter.add.f32 [tilespmem:s26], [sflag:$0x4], $0x80, s19, s25, $0xb8;
	[tilespmem:$0x1E000] =	vst v63  }
0x265: {  	_ =	swait.ge [sflag:s31], $0x4000  }
0x266: {  	[sflag:s31] =	ssyncset.done $0x0  }
0x267: {  	[sflag:s31] =	ssyncadd.s32 $0xFFFFC000  }
0x268: {  	_ =	swait.ge [sflag:s1], $0x4000  }
0x269: {  	[sflag:s1] =	ssyncset.done $0x0  }
0x26a: {  	s20 =	rddreg [dreg:$0x10];
	[sflag:s1] =	ssyncadd.s32 $0xFFFFC000  }
0x26b: {  	[tilespmem:s3], [sflag:$0x5] =	stream.linear.gather [hbm4b:s20+s3], $0x800, $0x38;
	[tilespmem:$0x1E000] =	vst v63  }
0x26c: {  	_ =	swait.ge [sflag:s23], $0x800  }
0x26d: {  	[sflag:s23] =	ssyncset.done $0x0  }
0x26e: {  	s0 =	rddreg [dreg:$0x11];
	[sflag:s23] =	ssyncadd.s32 $0xFFFFF800  }
0x26f: {  	[tilespmem:s5], [sflag:$0x5] =	stream.linear.gather [hbm4b:s0+s3], $0x800, $0x38;
	[tilespmem:$0x1E000] =	vst v63  }
0x270: {  	_ =	swait.ge [sflag:s23], $0x800  }
0x271: {  	[sflag:s23] =	ssyncset.done $0x0  }
0x272: {  	[sflag:s23] =	ssyncadd.s32 $0xFFFFF800  }
0x273: {  	[tilespmem:s22], [sflag:$0x1] =	stream.indirect.gather [hbm4b:s4+s25], $0x80, s3, s25, $0xb8;
	[tilespmem:$0x1E000] =	vst v63  }
0x274: {  	_ = 	snop  }
0x275: {  	[tilespmem:s26], [sflag:$0x2] =	stream.indirect.gather [hbm4b:s4+s25], $0x80, s25, s25, $0xb8;
	[tilespmem:$0x1E000] =	vst v63  }
0x276: {  	_ =	swait.ge [sflag:s28], $0x4000  }
0x277: {  	[sflag:s28] =	ssyncset.done $0x0  }
0x278: {  	[sflag:s28] =	ssyncadd.s32 $0xFFFFC000  }
0x279: {  	[spmem:s2] =	stream.indirect.scatter.add.f32 [tilespmem:s22], [sflag:$0x3], $0x80, s5, s25, $0xb8;
	[tilespmem:$0x1E000] =	vst v63  }
0x27a: {  	_ =	swait.ge [sflag:s29], $0x4000  }
0x27b: {  	[sflag:s29] =	ssyncset.done $0x0  }
0x27c: {  	s19 =	simm.s32 $0x880;
	[sflag:s29] =	ssyncadd.s32 $0xFFFFC000  }
0x27d: {  	[spmem:s2] =	stream.indirect.scatter.add.f32 [tilespmem:s26], [sflag:$0x4], $0x80, s19, s25, $0xb8;
	[tilespmem:$0x1E000] =	vst v63  }
0x27e: {  	_ =	swait.ge [sflag:s31], $0x4000  }
0x27f: {  	[sflag:s31] =	ssyncset.done $0x0  }
0x280: {  	s20 =	simm.s32 $0x100;
	[sflag:s31] =	ssyncadd.s32 $0xFFFFC000  }
0x281: {  	[tilespmem:s22], [sflag:$0x1] =	stream.indirect.gather [hbm4b:s4+s25], $0x80, s20, s25, $0xb8;
	[tilespmem:$0x1E000] =	vst v63  }
0x282: {  	_ =	swait.ge [sflag:s1], $0x4000  }
0x283: {  	[sflag:s1] =	ssyncset.done $0x0  }
0x284: {  	s18 =	simm.s32 $0x180;
	[sflag:s1] =	ssyncadd.s32 $0xFFFFC000  }
0x285: {  	[tilespmem:s26], [sflag:$0x2] =	stream.indirect.gather [hbm4b:s4+s25], $0x80, s18, s25, $0xb8;
	[tilespmem:$0x1E000] =	vst v63  }
0x286: {  	_ =	swait.ge [sflag:s28], $0x4000  }
0x287: {  	[sflag:s28] =	ssyncset.done $0x0  }
0x288: {  	s19 =	simm.s32 $0x900;
	[sflag:s28] =	ssyncadd.s32 $0xFFFFC000  }
0x289: {  	[spmem:s2] =	stream.indirect.scatter.add.f32 [tilespmem:s22], [sflag:$0x3], $0x80, s19, s25, $0xb8;
	[tilespmem:$0x1E000] =	vst v63  }
0x28a: {  	_ =	swait.ge [sflag:s29], $0x4000  }
0x28b: {  	[sflag:s29] =	ssyncset.done $0x0  }
0x28c: {  	s20 =	simm.s32 $0x980;
	[sflag:s29] =	ssyncadd.s32 $0xFFFFC000  }
0x28d: {  	[spmem:s2] =	stream.indirect.scatter.add.f32 [tilespmem:s26], [sflag:$0x4], $0x80, s20, s25, $0xb8;
	[tilespmem:$0x1E000] =	vst v63  }
0x28e: {  	_ =	swait.ge [sflag:s31], $0x4000  }
0x28f: {  	[sflag:s31] =	ssyncset.done $0x0  }
0x290: {  	s18 =	simm.s32 $0x200;
	[sflag:s31] =	ssyncadd.s32 $0xFFFFC000  }
0x291: {  	[tilespmem:s22], [sflag:$0x1] =	stream.indirect.gather [hbm4b:s4+s25], $0x80, s18, s25, $0xb8;
	[tilespmem:$0x1E000] =	vst v63  }
0x292: {  	_ =	swait.ge [sflag:s1], $0x4000  }
0x293: {  	[sflag:s1] =	ssyncset.done $0x0  }
0x294: {  	s19 =	simm.s32 $0x280;
	[sflag:s1] =	ssyncadd.s32 $0xFFFFC000  }
0x295: {  	[tilespmem:s26], [sflag:$0x2] =	stream.indirect.gather [hbm4b:s4+s25], $0x80, s19, s25, $0xb8;
	[tilespmem:$0x1E000] =	vst v63  }
0x296: {  	_ =	swait.ge [sflag:s28], $0x4000  }
0x297: {  	[sflag:s28] =	ssyncset.done $0x0  }
0x298: {  	s20 =	simm.s32 $0xA00;
	[sflag:s28] =	ssyncadd.s32 $0xFFFFC000  }
0x299: {  	[spmem:s2] =	stream.indirect.scatter.add.f32 [tilespmem:s22], [sflag:$0x3], $0x80, s20, s25, $0xb8;
	[tilespmem:$0x1E000] =	vst v63  }
0x29a: {  	_ =	swait.ge [sflag:s29], $0x4000  }
0x29b: {  	[sflag:s29] =	ssyncset.done $0x0  }
0x29c: {  	s18 =	simm.s32 $0xA80;
	[sflag:s29] =	ssyncadd.s32 $0xFFFFC000  }
0x29d: {  	[spmem:s2] =	stream.indirect.scatter.add.f32 [tilespmem:s26], [sflag:$0x4], $0x80, s18, s25, $0xb8;
	[tilespmem:$0x1E000] =	vst v63  }
0x29e: {  	_ =	swait.ge [sflag:s31], $0x4000  }
0x29f: {  	[sflag:s31] =	ssyncset.done $0x0  }
0x2a0: {  	s19 =	simm.s32 $0x300;
	[sflag:s31] =	ssyncadd.s32 $0xFFFFC000  }
0x2a1: {  	[tilespmem:s22], [sflag:$0x1] =	stream.indirect.gather [hbm4b:s4+s25], $0x80, s19, s25, $0xb8;
	[tilespmem:$0x1E000] =	vst v63  }
0x2a2: {  	_ =	swait.ge [sflag:s1], $0x4000  }
0x2a3: {  	[sflag:s1] =	ssyncset.done $0x0  }
0x2a4: {  	s20 =	simm.s32 $0x380;
	[sflag:s1] =	ssyncadd.s32 $0xFFFFC000  }
0x2a5: {  	[tilespmem:s26], [sflag:$0x2] =	stream.indirect.gather [hbm4b:s4+s25], $0x80, s20, s25, $0xb8;
	[tilespmem:$0x1E000] =	vst v63  }
0x2a6: {  	_ =	swait.ge [sflag:s28], $0x4000  }
0x2a7: {  	[sflag:s28] =	ssyncset.done $0x0  }
0x2a8: {  	s18 =	simm.s32 $0xB00;
	[sflag:s28] =	ssyncadd.s32 $0xFFFFC000  }
0x2a9: {  	[spmem:s2] =	stream.indirect.scatter.add.f32 [tilespmem:s22], [sflag:$0x3], $0x80, s18, s25, $0xb8;
	[tilespmem:$0x1E000] =	vst v63  }
0x2aa: {  	_ =	swait.ge [sflag:s29], $0x4000  }
0x2ab: {  	[sflag:s29] =	ssyncset.done $0x0  }
0x2ac: {  	s19 =	simm.s32 $0xB80;
	[sflag:s29] =	ssyncadd.s32 $0xFFFFC000  }
0x2ad: {  	[spmem:s2] =	stream.indirect.scatter.add.f32 [tilespmem:s26], [sflag:$0x4], $0x80, s19, s25, $0xb8;
	[tilespmem:$0x1E000] =	vst v63  }
0x2ae: {  	_ =	swait.ge [sflag:s31], $0x4000  }
0x2af: {  	[sflag:s31] =	ssyncset.done $0x0  }
0x2b0: {  	s20 =	simm.s32 $0x400;
	[sflag:s31] =	ssyncadd.s32 $0xFFFFC000  }
0x2b1: {  	[tilespmem:s22], [sflag:$0x1] =	stream.indirect.gather [hbm4b:s4+s25], $0x80, s20, s25, $0xb8;
	[tilespmem:$0x1E000] =	vst v63  }
0x2b2: {  	_ =	swait.ge [sflag:s1], $0x4000  }
0x2b3: {  	[sflag:s1] =	ssyncset.done $0x0  }
0x2b4: {  	s18 =	simm.s32 $0x480;
	[sflag:s1] =	ssyncadd.s32 $0xFFFFC000  }
0x2b5: {  	[tilespmem:s26], [sflag:$0x2] =	stream.indirect.gather [hbm4b:s4+s25], $0x80, s18, s25, $0xb8;
	[tilespmem:$0x1E000] =	vst v63  }
0x2b6: {  	_ =	swait.ge [sflag:s28], $0x4000  }
0x2b7: {  	[sflag:s28] =	ssyncset.done $0x0  }
0x2b8: {  	s19 =	simm.s32 $0xC00;
	[sflag:s28] =	ssyncadd.s32 $0xFFFFC000  }
0x2b9: {  	[spmem:s2] =	stream.indirect.scatter.add.f32 [tilespmem:s22], [sflag:$0x3], $0x80, s19, s25, $0xb8;
	[tilespmem:$0x1E000] =	vst v63  }
0x2ba: {  	_ =	swait.ge [sflag:s29], $0x4000  }
0x2bb: {  	[sflag:s29] =	ssyncset.done $0x0  }
0x2bc: {  	s20 =	simm.s32 $0xC80;
	[sflag:s29] =	ssyncadd.s32 $0xFFFFC000  }
0x2bd: {  	[spmem:s2] =	stream.indirect.scatter.add.f32 [tilespmem:s26], [sflag:$0x4], $0x80, s20, s25, $0xb8;
	[tilespmem:$0x1E000] =	vst v63  }
0x2be: {  	_ =	swait.ge [sflag:s31], $0x4000  }
0x2bf: {  	[sflag:s31] =	ssyncset.done $0x0  }
0x2c0: {  	s18 =	simm.s32 $0x500;
	[sflag:s31] =	ssyncadd.s32 $0xFFFFC000  }
0x2c1: {  	[tilespmem:s22], [sflag:$0x1] =	stream.indirect.gather [hbm4b:s4+s25], $0x80, s18, s25, $0xb8;
	[tilespmem:$0x1E000] =	vst v63  }
0x2c2: {  	_ =	swait.ge [sflag:s1], $0x4000  }
0x2c3: {  	[sflag:s1] =	ssyncset.done $0x0  }
0x2c4: {  	s19 =	simm.s32 $0x580;
	[sflag:s1] =	ssyncadd.s32 $0xFFFFC000  }
0x2c5: {  	[tilespmem:s26], [sflag:$0x2] =	stream.indirect.gather [hbm4b:s4+s25], $0x80, s19, s25, $0xb8;
	[tilespmem:$0x1E000] =	vst v63  }
0x2c6: {  	_ =	swait.ge [sflag:s28], $0x4000  }
0x2c7: {  	[sflag:s28] =	ssyncset.done $0x0  }
0x2c8: {  	s20 =	simm.s32 $0xD00;
	[sflag:s28] =	ssyncadd.s32 $0xFFFFC000  }
0x2c9: {  	[spmem:s2] =	stream.indirect.scatter.add.f32 [tilespmem:s22], [sflag:$0x3], $0x80, s20, s25, $0xb8;
	[tilespmem:$0x1E000] =	vst v63  }
0x2ca: {  	_ =	swait.ge [sflag:s29], $0x4000  }
0x2cb: {  	[sflag:s29] =	ssyncset.done $0x0  }
0x2cc: {  	s18 =	simm.s32 $0xD80;
	[sflag:s29] =	ssyncadd.s32 $0xFFFFC000  }
0x2cd: {  	[spmem:s2] =	stream.indirect.scatter.add.f32 [tilespmem:s26], [sflag:$0x4], $0x80, s18, s25, $0xb8;
	[tilespmem:$0x1E000] =	vst v63  }
0x2ce: {  	_ =	swait.ge [sflag:s31], $0x4000  }
0x2cf: {  	[sflag:s31] =	ssyncset.done $0x0  }
0x2d0: {  	s19 =	simm.s32 $0x600;
	[sflag:s31] =	ssyncadd.s32 $0xFFFFC000  }
0x2d1: {  	[tilespmem:s22], [sflag:$0x1] =	stream.indirect.gather [hbm4b:s4+s25], $0x80, s19, s25, $0xb8;
	[tilespmem:$0x1E000] =	vst v63  }
0x2d2: {  	_ =	swait.ge [sflag:s1], $0x4000  }
0x2d3: {  	[sflag:s1] =	ssyncset.done $0x0  }
0x2d4: {  	s20 =	simm.s32 $0x680;
	[sflag:s1] =	ssyncadd.s32 $0xFFFFC000  }
0x2d5: {  	[tilespmem:s26], [sflag:$0x2] =	stream.indirect.gather [hbm4b:s4+s25], $0x80, s20, s25, $0xb8;
	[tilespmem:$0x1E000] =	vst v63  }
0x2d6: {  	_ =	swait.ge [sflag:s28], $0x4000  }
0x2d7: {  	[sflag:s28] =	ssyncset.done $0x0  }
0x2d8: {  	s18 =	simm.s32 $0xE00;
	[sflag:s28] =	ssyncadd.s32 $0xFFFFC000  }
0x2d9: {  	[spmem:s2] =	stream.indirect.scatter.add.f32 [tilespmem:s22], [sflag:$0x3], $0x80, s18, s25, $0xb8;
	[tilespmem:$0x1E000] =	vst v63  }
0x2da: {  	_ =	swait.ge [sflag:s29], $0x4000  }
0x2db: {  	[sflag:s29] =	ssyncset.done $0x0  }
0x2dc: {  	s19 =	simm.s32 $0xE80;
	[sflag:s29] =	ssyncadd.s32 $0xFFFFC000  }
0x2dd: {  	[spmem:s2] =	stream.indirect.scatter.add.f32 [tilespmem:s26], [sflag:$0x4], $0x80, s19, s25, $0xb8;
	[tilespmem:$0x1E000] =	vst v63  }
0x2de: {  	_ =	swait.ge [sflag:s31], $0x4000  }
0x2df: {  	[sflag:s31] =	ssyncset.done $0x0  }
0x2e0: {  	s20 =	simm.s32 $0x700;
	[sflag:s31] =	ssyncadd.s32 $0xFFFFC000  }
0x2e1: {  	[tilespmem:s22], [sflag:$0x1] =	stream.indirect.gather [hbm4b:s4+s25], $0x80, s20, s25, $0xb8;
	[tilespmem:$0x1E000] =	vst v63  }
0x2e2: {  	_ =	swait.ge [sflag:s1], $0x4000  }
0x2e3: {  	[sflag:s1] =	ssyncset.done $0x0  }
0x2e4: {  	s18 =	simm.s32 $0x780;
	[sflag:s1] =	ssyncadd.s32 $0xFFFFC000  }
0x2e5: {  	[tilespmem:s26], [sflag:$0x2] =	stream.indirect.gather [hbm4b:s4+s25], $0x80, s18, s25, $0xb8;
	[tilespmem:$0x1E000] =	vst v63  }
0x2e6: {  	_ =	swait.ge [sflag:s28], $0x4000  }
0x2e7: {  	[sflag:s28] =	ssyncset.done $0x0  }
0x2e8: {  	s19 =	simm.s32 $0xF00;
	[sflag:s28] =	ssyncadd.s32 $0xFFFFC000  }
0x2e9: {  	[spmem:s2] =	stream.indirect.scatter.add.f32 [tilespmem:s22], [sflag:$0x3], $0x80, s19, s25, $0xb8;
	[tilespmem:$0x1E000] =	vst v63  }
0x2ea: {  	_ =	swait.ge [sflag:s29], $0x4000  }
0x2eb: {  	[sflag:s29] =	ssyncset.done $0x0  }
0x2ec: {  	s20 =	simm.s32 $0xF80;
	[sflag:s29] =	ssyncadd.s32 $0xFFFFC000  }
0x2ed: {  	[spmem:s2] =	stream.indirect.scatter.add.f32 [tilespmem:s26], [sflag:$0x4], $0x80, s20, s25, $0xb8;
	[tilespmem:$0x1E000] =	vst v63  }
0x2ee: {  	_ =	swait.ge [sflag:s31], $0x4000  }
0x2ef: {  	[sflag:s31] =	ssyncset.done $0x0  }
0x2f0: {  	[sflag:s31] =	ssyncadd.s32 $0xFFFFC000  }
0x2f1: {  	_ =	swait.ge [sflag:s1], $0x4000  }
0x2f2: {  	[sflag:s1] =	ssyncset.done $0x0  }
0x2f3: {  	[sflag:s1] =	ssyncadd.s32 $0xFFFFC000  }
0x2f4: {  	s0 =	stileid.u32;
	[bflag:$0x0] =	sbarrier.arrive $0xFFFF  }
0x2f5: {  	s18 =	sshll.u32 s0, $0x6;
	s19 =	rddreg [dreg:$0x14]  }
0x2f6: {  	s18 =	sor.u32 $0x1C05, s18;
	s0 =	rddreg [dreg:$0x12];
	s20 =	sshrl.u32 s19, $0x3  }
0x2f7: {  	[hbm:s0], [sflag:s18] =	dma.local [spmem:s20], $0x2800  }
0x2f8: {  	_ =	swait.ge [sflag:s23], $0x2800  }
0x2f9: {  	s17 =	sadd.s32 $0x1, s17;
	s20 =	rddreg [dreg:$0x13]  }
0x2fa: {  	p0 =	sne.s32 s17, s20  }
.Ltmp1:
0x2fb: {  	_ = 	snop;
	(pc) =	sbr.rel @p0 .LBB2_1-.Ltmp1, $3  }
0x2fc: {  	_ =	sdelay $0x1  }
0x2fd: {  	[sflag:s23] =	ssyncset.done $0x0  }
0x2fe: {  	[sflag:s23] =	ssyncadd.s32 $0xFFFFD800  }
0x2ff: {  	_ =	sfence.sel $0x180000  }
0x300: {  	[bflag:$0x0] =	sbarrier.arrive $0xFFFF  }
0x301: {  	_ =	strace $0x9000004D  }
0x302: {  	s0 =	stileid.u32;
	[bflag:$0x2] =	sbarrier.arrive $0xFFFF  }
0x303: {  	p0 =	sne.s32 s0, $0x0;
	s0 =	rddreg [dreg:$0x3]  }
0x304: {  	s0 =	sadd.s32 @!p0 $0x100000, s0  }
0x305: {  	[sflag:s0] =	ssyncadd.tile.s32 @!p0 $0x1;
	_ =	shalt  }
.Lfunc_end2:
_tile_overlayer_lowered:
.L_overlay_start_2:
0x306: {  	(tag) =	ssettag $0x2  }
0x307: {  	s0 =	rddreg [dreg:$0x0];
	s2 =	stileid.u32  }
0x308: {  	s1 =	rddreg [dreg:$0x1];
	p0 =	sne.s32 s2, $0x0  }
0x309: {  	s3 =	rddreg [dreg:$0x2];
	[bflag:$0x3] =	sbarrier.arrive $0xFFFF;
	s2 =	simm.s32 @!p0 $0x1C05  }
0x30a: {  	[timem:s3], [sflag:s2] =	dma.local @!p0 [hbm:s0], s1  }
0x30b: {  	s0 =	simm.s32 @!p0 $0x5  }
0x30c: {  	_ =	swait.ge @!p0 [sflag:s0], s1  }
0x30d: {  	s1 =	ssub.s32 @!p0 $0x0, s1;
	[sflag:s0] =	ssyncset.done @!p0 $0x0  }
0x30e: {  	[sflag:s0] =	ssyncadd.s32 @!p0 s1  }
0x30f: {  	[bflag:$0x3] =	sbarrier.arrive $0xFFFF  }
0x310: {  	_ =	shalt  }

// kernel: kernel.8.cloned.1.call-start
scs
__scs_entry_jumppad:
0x0: {  	(pc) =	sbr.rel $0x88, $3  }
0x1: {  	(tag) =	ssettag $0x0;
	lr =	simm.s32 $0x1  }
0x2: {  	[smem:$0x3F9B] =	sst lr;
	_ =	strace $0xD0000000  }
0x3: {  	_ = 	snop  }
0x4: {  	_ = 	snop  }
0x5: {  	_ = 	snop  }
0x6: {  	_ = 	snop  }
0x7: {  	_ = 	snop  }
__scs_overlays_trampoline_lowered:
0x8: {  	[smem:$0x3FAA] =	sst s0  }
0x9: {  	[smem:$0x3FAB] =	sst s1  }
0xa: {  	[smem:$0x3FAC] =	sst s2  }
0xb: {  	[smem:$0x3FAD] =	sst s3  }
0xc: {  	[smem:$0x3FAE] =	sst s4  }
0xd: {  	[smem:$0x3FAF] =	sst s5  }
0xe: {  	[smem:$0x3FB0] =	sst s6  }
0xf: {  	[smem:$0x3FB1] =	sst s7  }
0x10: {  	[smem:$0x3FB2] =	sst s8  }
0x11: {  	[smem:$0x3FB3] =	sst s9;
	s0 =	simm.s32 @!p0 $0x0  }
0x12: {  	s1 =	sld [smem:$0x3F99];
	s0 =	simm.s32 @p0 $0x1  }
0x13: {  	[smem:$0x3FB4] =	sst s0;
	s0 =	simm.s32 @!p1 $0x0  }
0x14: {  	s2 =	sld [smem:$0x3F98];
	s0 =	simm.s32 @p1 $0x1  }
0x15: {  	[smem:$0x3FB5] =	sst s0;
	s0 =	simm.s32 @!p2 $0x0  }
0x16: {  	s3 =	sld [smem:$0x3FDB];
	s0 =	simm.s32 @p2 $0x1  }
0x17: {  	s4 =	simm.s32 $0x1BF5;
	[smem:$0x3FB7] =	sst s0  }
0x18: {  	s0 =	sld [smem:$0x3F9A];
	_ =	swait.ge [sflag:s4], $0x0  }
0x19: {  	s7 =	sld [smem:$0x3F9B]  }
0x1a: {  	s8 =	sadd.s32 $0xFFFFE003, lr  }
0x1b: {  	s9 =	sadd.s32 $0xFFFFFEF7, lr;
	s5 =	simm.s32 $0xFFFFFFFF;
	p2 =	slt.u32 s8, $0xFFFFF086  }
0x1c: {  	p1 =	slt.u32 s9, $0xF7A;
	s5 =	simm.s32 @!p2 $0x0  }
0x1d: {  	s5 =	simm.s32 @p1 $0x1;
	p0 =	seq.s32 s7, s2  }
0x1e: {  	s7 =	smul.u32 @!p0 $0xF7A, s2;
	p2 =	seq.s32 @!p0 s5, $0x0  }
0x1f: {  	s9 =	smul.u32 $0xF7A, s1;
	s8 =	simm.s32 @!p0 $0x1BF5;
	p2 =	por !p2, p0  }
0x20: {  	[sflag:s8] =	ssyncset.s32 @!p0 $0xFFFFF086;
	s6 =	sadd.s32 @!p0 s3, s7;
	s7 =	simm.s32 @!p0 $0x108  }
0x21: {  	s3 =	sadd.s32 s3, s9;
	s6 =	sadd.s32 @!p0 $0x88, s6;
	s7 =	simm.s32 @p2 $0x1082  }
0x22: {  	[simem:s7], [sflag:s8] =	dma.local @!p0 [hbm:s6], $0xF7A  }
0x23: {  	s9 =	sor.u32 $0xD0000000, s2;
	s6 =	simm.s32 $0x108;
	_ =	swait.ge @!p0 [sflag:s8], $0x0  }
0x24: {  	s3 =	sadd.s32 $0x88, s3;
	s6 =	simm.s32 @!p1 $0x1082;
	[sflag:s4] =	ssyncset.s32 $0xFFFFF086  }
0x25: {  	[simem:s6], [sflag:s4] =	dma.local [hbm:s3], $0xF7A  }
0x26: {  	[smem:$0x3F9B] =	sst s1;
	(tag) =	ssettag s2;
	_ =	strace s9  }
0x27: {  	s1 =	sld [smem:$0x3FAB]  }
0x28: {  	s2 =	sld [smem:$0x3FAC]  }
0x29: {  	s4 =	sld [smem:$0x3FAE]  }
0x2a: {  	p0 =	seq.s32 s5, $0x0;
	s5 =	sld [smem:$0x3FAF]  }
0x2b: {  	s6 =	sld [smem:$0x3FB0]  }
0x2c: {  	s7 =	sld [smem:$0x3FB1]  }
0x2d: {  	s3 =	simm.s32 $0x108;
	s8 =	sld [smem:$0x3FB2]  }
0x2e: {  	s3 =	simm.s32 @!p0 $0x1082;
	s9 =	sld [smem:$0x3FB3]  }
0x2f: {  	lr =	sadd.s32 s0, s3;
	s0 =	sld [smem:$0x3FAA]  }
0x30: {  	s3 =	sld [smem:$0x3FAD]  }
0x31: {  	[smem:$0x3FB6] =	sst s10  }
0x32: {  	s10 =	sld [smem:$0x3FB4];
	_ =	sdelay $0x3  }
0x33: {  	p0 =	seq.s32 s10, $0x1;
	s10 =	sld [smem:$0x3FB6];
	_ =	sdelay $0x3  }
0x34: {  	[smem:$0x3FB6] =	sst s10  }
0x35: {  	s10 =	sld [smem:$0x3FB5];
	_ =	sdelay $0x3  }
0x36: {  	p1 =	seq.s32 s10, $0x1;
	s10 =	sld [smem:$0x3FB6];
	_ =	sdelay $0x3  }
0x37: {  	[smem:$0x3FB6] =	sst s10  }
0x38: {  	s10 =	sld [smem:$0x3FB7]  }
0x39: {  	_ = 	snop;
	(pc) =	sbr.ind lr, $3  }
0x3a: {  	_ = 	snop  }
0x3b: {  	_ = 	snop  }
0x3c: {  	p2 =	seq.s32 s10, $0x1;
	s10 =	sld [smem:$0x3FB6]  }
0x3d: {  	_ =	shalt  }
0x3e: {  	_ =	shalt  }
0x3f: {  	_ =	shalt  }
0x40: {  	_ =	shalt  }
0x41: {  	_ =	shalt  }
0x42: {  	_ =	shalt  }
0x43: {  	_ =	shalt  }
0x44: {  	_ =	shalt  }
0x45: {  	_ =	shalt  }
0x46: {  	_ =	shalt  }
0x47: {  	_ =	shalt  }
0x48: {  	_ =	shalt  }
0x49: {  	_ =	shalt  }
0x4a: {  	_ =	shalt  }
0x4b: {  	_ =	shalt  }
0x4c: {  	_ =	shalt  }
0x4d: {  	_ =	shalt  }
0x4e: {  	_ =	shalt  }
0x4f: {  	_ =	shalt  }
0x50: {  	_ =	shalt  }
0x51: {  	_ =	shalt  }
0x52: {  	_ =	shalt  }
0x53: {  	_ =	shalt  }
0x54: {  	_ =	shalt  }
0x55: {  	_ =	shalt  }
0x56: {  	_ =	shalt  }
0x57: {  	_ =	shalt  }
0x58: {  	_ =	shalt  }
0x59: {  	_ =	shalt  }
0x5a: {  	_ =	shalt  }
0x5b: {  	_ =	shalt  }
0x5c: {  	_ =	shalt  }
0x5d: {  	_ =	shalt  }
0x5e: {  	_ =	shalt  }
0x5f: {  	_ =	shalt  }
0x60: {  	_ =	shalt  }
0x61: {  	_ =	shalt  }
0x62: {  	_ =	shalt  }
0x63: {  	_ =	shalt  }
0x64: {  	_ =	shalt  }
0x65: {  	_ =	shalt  }
0x66: {  	_ =	shalt  }
0x67: {  	_ =	shalt  }
0x68: {  	_ =	shalt  }
0x69: {  	_ =	shalt  }
0x6a: {  	_ =	shalt  }
0x6b: {  	_ =	shalt  }
0x6c: {  	_ =	shalt  }
0x6d: {  	_ =	shalt  }
0x6e: {  	_ =	shalt  }
0x6f: {  	_ =	shalt  }
0x70: {  	_ =	shalt  }
0x71: {  	_ =	shalt  }
0x72: {  	_ =	shalt  }
0x73: {  	_ =	shalt  }
0x74: {  	_ =	shalt  }
0x75: {  	_ =	shalt  }
0x76: {  	_ =	shalt  }
0x77: {  	_ =	shalt  }
0x78: {  	_ =	shalt  }
0x79: {  	_ =	shalt  }
0x7a: {  	_ =	shalt  }
0x7b: {  	_ =	shalt  }
0x7c: {  	_ =	shalt  }
0x7d: {  	_ =	shalt  }
0x7e: {  	_ =	shalt  }
0x7f: {  	_ =	shalt  }
0x80: {  	_ =	shalt  }
0x81: {  	_ =	shalt  }
0x82: {  	_ =	shalt  }
0x83: {  	_ =	shalt  }
0x84: {  	_ =	shalt  }
0x85: {  	_ =	shalt  }
0x86: {  	_ =	shalt  }
0x87: {  	_ =	shalt  }
.Lfunc_end0:
.L_simem_size_0:
called_computation_lowered:
.L_overlay_start_0:
0x88: {  	s2 =	sld [smem:$0x3FD9]  }
0x89: {  	s3 =	sld [smem:$0x3FFE];
	_ =	sdelay $0x1  }
0x8a: {  	s1 =	srdreg.scid  }
0x8b: {  	s0 =	sand.u32 $0x1, s1  }
0x8c: {  	s16 =	sshll.u32 s0, $0xA;
	s2 =	sadd.s32 s3, s2  }
0x8d: {  	s2 =	sadd.s32 s2, s16  }
0x8e: {  	[smem:$0x3FC2] =	sst s2  }
0x8f: {  	_ = 	snop  }
0x90: {  	(tm) =	ssettm $0x1  }
0x91: {  	s17 =	sld [smem:$0x3FFB];
	_ =	sdelay $0x3  }
0x92: {  	_ =	strace s17  }
0x93: {  	s2 =	sld [smem:$0x3FFC];
	_ =	sdelay $0x3  }
0x94: {  	_ =	strace s2  }
0x95: {  	s2 =	sld [smem:$0x3FFD];
	_ =	sdelay $0x3  }
0x96: {  	_ =	strace s2  }
0x97: {  	_ =	strace $0x8FFFFFFF  }
0x98: {  	s18 =	sld [smem:$0x3FDB];
	_ =	sdelay $0x1  }
0x99: {  	s19 =	simm.s32 $_scs_section_size  }
0x9a: {  	s4 =	simm.s32 $_size__tile_overlayer_lowered;
	s5 =	simm.s32 $_tile_overlayer_lowered  }
0x9b: {  	s22 =	simm.s32 $0x1BFF;
	s21 =	sshll.u32 s5, $0x1;
	s2 =	sadd.s32 s19, s18  }
0x9c: {  	s6 =	simm.s32 $0x0;
	s20 =	sshll.u32 s4, $0x1;
	s4 =	sadd.s32 s21, s2  }
0x9d: {  	[timem:s6], [sflag:s22] =	dma.local [hbm:s4], s20  }
0x9e: {  	_ =	swait.ge [sflag:s22], s20  }
0x9f: {  	s3 =	ssub.s32 $0x0, s20;
	[sflag:s22] =	ssyncset.done $0x0  }
0xa0: {  	[sflag:s22] =	ssyncadd.s32 s3;
	_ =	sdelay $0x1  }
0xa1: {  	s23 =	simm.s32 $0x1B8B  }
0xa2: {  	_ =	swait.ge [sflag:s23], $0x1  }
0xa3: {  	[sflag:s23] =	ssyncset.done $0x0  }
0xa4: {  	s25 =	simm.s32 $0x1B8E;
	s24 =	sld [smem:$0x3FFE];
	[sflag:s23] =	ssyncadd.s32 $0xFFFFFFFF  }
0xa5: {  	s26 =	simm.s32 $execute0_lowered;
	[smem:$0x3FD2] =	sst s25  }
0xa6: {  	s4 =	sshll.u32 s26, $0x1;
	_ =	strace $0x80000046;
	[dreg:$0x1] =	wrdreg $0xFFFFFFFF  }
0xa7: {  	s28 =	simm.s32 $_size_execute0_lowered;
	s2 =	sadd.s32 s2, s4;
	[dreg:$0x0] =	wrdreg $0x0  }
0xa8: {  	s4 =	sshll.u32 s28, $0x1;
	[dreg:$0x2] =	wrdreg s2  }
0xa9: {  	[dreg:$0x3] =	wrdreg s4  }
0xaa: {  	[dreg:$0x4] =	wrdreg $0xC0  }
0xab: {  	_ =	task [dreg:s6], $0x5FFFF  }
0xac: {  	[dreg:$0x1] =	wrdreg $0xFFFFFFFF  }
0xad: {  	[dreg:$0x0] =	wrdreg $0x60  }
0xae: {  	[dreg:$0x2] =	wrdreg s24  }
0xaf: {  	[dreg:$0x3] =	wrdreg $0x68000  }
0xb0: {  	[dreg:$0x4] =	wrdreg $0x9  }
0xb1: {  	_ =	task.clear_ibuf [dreg:s6], $0x5FFFF;
	_ =	strace $0x90000046  }
0xb2: {  	s29 =	simm.s32 $0x9;
	_ =	strace $0x80000048  }
0xb3: {  	_ =	swait.ge [sflag:s29], $0x1  }
0xb4: {  	[sflag:s29] =	ssyncadd.s32 $0xFFFFFFFF  }
0xb5: {  	_ =	strace $0x90000048  }
0xb6: {  	_ =	sfence  }
0xb7: {  	s30 =	sld [smem:$0x0];
	_ =	sdelay $0x2  }
0xb8: {  	s31 =	sshll.u32 s1, $0xD;
	s1 =	sshrl.u32 s1, $0x2  }
0xb9: {  	s3 =	sand.u32 $0x4000, s31;
	s1 =	sadd.s32 s1, s30  }
0xba: {  	s0 =	sor.u32 s3, s0;
	s1 =	sshll.u32 s1, $0x11  }
0xbb: {  	s0 =	sor.u32 s1, s0  }
0xbc: {  	s0 =	sadd.s32 $0x8F2B, s0  }
0xbd: {  	[sflag:s0] =	ssyncadd.remote.s32 $0x1  }
0xbe: {  	_ =	sfence.sel $0xFFFF  }
0xbf: {  	[dreg:$0x0] =	wrdreg $0xFFFFFFFF;
	(pc) =	sbr.abs _section_cstart, $3  }
0xc0: {  	[dreg:$0x1] =	wrdreg $0xFFFFFFFF  }
0xc1: {  	_ =	task.clear_ibuf [dreg:s6], $0x2FFFF;
	_ =	strace $0x9FFFFFFF  }
0xc2: {  	(tm) =	ssettm $0x7FFFFFFF  }
0xc3: {  	_ =	shalt  }
tec
execute0_lowered:
.L_overlay_start_1:
0x0: {  	(tag) =	ssettag $0x1  }
0x1: {  	s1 =	srdreg.scid  }
0x2: {  	s0 =	stileid.u32;
	s5 =	rddreg [dreg:$0x0]  }
0x3: {  	s2 =	rddreg [dreg:$0x1];
	s3 =	simm.s32 $0x0;
	s13 =	simm.s32 $0x1  }
0x4: {  	s14 =	simm.s32 $0x80;
	s4 =	sand.u32 $0x1, s1;
	s7 =	smul.u32 $0x2800, s0  }
0x5: {  	s28 =	sshll.u32 s0, $0x1;
	[smem:$0x7FF] =	sst s3;
	s8 =	smul.u32 $0x50000, s0  }
0x6: {  	s15 =	sshll.u32 s0, $0x6;
	s1 =	sor.u32 s4, s28;
	s9 =	smul.u32 $0x28000, s4  }
0x7: {  	s29 =	ssub.s32 $0x2, s4;
	s15 =	sor.u32 $0x1C01, s15;
	s6 =	smul.u32 $0x500, s1  }
0x8: {  	s1 =	rddreg [dreg:$0x2];
	_ =	strace $0x80000047;
	s30 =	sshrl.u32 s8, $0x2  }
0x9: {  	s31 =	sshrl.u32 s29, $0x1;
	s7 =	sadd.s32 s7, s9;
	s4 =	sadd.s32 s30, s2  }
0xa: {  	s12 =	ssub.s32 s29, s31;
	s10 =	sadd.s32 s6, s5;
	s11 =	sadd.s32 s7, s5  }
0xb: {  	s5 =	sadd.s32 $0x4000, s4;
	s6 =	sadd.s32 $0x8000, s4;
	s7 =	sadd.s32 $0xC000, s4  }
0xc: {  	s8 =	sadd.s32 $0x10000, s4;
	s16 =	sshrl.u32 s4, $0x3;
	s9 =	sadd.s32 $0x2A00, s10  }
0xd: {  	v0 =	vimm.f32 $0.0e+00;
	v1 =	vimm.f32 $1.000000000e+00;
	s10 =	sadd.s32 $0x16A00, s11;
	s11 =	smax.u32 s12, $0x1;
	s12 =	simm.s32 $0x2800  }
.LBB2_1:
0xe: {  	s17 =	simm.s32 $0x0;
	s18 =	simm.s32 $0x200  }
.LBB2_2:
0xf: {  	p0 =	sne.s32 s18, $0xFE00;
	[tilespmem:s17+$0x2870] =	vst v0  }
0x10: {  	[tilespmem:s17+$0x2800] =	vst v0  }
0x11: {  	[tilespmem:s17+$0x2810] =	vst v0  }
.Ltmp0:
0x12: {  	[tilespmem:s17+$0x2820] =	vst v0;
	(pc) =	sbr.rel @p0 .LBB2_2-.Ltmp0, $4  }
0x13: {  	[tilespmem:s17+$0x2830] =	vst v0  }
0x14: {  	[tilespmem:s17+$0x2840] =	vst v0  }
0x15: {  	[tilespmem:s17+$0x2850] =	vst v0  }
0x16: {  	[tilespmem:s17+$0x2860] =	vst v0;
	s17 =	sshra.s32 s18, $0x2;
	s18 =	sadd.s32 $0x200, s18  }
0x17: {  	[tilespmem:s17+$0x2870] =	vst v0  }
0x18: {  	[tilespmem:s17+$0x2800] =	vst v0  }
0x19: {  	[tilespmem:s17+$0x2810] =	vst v0  }
0x1a: {  	[tilespmem:s17+$0x2820] =	vst v0  }
0x1b: {  	[tilespmem:s17+$0x2830] =	vst v0  }
0x1c: {  	[tilespmem:s17+$0x2840] =	vst v0  }
0x1d: {  	[tilespmem:s17+$0x2850] =	vst v0  }
0x1e: {  	[tilespmem:s17+$0x2860] =	vst v0  }
0x1f: {  	[spmem:s4] =	stream.linear.scatter [tilespmem:s12], [sflag:$0x1], $0x4000, $0x38;
	[tilespmem:$0x1A800] =	vst v63  }
0x20: {  	_ =	swait.ge [sflag:s13], $0x4000  }
0x21: {  	[sflag:s13] =	ssyncset.done $0x0  }
0x22: {  	[sflag:s13] =	ssyncadd.s32 $0xFFFFC000  }
0x23: {  	[spmem:s5] =	stream.linear.scatter [tilespmem:s12], [sflag:$0x1], $0x4000, $0x38;
	[tilespmem:$0x1A800] =	vst v63  }
0x24: {  	_ =	swait.ge [sflag:s13], $0x4000  }
0x25: {  	[sflag:s13] =	ssyncset.done $0x0  }
0x26: {  	[sflag:s13] =	ssyncadd.s32 $0xFFFFC000  }
0x27: {  	[spmem:s6] =	stream.linear.scatter [tilespmem:s12], [sflag:$0x1], $0x4000, $0x38;
	[tilespmem:$0x1A800] =	vst v63  }
0x28: {  	_ =	swait.ge [sflag:s13], $0x4000  }
0x29: {  	[sflag:s13] =	ssyncset.done $0x0  }
0x2a: {  	[sflag:s13] =	ssyncadd.s32 $0xFFFFC000  }
0x2b: {  	[spmem:s7] =	stream.linear.scatter [tilespmem:s12], [sflag:$0x1], $0x4000, $0x38;
	[tilespmem:$0x1A800] =	vst v63  }
0x2c: {  	_ =	swait.ge [sflag:s13], $0x4000  }
0x2d: {  	[sflag:s13] =	ssyncset.done $0x0  }
0x2e: {  	[sflag:s13] =	ssyncadd.s32 $0xFFFFC000  }
0x2f: {  	[spmem:s8] =	stream.linear.scatter [tilespmem:s12], [sflag:$0x1], $0x4000, $0x38;
	[tilespmem:$0x1A800] =	vst v63  }
0x30: {  	_ =	swait.ge [sflag:s13], $0x4000  }
0x31: {  	[sflag:s13] =	ssyncset.done $0x0  }
0x32: {  	s17 =	simm.s32 $0x0;
	s18 =	simm.s32 $0x200;
	[sflag:s13] =	ssyncadd.s32 $0xFFFFC000  }
.LBB2_4:
0x33: {  	p0 =	sne.s32 s18, $0xFE00;
	[tilespmem:s17+$0x2870] =	vst v1  }
0x34: {  	[tilespmem:s17+$0x2800] =	vst v1  }
0x35: {  	[tilespmem:s17+$0x2810] =	vst v1  }
.Ltmp1:
0x36: {  	[tilespmem:s17+$0x2820] =	vst v1;
	(pc) =	sbr.rel @p0 .LBB2_4-.Ltmp1, $4  }
0x37: {  	[tilespmem:s17+$0x2830] =	vst v1  }
0x38: {  	[tilespmem:s17+$0x2840] =	vst v1  }
0x39: {  	[tilespmem:s17+$0x2850] =	vst v1  }
0x3a: {  	[tilespmem:s17+$0x2860] =	vst v1;
	s17 =	sshra.s32 s18, $0x2;
	s18 =	sadd.s32 $0x200, s18  }
0x3b: {  	[tilespmem:s17+$0x2870] =	vst v1  }
0x3c: {  	[tilespmem:s17+$0x2800] =	vst v1  }
0x3d: {  	[tilespmem:s17+$0x2810] =	vst v1  }
0x3e: {  	[tilespmem:s17+$0x2820] =	vst v1  }
0x3f: {  	[tilespmem:s17+$0x2830] =	vst v1  }
0x40: {  	[tilespmem:s17+$0x2840] =	vst v1  }
0x41: {  	[tilespmem:s17+$0x2850] =	vst v1  }
0x42: {  	[tilespmem:s17+$0x2860] =	vst v1;
	s30 =	simm.s32 $0x0  }
0x43: {  	[tilespmem:s30], [sflag:$0x1] =	stream.linear.gather [hbm4b:s9+s30], $0x2800, $0x38;
	[tilespmem:$0x1A800] =	vst v63  }
0x44: {  	_ =	swait.ge [sflag:s13], $0x2800  }
0x45: {  	[sflag:s13] =	ssyncset.done $0x0  }
0x46: {  	[sflag:s13] =	ssyncadd.s32 $0xFFFFD800  }
0x47: {  	s31 =	simm.s32 $0x0;
	[bflag:$0x0] =	sbarrier.arrive $0xFFFF  }
0x48: {  	[spmem:s2] =	stream.indirect.scatter.add.f32 [tilespmem:s12], [sflag:$0x1], $0x80, s31, s14, $0xb8;
	[tilespmem:$0x1A800] =	vst v63  }
0x49: {  	_ =	swait.ge [sflag:s13], $0x4000  }
0x4a: {  	s17 =	simm.s32 $0x200;
	[sflag:s13] =	ssyncset.done $0x0  }
.LBB2_6:
0x4b: {  	s18 =	sshra.s32 s17, $0x2;
	[sflag:s13] =	ssyncadd.s32 $0xFFFFC000;
	p0 =	sne.s32 s17, $0x9E00  }
0x4c: {  	[spmem:s2] =	stream.indirect.scatter.add.f32 [tilespmem:s12], [sflag:$0x1], $0x80, s18, s14, $0xb8;
	[tilespmem:$0x1A800] =	vst v63  }
.Ltmp2:
0x4d: {  	_ = 	snop;
	(pc) =	sbr.rel @p0 .LBB2_6-.Ltmp2, $4  }
0x4e: {  	_ = 	snop  }
0x4f: {  	s17 =	sadd.s32 $0x200, s17  }
0x50: {  	_ =	swait.ge [sflag:s13], $0x4000  }
0x51: {  	[sflag:s13] =	ssyncset.done $0x0  }
0x52: {  	s3 =	sadd.s32 $0x1, s3  }
0x53: {  	[sflag:s13] =	ssyncadd.s32 $0xFFFFC000;
	p0 =	sne.s32 s3, s11  }
.Ltmp3:
0x54: {  	[bflag:$0x0] =	sbarrier.arrive $0xFFFF;
	(pc) =	sbr.rel @p0 .LBB2_1-.Ltmp3, $4  }
0x55: {  	[hbm:s10], [sflag:s15] =	dma.local [spmem:s16], $0x2800  }
0x56: {  	_ =	swait.ge [sflag:s13], $0x2800  }
0x57: {  	[sflag:s13] =	ssyncset.done $0x0  }
0x58: {  	[sflag:s13] =	ssyncadd.s32 $0xFFFFD800  }
0x59: {  	_ =	sfence.sel $0x180000  }
0x5a: {  	[bflag:$0x0] =	sbarrier.arrive $0xFFFF  }
0x5b: {  	p0 =	sne.s32 s0, $0x0;
	_ =	strace $0x90000047  }
0x5c: {  	s0 =	sadd.s32 @!p0 $0x100000, s1;
	[bflag:$0x2] =	sbarrier.arrive $0xFFFF  }
0x5d: {  	[sflag:s0] =	ssyncadd.tile.s32 @!p0 $0x1;
	_ =	shalt  }
.Lfunc_end2:
_tile_overlayer_lowered:
.L_overlay_start_2:
0x5e: {  	(tag) =	ssettag $0x2  }
0x5f: {  	s0 =	rddreg [dreg:$0x0];
	s2 =	stileid.u32  }
0x60: {  	s1 =	rddreg [dreg:$0x1];
	p0 =	sne.s32 s2, $0x0  }
0x61: {  	s3 =	rddreg [dreg:$0x2];
	[bflag:$0x3] =	sbarrier.arrive $0xFFFF;
	s2 =	simm.s32 @!p0 $0x1C01  }
0x62: {  	[timem:s3], [sflag:s2] =	dma.local @!p0 [hbm:s0], s1  }
0x63: {  	s0 =	simm.s32 @!p0 $0x1  }
0x64: {  	_ =	swait.ge @!p0 [sflag:s0], s1  }
0x65: {  	s1 =	ssub.s32 @!p0 $0x0, s1;
	[sflag:s0] =	ssyncset.done @!p0 $0x0  }
0x66: {  	[sflag:s0] =	ssyncadd.s32 @!p0 s1  }
0x67: {  	[bflag:$0x3] =	sbarrier.arrive $0xFFFF  }
0x68: {  	_ =	shalt  }

</sc_bundles>
